<compile_context>
chip_gen: v7x
topology: tpu7x:2x2x1
jax: 0.10.2.dev20260603
libtpu: 0.0.44.dev20260713+nightly
codegen_flags: <defaults>
</compile_context>

<pallas_src>
import functools

import jax
import jax.numpy as jnp
from jax import lax
from jax.experimental import pallas as pl
from jax.experimental.pallas import tpu as pltpu
from jax.experimental.pallas import tpu_sc as plsc

G = 128
G3 = G * G * G
C3 = 64 * 64 * 64
OFFS = [(dx, dy, dz) for dx in (-1, 0, 1) for dy in (-1, 0, 1) for dz in (-1, 0, 1)]

NC, NS = 2, 16
NW = NC * NS

TBL_LEN = G3 + 32
OCC_LEN = C3 + 32
T_DUMP_LOOKUP = G3 + 8
B_DUMP = C3

N_PTS = 100000
NP_PAD = 100352
PPT_A = NP_PAD // NS
PPT_C = NP_PAD // NW
P_CH = 448
N_CH = PPT_C // P_CH
LPC = 27 * P_CH

BD = 2048
N_BLK = NP_PAD // BD

_i32 = jnp.int32
_f32 = jnp.float32


def _iota16():
    return lax.broadcasted_iota(_i32, (16,), 0)


def _sc_tables_body(cx_h, cy_h, cz_h, tbl_o, occ_o, buf, cxv, cyv, czv,
                    tl_v, ol_v, val_v, sem):
    c = lax.axis_index("c")
    s = lax.axis_index("s")
    tid = c * NS + s

    def fill_buf(i, val):
        def body(g, _):
            buf[pl.ds(g * 16, 16)] = jnp.full((16,), val, _i32)
            return 0
        lax.fori_loop(0, i, body, 0)

    fill_buf(1024, -1)
    tbase = tid * (G3 // NW)
    for i in range(4):
        pltpu.sync_copy(buf, tbl_o.at[pl.ds(tbase + i * 16384, 16384)])

    @pl.when(s == 0)
    def _():
        pltpu.sync_copy(buf.at[pl.ds(0, 16)], tbl_o.at[pl.ds(G3 + 16 * c, 16)])

    fill_buf(1024, 0)
    obase = tid * (C3 // NW)
    pltpu.sync_copy(buf.at[pl.ds(0, 8192)], occ_o.at[pl.ds(obase, 8192)])

    @pl.when(s == 0)
    def _():
        pltpu.sync_copy(buf.at[pl.ds(0, 16)], occ_o.at[pl.ds(C3 + 16 * c, 16)])

    plsc.subcore_barrier()

    pbase = s * PPT_A
    pltpu.sync_copy(cx_h.at[pl.ds(pbase, PPT_A)], cxv)
    pltpu.sync_copy(cy_h.at[pl.ds(pbase, PPT_A)], cyv)
    pltpu.sync_copy(cz_h.at[pl.ds(pbase, PPT_A)], czv)

    t_lo = c * (G3 // 2)
    o_lo = c * (C3 // 2)
    t_dump = G3 + 16 * c
    o_dump = C3 + 16 * c

    def idx_body(g, _):
        px = cxv[pl.ds(g * 16, 16)]
        py = cyv[pl.ds(g * 16, 16)]
        pz = czv[pl.ds(g * 16, 16)]
        lin = (px * G + py) * G + pz
        own = (lin >= t_lo) & (lin < t_lo + G3 // 2)
        tl_v[pl.ds(g * 16, 16)] = jnp.where(own, lin, t_dump)
        cell = ((px >> 1) * 64 + (py >> 1)) * 64 + (pz >> 1)
        owno = (cell >= o_lo) & (cell < o_lo + C3 // 2)
        ol_v[pl.ds(g * 16, 16)] = jnp.where(owno, cell, o_dump)
        val_v[pl.ds(g * 16, 16)] = pbase + g * 16 + 1 + _iota16()
        return 0

    lax.fori_loop(0, PPT_A // 16, idx_body, 0)
    pltpu.async_copy(val_v, tbl_o.at[tl_v], sem).wait()

    def ones_body(g, _):
        val_v[pl.ds(g * 16, 16)] = jnp.full((16,), 1, _i32)
        return 0

    lax.fori_loop(0, PPT_A // 16, ones_body, 0)
    pltpu.async_copy(val_v, occ_o.at[ol_v], sem).wait()


def _sc_tables(cx, cy, cz):
    mesh = plsc.VectorSubcoreMesh(core_axis_name="c", subcore_axis_name="s")
    fn = pl.kernel(
        _sc_tables_body,
        out_type=[jax.ShapeDtypeStruct((TBL_LEN,), _i32),
                  jax.ShapeDtypeStruct((OCC_LEN,), _i32)],
        mesh=mesh,
        scratch_types=[pltpu.VMEM((16384,), _i32),
                       pltpu.VMEM((PPT_A,), _i32),
                       pltpu.VMEM((PPT_A,), _i32),
                       pltpu.VMEM((PPT_A,), _i32),
                       pltpu.VMEM((PPT_A,), _i32),
                       pltpu.VMEM((PPT_A,), _i32),
                       pltpu.VMEM((PPT_A,), _i32),
                       pltpu.SemaphoreType.DMA],
    )
    return fn(cx, cy, cz)


def _tc_bmask_body(occ_ref, b_ref, nlive_ref):
    occ = occ_ref[...]

    def sh(a, axis, d):
        if d == 0:
            return a
        z_shape = list(a.shape)
        z_shape[axis] = 1
        z = jnp.zeros(z_shape, _i32)
        if d == 1:
            sl = [slice(None)] * 3
            sl[axis] = slice(0, a.shape[axis] - 1)
            return jnp.concatenate([z, a[tuple(sl)]], axis=axis)
        sl = [slice(None)] * 3
        sl[axis] = slice(1, None)
        return jnp.concatenate([a[tuple(sl)], z], axis=axis)

    acc = jnp.zeros((64, 64, 64), _i32)
    xs = {d: sh(occ, 0, d) for d in (-1, 0, 1)}
    for dx in (-1, 0, 1):
        ys = {d: sh(xs[dx], 1, d) for d in (-1, 0, 1)}
        for dy in (-1, 0, 1):
            for dz in (-1, 0, 1):
                k = ((dx + 1) * 3 + (dy + 1)) * 3 + (dz + 1)
                acc = acc + (sh(ys[dy], 2, dz) << k)
    b_ref[...] = acc * occ
    nlive_ref[0, 0] = jnp.sum(occ)


def _tc_bmask(occ3):
    return pl.pallas_call(
        _tc_bmask_body,
        grid=(),
        in_specs=[pl.BlockSpec((64, 64, 64), lambda: (0, 0, 0))],
        out_specs=[pl.BlockSpec((64, 64, 64), lambda: (0, 0, 0)),
                   pl.BlockSpec(memory_space=pltpu.SMEM)],
        out_shape=[jax.ShapeDtypeStruct((64, 64, 64), _i32),
                   jax.ShapeDtypeStruct((1, 1), _i32)],
    )(occ3)


def _sc_gather_body(cx_h, cy_h, cz_h, tbl_h, bpad_h, x0_h, x1_h, x2_h, x3_h,
                    gxp_o, bj_o, cxv, cyv, czv, tlist, tvals, blist, bvals,
                    pb0, pb1, pb2, pb3, sem, semb):
    c = lax.axis_index("c")
    s = lax.axis_index("s")
    tid = c * NS + s
    base = tid * PPT_C

    def chunk(ci, _):
        cbase = base + ci * P_CH
        pltpu.sync_copy(cx_h.at[pl.ds(cbase, P_CH)], cxv)
        pltpu.sync_copy(cy_h.at[pl.ds(cbase, P_CH)], cyv)
        pltpu.sync_copy(cz_h.at[pl.ds(cbase, P_CH)], czv)

        def g1(g, _):
            px = cxv[pl.ds(g * 16, 16)]
            py = cyv[pl.ds(g * 16, 16)]
            pz = czv[pl.ds(g * 16, 16)]
            for i, (dx, dy, dz) in enumerate(OFFS):
                nx, ny, nz = px + dx, py + dy, pz + dz
                inb = ((nx >= 0) & (nx < G) & (ny >= 0) & (ny < G)
                       & (nz >= 0) & (nz < G))
                lin = (nx * G + ny) * G + nz
                addr = jnp.where(inb, lin, T_DUMP_LOOKUP)
                tlist[pl.ds(i * P_CH + g * 16, 16)] = addr
            return 0

        lax.fori_loop(0, P_CH // 16, g1, 0)
        tcopy = pltpu.async_copy(tbl_h.at[tlist], tvals, sem)

        def g2(g, _):
            px = cxv[pl.ds(g * 16, 16)]
            py = cyv[pl.ds(g * 16, 16)]
            pz = czv[pl.ds(g * 16, 16)]
            for j, (dx, dy, dz) in enumerate(OFFS):
                vx, vy, vz = px - dx, py - dy, pz - dz
                ok = (((vx | vy | vz) & 1) == 0)
                ok = ok & (vx >= 0) & (vy >= 0) & (vz >= 0)
                ok = ok & (vx < G) & (vy < G) & (vz < G)
                cell = ((vx >> 1) * 64 + (vy >> 1)) * 64 + (vz >> 1)
                blist[pl.ds(j * P_CH + g * 16, 16)] = jnp.where(ok, cell,
                                                                B_DUMP)
            return 0

        lax.fori_loop(0, P_CH // 16, g2, 0)
        bcopy = pltpu.async_copy(bpad_h.at[blist], bvals, semb)
        tcopy.wait()

        def fix(t, _):
            v = tvals[pl.ds(t * 16, 16)]
            tlist[pl.ds(t * 16, 16)] = jnp.maximum(v, 0)
            return 0

        lax.fori_loop(0, LPC // 16, fix, 0)
        copies = []
        for xd_h, pb in ((x0_h, pb0), (x1_h, pb1), (x2_h, pb2), (x3_h, pb3)):
            copies.append(pltpu.async_copy(xd_h.at[tlist], pb, sem))
        bcopy.wait()
        pltpu.sync_copy(bvals, bj_o.at[pl.ds(cbase * 27, LPC)])
        for d, (cp, pb) in enumerate(zip(copies, (pb0, pb1, pb2, pb3))):
            cp.wait()
            pltpu.sync_copy(pb, gxp_o.at[d, pl.ds(cbase * 27, LPC)])
        return 0

    lax.fori_loop(0, N_CH, chunk, 0)


def _sc_gather(cx, cy, cz, tbl, bpad, x0, x1, x2, x3):
    mesh = plsc.VectorSubcoreMesh(core_axis_name="c", subcore_axis_name="s")
    fn = pl.kernel(
        _sc_gather_body,
        out_type=[jax.ShapeDtypeStruct((4, NP_PAD * 27), _f32),
                  jax.ShapeDtypeStruct((NP_PAD * 27,), _i32)],
        mesh=mesh,
        scratch_types=[pltpu.VMEM((P_CH,), _i32),
                       pltpu.VMEM((P_CH,), _i32),
                       pltpu.VMEM((P_CH,), _i32),
                       pltpu.VMEM((LPC,), _i32),
                       pltpu.VMEM((LPC,), _i32),
                       pltpu.VMEM((LPC,), _i32),
                       pltpu.VMEM((LPC,), _i32),
                       pltpu.VMEM((LPC,), _f32),
                       pltpu.VMEM((LPC,), _f32),
                       pltpu.VMEM((LPC,), _f32),
                       pltpu.VMEM((LPC,), _f32),
                       pltpu.SemaphoreType.DMA,
                       pltpu.SemaphoreType.DMA],
        compiler_params=pltpu.CompilerParams(use_tc_tiling_on_sc=False),
    )
    return fn(cx, cy, cz, tbl, bpad, x0, x1, x2, x3)


def _tc_contract_body(gx_ref, bj_ref, w1_ref, w2_ref, w3_ref, nlive_ref,
                      out_ref, t_ref):
    i = pl.program_id(0)

    @pl.when(i == 0)
    def _():
        t_ref[...] = jnp.zeros_like(t_ref)

    bj = bj_ref[...]
    kio = lax.broadcasted_iota(_i32, (32, BD), 0)
    pieces = []
    for j in range(27):
        row = jnp.broadcast_to(bj[j:j + 1, :], (32, BD))
        pieces.append((row >> kio) & 1)
    a = jnp.concatenate(pieces, axis=0).astype(_f32)
    t_ref[...] += lax.dot_general(a, gx_ref[...],
                                  (((1,), (1,)), ((), ())),
                                  preferred_element_type=_f32)

    @pl.when(i == N_BLK - 1)
    def _():
        t = t_ref[...]
        sm = lax.dot_general(t, w1_ref[...],
                             (((1,), (0,)), ((), ())),
                             preferred_element_type=_f32)
        u = jnp.zeros((32, 32), _f32)
        for j in range(27):
            u = u + lax.dot_general(sm[j * 32:(j + 1) * 32, :],
                                    w2_ref[j * 32:(j + 1) * 32, :],
                                    (((1,), (0,)), ((), ())),
                                    preferred_element_type=_f32)
        p3 = u[:, :, None] * w3_ref[...]
        res = jnp.sum(jnp.sum(p3, axis=0), axis=0)
        nl = nlive_ref[0, 0].astype(_f32)
        out_ref[...] = (res / nl)[None, :]


def _tc_contract(gxf, bj, w1r, w2r, w3p, nlive):
    return pl.pallas_call(
        _tc_contract_body,
        grid=(N_BLK,),
        in_specs=[pl.BlockSpec((108, BD), lambda i: (0, i)),
                  pl.BlockSpec((27, BD), lambda i: (0, i)),
                  pl.BlockSpec((108, 32), lambda i: (0, 0)),
                  pl.BlockSpec((864, 32), lambda i: (0, 0)),
                  pl.BlockSpec((32, 32, 32), lambda i: (0, 0, 0)),
                  pl.BlockSpec(memory_space=pltpu.SMEM)],
        out_specs=pl.BlockSpec((1, 32), lambda i: (0, 0)),
        out_shape=jax.ShapeDtypeStruct((1, 32), _f32),
        scratch_shapes=[pltpu.VMEM((864, 108), _f32)],
    )(gxf, bj, w1r, w2r, w3p, nlive)


@jax.jit
def kernel(x, coords, W1, W2, W3):
    coords = coords.astype(_i32)
    n = x.shape[0]

    pad = jnp.full((NP_PAD - n, 3), -4, _i32)
    cp = jnp.concatenate([coords, pad], axis=0)
    cx = cp[:, 0] + 0
    cy = cp[:, 1] + 0
    cz = cp[:, 2] + 0
    xcat = jnp.concatenate([jnp.zeros((1, 4), _f32), x,
                            jnp.zeros((7, 4), _f32)], axis=0)
    x0, x1, x2, x3 = (xcat[:, d] + 0 for d in range(4))

    tbl, occ = _sc_tables(cx, cy, cz)
    bmask, nlive = _tc_bmask(occ[:C3].reshape(64, 64, 64))
    bpad = jnp.concatenate([bmask.reshape(-1), jnp.zeros((8,), _i32)])

    gxp, bjf = _sc_gather(cx, cy, cz, tbl, bpad, x0, x1, x2, x3)
    tch = NW * N_CH
    gxf = gxp.reshape(4, tch, 27, P_CH).transpose(0, 2, 1, 3).reshape(108, NP_PAD)
    bj = bjf.reshape(tch, 27, P_CH).transpose(1, 0, 2).reshape(27, NP_PAD)

    w1r = W1.transpose(1, 0, 2).reshape(108, 32)
    w2r = W2.reshape(864, 32)
    w3p = jnp.concatenate([W3, jnp.zeros((5, 32, 32), _f32)], axis=0)
    out = _tc_contract(gxf, bj, w1r, w2r, w3p, nlive)
    return out[0]

# --- scband reference (transcript-rebuilt; emitter-appended) ---
"""Pipeline reference for scband-simple-pcnet-34643206209621 (READ-ONLY COPY).

The authoritative reference and input builder live on the scoring server;
editing this copy changes nothing except your own understanding.
"""

import jax, jax.numpy as jnp
import numpy as np

G = 128
OFFSETS = jnp.array([[dx, dy, dz] for dx in (-1, 0, 1) for dy in (-1, 0, 1) for dz in (-1, 0, 1)], dtype=jnp.int32)

def _linearize(c):
    c = c.astype(jnp.int32)
    return (c[:, 0] * G + c[:, 1]) * G + c[:, 2]

def _build_table(coords):
    table = jnp.full((G * G * G,), -1, dtype=jnp.int32)
    return table.at[_linearize(coords)].set(jnp.arange(coords.shape[0], dtype=jnp.int32))

def _sparse_conv(feats, table_in, out_coords, W, s):
    # gather-matmul-accumulate over the 27 kernel offsets (Minuet-style sparse conv)
    out = jnp.zeros((out_coords.shape[0], W.shape[-1]), dtype=feats.dtype)
    for k in range(27):
        nb = out_coords + OFFSETS[k] * s
        valid = jnp.all((nb >= 0) & (nb < G), axis=1)
        nbc = jnp.clip(nb, 0, G - 1)
        idx = table_in[_linearize(nbc)]
        found = (valid & (idx >= 0)).astype(feats.dtype)
        g = feats[jnp.maximum(idx, 0)] * found[:, None]
        out = out + g @ W[k]
    return out

def setup_inputs(seed: int = 0):
    key = jax.random.key(seed)
    rng = np.random.default_rng(0)
    raw = rng.integers(0, G, size=(130000, 3))
    uniq = np.unique(raw, axis=0)
    coords = jnp.asarray(uniq[:100000], dtype=jnp.int32)
    k1, k2, k3, k4 = jax.random.split(key, 4)
    x = jax.random.normal(k1, (100000, 4), dtype=jnp.float32)
    W1 = jax.random.normal(k2, (27, 4, 32), dtype=jnp.float32) * 0.1
    W2 = jax.random.normal(k3, (27, 32, 32), dtype=jnp.float32) * 0.05
    W3 = jax.random.normal(k4, (27, 32, 32), dtype=jnp.float32) * 0.05
    return {"x": x, "coords": coords, "W1": W1, "W2": W2, "W3": W3}

def reference(x, coords, W1, W2, W3):
    coords = coords.astype(jnp.int32)
    # conv1: submanifold, stride 1, out coords == in coords
    table0 = _build_table(coords)
    h1 = _sparse_conv(x, table0, coords, W1, 1)
    # conv2: stride 2 -> output coords on stride-2 lattice, kernel taps at input lattice
    coords1 = jnp.unique((coords // 2) * 2, axis=0, size=coords.shape[0], fill_value=-1)
    live = (coords1[:, 0] >= 0).astype(h1.dtype)
    h2 = _sparse_conv(h1, table0, coords1, W2, 1)
    # conv3: tensor stride is now 2 -> dilated taps at +/-2
    table1 = _build_table(coords1)
    h3 = _sparse_conv(h2, table1, coords1, W3, 2)
    # global average pool over all points (single batch)
    return jnp.sum(h3 * live[:, None], axis=0) / jnp.sum(live)

if __name__ == "__main__":
    import jax
    _d = setup_inputs()
    print(jax.jit(kernel)(*tuple(_d.values())))

</pallas_src>

<mosaic_0001>
#map = affine_map<(d0, d1) -> (0)>
module attributes {stable_mosaic.version = 14 : i64} {
  func.func @_sc_tables_body(%arg0: i32, %arg1: i32, %arg2: memref<100352xi32, #tpu.memory_space<hbm>>, %arg3: memref<100352xi32, #tpu.memory_space<hbm>>, %arg4: memref<100352xi32, #tpu.memory_space<hbm>>, %arg5: memref<2097184xi32, #tpu.memory_space<hbm>>, %arg6: memref<262176xi32, #tpu.memory_space<hbm>>, %arg7: memref<16384xi32, #tpu.memory_space<vmem>>, %arg8: memref<6272xi32, #tpu.memory_space<vmem>>, %arg9: memref<6272xi32, #tpu.memory_space<vmem>>, %arg10: memref<6272xi32, #tpu.memory_space<vmem>>, %arg11: memref<6272xi32, #tpu.memory_space<vmem>>, %arg12: memref<6272xi32, #tpu.memory_space<vmem>>, %arg13: memref<6272xi32, #tpu.memory_space<vmem>>, %arg14: memref<!tpu.dma_semaphore, #tpu.memory_space<semaphore_mem>>) attributes {dimension_semantics = [#tpu.dimension_semantics<core_parallel>, #tpu.dimension_semantics<subcore_parallel>], iteration_bounds = array<i64: 2, 16>, scalar_prefetch = 0 : i64, scratch_operands = 8 : i64, tpu.core_type = #tpu.core_type<sc_vector_subcore>, window_params = [{transform_indices = #map}, {transform_indices = #map}, {transform_indices = #map}, {transform_indices = #map}, {transform_indices = #map}]} {
    %mul3A = arith.constant 16 : i32
    %mul3A_0 = arith.muli %arg0, %mul3A : i32
    %add3A = arith.addi %mul3A_0, %arg1 : i32
    %scan3A = arith.constant 0 : i32
    %scan3A_1 = arith.constant 0 : i32
    %scan3A_2 = arith.constant 1024 : i32
    %scan3A_3 = arith.addi %scan3A_1, %scan3A_2 : i32
    %scan3A_4 = arith.constant 1 : i32
    %scan3A_5 = scf.for %scan3A_67 = %scan3A_1 to %scan3A_3 step %scan3A_4 iter_args(%scan3A_68 = %scan3A) -> (i32)  : i32 {
      %broadcast_in_dim3A = arith.constant -1 : i32
      %broadcast_in_dim3A_69 = vector.broadcast %broadcast_in_dim3A : i32 to vector<16xi32>
      %mul3A_70 = arith.constant 16 : i32
      %mul3A_71 = arith.muli %scan3A_67, %mul3A_70 : i32
      %swap3A = arith.index_cast %mul3A_71 : i32 to index
      %swap3A_72 = tpu.vector_load %arg7[%swap3A] {strides = array<i32>} : memref<16384xi32, #tpu.memory_space<vmem>>, vector<16xi32>,
      %swap3A_73 = vector.shape_cast %swap3A_72 : vector<16xi32> to vector<16xi32>
      %swap3A_74 = vector.shape_cast %broadcast_in_dim3A_69 : vector<16xi32> to vector<16xi32>
      tpu.vector_store %arg7[%swap3A], %swap3A_74 {strides = array<i32>} : memref<16384xi32, #tpu.memory_space<vmem>>, vector<16xi32>,
      %scan3A_75 = arith.constant 0 : i32
      scf.yield %scan3A_75 : i32
    }
    %scan3A_6 = arith.constant 1024 : i32
    %mul3A_7 = arith.constant 65536 : i32
    %mul3A_8 = arith.muli %add3A, %mul3A_7 : i32
    %add3A_9 = arith.constant 0 : i32
    %add3A_10 = arith.addi %mul3A_8, %add3A_9 : i32
    "tpu.region"() ({
      %run_scoped3A = tpu.sem_alloc : memref<!tpu.dma_semaphore, #tpu.memory_space<semaphore_mem>>
      %dma_start3A_67 = tpu.memref_slice %arg5[%add3A_10] : memref<2097184xi32, #tpu.memory_space<hbm>> -> memref<16384xi32, #tpu.memory_space<hbm>>
      %dma_start3A_68 = tpu.memref_slice %arg5[%add3A_10] : memref<2097184xi32, #tpu.memory_space<hbm>> -> memref<16384xi32, #tpu.memory_space<hbm>>
      tpu.enqueue_dma source(%arg7 : memref<16384xi32, #tpu.memory_space<vmem>>) target(%dma_start3A_68 : memref<16384xi32, #tpu.memory_space<hbm>>) target_semaphore(%run_scoped3A : memref<!tpu.dma_semaphore, #tpu.memory_space<semaphore_mem>>)
      %dma_wait3A_69 = tpu.memref_slice %arg5[%add3A_10] : memref<2097184xi32, #tpu.memory_space<hbm>> -> memref<16384xi32, #tpu.memory_space<hbm>>
      %dma_wait3A_70 = tpu.memref_slice %arg5[%add3A_10] : memref<2097184xi32, #tpu.memory_space<hbm>> -> memref<16384xi32, #tpu.memory_space<hbm>>
      tpu.wait_dma2 semaphore(%run_scoped3A : memref<!tpu.dma_semaphore, #tpu.memory_space<semaphore_mem>>) src(%arg7 : memref<16384xi32, #tpu.memory_space<vmem>>) dst(%dma_wait3A_70 : memref<16384xi32, #tpu.memory_space<hbm>>)
      tpu.yield
    }) : () -> ()
    %add3A_11 = arith.constant 16384 : i32
    %add3A_12 = arith.addi %mul3A_8, %add3A_11 : i32
    "tpu.region"() ({
      %run_scoped3A = tpu.sem_alloc : memref<!tpu.dma_semaphore, #tpu.memory_space<semaphore_mem>>
      %dma_start3A_67 = tpu.memref_slice %arg5[%add3A_12] : memref<2097184xi32, #tpu.memory_space<hbm>> -> memref<16384xi32, #tpu.memory_space<hbm>>
      %dma_start3A_68 = tpu.memref_slice %arg5[%add3A_12] : memref<2097184xi32, #tpu.memory_space<hbm>> -> memref<16384xi32, #tpu.memory_space<hbm>>
      tpu.enqueue_dma source(%arg7 : memref<16384xi32, #tpu.memory_space<vmem>>) target(%dma_start3A_68 : memref<16384xi32, #tpu.memory_space<hbm>>) target_semaphore(%run_scoped3A : memref<!tpu.dma_semaphore, #tpu.memory_space<semaphore_mem>>)
      %dma_wait3A_69 = tpu.memref_slice %arg5[%add3A_12] : memref<2097184xi32, #tpu.memory_space<hbm>> -> memref<16384xi32, #tpu.memory_space<hbm>>
      %dma_wait3A_70 = tpu.memref_slice %arg5[%add3A_12] : memref<2097184xi32, #tpu.memory_space<hbm>> -> memref<16384xi32, #tpu.memory_space<hbm>>
      tpu.wait_dma2 semaphore(%run_scoped3A : memref<!tpu.dma_semaphore, #tpu.memory_space<semaphore_mem>>) src(%arg7 : memref<16384xi32, #tpu.memory_space<vmem>>) dst(%dma_wait3A_70 : memref<16384xi32, #tpu.memory_space<hbm>>)
      tpu.yield
    }) : () -> ()
    %add3A_13 = arith.constant 32768 : i32
    %add3A_14 = arith.addi %mul3A_8, %add3A_13 : i32
    "tpu.region"() ({
      %run_scoped3A = tpu.sem_alloc : memref<!tpu.dma_semaphore, #tpu.memory_space<semaphore_mem>>
      %dma_start3A_67 = tpu.memref_slice %arg5[%add3A_14] : memref<2097184xi32, #tpu.memory_space<hbm>> -> memref<16384xi32, #tpu.memory_space<hbm>>
      %dma_start3A_68 = tpu.memref_slice %arg5[%add3A_14] : memref<2097184xi32, #tpu.memory_space<hbm>> -> memref<16384xi32, #tpu.memory_space<hbm>>
      tpu.enqueue_dma source(%arg7 : memref<16384xi32, #tpu.memory_space<vmem>>) target(%dma_start3A_68 : memref<16384xi32, #tpu.memory_space<hbm>>) target_semaphore(%run_scoped3A : memref<!tpu.dma_semaphore, #tpu.memory_space<semaphore_mem>>)
      %dma_wait3A_69 = tpu.memref_slice %arg5[%add3A_14] : memref<2097184xi32, #tpu.memory_space<hbm>> -> memref<16384xi32, #tpu.memory_space<hbm>>
      %dma_wait3A_70 = tpu.memref_slice %arg5[%add3A_14] : memref<2097184xi32, #tpu.memory_space<hbm>> -> memref<16384xi32, #tpu.memory_space<hbm>>
      tpu.wait_dma2 semaphore(%run_scoped3A : memref<!tpu.dma_semaphore, #tpu.memory_space<semaphore_mem>>) src(%arg7 : memref<16384xi32, #tpu.memory_space<vmem>>) dst(%dma_wait3A_70 : memref<16384xi32, #tpu.memory_space<hbm>>)
      tpu.yield
    }) : () -> ()
    %add3A_15 = arith.constant 49152 : i32
    %add3A_16 = arith.addi %mul3A_8, %add3A_15 : i32
    "tpu.region"() ({
      %run_scoped3A = tpu.sem_alloc : memref<!tpu.dma_semaphore, #tpu.memory_space<semaphore_mem>>
      %dma_start3A_67 = tpu.memref_slice %arg5[%add3A_16] : memref<2097184xi32, #tpu.memory_space<hbm>> -> memref<16384xi32, #tpu.memory_space<hbm>>
      %dma_start3A_68 = tpu.memref_slice %arg5[%add3A_16] : memref<2097184xi32, #tpu.memory_space<hbm>> -> memref<16384xi32, #tpu.memory_space<hbm>>
      tpu.enqueue_dma source(%arg7 : memref<16384xi32, #tpu.memory_space<vmem>>) target(%dma_start3A_68 : memref<16384xi32, #tpu.memory_space<hbm>>) target_semaphore(%run_scoped3A : memref<!tpu.dma_semaphore, #tpu.memory_space<semaphore_mem>>)
      %dma_wait3A_69 = tpu.memref_slice %arg5[%add3A_16] : memref<2097184xi32, #tpu.memory_space<hbm>> -> memref<16384xi32, #tpu.memory_space<hbm>>
      %dma_wait3A_70 = tpu.memref_slice %arg5[%add3A_16] : memref<2097184xi32, #tpu.memory_space<hbm>> -> memref<16384xi32, #tpu.memory_space<hbm>>
      tpu.wait_dma2 semaphore(%run_scoped3A : memref<!tpu.dma_semaphore, #tpu.memory_space<semaphore_mem>>) src(%arg7 : memref<16384xi32, #tpu.memory_space<vmem>>) dst(%dma_wait3A_70 : memref<16384xi32, #tpu.memory_space<hbm>>)
      tpu.yield
    }) : () -> ()
    %eq3A = arith.constant 0 : i32
    %eq3A_17 = arith.cmpi eq, %arg1, %eq3A : i32
    %convert_element_type3A = arith.extui %eq3A_17 : i1 to i32
    %cond3A = arith.constant 0 : i32
    %cond3A_18 = arith.cmpi ne, %convert_element_type3A, %cond3A : i32
    scf.if %cond3A_18 {
      %mul3A_67 = arith.constant 16 : i32
      %mul3A_68 = arith.muli %mul3A_67, %arg0 : i32
      %add3A_69 = arith.constant 2097152 : i32
      %add3A_70 = arith.addi %add3A_69, %mul3A_68 : i32
      "tpu.region"() ({
        %run_scoped3A = tpu.sem_alloc : memref<!tpu.dma_semaphore, #tpu.memory_space<semaphore_mem>>
        %dma_start3A_71 = arith.constant 0 : i32
        %dma_start3A_72 = tpu.memref_slice %arg7[%dma_start3A_71] : memref<16384xi32, #tpu.memory_space<vmem>> -> memref<16xi32, #tpu.memory_space<vmem>>
        %dma_start3A_73 = tpu.memref_slice %arg5[%add3A_70] : memref<2097184xi32, #tpu.memory_space<hbm>> -> memref<16xi32, #tpu.memory_space<hbm>>
        %dma_start3A_74 = tpu.memref_slice %arg5[%add3A_70] : memref<2097184xi32, #tpu.memory_space<hbm>> -> memref<16xi32, #tpu.memory_space<hbm>>
        %dma_start3A_75 = arith.constant 0 : i32
        %dma_start3A_76 = tpu.memref_slice %arg7[%dma_start3A_75] : memref<16384xi32, #tpu.memory_space<vmem>> -> memref<16xi32, #tpu.memory_space<vmem>>
        tpu.enqueue_dma source(%dma_start3A_76 : memref<16xi32, #tpu.memory_space<vmem>>) target(%dma_start3A_74 : memref<16xi32, #tpu.memory_space<hbm>>) target_semaphore(%run_scoped3A : memref<!tpu.dma_semaphore, #tpu.memory_space<semaphore_mem>>)
        %dma_wait3A_77 = arith.constant 0 : i32
        %dma_wait3A_78 = tpu.memref_slice %arg7[%dma_wait3A_77] : memref<16384xi32, #tpu.memory_space<vmem>> -> memref<16xi32, #tpu.memory_space<vmem>>
        %dma_wait3A_79 = tpu.memref_slice %arg5[%add3A_70] : memref<2097184xi32, #tpu.memory_space<hbm>> -> memref<16xi32, #tpu.memory_space<hbm>>
        %dma_wait3A_80 = tpu.memref_slice %arg5[%add3A_70] : memref<2097184xi32, #tpu.memory_space<hbm>> -> memref<16xi32, #tpu.memory_space<hbm>>
        %dma_wait3A_81 = arith.constant 0 : i32
        %dma_wait3A_82 = tpu.memref_slice %arg7[%dma_wait3A_81] : memref<16384xi32, #tpu.memory_space<vmem>> -> memref<16xi32, #tpu.memory_space<vmem>>
        tpu.wait_dma2 semaphore(%run_scoped3A : memref<!tpu.dma_semaphore, #tpu.memory_space<semaphore_mem>>) src(%dma_wait3A_82 : memref<16xi32, #tpu.memory_space<vmem>>) dst(%dma_wait3A_80 : memref<16xi32, #tpu.memory_space<hbm>>)
        tpu.yield
      }) : () -> ()
    } else {
    }
    %scan3A_19 = arith.constant 0 : i32
    %scan3A_20 = arith.constant 0 : i32
    %scan3A_21 = arith.constant 1024 : i32
    %scan3A_22 = arith.addi %scan3A_20, %scan3A_21 : i32
    %scan3A_23 = arith.constant 1 : i32
    %scan3A_24 = scf.for %scan3A_67 = %scan3A_20 to %scan3A_22 step %scan3A_23 iter_args(%scan3A_68 = %scan3A_19) -> (i32)  : i32 {
      %broadcast_in_dim3A = arith.constant 0 : i32
      %broadcast_in_dim3A_69 = vector.broadcast %broadcast_in_dim3A : i32 to vector<16xi32>
      %mul3A_70 = arith.constant 16 : i32
      %mul3A_71 = arith.muli %scan3A_67, %mul3A_70 : i32
      %swap3A = arith.index_cast %mul3A_71 : i32 to index
      %swap3A_72 = tpu.vector_load %arg7[%swap3A] {strides = array<i32>} : memref<16384xi32, #tpu.memory_space<vmem>>, vector<16xi32>,
      %swap3A_73 = vector.shape_cast %swap3A_72 : vector<16xi32> to vector<16xi32>
      %swap3A_74 = vector.shape_cast %broadcast_in_dim3A_69 : vector<16xi32> to vector<16xi32>
      tpu.vector_store %arg7[%swap3A], %swap3A_74 {strides = array<i32>} : memref<16384xi32, #tpu.memory_space<vmem>>, vector<16xi32>,
      %scan3A_75 = arith.constant 0 : i32
      scf.yield %scan3A_75 : i32
    }
    %scan3A_25 = arith.constant 1024 : i32
    %mul3A_26 = arith.constant 8192 : i32
    %mul3A_27 = arith.muli %add3A, %mul3A_26 : i32
    "tpu.region"() ({
      %run_scoped3A = tpu.sem_alloc : memref<!tpu.dma_semaphore, #tpu.memory_space<semaphore_mem>>
      %dma_start3A_67 = arith.constant 0 : i32
      %dma_start3A_68 = tpu.memref_slice %arg7[%dma_start3A_67] : memref<16384xi32, #tpu.memory_space<vmem>> -> memref<8192xi32, #tpu.memory_space<vmem>>
      %dma_start3A_69 = tpu.memref_slice %arg6[%mul3A_27] : memref<262176xi32, #tpu.memory_space<hbm>> -> memref<8192xi32, #tpu.memory_space<hbm>>
      %dma_start3A_70 = tpu.memref_slice %arg6[%mul3A_27] : memref<262176xi32, #tpu.memory_space<hbm>> -> memref<8192xi32, #tpu.memory_space<hbm>>
      %dma_start3A_71 = arith.constant 0 : i32
      %dma_start3A_72 = tpu.memref_slice %arg7[%dma_start3A_71] : memref<16384xi32, #tpu.memory_space<vmem>> -> memref<8192xi32, #tpu.memory_space<vmem>>
      tpu.enqueue_dma source(%dma_start3A_72 : memref<8192xi32, #tpu.memory_space<vmem>>) target(%dma_start3A_70 : memref<8192xi32, #tpu.memory_space<hbm>>) target_semaphore(%run_scoped3A : memref<!tpu.dma_semaphore, #tpu.memory_space<semaphore_mem>>)
      %dma_wait3A_73 = arith.constant 0 : i32
      %dma_wait3A_74 = tpu.memref_slice %arg7[%dma_wait3A_73] : memref<16384xi32, #tpu.memory_space<vmem>> -> memref<8192xi32, #tpu.memory_space<vmem>>
      %dma_wait3A_75 = tpu.memref_slice %arg6[%mul3A_27] : memref<262176xi32, #tpu.memory_space<hbm>> -> memref<8192xi32, #tpu.memory_space<hbm>>
      %dma_wait3A_76 = tpu.memref_slice %arg6[%mul3A_27] : memref<262176xi32, #tpu.memory_space<hbm>> -> memref<8192xi32, #tpu.memory_space<hbm>>
      %dma_wait3A_77 = arith.constant 0 : i32
      %dma_wait3A_78 = tpu.memref_slice %arg7[%dma_wait3A_77] : memref<16384xi32, #tpu.memory_space<vmem>> -> memref<8192xi32, #tpu.memory_space<vmem>>
      tpu.wait_dma2 semaphore(%run_scoped3A : memref<!tpu.dma_semaphore, #tpu.memory_space<semaphore_mem>>) src(%dma_wait3A_78 : memref<8192xi32, #tpu.memory_space<vmem>>) dst(%dma_wait3A_76 : memref<8192xi32, #tpu.memory_space<hbm>>)
      tpu.yield
    }) : () -> ()
    %eq3A_28 = arith.constant 0 : i32
    %eq3A_29 = arith.cmpi eq, %arg1, %eq3A_28 : i32
    %convert_element_type3A_30 = arith.extui %eq3A_29 : i1 to i32
    %cond3A_31 = arith.constant 0 : i32
    %cond3A_32 = arith.cmpi ne, %convert_element_type3A_30, %cond3A_31 : i32
    scf.if %cond3A_32 {
      %mul3A_67 = arith.constant 16 : i32
      %mul3A_68 = arith.muli %mul3A_67, %arg0 : i32
      %add3A_69 = arith.constant 262144 : i32
      %add3A_70 = arith.addi %add3A_69, %mul3A_68 : i32
      "tpu.region"() ({
        %run_scoped3A = tpu.sem_alloc : memref<!tpu.dma_semaphore, #tpu.memory_space<semaphore_mem>>
        %dma_start3A_71 = arith.constant 0 : i32
        %dma_start3A_72 = tpu.memref_slice %arg7[%dma_start3A_71] : memref<16384xi32, #tpu.memory_space<vmem>> -> memref<16xi32, #tpu.memory_space<vmem>>
        %dma_start3A_73 = tpu.memref_slice %arg6[%add3A_70] : memref<262176xi32, #tpu.memory_space<hbm>> -> memref<16xi32, #tpu.memory_space<hbm>>
        %dma_start3A_74 = tpu.memref_slice %arg6[%add3A_70] : memref<262176xi32, #tpu.memory_space<hbm>> -> memref<16xi32, #tpu.memory_space<hbm>>
        %dma_start3A_75 = arith.constant 0 : i32
        %dma_start3A_76 = tpu.memref_slice %arg7[%dma_start3A_75] : memref<16384xi32, #tpu.memory_space<vmem>> -> memref<16xi32, #tpu.memory_space<vmem>>
        tpu.enqueue_dma source(%dma_start3A_76 : memref<16xi32, #tpu.memory_space<vmem>>) target(%dma_start3A_74 : memref<16xi32, #tpu.memory_space<hbm>>) target_semaphore(%run_scoped3A : memref<!tpu.dma_semaphore, #tpu.memory_space<semaphore_mem>>)
        %dma_wait3A_77 = arith.constant 0 : i32
        %dma_wait3A_78 = tpu.memref_slice %arg7[%dma_wait3A_77] : memref<16384xi32, #tpu.memory_space<vmem>> -> memref<16xi32, #tpu.memory_space<vmem>>
        %dma_wait3A_79 = tpu.memref_slice %arg6[%add3A_70] : memref<262176xi32, #tpu.memory_space<hbm>> -> memref<16xi32, #tpu.memory_space<hbm>>
        %dma_wait3A_80 = tpu.memref_slice %arg6[%add3A_70] : memref<262176xi32, #tpu.memory_space<hbm>> -> memref<16xi32, #tpu.memory_space<hbm>>
        %dma_wait3A_81 = arith.constant 0 : i32
        %dma_wait3A_82 = tpu.memref_slice %arg7[%dma_wait3A_81] : memref<16384xi32, #tpu.memory_space<vmem>> -> memref<16xi32, #tpu.memory_space<vmem>>
        tpu.wait_dma2 semaphore(%run_scoped3A : memref<!tpu.dma_semaphore, #tpu.memory_space<semaphore_mem>>) src(%dma_wait3A_82 : memref<16xi32, #tpu.memory_space<vmem>>) dst(%dma_wait3A_80 : memref<16xi32, #tpu.memory_space<hbm>>)
        tpu.yield
      }) : () -> ()
    } else {
    }
    %barrier3A = arith.constant 0 : index
    tpu.barrier barrier_id(%barrier3A)
    %mul3A_33 = arith.constant 6272 : i32
    %mul3A_34 = arith.muli %arg1, %mul3A_33 : i32
    "tpu.region"() ({
      %run_scoped3A = tpu.sem_alloc : memref<!tpu.dma_semaphore, #tpu.memory_space<semaphore_mem>>
      %dma_start3A_67 = tpu.memref_slice %arg2[%mul3A_34] : memref<100352xi32, #tpu.memory_space<hbm>> -> memref<6272xi32, #tpu.memory_space<hbm>>
      %dma_start3A_68 = tpu.memref_slice %arg2[%mul3A_34] : memref<100352xi32, #tpu.memory_space<hbm>> -> memref<6272xi32, #tpu.memory_space<hbm>>
      tpu.enqueue_dma source(%dma_start3A_68 : memref<6272xi32, #tpu.memory_space<hbm>>) target(%arg8 : memref<6272xi32, #tpu.memory_space<vmem>>) target_semaphore(%run_scoped3A : memref<!tpu.dma_semaphore, #tpu.memory_space<semaphore_mem>>)
      %dma_wait3A_69 = tpu.memref_slice %arg2[%mul3A_34] : memref<100352xi32, #tpu.memory_space<hbm>> -> memref<6272xi32, #tpu.memory_space<hbm>>
      %dma_wait3A_70 = tpu.memref_slice %arg2[%mul3A_34] : memref<100352xi32, #tpu.memory_space<hbm>> -> memref<6272xi32, #tpu.memory_space<hbm>>
      tpu.wait_dma2 semaphore(%run_scoped3A : memref<!tpu.dma_semaphore, #tpu.memory_space<semaphore_mem>>) src(%dma_wait3A_70 : memref<6272xi32, #tpu.memory_space<hbm>>) dst(%arg8 : memref<6272xi32, #tpu.memory_space<vmem>>)
      tpu.yield
    }) : () -> ()
    "tpu.region"() ({
      %run_scoped3A = tpu.sem_alloc : memref<!tpu.dma_semaphore, #tpu.memory_space<semaphore_mem>>
      %dma_start3A_67 = tpu.memref_slice %arg3[%mul3A_34] : memref<100352xi32, #tpu.memory_space<hbm>> -> memref<6272xi32, #tpu.memory_space<hbm>>
      %dma_start3A_68 = tpu.memref_slice %arg3[%mul3A_34] : memref<100352xi32, #tpu.memory_space<hbm>> -> memref<6272xi32, #tpu.memory_space<hbm>>
      tpu.enqueue_dma source(%dma_start3A_68 : memref<6272xi32, #tpu.memory_space<hbm>>) target(%arg9 : memref<6272xi32, #tpu.memory_space<vmem>>) target_semaphore(%run_scoped3A : memref<!tpu.dma_semaphore, #tpu.memory_space<semaphore_mem>>)
      %dma_wait3A_69 = tpu.memref_slice %arg3[%mul3A_34] : memref<100352xi32, #tpu.memory_space<hbm>> -> memref<6272xi32, #tpu.memory_space<hbm>>
      %dma_wait3A_70 = tpu.memref_slice %arg3[%mul3A_34] : memref<100352xi32, #tpu.memory_space<hbm>> -> memref<6272xi32, #tpu.memory_space<hbm>>
      tpu.wait_dma2 semaphore(%run_scoped3A : memref<!tpu.dma_semaphore, #tpu.memory_space<semaphore_mem>>) src(%dma_wait3A_70 : memref<6272xi32, #tpu.memory_space<hbm>>) dst(%arg9 : memref<6272xi32, #tpu.memory_space<vmem>>)
      tpu.yield
    }) : () -> ()
    "tpu.region"() ({
      %run_scoped3A = tpu.sem_alloc : memref<!tpu.dma_semaphore, #tpu.memory_space<semaphore_mem>>
      %dma_start3A_67 = tpu.memref_slice %arg4[%mul3A_34] : memref<100352xi32, #tpu.memory_space<hbm>> -> memref<6272xi32, #tpu.memory_space<hbm>>
      %dma_start3A_68 = tpu.memref_slice %arg4[%mul3A_34] : memref<100352xi32, #tpu.memory_space<hbm>> -> memref<6272xi32, #tpu.memory_space<hbm>>
      tpu.enqueue_dma source(%dma_start3A_68 : memref<6272xi32, #tpu.memory_space<hbm>>) target(%arg10 : memref<6272xi32, #tpu.memory_space<vmem>>) target_semaphore(%run_scoped3A : memref<!tpu.dma_semaphore, #tpu.memory_space<semaphore_mem>>)
      %dma_wait3A_69 = tpu.memref_slice %arg4[%mul3A_34] : memref<100352xi32, #tpu.memory_space<hbm>> -> memref<6272xi32, #tpu.memory_space<hbm>>
      %dma_wait3A_70 = tpu.memref_slice %arg4[%mul3A_34] : memref<100352xi32, #tpu.memory_space<hbm>> -> memref<6272xi32, #tpu.memory_space<hbm>>
      tpu.wait_dma2 semaphore(%run_scoped3A : memref<!tpu.dma_semaphore, #tpu.memory_space<semaphore_mem>>) src(%dma_wait3A_70 : memref<6272xi32, #tpu.memory_space<hbm>>) dst(%arg10 : memref<6272xi32, #tpu.memory_space<vmem>>)
      tpu.yield
    }) : () -> ()
    %mul3A_35 = arith.constant 1048576 : i32
    %mul3A_36 = arith.muli %arg0, %mul3A_35 : i32
    %mul3A_37 = arith.constant 131072 : i32
    %mul3A_38 = arith.muli %arg0, %mul3A_37 : i32
    %mul3A_39 = arith.constant 16 : i32
    %mul3A_40 = arith.muli %mul3A_39, %arg0 : i32
    %add3A_41 = arith.constant 2097152 : i32
    %add3A_42 = arith.addi %add3A_41, %mul3A_40 : i32
    %mul3A_43 = arith.constant 16 : i32
    %mul3A_44 = arith.muli %mul3A_43, %arg0 : i32
    %add3A_45 = arith.constant 262144 : i32
    %add3A_46 = arith.addi %add3A_45, %mul3A_44 : i32
    %scan3A_47 = arith.constant 0 : i32
    %scan3A_48 = arith.constant 0 : i32
    %scan3A_49 = arith.constant 392 : i32
    %scan3A_50 = arith.addi %scan3A_48, %scan3A_49 : i32
    %scan3A_51 = arith.constant 1 : i32
    %scan3A_52 = scf.for %scan3A_67 = %scan3A_48 to %scan3A_50 step %scan3A_51 iter_args(%scan3A_68 = %scan3A_47) -> (i32)  : i32 {
      %mul3A_69 = arith.constant 16 : i32
      %mul3A_70 = arith.muli %scan3A_67, %mul3A_69 : i32
      %get3A = arith.index_cast %mul3A_70 : i32 to index
      %get3A_71 = tpu.vector_load %arg8[%get3A] {strides = array<i32>} : memref<6272xi32, #tpu.memory_space<vmem>>, vector<16xi32>,
      %get3A_72 = vector.shape_cast %get3A_71 : vector<16xi32> to vector<16xi32>
      %mul3A_73 = arith.constant 16 : i32
      %mul3A_74 = arith.muli %scan3A_67, %mul3A_73 : i32
      %get3A_75 = arith.index_cast %mul3A_74 : i32 to index
      %get3A_76 = tpu.vector_load %arg9[%get3A_75] {strides = array<i32>} : memref<6272xi32, #tpu.memory_space<vmem>>, vector<16xi32>,
      %get3A_77 = vector.shape_cast %get3A_76 : vector<16xi32> to vector<16xi32>
      %mul3A_78 = arith.constant 16 : i32
      %mul3A_79 = arith.muli %scan3A_67, %mul3A_78 : i32
      %get3A_80 = arith.index_cast %mul3A_79 : i32 to index
      %get3A_81 = tpu.vector_load %arg10[%get3A_80] {strides = array<i32>} : memref<6272xi32, #tpu.memory_space<vmem>>, vector<16xi32>,
      %get3A_82 = vector.shape_cast %get3A_81 : vector<16xi32> to vector<16xi32>
      %mul3A_83 = arith.constant 128 : i32
      %mul3A_84 = vector.broadcast %mul3A_83 : i32 to vector<16xi32>
      %mul3A_85 = arith.muli %get3A_72, %mul3A_84 : vector<16xi32>
      %add3A_86 = arith.addi %mul3A_85, %get3A_77 : vector<16xi32>
      %mul3A_87 = arith.constant 128 : i32
      %mul3A_88 = vector.broadcast %mul3A_87 : i32 to vector<16xi32>
      %mul3A_89 = arith.muli %add3A_86, %mul3A_88 : vector<16xi32>
      %add3A_90 = arith.addi %mul3A_89, %get3A_82 : vector<16xi32>
      %ge3A = vector.broadcast %mul3A_36 : i32 to vector<16xi32>
      %ge3A_91 = arith.cmpi sge, %add3A_90, %ge3A : vector<16xi32>
      %add3A_92 = arith.constant 1048576 : i32
      %add3A_93 = arith.addi %mul3A_36, %add3A_92 : i32
      %lt3A = vector.broadcast %add3A_93 : i32 to vector<16xi32>
      %lt3A_94 = arith.cmpi slt, %add3A_90, %lt3A : vector<16xi32>
      %and3A = arith.andi %ge3A_91, %lt3A_94 : vector<16xi1>
      %broadcast_in_dim3A = vector.broadcast %add3A_42 : i32 to vector<16xi32>
      %select_n3A = arith.select %and3A, %add3A_90, %broadcast_in_dim3A : vector<16xi1>, vector<16xi32>
      %mul3A_95 = arith.constant 16 : i32
      %mul3A_96 = arith.muli %scan3A_67, %mul3A_95 : i32
      %swap3A = arith.index_cast %mul3A_96 : i32 to index
      %swap3A_97 = tpu.vector_load %arg11[%swap3A] {strides = array<i32>} : memref<6272xi32, #tpu.memory_space<vmem>>, vector<16xi32>,
      %swap3A_98 = vector.shape_cast %swap3A_97 : vector<16xi32> to vector<16xi32>
      %swap3A_99 = vector.shape_cast %select_n3A : vector<16xi32> to vector<16xi32>
      tpu.vector_store %arg11[%swap3A], %swap3A_99 {strides = array<i32>} : memref<6272xi32, #tpu.memory_space<vmem>>, vector<16xi32>,
      %shift_right_arithmetic3A = arith.constant 1 : i32
      %shift_right_arithmetic3A_100 = vector.broadcast %shift_right_arithmetic3A : i32 to vector<16xi32>
      %shift_right_arithmetic3A_101 = arith.shrsi %get3A_72, %shift_right_arithmetic3A_100 : vector<16xi32>
      %mul3A_102 = arith.constant 64 : i32
      %mul3A_103 = vector.broadcast %mul3A_102 : i32 to vector<16xi32>
      %mul3A_104 = arith.muli %shift_right_arithmetic3A_101, %mul3A_103 : vector<16xi32>
      %shift_right_arithmetic3A_105 = arith.constant 1 : i32
      %shift_right_arithmetic3A_106 = vector.broadcast %shift_right_arithmetic3A_105 : i32 to vector<16xi32>
      %shift_right_arithmetic3A_107 = arith.shrsi %get3A_77, %shift_right_arithmetic3A_106 : vector<16xi32>
      %add3A_108 = arith.addi %mul3A_104, %shift_right_arithmetic3A_107 : vector<16xi32>
      %mul3A_109 = arith.constant 64 : i32
      %mul3A_110 = vector.broadcast %mul3A_109 : i32 to vector<16xi32>
      %mul3A_111 = arith.muli %add3A_108, %mul3A_110 : vector<16xi32>
      %shift_right_arithmetic3A_112 = arith.constant 1 : i32
      %shift_right_arithmetic3A_113 = vector.broadcast %shift_right_arithmetic3A_112 : i32 to vector<16xi32>
      %shift_right_arithmetic3A_114 = arith.shrsi %get3A_82, %shift_right_arithmetic3A_113 : vector<16xi32>
      %add3A_115 = arith.addi %mul3A_111, %shift_right_arithmetic3A_114 : vector<16xi32>
      %ge3A_116 = vector.broadcast %mul3A_38 : i32 to vector<16xi32>
      %ge3A_117 = arith.cmpi sge, %add3A_115, %ge3A_116 : vector<16xi32>
      %add3A_118 = arith.constant 131072 : i32
      %add3A_119 = arith.addi %mul3A_38, %add3A_118 : i32
      %lt3A_120 = vector.broadcast %add3A_119 : i32 to vector<16xi32>
      %lt3A_121 = arith.cmpi slt, %add3A_115, %lt3A_120 : vector<16xi32>
      %and3A_122 = arith.andi %ge3A_117, %lt3A_121 : vector<16xi1>
      %broadcast_in_dim3A_123 = vector.broadcast %add3A_46 : i32 to vector<16xi32>
      %select_n3A_124 = arith.select %and3A_122, %add3A_115, %broadcast_in_dim3A_123 : vector<16xi1>, vector<16xi32>
      %mul3A_125 = arith.constant 16 : i32
      %mul3A_126 = arith.muli %scan3A_67, %mul3A_125 : i32
      %swap3A_127 = arith.index_cast %mul3A_126 : i32 to index
      %swap3A_128 = tpu.vector_load %arg12[%swap3A_127] {strides = array<i32>} : memref<6272xi32, #tpu.memory_space<vmem>>, vector<16xi32>,
      %swap3A_129 = vector.shape_cast %swap3A_128 : vector<16xi32> to vector<16xi32>
      %swap3A_130 = vector.shape_cast %select_n3A_124 : vector<16xi32> to vector<16xi32>
      tpu.vector_store %arg12[%swap3A_127], %swap3A_130 {strides = array<i32>} : memref<6272xi32, #tpu.memory_space<vmem>>, vector<16xi32>,
      %mul3A_131 = arith.constant 16 : i32
      %mul3A_132 = arith.muli %scan3A_67, %mul3A_131 : i32
      %add3A_133 = arith.addi %mul3A_34, %mul3A_132 : i32
      %add3A_134 = arith.constant 1 : i32
      %add3A_135 = arith.addi %add3A_133, %add3A_134 : i32
      %iota3A = tpu.iota {dimensions = array<i32: 0>} : vector<16xi32>
      %add3A_136 = vector.broadcast %add3A_135 : i32 to vector<16xi32>
      %add3A_137 = arith.addi %add3A_136, %iota3A : vector<16xi32>
      %mul3A_138 = arith.constant 16 : i32
      %mul3A_139 = arith.muli %scan3A_67, %mul3A_138 : i32
      %swap3A_140 = arith.index_cast %mul3A_139 : i32 to index
      %swap3A_141 = tpu.vector_load %arg13[%swap3A_140] {strides = array<i32>} : memref<6272xi32, #tpu.memory_space<vmem>>, vector<16xi32>,
      %swap3A_142 = vector.shape_cast %swap3A_141 : vector<16xi32> to vector<16xi32>
      %swap3A_143 = vector.shape_cast %add3A_137 : vector<16xi32> to vector<16xi32>
      tpu.vector_store %arg13[%swap3A_140], %swap3A_143 {strides = array<i32>} : memref<6272xi32, #tpu.memory_space<vmem>>, vector<16xi32>,
      %scan3A_144 = arith.constant 0 : i32
      scf.yield %scan3A_144 : i32
    }
    %scan3A_53 = arith.constant 392 : i32
    %dma_start3A = arith.constant 0 : i32
    %dma_start3A_54 = tpu.memref_slice %arg5[%dma_start3A] : memref<2097184xi32, #tpu.memory_space<hbm>> -> memref<2097184xi32, #tpu.memory_space<hbm>>
    tpu.enqueue_indirect_dma source(%arg13 : memref<6272xi32, #tpu.memory_space<vmem>>) target(%dma_start3A_54 : memref<2097184xi32, #tpu.memory_space<hbm>>) offsets(%arg11 : memref<6272xi32, #tpu.memory_space<vmem>>) semaphore(%arg14 : memref<!tpu.dma_semaphore, #tpu.memory_space<semaphore_mem>>)
    %dma_wait3A = arith.constant 0 : i32
    %dma_wait3A_55 = tpu.memref_slice %arg5[%dma_wait3A] : memref<2097184xi32, #tpu.memory_space<hbm>> -> memref<2097184xi32, #tpu.memory_space<hbm>>
    tpu.wait_indirect_dma semaphore(%arg14 : memref<!tpu.dma_semaphore, #tpu.memory_space<semaphore_mem>>) src(%arg13 : memref<6272xi32, #tpu.memory_space<vmem>>) dst(%dma_wait3A_55 : memref<2097184xi32, #tpu.memory_space<hbm>>)
    %scan3A_56 = arith.constant 0 : i32
    %scan3A_57 = arith.constant 0 : i32
    %scan3A_58 = arith.constant 392 : i32
    %scan3A_59 = arith.addi %scan3A_57, %scan3A_58 : i32
    %scan3A_60 = arith.constant 1 : i32
    %scan3A_61 = scf.for %scan3A_67 = %scan3A_57 to %scan3A_59 step %scan3A_60 iter_args(%scan3A_68 = %scan3A_56) -> (i32)  : i32 {
      %broadcast_in_dim3A = arith.constant 1 : i32
      %broadcast_in_dim3A_69 = vector.broadcast %broadcast_in_dim3A : i32 to vector<16xi32>
      %mul3A_70 = arith.constant 16 : i32
      %mul3A_71 = arith.muli %scan3A_67, %mul3A_70 : i32
      %swap3A = arith.index_cast %mul3A_71 : i32 to index
      %swap3A_72 = tpu.vector_load %arg13[%swap3A] {strides = array<i32>} : memref<6272xi32, #tpu.memory_space<vmem>>, vector<16xi32>,
      %swap3A_73 = vector.shape_cast %swap3A_72 : vector<16xi32> to vector<16xi32>
      %swap3A_74 = vector.shape_cast %broadcast_in_dim3A_69 : vector<16xi32> to vector<16xi32>
      tpu.vector_store %arg13[%swap3A], %swap3A_74 {strides = array<i32>} : memref<6272xi32, #tpu.memory_space<vmem>>, vector<16xi32>,
      %scan3A_75 = arith.constant 0 : i32
      scf.yield %scan3A_75 : i32
    }
    %scan3A_62 = arith.constant 392 : i32
    %dma_start3A_63 = arith.constant 0 : i32
    %dma_start3A_64 = tpu.memref_slice %arg6[%dma_start3A_63] : memref<262176xi32, #tpu.memory_space<hbm>> -> memref<262176xi32, #tpu.memory_space<hbm>>
    tpu.enqueue_indirect_dma source(%arg13 : memref<6272xi32, #tpu.memory_space<vmem>>) target(%dma_start3A_64 : memref<262176xi32, #tpu.memory_space<hbm>>) offsets(%arg12 : memref<6272xi32, #tpu.memory_space<vmem>>) semaphore(%arg14 : memref<!tpu.dma_semaphore, #tpu.memory_space<semaphore_mem>>)
    %dma_wait3A_65 = arith.constant 0 : i32
    %dma_wait3A_66 = tpu.memref_slice %arg6[%dma_wait3A_65] : memref<262176xi32, #tpu.memory_space<hbm>> -> memref<262176xi32, #tpu.memory_space<hbm>>
    tpu.wait_indirect_dma semaphore(%arg14 : memref<!tpu.dma_semaphore, #tpu.memory_space<semaphore_mem>>) src(%arg13 : memref<6272xi32, #tpu.memory_space<vmem>>) dst(%dma_wait3A_66 : memref<262176xi32, #tpu.memory_space<hbm>>)
    return
  }
}

#map = affine_map<(d0, d1) -> (0)>
#map1 = affine_map<(d0, d1) -> (0, 0)>
module attributes {stable_mosaic.version = 14 : i64} {
  func.func @_sc_gather_body(%arg0: i32, %arg1: i32, %arg2: memref<100352xi32, #tpu.memory_space<hbm>>, %arg3: memref<100352xi32, #tpu.memory_space<hbm>>, %arg4: memref<100352xi32, #tpu.memory_space<hbm>>, %arg5: memref<2097184xi32, #tpu.memory_space<hbm>>, %arg6: memref<262152xi32, #tpu.memory_space<hbm>>, %arg7: memref<100008xf32, #tpu.memory_space<hbm>>, %arg8: memref<100008xf32, #tpu.memory_space<hbm>>, %arg9: memref<100008xf32, #tpu.memory_space<hbm>>, %arg10: memref<100008xf32, #tpu.memory_space<hbm>>, %arg11: memref<4x2709504xf32, #tpu.memory_space<hbm>>, %arg12: memref<2709504xi32, #tpu.memory_space<hbm>>, %arg13: memref<448xi32, #tpu.memory_space<vmem>>, %arg14: memref<448xi32, #tpu.memory_space<vmem>>, %arg15: memref<448xi32, #tpu.memory_space<vmem>>, %arg16: memref<12096xi32, #tpu.memory_space<vmem>>, %arg17: memref<12096xi32, #tpu.memory_space<vmem>>, %arg18: memref<12096xi32, #tpu.memory_space<vmem>>, %arg19: memref<12096xi32, #tpu.memory_space<vmem>>, %arg20: memref<12096xf32, #tpu.memory_space<vmem>>, %arg21: memref<12096xf32, #tpu.memory_space<vmem>>, %arg22: memref<12096xf32, #tpu.memory_space<vmem>>, %arg23: memref<12096xf32, #tpu.memory_space<vmem>>, %arg24: memref<!tpu.dma_semaphore, #tpu.memory_space<semaphore_mem>>, %arg25: memref<!tpu.dma_semaphore, #tpu.memory_space<semaphore_mem>>) attributes {dimension_semantics = [#tpu.dimension_semantics<core_parallel>, #tpu.dimension_semantics<subcore_parallel>], iteration_bounds = array<i64: 2, 16>, scalar_prefetch = 0 : i64, scratch_operands = 13 : i64, tpu.core_type = #tpu.core_type<sc_vector_subcore>, window_params = [{transform_indices = #map}, {transform_indices = #map}, {transform_indices = #map}, {transform_indices = #map}, {transform_indices = #map}, {transform_indices = #map}, {transform_indices = #map}, {transform_indices = #map}, {transform_indices = #map}, {transform_indices = #map1}, {transform_indices = #map}]} {
    %mul3A = arith.constant 16 : i32
    %mul3A_0 = arith.muli %arg0, %mul3A : i32
    %add3A = arith.addi %mul3A_0, %arg1 : i32
    %mul3A_1 = arith.constant 3136 : i32
    %mul3A_2 = arith.muli %add3A, %mul3A_1 : i32
    %scan3A = arith.constant 0 : i32
    %scan3A_3 = arith.constant 0 : i32
    %scan3A_4 = arith.constant 7 : i32
    %scan3A_5 = arith.addi %scan3A_3, %scan3A_4 : i32
    %scan3A_6 = arith.constant 1 : i32
    %scan3A_7 = scf.for %scan3A_9 = %scan3A_3 to %scan3A_5 step %scan3A_6 iter_args(%scan3A_10 = %scan3A) -> (i32)  : i32 {
      %mul3A_11 = arith.constant 448 : i32
      %mul3A_12 = arith.muli %scan3A_9, %mul3A_11 : i32
      %add3A_13 = arith.addi %mul3A_2, %mul3A_12 : i32
      "tpu.region"() ({
        %run_scoped3A_71 = tpu.sem_alloc : memref<!tpu.dma_semaphore, #tpu.memory_space<semaphore_mem>>
        %dma_start3A_72 = tpu.memref_slice %arg2[%add3A_13] : memref<100352xi32, #tpu.memory_space<hbm>> -> memref<448xi32, #tpu.memory_space<hbm>>
        %dma_start3A_73 = tpu.memref_slice %arg2[%add3A_13] : memref<100352xi32, #tpu.memory_space<hbm>> -> memref<448xi32, #tpu.memory_space<hbm>>
        tpu.enqueue_dma source(%dma_start3A_73 : memref<448xi32, #tpu.memory_space<hbm>>) target(%arg13 : memref<448xi32, #tpu.memory_space<vmem>>) target_semaphore(%run_scoped3A_71 : memref<!tpu.dma_semaphore, #tpu.memory_space<semaphore_mem>>)
        %dma_wait3A_74 = tpu.memref_slice %arg2[%add3A_13] : memref<100352xi32, #tpu.memory_space<hbm>> -> memref<448xi32, #tpu.memory_space<hbm>>
        %dma_wait3A_75 = tpu.memref_slice %arg2[%add3A_13] : memref<100352xi32, #tpu.memory_space<hbm>> -> memref<448xi32, #tpu.memory_space<hbm>>
        tpu.wait_dma2 semaphore(%run_scoped3A_71 : memref<!tpu.dma_semaphore, #tpu.memory_space<semaphore_mem>>) src(%dma_wait3A_75 : memref<448xi32, #tpu.memory_space<hbm>>) dst(%arg13 : memref<448xi32, #tpu.memory_space<vmem>>)
        tpu.yield
      }) : () -> ()
      "tpu.region"() ({
        %run_scoped3A_71 = tpu.sem_alloc : memref<!tpu.dma_semaphore, #tpu.memory_space<semaphore_mem>>
        %dma_start3A_72 = tpu.memref_slice %arg3[%add3A_13] : memref<100352xi32, #tpu.memory_space<hbm>> -> memref<448xi32, #tpu.memory_space<hbm>>
        %dma_start3A_73 = tpu.memref_slice %arg3[%add3A_13] : memref<100352xi32, #tpu.memory_space<hbm>> -> memref<448xi32, #tpu.memory_space<hbm>>
        tpu.enqueue_dma source(%dma_start3A_73 : memref<448xi32, #tpu.memory_space<hbm>>) target(%arg14 : memref<448xi32, #tpu.memory_space<vmem>>) target_semaphore(%run_scoped3A_71 : memref<!tpu.dma_semaphore, #tpu.memory_space<semaphore_mem>>)
        %dma_wait3A_74 = tpu.memref_slice %arg3[%add3A_13] : memref<100352xi32, #tpu.memory_space<hbm>> -> memref<448xi32, #tpu.memory_space<hbm>>
        %dma_wait3A_75 = tpu.memref_slice %arg3[%add3A_13] : memref<100352xi32, #tpu.memory_space<hbm>> -> memref<448xi32, #tpu.memory_space<hbm>>
        tpu.wait_dma2 semaphore(%run_scoped3A_71 : memref<!tpu.dma_semaphore, #tpu.memory_space<semaphore_mem>>) src(%dma_wait3A_75 : memref<448xi32, #tpu.memory_space<hbm>>) dst(%arg14 : memref<448xi32, #tpu.memory_space<vmem>>)
        tpu.yield
      }) : () -> ()
      "tpu.region"() ({
        %run_scoped3A_71 = tpu.sem_alloc : memref<!tpu.dma_semaphore, #tpu.memory_space<semaphore_mem>>
        %dma_start3A_72 = tpu.memref_slice %arg4[%add3A_13] : memref<100352xi32, #tpu.memory_space<hbm>> -> memref<448xi32, #tpu.memory_space<hbm>>
        %dma_start3A_73 = tpu.memref_slice %arg4[%add3A_13] : memref<100352xi32, #tpu.memory_space<hbm>> -> memref<448xi32, #tpu.memory_space<hbm>>
        tpu.enqueue_dma source(%dma_start3A_73 : memref<448xi32, #tpu.memory_space<hbm>>) target(%arg15 : memref<448xi32, #tpu.memory_space<vmem>>) target_semaphore(%run_scoped3A_71 : memref<!tpu.dma_semaphore, #tpu.memory_space<semaphore_mem>>)
        %dma_wait3A_74 = tpu.memref_slice %arg4[%add3A_13] : memref<100352xi32, #tpu.memory_space<hbm>> -> memref<448xi32, #tpu.memory_space<hbm>>
        %dma_wait3A_75 = tpu.memref_slice %arg4[%add3A_13] : memref<100352xi32, #tpu.memory_space<hbm>> -> memref<448xi32, #tpu.memory_space<hbm>>
        tpu.wait_dma2 semaphore(%run_scoped3A_71 : memref<!tpu.dma_semaphore, #tpu.memory_space<semaphore_mem>>) src(%dma_wait3A_75 : memref<448xi32, #tpu.memory_space<hbm>>) dst(%arg15 : memref<448xi32, #tpu.memory_space<vmem>>)
        tpu.yield
      }) : () -> ()
      %scan3A_14 = arith.constant 0 : i32
      %scan3A_15 = arith.constant 0 : i32
      %scan3A_16 = arith.constant 28 : i32
      %scan3A_17 = arith.addi %scan3A_15, %scan3A_16 : i32
      %scan3A_18 = arith.constant 1 : i32
      %scan3A_19 = scf.for %scan3A_71 = %scan3A_15 to %scan3A_17 step %scan3A_18 iter_args(%scan3A_72 = %scan3A_14) -> (i32)  : i32 {
        %mul3A_73 = arith.constant 16 : i32
        %mul3A_74 = arith.muli %scan3A_71, %mul3A_73 : i32
        %get3A = arith.index_cast %mul3A_74 : i32 to index
        %get3A_75 = tpu.vector_load %arg13[%get3A] {strides = array<i32>} : memref<448xi32, #tpu.memory_space<vmem>>, vector<16xi32>,
        %get3A_76 = vector.shape_cast %get3A_75 : vector<16xi32> to vector<16xi32>
        %mul3A_77 = arith.constant 16 : i32
        %mul3A_78 = arith.muli %scan3A_71, %mul3A_77 : i32
        %get3A_79 = arith.index_cast %mul3A_78 : i32 to index
        %get3A_80 = tpu.vector_load %arg14[%get3A_79] {strides = array<i32>} : memref<448xi32, #tpu.memory_space<vmem>>, vector<16xi32>,
        %get3A_81 = vector.shape_cast %get3A_80 : vector<16xi32> to vector<16xi32>
        %mul3A_82 = arith.constant 16 : i32
        %mul3A_83 = arith.muli %scan3A_71, %mul3A_82 : i32
        %get3A_84 = arith.index_cast %mul3A_83 : i32 to index
        %get3A_85 = tpu.vector_load %arg15[%get3A_84] {strides = array<i32>} : memref<448xi32, #tpu.memory_space<vmem>>, vector<16xi32>,
        %get3A_86 = vector.shape_cast %get3A_85 : vector<16xi32> to vector<16xi32>
        %add3A_87 = arith.constant -1 : i32
        %add3A_88 = vector.broadcast %add3A_87 : i32 to vector<16xi32>
        %add3A_89 = arith.addi %get3A_76, %add3A_88 : vector<16xi32>
        %add3A_90 = arith.constant -1 : i32
        %add3A_91 = vector.broadcast %add3A_90 : i32 to vector<16xi32>
        %add3A_92 = arith.addi %get3A_81, %add3A_91 : vector<16xi32>
        %add3A_93 = arith.constant -1 : i32
        %add3A_94 = vector.broadcast %add3A_93 : i32 to vector<16xi32>
        %add3A_95 = arith.addi %get3A_86, %add3A_94 : vector<16xi32>
        %ge3A = arith.constant 0 : i32
        %ge3A_96 = vector.broadcast %ge3A : i32 to vector<16xi32>
        %ge3A_97 = arith.cmpi sge, %add3A_89, %ge3A_96 : vector<16xi32>
        %lt3A = arith.constant 128 : i32
        %lt3A_98 = vector.broadcast %lt3A : i32 to vector<16xi32>
        %lt3A_99 = arith.cmpi slt, %add3A_89, %lt3A_98 : vector<16xi32>
        %and3A = arith.andi %ge3A_97, %lt3A_99 : vector<16xi1>
        %ge3A_100 = arith.constant 0 : i32
        %ge3A_101 = vector.broadcast %ge3A_100 : i32 to vector<16xi32>
        %ge3A_102 = arith.cmpi sge, %add3A_92, %ge3A_101 : vector<16xi32>
        %and3A_103 = arith.andi %and3A, %ge3A_102 : vector<16xi1>
        %lt3A_104 = arith.constant 128 : i32
        %lt3A_105 = vector.broadcast %lt3A_104 : i32 to vector<16xi32>
        %lt3A_106 = arith.cmpi slt, %add3A_92, %lt3A_105 : vector<16xi32>
        %and3A_107 = arith.andi %and3A_103, %lt3A_106 : vector<16xi1>
        %ge3A_108 = arith.constant 0 : i32
        %ge3A_109 = vector.broadcast %ge3A_108 : i32 to vector<16xi32>
        %ge3A_110 = arith.cmpi sge, %add3A_95, %ge3A_109 : vector<16xi32>
        %and3A_111 = arith.andi %and3A_107, %ge3A_110 : vector<16xi1>
        %lt3A_112 = arith.constant 128 : i32
        %lt3A_113 = vector.broadcast %lt3A_112 : i32 to vector<16xi32>
        %lt3A_114 = arith.cmpi slt, %add3A_95, %lt3A_113 : vector<16xi32>
        %and3A_115 = arith.andi %and3A_111, %lt3A_114 : vector<16xi1>
        %mul3A_116 = arith.constant 128 : i32
        %mul3A_117 = vector.broadcast %mul3A_116 : i32 to vector<16xi32>
        %mul3A_118 = arith.muli %add3A_89, %mul3A_117 : vector<16xi32>
        %add3A_119 = arith.addi %mul3A_118, %add3A_92 : vector<16xi32>
        %mul3A_120 = arith.constant 128 : i32
        %mul3A_121 = vector.broadcast %mul3A_120 : i32 to vector<16xi32>
        %mul3A_122 = arith.muli %add3A_119, %mul3A_121 : vector<16xi32>
        %add3A_123 = arith.addi %mul3A_122, %add3A_95 : vector<16xi32>
        %jit3A = arith.constant 2097160 : i32
        %broadcast_in_dim3A = vector.broadcast %jit3A : i32 to vector<16xi32>
        %select_n3A = arith.select %and3A_115, %add3A_123, %broadcast_in_dim3A : vector<16xi1>, vector<16xi32>
        %mul3A_124 = arith.constant 16 : i32
        %mul3A_125 = arith.muli %scan3A_71, %mul3A_124 : i32
        %add3A_126 = arith.constant 0 : i32
        %add3A_127 = arith.addi %add3A_126, %mul3A_125 : i32
        %swap3A = arith.index_cast %add3A_127 : i32 to index
        %swap3A_128 = tpu.vector_load %arg16[%swap3A] {strides = array<i32>} : memref<12096xi32, #tpu.memory_space<vmem>>, vector<16xi32>,
        %swap3A_129 = vector.shape_cast %swap3A_128 : vector<16xi32> to vector<16xi32>
        %swap3A_130 = vector.shape_cast %select_n3A : vector<16xi32> to vector<16xi32>
        tpu.vector_store %arg16[%swap3A], %swap3A_130 {strides = array<i32>} : memref<12096xi32, #tpu.memory_space<vmem>>, vector<16xi32>,
        %add3A_131 = arith.constant -1 : i32
        %add3A_132 = vector.broadcast %add3A_131 : i32 to vector<16xi32>
        %add3A_133 = arith.addi %get3A_76, %add3A_132 : vector<16xi32>
        %add3A_134 = arith.constant -1 : i32
        %add3A_135 = vector.broadcast %add3A_134 : i32 to vector<16xi32>
        %add3A_136 = arith.addi %get3A_81, %add3A_135 : vector<16xi32>
        %add3A_137 = arith.constant 0 : i32
        %add3A_138 = vector.broadcast %add3A_137 : i32 to vector<16xi32>
        %add3A_139 = arith.addi %get3A_86, %add3A_138 : vector<16xi32>
        %ge3A_140 = arith.constant 0 : i32
        %ge3A_141 = vector.broadcast %ge3A_140 : i32 to vector<16xi32>
        %ge3A_142 = arith.cmpi sge, %add3A_133, %ge3A_141 : vector<16xi32>
        %lt3A_143 = arith.constant 128 : i32
        %lt3A_144 = vector.broadcast %lt3A_143 : i32 to vector<16xi32>
        %lt3A_145 = arith.cmpi slt, %add3A_133, %lt3A_144 : vector<16xi32>
        %and3A_146 = arith.andi %ge3A_142, %lt3A_145 : vector<16xi1>
        %ge3A_147 = arith.constant 0 : i32
        %ge3A_148 = vector.broadcast %ge3A_147 : i32 to vector<16xi32>
        %ge3A_149 = arith.cmpi sge, %add3A_136, %ge3A_148 : vector<16xi32>
        %and3A_150 = arith.andi %and3A_146, %ge3A_149 : vector<16xi1>
        %lt3A_151 = arith.constant 128 : i32
        %lt3A_152 = vector.broadcast %lt3A_151 : i32 to vector<16xi32>
        %lt3A_153 = arith.cmpi slt, %add3A_136, %lt3A_152 : vector<16xi32>
        %and3A_154 = arith.andi %and3A_150, %lt3A_153 : vector<16xi1>
        %ge3A_155 = arith.constant 0 : i32
        %ge3A_156 = vector.broadcast %ge3A_155 : i32 to vector<16xi32>
        %ge3A_157 = arith.cmpi sge, %add3A_139, %ge3A_156 : vector<16xi32>
        %and3A_158 = arith.andi %and3A_154, %ge3A_157 : vector<16xi1>
        %lt3A_159 = arith.constant 128 : i32
        %lt3A_160 = vector.broadcast %lt3A_159 : i32 to vector<16xi32>
        %lt3A_161 = arith.cmpi slt, %add3A_139, %lt3A_160 : vector<16xi32>
        %and3A_162 = arith.andi %and3A_158, %lt3A_161 : vector<16xi1>
        %mul3A_163 = arith.constant 128 : i32
        %mul3A_164 = vector.broadcast %mul3A_163 : i32 to vector<16xi32>
        %mul3A_165 = arith.muli %add3A_133, %mul3A_164 : vector<16xi32>
        %add3A_166 = arith.addi %mul3A_165, %add3A_136 : vector<16xi32>
        %mul3A_167 = arith.constant 128 : i32
        %mul3A_168 = vector.broadcast %mul3A_167 : i32 to vector<16xi32>
        %mul3A_169 = arith.muli %add3A_166, %mul3A_168 : vector<16xi32>
        %add3A_170 = arith.addi %mul3A_169, %add3A_139 : vector<16xi32>
        %jit3A_171 = arith.constant 2097160 : i32
        %broadcast_in_dim3A_172 = vector.broadcast %jit3A_171 : i32 to vector<16xi32>
        %select_n3A_173 = arith.select %and3A_162, %add3A_170, %broadcast_in_dim3A_172 : vector<16xi1>, vector<16xi32>
        %mul3A_174 = arith.constant 16 : i32
        %mul3A_175 = arith.muli %scan3A_71, %mul3A_174 : i32
        %add3A_176 = arith.constant 448 : i32
        %add3A_177 = arith.addi %add3A_176, %mul3A_175 : i32
        %swap3A_178 = arith.index_cast %add3A_177 : i32 to index
        %swap3A_179 = tpu.vector_load %arg16[%swap3A_178] {strides = array<i32>} : memref<12096xi32, #tpu.memory_space<vmem>>, vector<16xi32>,
        %swap3A_180 = vector.shape_cast %swap3A_179 : vector<16xi32> to vector<16xi32>
        %swap3A_181 = vector.shape_cast %select_n3A_173 : vector<16xi32> to vector<16xi32>
        tpu.vector_store %arg16[%swap3A_178], %swap3A_181 {strides = array<i32>} : memref<12096xi32, #tpu.memory_space<vmem>>, vector<16xi32>,
        %add3A_182 = arith.constant -1 : i32
        %add3A_183 = vector.broadcast %add3A_182 : i32 to vector<16xi32>
        %add3A_184 = arith.addi %get3A_76, %add3A_183 : vector<16xi32>
        %add3A_185 = arith.constant -1 : i32
        %add3A_186 = vector.broadcast %add3A_185 : i32 to vector<16xi32>
        %add3A_187 = arith.addi %get3A_81, %add3A_186 : vector<16xi32>
        %add3A_188 = arith.constant 1 : i32
        %add3A_189 = vector.broadcast %add3A_188 : i32 to vector<16xi32>
        %add3A_190 = arith.addi %get3A_86, %add3A_189 : vector<16xi32>
        %ge3A_191 = arith.constant 0 : i32
        %ge3A_192 = vector.broadcast %ge3A_191 : i32 to vector<16xi32>
        %ge3A_193 = arith.cmpi sge, %add3A_184, %ge3A_192 : vector<16xi32>
        %lt3A_194 = arith.constant 128 : i32
        %lt3A_195 = vector.broadcast %lt3A_194 : i32 to vector<16xi32>
        %lt3A_196 = arith.cmpi slt, %add3A_184, %lt3A_195 : vector<16xi32>
        %and3A_197 = arith.andi %ge3A_193, %lt3A_196 : vector<16xi1>
        %ge3A_198 = arith.constant 0 : i32
        %ge3A_199 = vector.broadcast %ge3A_198 : i32 to vector<16xi32>
        %ge3A_200 = arith.cmpi sge, %add3A_187, %ge3A_199 : vector<16xi32>
        %and3A_201 = arith.andi %and3A_197, %ge3A_200 : vector<16xi1>
        %lt3A_202 = arith.constant 128 : i32
        %lt3A_203 = vector.broadcast %lt3A_202 : i32 to vector<16xi32>
        %lt3A_204 = arith.cmpi slt, %add3A_187, %lt3A_203 : vector<16xi32>
        %and3A_205 = arith.andi %and3A_201, %lt3A_204 : vector<16xi1>
        %ge3A_206 = arith.constant 0 : i32
        %ge3A_207 = vector.broadcast %ge3A_206 : i32 to vector<16xi32>
        %ge3A_208 = arith.cmpi sge, %add3A_190, %ge3A_207 : vector<16xi32>
        %and3A_209 = arith.andi %and3A_205, %ge3A_208 : vector<16xi1>
        %lt3A_210 = arith.constant 128 : i32
        %lt3A_211 = vector.broadcast %lt3A_210 : i32 to vector<16xi32>
        %lt3A_212 = arith.cmpi slt, %add3A_190, %lt3A_211 : vector<16xi32>
        %and3A_213 = arith.andi %and3A_209, %lt3A_212 : vector<16xi1>
        %mul3A_214 = arith.constant 128 : i32
        %mul3A_215 = vector.broadcast %mul3A_214 : i32 to vector<16xi32>
        %mul3A_216 = arith.muli %add3A_184, %mul3A_215 : vector<16xi32>
        %add3A_217 = arith.addi %mul3A_216, %add3A_187 : vector<16xi32>
        %mul3A_218 = arith.constant 128 : i32
        %mul3A_219 = vector.broadcast %mul3A_218 : i32 to vector<16xi32>
        %mul3A_220 = arith.muli %add3A_217, %mul3A_219 : vector<16xi32>
        %add3A_221 = arith.addi %mul3A_220, %add3A_190 : vector<16xi32>
        %jit3A_222 = arith.constant 2097160 : i32
        %broadcast_in_dim3A_223 = vector.broadcast %jit3A_222 : i32 to vector<16xi32>
        %select_n3A_224 = arith.select %and3A_213, %add3A_221, %broadcast_in_dim3A_223 : vector<16xi1>, vector<16xi32>
        %mul3A_225 = arith.constant 16 : i32
        %mul3A_226 = arith.muli %scan3A_71, %mul3A_225 : i32
        %add3A_227 = arith.constant 896 : i32
        %add3A_228 = arith.addi %add3A_227, %mul3A_226 : i32
        %swap3A_229 = arith.index_cast %add3A_228 : i32 to index
        %swap3A_230 = tpu.vector_load %arg16[%swap3A_229] {strides = array<i32>} : memref<12096xi32, #tpu.memory_space<vmem>>, vector<16xi32>,
        %swap3A_231 = vector.shape_cast %swap3A_230 : vector<16xi32> to vector<16xi32>
        %swap3A_232 = vector.shape_cast %select_n3A_224 : vector<16xi32> to vector<16xi32>
        tpu.vector_store %arg16[%swap3A_229], %swap3A_232 {strides = array<i32>} : memref<12096xi32, #tpu.memory_space<vmem>>, vector<16xi32>,
        %add3A_233 = arith.constant -1 : i32
        %add3A_234 = vector.broadcast %add3A_233 : i32 to vector<16xi32>
        %add3A_235 = arith.addi %get3A_76, %add3A_234 : vector<16xi32>
        %add3A_236 = arith.constant 0 : i32
        %add3A_237 = vector.broadcast %add3A_236 : i32 to vector<16xi32>
        %add3A_238 = arith.addi %get3A_81, %add3A_237 : vector<16xi32>
        %add3A_239 = arith.constant -1 : i32
        %add3A_240 = vector.broadcast %add3A_239 : i32 to vector<16xi32>
        %add3A_241 = arith.addi %get3A_86, %add3A_240 : vector<16xi32>
        %ge3A_242 = arith.constant 0 : i32
        %ge3A_243 = vector.broadcast %ge3A_242 : i32 to vector<16xi32>
        %ge3A_244 = arith.cmpi sge, %add3A_235, %ge3A_243 : vector<16xi32>
        %lt3A_245 = arith.constant 128 : i32
        %lt3A_246 = vector.broadcast %lt3A_245 : i32 to vector<16xi32>
        %lt3A_247 = arith.cmpi slt, %add3A_235, %lt3A_246 : vector<16xi32>
        %and3A_248 = arith.andi %ge3A_244, %lt3A_247 : vector<16xi1>
        %ge3A_249 = arith.constant 0 : i32
        %ge3A_250 = vector.broadcast %ge3A_249 : i32 to vector<16xi32>
        %ge3A_251 = arith.cmpi sge, %add3A_238, %ge3A_250 : vector<16xi32>
        %and3A_252 = arith.andi %and3A_248, %ge3A_251 : vector<16xi1>
        %lt3A_253 = arith.constant 128 : i32
        %lt3A_254 = vector.broadcast %lt3A_253 : i32 to vector<16xi32>
        %lt3A_255 = arith.cmpi slt, %add3A_238, %lt3A_254 : vector<16xi32>
        %and3A_256 = arith.andi %and3A_252, %lt3A_255 : vector<16xi1>
        %ge3A_257 = arith.constant 0 : i32
        %ge3A_258 = vector.broadcast %ge3A_257 : i32 to vector<16xi32>
        %ge3A_259 = arith.cmpi sge, %add3A_241, %ge3A_258 : vector<16xi32>
        %and3A_260 = arith.andi %and3A_256, %ge3A_259 : vector<16xi1>
        %lt3A_261 = arith.constant 128 : i32
        %lt3A_262 = vector.broadcast %lt3A_261 : i32 to vector<16xi32>
        %lt3A_263 = arith.cmpi slt, %add3A_241, %lt3A_262 : vector<16xi32>
        %and3A_264 = arith.andi %and3A_260, %lt3A_263 : vector<16xi1>
        %mul3A_265 = arith.constant 128 : i32
        %mul3A_266 = vector.broadcast %mul3A_265 : i32 to vector<16xi32>
        %mul3A_267 = arith.muli %add3A_235, %mul3A_266 : vector<16xi32>
        %add3A_268 = arith.addi %mul3A_267, %add3A_238 : vector<16xi32>
        %mul3A_269 = arith.constant 128 : i32
        %mul3A_270 = vector.broadcast %mul3A_269 : i32 to vector<16xi32>
        %mul3A_271 = arith.muli %add3A_268, %mul3A_270 : vector<16xi32>
        %add3A_272 = arith.addi %mul3A_271, %add3A_241 : vector<16xi32>
        %jit3A_273 = arith.constant 2097160 : i32
        %broadcast_in_dim3A_274 = vector.broadcast %jit3A_273 : i32 to vector<16xi32>
        %select_n3A_275 = arith.select %and3A_264, %add3A_272, %broadcast_in_dim3A_274 : vector<16xi1>, vector<16xi32>
        %mul3A_276 = arith.constant 16 : i32
        %mul3A_277 = arith.muli %scan3A_71, %mul3A_276 : i32
        %add3A_278 = arith.constant 1344 : i32
        %add3A_279 = arith.addi %add3A_278, %mul3A_277 : i32
        %swap3A_280 = arith.index_cast %add3A_279 : i32 to index
        %swap3A_281 = tpu.vector_load %arg16[%swap3A_280] {strides = array<i32>} : memref<12096xi32, #tpu.memory_space<vmem>>, vector<16xi32>,
        %swap3A_282 = vector.shape_cast %swap3A_281 : vector<16xi32> to vector<16xi32>
        %swap3A_283 = vector.shape_cast %select_n3A_275 : vector<16xi32> to vector<16xi32>
        tpu.vector_store %arg16[%swap3A_280], %swap3A_283 {strides = array<i32>} : memref<12096xi32, #tpu.memory_space<vmem>>, vector<16xi32>,
        %add3A_284 = arith.constant -1 : i32
        %add3A_285 = vector.broadcast %add3A_284 : i32 to vector<16xi32>
        %add3A_286 = arith.addi %get3A_76, %add3A_285 : vector<16xi32>
        %add3A_287 = arith.constant 0 : i32
        %add3A_288 = vector.broadcast %add3A_287 : i32 to vector<16xi32>
        %add3A_289 = arith.addi %get3A_81, %add3A_288 : vector<16xi32>
        %add3A_290 = arith.constant 0 : i32
        %add3A_291 = vector.broadcast %add3A_290 : i32 to vector<16xi32>
        %add3A_292 = arith.addi %get3A_86, %add3A_291 : vector<16xi32>
        %ge3A_293 = arith.constant 0 : i32
        %ge3A_294 = vector.broadcast %ge3A_293 : i32 to vector<16xi32>
        %ge3A_295 = arith.cmpi sge, %add3A_286, %ge3A_294 : vector<16xi32>
        %lt3A_296 = arith.constant 128 : i32
        %lt3A_297 = vector.broadcast %lt3A_296 : i32 to vector<16xi32>
        %lt3A_298 = arith.cmpi slt, %add3A_286, %lt3A_297 : vector<16xi32>
        %and3A_299 = arith.andi %ge3A_295, %lt3A_298 : vector<16xi1>
        %ge3A_300 = arith.constant 0 : i32
        %ge3A_301 = vector.broadcast %ge3A_300 : i32 to vector<16xi32>
        %ge3A_302 = arith.cmpi sge, %add3A_289, %ge3A_301 : vector<16xi32>
        %and3A_303 = arith.andi %and3A_299, %ge3A_302 : vector<16xi1>
        %lt3A_304 = arith.constant 128 : i32
        %lt3A_305 = vector.broadcast %lt3A_304 : i32 to vector<16xi32>
        %lt3A_306 = arith.cmpi slt, %add3A_289, %lt3A_305 : vector<16xi32>
        %and3A_307 = arith.andi %and3A_303, %lt3A_306 : vector<16xi1>
        %ge3A_308 = arith.constant 0 : i32
        %ge3A_309 = vector.broadcast %ge3A_308 : i32 to vector<16xi32>
        %ge3A_310 = arith.cmpi sge, %add3A_292, %ge3A_309 : vector<16xi32>
        %and3A_311 = arith.andi %and3A_307, %ge3A_310 : vector<16xi1>
        %lt3A_312 = arith.constant 128 : i32
        %lt3A_313 = vector.broadcast %lt3A_312 : i32 to vector<16xi32>
        %lt3A_314 = arith.cmpi slt, %add3A_292, %lt3A_313 : vector<16xi32>
        %and3A_315 = arith.andi %and3A_311, %lt3A_314 : vector<16xi1>
        %mul3A_316 = arith.constant 128 : i32
        %mul3A_317 = vector.broadcast %mul3A_316 : i32 to vector<16xi32>
        %mul3A_318 = arith.muli %add3A_286, %mul3A_317 : vector<16xi32>
        %add3A_319 = arith.addi %mul3A_318, %add3A_289 : vector<16xi32>
        %mul3A_320 = arith.constant 128 : i32
        %mul3A_321 = vector.broadcast %mul3A_320 : i32 to vector<16xi32>
        %mul3A_322 = arith.muli %add3A_319, %mul3A_321 : vector<16xi32>
        %add3A_323 = arith.addi %mul3A_322, %add3A_292 : vector<16xi32>
        %jit3A_324 = arith.constant 2097160 : i32
        %broadcast_in_dim3A_325 = vector.broadcast %jit3A_324 : i32 to vector<16xi32>
        %select_n3A_326 = arith.select %and3A_315, %add3A_323, %broadcast_in_dim3A_325 : vector<16xi1>, vector<16xi32>
        %mul3A_327 = arith.constant 16 : i32
        %mul3A_328 = arith.muli %scan3A_71, %mul3A_327 : i32
        %add3A_329 = arith.constant 1792 : i32
        %add3A_330 = arith.addi %add3A_329, %mul3A_328 : i32
        %swap3A_331 = arith.index_cast %add3A_330 : i32 to index
        %swap3A_332 = tpu.vector_load %arg16[%swap3A_331] {strides = array<i32>} : memref<12096xi32, #tpu.memory_space<vmem>>, vector<16xi32>,
        %swap3A_333 = vector.shape_cast %swap3A_332 : vector<16xi32> to vector<16xi32>
        %swap3A_334 = vector.shape_cast %select_n3A_326 : vector<16xi32> to vector<16xi32>
        tpu.vector_store %arg16[%swap3A_331], %swap3A_334 {strides = array<i32>} : memref<12096xi32, #tpu.memory_space<vmem>>, vector<16xi32>,
        %add3A_335 = arith.constant -1 : i32
        %add3A_336 = vector.broadcast %add3A_335 : i32 to vector<16xi32>
        %add3A_337 = arith.addi %get3A_76, %add3A_336 : vector<16xi32>
        %add3A_338 = arith.constant 0 : i32
        %add3A_339 = vector.broadcast %add3A_338 : i32 to vector<16xi32>
        %add3A_340 = arith.addi %get3A_81, %add3A_339 : vector<16xi32>
        %add3A_341 = arith.constant 1 : i32
        %add3A_342 = vector.broadcast %add3A_341 : i32 to vector<16xi32>
        %add3A_343 = arith.addi %get3A_86, %add3A_342 : vector<16xi32>
        %ge3A_344 = arith.constant 0 : i32
        %ge3A_345 = vector.broadcast %ge3A_344 : i32 to vector<16xi32>
        %ge3A_346 = arith.cmpi sge, %add3A_337, %ge3A_345 : vector<16xi32>
        %lt3A_347 = arith.constant 128 : i32
        %lt3A_348 = vector.broadcast %lt3A_347 : i32 to vector<16xi32>
        %lt3A_349 = arith.cmpi slt, %add3A_337, %lt3A_348 : vector<16xi32>
        %and3A_350 = arith.andi %ge3A_346, %lt3A_349 : vector<16xi1>
        %ge3A_351 = arith.constant 0 : i32
        %ge3A_352 = vector.broadcast %ge3A_351 : i32 to vector<16xi32>
        %ge3A_353 = arith.cmpi sge, %add3A_340, %ge3A_352 : vector<16xi32>
        %and3A_354 = arith.andi %and3A_350, %ge3A_353 : vector<16xi1>
        %lt3A_355 = arith.constant 128 : i32
        %lt3A_356 = vector.broadcast %lt3A_355 : i32 to vector<16xi32>
        %lt3A_357 = arith.cmpi slt, %add3A_340, %lt3A_356 : vector<16xi32>
        %and3A_358 = arith.andi %and3A_354, %lt3A_357 : vector<16xi1>
        %ge3A_359 = arith.constant 0 : i32
        %ge3A_360 = vector.broadcast %ge3A_359 : i32 to vector<16xi32>
        %ge3A_361 = arith.cmpi sge, %add3A_343, %ge3A_360 : vector<16xi32>
        %and3A_362 = arith.andi %and3A_358, %ge3A_361 : vector<16xi1>
        %lt3A_363 = arith.constant 128 : i32
        %lt3A_364 = vector.broadcast %lt3A_363 : i32 to vector<16xi32>
        %lt3A_365 = arith.cmpi slt, %add3A_343, %lt3A_364 : vector<16xi32>
        %and3A_366 = arith.andi %and3A_362, %lt3A_365 : vector<16xi1>
        %mul3A_367 = arith.constant 128 : i32
        %mul3A_368 = vector.broadcast %mul3A_367 : i32 to vector<16xi32>
        %mul3A_369 = arith.muli %add3A_337, %mul3A_368 : vector<16xi32>
        %add3A_370 = arith.addi %mul3A_369, %add3A_340 : vector<16xi32>
        %mul3A_371 = arith.constant 128 : i32
        %mul3A_372 = vector.broadcast %mul3A_371 : i32 to vector<16xi32>
        %mul3A_373 = arith.muli %add3A_370, %mul3A_372 : vector<16xi32>
        %add3A_374 = arith.addi %mul3A_373, %add3A_343 : vector<16xi32>
        %jit3A_375 = arith.constant 2097160 : i32
        %broadcast_in_dim3A_376 = vector.broadcast %jit3A_375 : i32 to vector<16xi32>
        %select_n3A_377 = arith.select %and3A_366, %add3A_374, %broadcast_in_dim3A_376 : vector<16xi1>, vector<16xi32>
        %mul3A_378 = arith.constant 16 : i32
        %mul3A_379 = arith.muli %scan3A_71, %mul3A_378 : i32
        %add3A_380 = arith.constant 2240 : i32
        %add3A_381 = arith.addi %add3A_380, %mul3A_379 : i32
        %swap3A_382 = arith.index_cast %add3A_381 : i32 to index
        %swap3A_383 = tpu.vector_load %arg16[%swap3A_382] {strides = array<i32>} : memref<12096xi32, #tpu.memory_space<vmem>>, vector<16xi32>,
        %swap3A_384 = vector.shape_cast %swap3A_383 : vector<16xi32> to vector<16xi32>
        %swap3A_385 = vector.shape_cast %select_n3A_377 : vector<16xi32> to vector<16xi32>
        tpu.vector_store %arg16[%swap3A_382], %swap3A_385 {strides = array<i32>} : memref<12096xi32, #tpu.memory_space<vmem>>, vector<16xi32>,
        %add3A_386 = arith.constant -1 : i32
        %add3A_387 = vector.broadcast %add3A_386 : i32 to vector<16xi32>
        %add3A_388 = arith.addi %get3A_76, %add3A_387 : vector<16xi32>
        %add3A_389 = arith.constant 1 : i32
        %add3A_390 = vector.broadcast %add3A_389 : i32 to vector<16xi32>
        %add3A_391 = arith.addi %get3A_81, %add3A_390 : vector<16xi32>
        %add3A_392 = arith.constant -1 : i32
        %add3A_393 = vector.broadcast %add3A_392 : i32 to vector<16xi32>
        %add3A_394 = arith.addi %get3A_86, %add3A_393 : vector<16xi32>
        %ge3A_395 = arith.constant 0 : i32
        %ge3A_396 = vector.broadcast %ge3A_395 : i32 to vector<16xi32>
        %ge3A_397 = arith.cmpi sge, %add3A_388, %ge3A_396 : vector<16xi32>
        %lt3A_398 = arith.constant 128 : i32
        %lt3A_399 = vector.broadcast %lt3A_398 : i32 to vector<16xi32>
        %lt3A_400 = arith.cmpi slt, %add3A_388, %lt3A_399 : vector<16xi32>
        %and3A_401 = arith.andi %ge3A_397, %lt3A_400 : vector<16xi1>
        %ge3A_402 = arith.constant 0 : i32
        %ge3A_403 = vector.broadcast %ge3A_402 : i32 to vector<16xi32>
        %ge3A_404 = arith.cmpi sge, %add3A_391, %ge3A_403 : vector<16xi32>
        %and3A_405 = arith.andi %and3A_401, %ge3A_404 : vector<16xi1>
        %lt3A_406 = arith.constant 128 : i32
        %lt3A_407 = vector.broadcast %lt3A_406 : i32 to vector<16xi32>
        %lt3A_408 = arith.cmpi slt, %add3A_391, %lt3A_407 : vector<16xi32>
        %and3A_409 = arith.andi %and3A_405, %lt3A_408 : vector<16xi1>
        %ge3A_410 = arith.constant 0 : i32
        %ge3A_411 = vector.broadcast %ge3A_410 : i32 to vector<16xi32>
        %ge3A_412 = arith.cmpi sge, %add3A_394, %ge3A_411 : vector<16xi32>
        %and3A_413 = arith.andi %and3A_409, %ge3A_412 : vector<16xi1>
        %lt3A_414 = arith.constant 128 : i32
        %lt3A_415 = vector.broadcast %lt3A_414 : i32 to vector<16xi32>
        %lt3A_416 = arith.cmpi slt, %add3A_394, %lt3A_415 : vector<16xi32>
        %and3A_417 = arith.andi %and3A_413, %lt3A_416 : vector<16xi1>
        %mul3A_418 = arith.constant 128 : i32
        %mul3A_419 = vector.broadcast %mul3A_418 : i32 to vector<16xi32>
        %mul3A_420 = arith.muli %add3A_388, %mul3A_419 : vector<16xi32>
        %add3A_421 = arith.addi %mul3A_420, %add3A_391 : vector<16xi32>
        %mul3A_422 = arith.constant 128 : i32
        %mul3A_423 = vector.broadcast %mul3A_422 : i32 to vector<16xi32>
        %mul3A_424 = arith.muli %add3A_421, %mul3A_423 : vector<16xi32>
        %add3A_425 = arith.addi %mul3A_424, %add3A_394 : vector<16xi32>
        %jit3A_426 = arith.constant 2097160 : i32
        %broadcast_in_dim3A_427 = vector.broadcast %jit3A_426 : i32 to vector<16xi32>
        %select_n3A_428 = arith.select %and3A_417, %add3A_425, %broadcast_in_dim3A_427 : vector<16xi1>, vector<16xi32>
        %mul3A_429 = arith.constant 16 : i32
        %mul3A_430 = arith.muli %scan3A_71, %mul3A_429 : i32
        %add3A_431 = arith.constant 2688 : i32
        %add3A_432 = arith.addi %add3A_431, %mul3A_430 : i32
        %swap3A_433 = arith.index_cast %add3A_432 : i32 to index
        %swap3A_434 = tpu.vector_load %arg16[%swap3A_433] {strides = array<i32>} : memref<12096xi32, #tpu.memory_space<vmem>>, vector<16xi32>,
        %swap3A_435 = vector.shape_cast %swap3A_434 : vector<16xi32> to vector<16xi32>
        %swap3A_436 = vector.shape_cast %select_n3A_428 : vector<16xi32> to vector<16xi32>
        tpu.vector_store %arg16[%swap3A_433], %swap3A_436 {strides = array<i32>} : memref<12096xi32, #tpu.memory_space<vmem>>, vector<16xi32>,
        %add3A_437 = arith.constant -1 : i32
        %add3A_438 = vector.broadcast %add3A_437 : i32 to vector<16xi32>
        %add3A_439 = arith.addi %get3A_76, %add3A_438 : vector<16xi32>
        %add3A_440 = arith.constant 1 : i32
        %add3A_441 = vector.broadcast %add3A_440 : i32 to vector<16xi32>
        %add3A_442 = arith.addi %get3A_81, %add3A_441 : vector<16xi32>
        %add3A_443 = arith.constant 0 : i32
        %add3A_444 = vector.broadcast %add3A_443 : i32 to vector<16xi32>
        %add3A_445 = arith.addi %get3A_86, %add3A_444 : vector<16xi32>
        %ge3A_446 = arith.constant 0 : i32
        %ge3A_447 = vector.broadcast %ge3A_446 : i32 to vector<16xi32>
        %ge3A_448 = arith.cmpi sge, %add3A_439, %ge3A_447 : vector<16xi32>
        %lt3A_449 = arith.constant 128 : i32
        %lt3A_450 = vector.broadcast %lt3A_449 : i32 to vector<16xi32>
        %lt3A_451 = arith.cmpi slt, %add3A_439, %lt3A_450 : vector<16xi32>
        %and3A_452 = arith.andi %ge3A_448, %lt3A_451 : vector<16xi1>
        %ge3A_453 = arith.constant 0 : i32
        %ge3A_454 = vector.broadcast %ge3A_453 : i32 to vector<16xi32>
        %ge3A_455 = arith.cmpi sge, %add3A_442, %ge3A_454 : vector<16xi32>
        %and3A_456 = arith.andi %and3A_452, %ge3A_455 : vector<16xi1>
        %lt3A_457 = arith.constant 128 : i32
        %lt3A_458 = vector.broadcast %lt3A_457 : i32 to vector<16xi32>
        %lt3A_459 = arith.cmpi slt, %add3A_442, %lt3A_458 : vector<16xi32>
        %and3A_460 = arith.andi %and3A_456, %lt3A_459 : vector<16xi1>
        %ge3A_461 = arith.constant 0 : i32
        %ge3A_462 = vector.broadcast %ge3A_461 : i32 to vector<16xi32>
        %ge3A_463 = arith.cmpi sge, %add3A_445, %ge3A_462 : vector<16xi32>
        %and3A_464 = arith.andi %and3A_460, %ge3A_463 : vector<16xi1>
        %lt3A_465 = arith.constant 128 : i32
        %lt3A_466 = vector.broadcast %lt3A_465 : i32 to vector<16xi32>
        %lt3A_467 = arith.cmpi slt, %add3A_445, %lt3A_466 : vector<16xi32>
        %and3A_468 = arith.andi %and3A_464, %lt3A_467 : vector<16xi1>
        %mul3A_469 = arith.constant 128 : i32
        %mul3A_470 = vector.broadcast %mul3A_469 : i32 to vector<16xi32>
        %mul3A_471 = arith.muli %add3A_439, %mul3A_470 : vector<16xi32>
        %add3A_472 = arith.addi %mul3A_471, %add3A_442 : vector<16xi32>
        %mul3A_473 = arith.constant 128 : i32
        %mul3A_474 = vector.broadcast %mul3A_473 : i32 to vector<16xi32>
        %mul3A_475 = arith.muli %add3A_472, %mul3A_474 : vector<16xi32>
        %add3A_476 = arith.addi %mul3A_475, %add3A_445 : vector<16xi32>
        %jit3A_477 = arith.constant 2097160 : i32
        %broadcast_in_dim3A_478 = vector.broadcast %jit3A_477 : i32 to vector<16xi32>
        %select_n3A_479 = arith.select %and3A_468, %add3A_476, %broadcast_in_dim3A_478 : vector<16xi1>, vector<16xi32>
        %mul3A_480 = arith.constant 16 : i32
        %mul3A_481 = arith.muli %scan3A_71, %mul3A_480 : i32
        %add3A_482 = arith.constant 3136 : i32
        %add3A_483 = arith.addi %add3A_482, %mul3A_481 : i32
        %swap3A_484 = arith.index_cast %add3A_483 : i32 to index
        %swap3A_485 = tpu.vector_load %arg16[%swap3A_484] {strides = array<i32>} : memref<12096xi32, #tpu.memory_space<vmem>>, vector<16xi32>,
        %swap3A_486 = vector.shape_cast %swap3A_485 : vector<16xi32> to vector<16xi32>
        %swap3A_487 = vector.shape_cast %select_n3A_479 : vector<16xi32> to vector<16xi32>
        tpu.vector_store %arg16[%swap3A_484], %swap3A_487 {strides = array<i32>} : memref<12096xi32, #tpu.memory_space<vmem>>, vector<16xi32>,
        %add3A_488 = arith.constant -1 : i32
        %add3A_489 = vector.broadcast %add3A_488 : i32 to vector<16xi32>
        %add3A_490 = arith.addi %get3A_76, %add3A_489 : vector<16xi32>
        %add3A_491 = arith.constant 1 : i32
        %add3A_492 = vector.broadcast %add3A_491 : i32 to vector<16xi32>
        %add3A_493 = arith.addi %get3A_81, %add3A_492 : vector<16xi32>
        %add3A_494 = arith.constant 1 : i32
        %add3A_495 = vector.broadcast %add3A_494 : i32 to vector<16xi32>
        %add3A_496 = arith.addi %get3A_86, %add3A_495 : vector<16xi32>
        %ge3A_497 = arith.constant 0 : i32
        %ge3A_498 = vector.broadcast %ge3A_497 : i32 to vector<16xi32>
        %ge3A_499 = arith.cmpi sge, %add3A_490, %ge3A_498 : vector<16xi32>
        %lt3A_500 = arith.constant 128 : i32
        %lt3A_501 = vector.broadcast %lt3A_500 : i32 to vector<16xi32>
        %lt3A_502 = arith.cmpi slt, %add3A_490, %lt3A_501 : vector<16xi32>
        %and3A_503 = arith.andi %ge3A_499, %lt3A_502 : vector<16xi1>
        %ge3A_504 = arith.constant 0 : i32
        %ge3A_505 = vector.broadcast %ge3A_504 : i32 to vector<16xi32>
        %ge3A_506 = arith.cmpi sge, %add3A_493, %ge3A_505 : vector<16xi32>
        %and3A_507 = arith.andi %and3A_503, %ge3A_506 : vector<16xi1>
        %lt3A_508 = arith.constant 128 : i32
        %lt3A_509 = vector.broadcast %lt3A_508 : i32 to vector<16xi32>
        %lt3A_510 = arith.cmpi slt, %add3A_493, %lt3A_509 : vector<16xi32>
        %and3A_511 = arith.andi %and3A_507, %lt3A_510 : vector<16xi1>
        %ge3A_512 = arith.constant 0 : i32
        %ge3A_513 = vector.broadcast %ge3A_512 : i32 to vector<16xi32>
        %ge3A_514 = arith.cmpi sge, %add3A_496, %ge3A_513 : vector<16xi32>
        %and3A_515 = arith.andi %and3A_511, %ge3A_514 : vector<16xi1>
        %lt3A_516 = arith.constant 128 : i32
        %lt3A_517 = vector.broadcast %lt3A_516 : i32 to vector<16xi32>
        %lt3A_518 = arith.cmpi slt, %add3A_496, %lt3A_517 : vector<16xi32>
        %and3A_519 = arith.andi %and3A_515, %lt3A_518 : vector<16xi1>
        %mul3A_520 = arith.constant 128 : i32
        %mul3A_521 = vector.broadcast %mul3A_520 : i32 to vector<16xi32>
        %mul3A_522 = arith.muli %add3A_490, %mul3A_521 : vector<16xi32>
        %add3A_523 = arith.addi %mul3A_522, %add3A_493 : vector<16xi32>
        %mul3A_524 = arith.constant 128 : i32
        %mul3A_525 = vector.broadcast %mul3A_524 : i32 to vector<16xi32>
        %mul3A_526 = arith.muli %add3A_523, %mul3A_525 : vector<16xi32>
        %add3A_527 = arith.addi %mul3A_526, %add3A_496 : vector<16xi32>
        %jit3A_528 = arith.constant 2097160 : i32
        %broadcast_in_dim3A_529 = vector.broadcast %jit3A_528 : i32 to vector<16xi32>
        %select_n3A_530 = arith.select %and3A_519, %add3A_527, %broadcast_in_dim3A_529 : vector<16xi1>, vector<16xi32>
        %mul3A_531 = arith.constant 16 : i32
        %mul3A_532 = arith.muli %scan3A_71, %mul3A_531 : i32
        %add3A_533 = arith.constant 3584 : i32
        %add3A_534 = arith.addi %add3A_533, %mul3A_532 : i32
        %swap3A_535 = arith.index_cast %add3A_534 : i32 to index
        %swap3A_536 = tpu.vector_load %arg16[%swap3A_535] {strides = array<i32>} : memref<12096xi32, #tpu.memory_space<vmem>>, vector<16xi32>,
        %swap3A_537 = vector.shape_cast %swap3A_536 : vector<16xi32> to vector<16xi32>
        %swap3A_538 = vector.shape_cast %select_n3A_530 : vector<16xi32> to vector<16xi32>
        tpu.vector_store %arg16[%swap3A_535], %swap3A_538 {strides = array<i32>} : memref<12096xi32, #tpu.memory_space<vmem>>, vector<16xi32>,
        %add3A_539 = arith.constant 0 : i32
        %add3A_540 = vector.broadcast %add3A_539 : i32 to vector<16xi32>
        %add3A_541 = arith.addi %get3A_76, %add3A_540 : vector<16xi32>
        %add3A_542 = arith.constant -1 : i32
        %add3A_543 = vector.broadcast %add3A_542 : i32 to vector<16xi32>
        %add3A_544 = arith.addi %get3A_81, %add3A_543 : vector<16xi32>
        %add3A_545 = arith.constant -1 : i32
        %add3A_546 = vector.broadcast %add3A_545 : i32 to vector<16xi32>
        %add3A_547 = arith.addi %get3A_86, %add3A_546 : vector<16xi32>
        %ge3A_548 = arith.constant 0 : i32
        %ge3A_549 = vector.broadcast %ge3A_548 : i32 to vector<16xi32>
        %ge3A_550 = arith.cmpi sge, %add3A_541, %ge3A_549 : vector<16xi32>
        %lt3A_551 = arith.constant 128 : i32
        %lt3A_552 = vector.broadcast %lt3A_551 : i32 to vector<16xi32>
        %lt3A_553 = arith.cmpi slt, %add3A_541, %lt3A_552 : vector<16xi32>
        %and3A_554 = arith.andi %ge3A_550, %lt3A_553 : vector<16xi1>
        %ge3A_555 = arith.constant 0 : i32
        %ge3A_556 = vector.broadcast %ge3A_555 : i32 to vector<16xi32>
        %ge3A_557 = arith.cmpi sge, %add3A_544, %ge3A_556 : vector<16xi32>
        %and3A_558 = arith.andi %and3A_554, %ge3A_557 : vector<16xi1>
        %lt3A_559 = arith.constant 128 : i32
        %lt3A_560 = vector.broadcast %lt3A_559 : i32 to vector<16xi32>
        %lt3A_561 = arith.cmpi slt, %add3A_544, %lt3A_560 : vector<16xi32>
        %and3A_562 = arith.andi %and3A_558, %lt3A_561 : vector<16xi1>
        %ge3A_563 = arith.constant 0 : i32
        %ge3A_564 = vector.broadcast %ge3A_563 : i32 to vector<16xi32>
        %ge3A_565 = arith.cmpi sge, %add3A_547, %ge3A_564 : vector<16xi32>
        %and3A_566 = arith.andi %and3A_562, %ge3A_565 : vector<16xi1>
        %lt3A_567 = arith.constant 128 : i32
        %lt3A_568 = vector.broadcast %lt3A_567 : i32 to vector<16xi32>
        %lt3A_569 = arith.cmpi slt, %add3A_547, %lt3A_568 : vector<16xi32>
        %and3A_570 = arith.andi %and3A_566, %lt3A_569 : vector<16xi1>
        %mul3A_571 = arith.constant 128 : i32
        %mul3A_572 = vector.broadcast %mul3A_571 : i32 to vector<16xi32>
        %mul3A_573 = arith.muli %add3A_541, %mul3A_572 : vector<16xi32>
        %add3A_574 = arith.addi %mul3A_573, %add3A_544 : vector<16xi32>
        %mul3A_575 = arith.constant 128 : i32
        %mul3A_576 = vector.broadcast %mul3A_575 : i32 to vector<16xi32>
        %mul3A_577 = arith.muli %add3A_574, %mul3A_576 : vector<16xi32>
        %add3A_578 = arith.addi %mul3A_577, %add3A_547 : vector<16xi32>
        %jit3A_579 = arith.constant 2097160 : i32
        %broadcast_in_dim3A_580 = vector.broadcast %jit3A_579 : i32 to vector<16xi32>
        %select_n3A_581 = arith.select %and3A_570, %add3A_578, %broadcast_in_dim3A_580 : vector<16xi1>, vector<16xi32>
        %mul3A_582 = arith.constant 16 : i32
        %mul3A_583 = arith.muli %scan3A_71, %mul3A_582 : i32
        %add3A_584 = arith.constant 4032 : i32
        %add3A_585 = arith.addi %add3A_584, %mul3A_583 : i32
        %swap3A_586 = arith.index_cast %add3A_585 : i32 to index
        %swap3A_587 = tpu.vector_load %arg16[%swap3A_586] {strides = array<i32>} : memref<12096xi32, #tpu.memory_space<vmem>>, vector<16xi32>,
        %swap3A_588 = vector.shape_cast %swap3A_587 : vector<16xi32> to vector<16xi32>
        %swap3A_589 = vector.shape_cast %select_n3A_581 : vector<16xi32> to vector<16xi32>
        tpu.vector_store %arg16[%swap3A_586], %swap3A_589 {strides = array<i32>} : memref<12096xi32, #tpu.memory_space<vmem>>, vector<16xi32>,
        %add3A_590 = arith.constant 0 : i32
        %add3A_591 = vector.broadcast %add3A_590 : i32 to vector<16xi32>
        %add3A_592 = arith.addi %get3A_76, %add3A_591 : vector<16xi32>
        %add3A_593 = arith.constant -1 : i32
        %add3A_594 = vector.broadcast %add3A_593 : i32 to vector<16xi32>
        %add3A_595 = arith.addi %get3A_81, %add3A_594 : vector<16xi32>
        %add3A_596 = arith.constant 0 : i32
        %add3A_597 = vector.broadcast %add3A_596 : i32 to vector<16xi32>
        %add3A_598 = arith.addi %get3A_86, %add3A_597 : vector<16xi32>
        %ge3A_599 = arith.constant 0 : i32
        %ge3A_600 = vector.broadcast %ge3A_599 : i32 to vector<16xi32>
        %ge3A_601 = arith.cmpi sge, %add3A_592, %ge3A_600 : vector<16xi32>
        %lt3A_602 = arith.constant 128 : i32
        %lt3A_603 = vector.broadcast %lt3A_602 : i32 to vector<16xi32>
        %lt3A_604 = arith.cmpi slt, %add3A_592, %lt3A_603 : vector<16xi32>
        %and3A_605 = arith.andi %ge3A_601, %lt3A_604 : vector<16xi1>
        %ge3A_606 = arith.constant 0 : i32
        %ge3A_607 = vector.broadcast %ge3A_606 : i32 to vector<16xi32>
        %ge3A_608 = arith.cmpi sge, %add3A_595, %ge3A_607 : vector<16xi32>
        %and3A_609 = arith.andi %and3A_605, %ge3A_608 : vector<16xi1>
        %lt3A_610 = arith.constant 128 : i32
        %lt3A_611 = vector.broadcast %lt3A_610 : i32 to vector<16xi32>
        %lt3A_612 = arith.cmpi slt, %add3A_595, %lt3A_611 : vector<16xi32>
        %and3A_613 = arith.andi %and3A_609, %lt3A_612 : vector<16xi1>
        %ge3A_614 = arith.constant 0 : i32
        %ge3A_615 = vector.broadcast %ge3A_614 : i32 to vector<16xi32>
        %ge3A_616 = arith.cmpi sge, %add3A_598, %ge3A_615 : vector<16xi32>
        %and3A_617 = arith.andi %and3A_613, %ge3A_616 : vector<16xi1>
        %lt3A_618 = arith.constant 128 : i32
        %lt3A_619 = vector.broadcast %lt3A_618 : i32 to vector<16xi32>
        %lt3A_620 = arith.cmpi slt, %add3A_598, %lt3A_619 : vector<16xi32>
        %and3A_621 = arith.andi %and3A_617, %lt3A_620 : vector<16xi1>
        %mul3A_622 = arith.constant 128 : i32
        %mul3A_623 = vector.broadcast %mul3A_622 : i32 to vector<16xi32>
        %mul3A_624 = arith.muli %add3A_592, %mul3A_623 : vector<16xi32>
        %add3A_625 = arith.addi %mul3A_624, %add3A_595 : vector<16xi32>
        %mul3A_626 = arith.constant 128 : i32
        %mul3A_627 = vector.broadcast %mul3A_626 : i32 to vector<16xi32>
        %mul3A_628 = arith.muli %add3A_625, %mul3A_627 : vector<16xi32>
        %add3A_629 = arith.addi %mul3A_628, %add3A_598 : vector<16xi32>
        %jit3A_630 = arith.constant 2097160 : i32
        %broadcast_in_dim3A_631 = vector.broadcast %jit3A_630 : i32 to vector<16xi32>
        %select_n3A_632 = arith.select %and3A_621, %add3A_629, %broadcast_in_dim3A_631 : vector<16xi1>, vector<16xi32>
        %mul3A_633 = arith.constant 16 : i32
        %mul3A_634 = arith.muli %scan3A_71, %mul3A_633 : i32
        %add3A_635 = arith.constant 4480 : i32
        %add3A_636 = arith.addi %add3A_635, %mul3A_634 : i32
        %swap3A_637 = arith.index_cast %add3A_636 : i32 to index
        %swap3A_638 = tpu.vector_load %arg16[%swap3A_637] {strides = array<i32>} : memref<12096xi32, #tpu.memory_space<vmem>>, vector<16xi32>,
        %swap3A_639 = vector.shape_cast %swap3A_638 : vector<16xi32> to vector<16xi32>
        %swap3A_640 = vector.shape_cast %select_n3A_632 : vector<16xi32> to vector<16xi32>
        tpu.vector_store %arg16[%swap3A_637], %swap3A_640 {strides = array<i32>} : memref<12096xi32, #tpu.memory_space<vmem>>, vector<16xi32>,
        %add3A_641 = arith.constant 0 : i32
        %add3A_642 = vector.broadcast %add3A_641 : i32 to vector<16xi32>
        %add3A_643 = arith.addi %get3A_76, %add3A_642 : vector<16xi32>
        %add3A_644 = arith.constant -1 : i32
        %add3A_645 = vector.broadcast %add3A_644 : i32 to vector<16xi32>
        %add3A_646 = arith.addi %get3A_81, %add3A_645 : vector<16xi32>
        %add3A_647 = arith.constant 1 : i32
        %add3A_648 = vector.broadcast %add3A_647 : i32 to vector<16xi32>
        %add3A_649 = arith.addi %get3A_86, %add3A_648 : vector<16xi32>
        %ge3A_650 = arith.constant 0 : i32
        %ge3A_651 = vector.broadcast %ge3A_650 : i32 to vector<16xi32>
        %ge3A_652 = arith.cmpi sge, %add3A_643, %ge3A_651 : vector<16xi32>
        %lt3A_653 = arith.constant 128 : i32
        %lt3A_654 = vector.broadcast %lt3A_653 : i32 to vector<16xi32>
        %lt3A_655 = arith.cmpi slt, %add3A_643, %lt3A_654 : vector<16xi32>
        %and3A_656 = arith.andi %ge3A_652, %lt3A_655 : vector<16xi1>
        %ge3A_657 = arith.constant 0 : i32
        %ge3A_658 = vector.broadcast %ge3A_657 : i32 to vector<16xi32>
        %ge3A_659 = arith.cmpi sge, %add3A_646, %ge3A_658 : vector<16xi32>
        %and3A_660 = arith.andi %and3A_656, %ge3A_659 : vector<16xi1>
        %lt3A_661 = arith.constant 128 : i32
        %lt3A_662 = vector.broadcast %lt3A_661 : i32 to vector<16xi32>
        %lt3A_663 = arith.cmpi slt, %add3A_646, %lt3A_662 : vector<16xi32>
        %and3A_664 = arith.andi %and3A_660, %lt3A_663 : vector<16xi1>
        %ge3A_665 = arith.constant 0 : i32
        %ge3A_666 = vector.broadcast %ge3A_665 : i32 to vector<16xi32>
        %ge3A_667 = arith.cmpi sge, %add3A_649, %ge3A_666 : vector<16xi32>
        %and3A_668 = arith.andi %and3A_664, %ge3A_667 : vector<16xi1>
        %lt3A_669 = arith.constant 128 : i32
        %lt3A_670 = vector.broadcast %lt3A_669 : i32 to vector<16xi32>
        %lt3A_671 = arith.cmpi slt, %add3A_649, %lt3A_670 : vector<16xi32>
        %and3A_672 = arith.andi %and3A_668, %lt3A_671 : vector<16xi1>
        %mul3A_673 = arith.constant 128 : i32
        %mul3A_674 = vector.broadcast %mul3A_673 : i32 to vector<16xi32>
        %mul3A_675 = arith.muli %add3A_643, %mul3A_674 : vector<16xi32>
        %add3A_676 = arith.addi %mul3A_675, %add3A_646 : vector<16xi32>
        %mul3A_677 = arith.constant 128 : i32
        %mul3A_678 = vector.broadcast %mul3A_677 : i32 to vector<16xi32>
        %mul3A_679 = arith.muli %add3A_676, %mul3A_678 : vector<16xi32>
        %add3A_680 = arith.addi %mul3A_679, %add3A_649 : vector<16xi32>
        %jit3A_681 = arith.constant 2097160 : i32
        %broadcast_in_dim3A_682 = vector.broadcast %jit3A_681 : i32 to vector<16xi32>
        %select_n3A_683 = arith.select %and3A_672, %add3A_680, %broadcast_in_dim3A_682 : vector<16xi1>, vector<16xi32>
        %mul3A_684 = arith.constant 16 : i32
        %mul3A_685 = arith.muli %scan3A_71, %mul3A_684 : i32
        %add3A_686 = arith.constant 4928 : i32
        %add3A_687 = arith.addi %add3A_686, %mul3A_685 : i32
        %swap3A_688 = arith.index_cast %add3A_687 : i32 to index
        %swap3A_689 = tpu.vector_load %arg16[%swap3A_688] {strides = array<i32>} : memref<12096xi32, #tpu.memory_space<vmem>>, vector<16xi32>,
        %swap3A_690 = vector.shape_cast %swap3A_689 : vector<16xi32> to vector<16xi32>
        %swap3A_691 = vector.shape_cast %select_n3A_683 : vector<16xi32> to vector<16xi32>
        tpu.vector_store %arg16[%swap3A_688], %swap3A_691 {strides = array<i32>} : memref<12096xi32, #tpu.memory_space<vmem>>, vector<16xi32>,
        %add3A_692 = arith.constant 0 : i32
        %add3A_693 = vector.broadcast %add3A_692 : i32 to vector<16xi32>
        %add3A_694 = arith.addi %get3A_76, %add3A_693 : vector<16xi32>
        %add3A_695 = arith.constant 0 : i32
        %add3A_696 = vector.broadcast %add3A_695 : i32 to vector<16xi32>
        %add3A_697 = arith.addi %get3A_81, %add3A_696 : vector<16xi32>
        %add3A_698 = arith.constant -1 : i32
        %add3A_699 = vector.broadcast %add3A_698 : i32 to vector<16xi32>
        %add3A_700 = arith.addi %get3A_86, %add3A_699 : vector<16xi32>
        %ge3A_701 = arith.constant 0 : i32
        %ge3A_702 = vector.broadcast %ge3A_701 : i32 to vector<16xi32>
        %ge3A_703 = arith.cmpi sge, %add3A_694, %ge3A_702 : vector<16xi32>
        %lt3A_704 = arith.constant 128 : i32
        %lt3A_705 = vector.broadcast %lt3A_704 : i32 to vector<16xi32>
        %lt3A_706 = arith.cmpi slt, %add3A_694, %lt3A_705 : vector<16xi32>
        %and3A_707 = arith.andi %ge3A_703, %lt3A_706 : vector<16xi1>
        %ge3A_708 = arith.constant 0 : i32
        %ge3A_709 = vector.broadcast %ge3A_708 : i32 to vector<16xi32>
        %ge3A_710 = arith.cmpi sge, %add3A_697, %ge3A_709 : vector<16xi32>
        %and3A_711 = arith.andi %and3A_707, %ge3A_710 : vector<16xi1>
        %lt3A_712 = arith.constant 128 : i32
        %lt3A_713 = vector.broadcast %lt3A_712 : i32 to vector<16xi32>
        %lt3A_714 = arith.cmpi slt, %add3A_697, %lt3A_713 : vector<16xi32>
        %and3A_715 = arith.andi %and3A_711, %lt3A_714 : vector<16xi1>
        %ge3A_716 = arith.constant 0 : i32
        %ge3A_717 = vector.broadcast %ge3A_716 : i32 to vector<16xi32>
        %ge3A_718 = arith.cmpi sge, %add3A_700, %ge3A_717 : vector<16xi32>
        %and3A_719 = arith.andi %and3A_715, %ge3A_718 : vector<16xi1>
        %lt3A_720 = arith.constant 128 : i32
        %lt3A_721 = vector.broadcast %lt3A_720 : i32 to vector<16xi32>
        %lt3A_722 = arith.cmpi slt, %add3A_700, %lt3A_721 : vector<16xi32>
        %and3A_723 = arith.andi %and3A_719, %lt3A_722 : vector<16xi1>
        %mul3A_724 = arith.constant 128 : i32
        %mul3A_725 = vector.broadcast %mul3A_724 : i32 to vector<16xi32>
        %mul3A_726 = arith.muli %add3A_694, %mul3A_725 : vector<16xi32>
        %add3A_727 = arith.addi %mul3A_726, %add3A_697 : vector<16xi32>
        %mul3A_728 = arith.constant 128 : i32
        %mul3A_729 = vector.broadcast %mul3A_728 : i32 to vector<16xi32>
        %mul3A_730 = arith.muli %add3A_727, %mul3A_729 : vector<16xi32>
        %add3A_731 = arith.addi %mul3A_730, %add3A_700 : vector<16xi32>
        %jit3A_732 = arith.constant 2097160 : i32
        %broadcast_in_dim3A_733 = vector.broadcast %jit3A_732 : i32 to vector<16xi32>
        %select_n3A_734 = arith.select %and3A_723, %add3A_731, %broadcast_in_dim3A_733 : vector<16xi1>, vector<16xi32>
        %mul3A_735 = arith.constant 16 : i32
        %mul3A_736 = arith.muli %scan3A_71, %mul3A_735 : i32
        %add3A_737 = arith.constant 5376 : i32
        %add3A_738 = arith.addi %add3A_737, %mul3A_736 : i32
        %swap3A_739 = arith.index_cast %add3A_738 : i32 to index
        %swap3A_740 = tpu.vector_load %arg16[%swap3A_739] {strides = array<i32>} : memref<12096xi32, #tpu.memory_space<vmem>>, vector<16xi32>,
        %swap3A_741 = vector.shape_cast %swap3A_740 : vector<16xi32> to vector<16xi32>
        %swap3A_742 = vector.shape_cast %select_n3A_734 : vector<16xi32> to vector<16xi32>
        tpu.vector_store %arg16[%swap3A_739], %swap3A_742 {strides = array<i32>} : memref<12096xi32, #tpu.memory_space<vmem>>, vector<16xi32>,
        %add3A_743 = arith.constant 0 : i32
        %add3A_744 = vector.broadcast %add3A_743 : i32 to vector<16xi32>
        %add3A_745 = arith.addi %get3A_76, %add3A_744 : vector<16xi32>
        %add3A_746 = arith.constant 0 : i32
        %add3A_747 = vector.broadcast %add3A_746 : i32 to vector<16xi32>
        %add3A_748 = arith.addi %get3A_81, %add3A_747 : vector<16xi32>
        %add3A_749 = arith.constant 0 : i32
        %add3A_750 = vector.broadcast %add3A_749 : i32 to vector<16xi32>
        %add3A_751 = arith.addi %get3A_86, %add3A_750 : vector<16xi32>
        %ge3A_752 = arith.constant 0 : i32
        %ge3A_753 = vector.broadcast %ge3A_752 : i32 to vector<16xi32>
        %ge3A_754 = arith.cmpi sge, %add3A_745, %ge3A_753 : vector<16xi32>
        %lt3A_755 = arith.constant 128 : i32
        %lt3A_756 = vector.broadcast %lt3A_755 : i32 to vector<16xi32>
        %lt3A_757 = arith.cmpi slt, %add3A_745, %lt3A_756 : vector<16xi32>
        %and3A_758 = arith.andi %ge3A_754, %lt3A_757 : vector<16xi1>
        %ge3A_759 = arith.constant 0 : i32
        %ge3A_760 = vector.broadcast %ge3A_759 : i32 to vector<16xi32>
        %ge3A_761 = arith.cmpi sge, %add3A_748, %ge3A_760 : vector<16xi32>
        %and3A_762 = arith.andi %and3A_758, %ge3A_761 : vector<16xi1>
        %lt3A_763 = arith.constant 128 : i32
        %lt3A_764 = vector.broadcast %lt3A_763 : i32 to vector<16xi32>
        %lt3A_765 = arith.cmpi slt, %add3A_748, %lt3A_764 : vector<16xi32>
        %and3A_766 = arith.andi %and3A_762, %lt3A_765 : vector<16xi1>
        %ge3A_767 = arith.constant 0 : i32
        %ge3A_768 = vector.broadcast %ge3A_767 : i32 to vector<16xi32>
        %ge3A_769 = arith.cmpi sge, %add3A_751, %ge3A_768 : vector<16xi32>
        %and3A_770 = arith.andi %and3A_766, %ge3A_769 : vector<16xi1>
        %lt3A_771 = arith.constant 128 : i32
        %lt3A_772 = vector.broadcast %lt3A_771 : i32 to vector<16xi32>
        %lt3A_773 = arith.cmpi slt, %add3A_751, %lt3A_772 : vector<16xi32>
        %and3A_774 = arith.andi %and3A_770, %lt3A_773 : vector<16xi1>
        %mul3A_775 = arith.constant 128 : i32
        %mul3A_776 = vector.broadcast %mul3A_775 : i32 to vector<16xi32>
        %mul3A_777 = arith.muli %add3A_745, %mul3A_776 : vector<16xi32>
        %add3A_778 = arith.addi %mul3A_777, %add3A_748 : vector<16xi32>
        %mul3A_779 = arith.constant 128 : i32
        %mul3A_780 = vector.broadcast %mul3A_779 : i32 to vector<16xi32>
        %mul3A_781 = arith.muli %add3A_778, %mul3A_780 : vector<16xi32>
        %add3A_782 = arith.addi %mul3A_781, %add3A_751 : vector<16xi32>
        %jit3A_783 = arith.constant 2097160 : i32
        %broadcast_in_dim3A_784 = vector.broadcast %jit3A_783 : i32 to vector<16xi32>
        %select_n3A_785 = arith.select %and3A_774, %add3A_782, %broadcast_in_dim3A_784 : vector<16xi1>, vector<16xi32>
        %mul3A_786 = arith.constant 16 : i32
        %mul3A_787 = arith.muli %scan3A_71, %mul3A_786 : i32
        %add3A_788 = arith.constant 5824 : i32
        %add3A_789 = arith.addi %add3A_788, %mul3A_787 : i32
        %swap3A_790 = arith.index_cast %add3A_789 : i32 to index
        %swap3A_791 = tpu.vector_load %arg16[%swap3A_790] {strides = array<i32>} : memref<12096xi32, #tpu.memory_space<vmem>>, vector<16xi32>,
        %swap3A_792 = vector.shape_cast %swap3A_791 : vector<16xi32> to vector<16xi32>
        %swap3A_793 = vector.shape_cast %select_n3A_785 : vector<16xi32> to vector<16xi32>
        tpu.vector_store %arg16[%swap3A_790], %swap3A_793 {strides = array<i32>} : memref<12096xi32, #tpu.memory_space<vmem>>, vector<16xi32>,
        %add3A_794 = arith.constant 0 : i32
        %add3A_795 = vector.broadcast %add3A_794 : i32 to vector<16xi32>
        %add3A_796 = arith.addi %get3A_76, %add3A_795 : vector<16xi32>
        %add3A_797 = arith.constant 0 : i32
        %add3A_798 = vector.broadcast %add3A_797 : i32 to vector<16xi32>
        %add3A_799 = arith.addi %get3A_81, %add3A_798 : vector<16xi32>
        %add3A_800 = arith.constant 1 : i32
        %add3A_801 = vector.broadcast %add3A_800 : i32 to vector<16xi32>
        %add3A_802 = arith.addi %get3A_86, %add3A_801 : vector<16xi32>
        %ge3A_803 = arith.constant 0 : i32
        %ge3A_804 = vector.broadcast %ge3A_803 : i32 to vector<16xi32>
        %ge3A_805 = arith.cmpi sge, %add3A_796, %ge3A_804 : vector<16xi32>
        %lt3A_806 = arith.constant 128 : i32
        %lt3A_807 = vector.broadcast %lt3A_806 : i32 to vector<16xi32>
        %lt3A_808 = arith.cmpi slt, %add3A_796, %lt3A_807 : vector<16xi32>
        %and3A_809 = arith.andi %ge3A_805, %lt3A_808 : vector<16xi1>
        %ge3A_810 = arith.constant 0 : i32
        %ge3A_811 = vector.broadcast %ge3A_810 : i32 to vector<16xi32>
        %ge3A_812 = arith.cmpi sge, %add3A_799, %ge3A_811 : vector<16xi32>
        %and3A_813 = arith.andi %and3A_809, %ge3A_812 : vector<16xi1>
        %lt3A_814 = arith.constant 128 : i32
        %lt3A_815 = vector.broadcast %lt3A_814 : i32 to vector<16xi32>
        %lt3A_816 = arith.cmpi slt, %add3A_799, %lt3A_815 : vector<16xi32>
        %and3A_817 = arith.andi %and3A_813, %lt3A_816 : vector<16xi1>
        %ge3A_818 = arith.constant 0 : i32
        %ge3A_819 = vector.broadcast %ge3A_818 : i32 to vector<16xi32>
        %ge3A_820 = arith.cmpi sge, %add3A_802, %ge3A_819 : vector<16xi32>
        %and3A_821 = arith.andi %and3A_817, %ge3A_820 : vector<16xi1>
        %lt3A_822 = arith.constant 128 : i32
        %lt3A_823 = vector.broadcast %lt3A_822 : i32 to vector<16xi32>
        %lt3A_824 = arith.cmpi slt, %add3A_802, %lt3A_823 : vector<16xi32>
        %and3A_825 = arith.andi %and3A_821, %lt3A_824 : vector<16xi1>
        %mul3A_826 = arith.constant 128 : i32
        %mul3A_827 = vector.broadcast %mul3A_826 : i32 to vector<16xi32>
        %mul3A_828 = arith.muli %add3A_796, %mul3A_827 : vector<16xi32>
        %add3A_829 = arith.addi %mul3A_828, %add3A_799 : vector<16xi32>
        %mul3A_830 = arith.constant 128 : i32
        %mul3A_831 = vector.broadcast %mul3A_830 : i32 to vector<16xi32>
        %mul3A_832 = arith.muli %add3A_829, %mul3A_831 : vector<16xi32>
        %add3A_833 = arith.addi %mul3A_832, %add3A_802 : vector<16xi32>
        %jit3A_834 = arith.constant 2097160 : i32
        %broadcast_in_dim3A_835 = vector.broadcast %jit3A_834 : i32 to vector<16xi32>
        %select_n3A_836 = arith.select %and3A_825, %add3A_833, %broadcast_in_dim3A_835 : vector<16xi1>, vector<16xi32>
        %mul3A_837 = arith.constant 16 : i32
        %mul3A_838 = arith.muli %scan3A_71, %mul3A_837 : i32
        %add3A_839 = arith.constant 6272 : i32
        %add3A_840 = arith.addi %add3A_839, %mul3A_838 : i32
        %swap3A_841 = arith.index_cast %add3A_840 : i32 to index
        %swap3A_842 = tpu.vector_load %arg16[%swap3A_841] {strides = array<i32>} : memref<12096xi32, #tpu.memory_space<vmem>>, vector<16xi32>,
        %swap3A_843 = vector.shape_cast %swap3A_842 : vector<16xi32> to vector<16xi32>
        %swap3A_844 = vector.shape_cast %select_n3A_836 : vector<16xi32> to vector<16xi32>
        tpu.vector_store %arg16[%swap3A_841], %swap3A_844 {strides = array<i32>} : memref<12096xi32, #tpu.memory_space<vmem>>, vector<16xi32>,
        %add3A_845 = arith.constant 0 : i32
        %add3A_846 = vector.broadcast %add3A_845 : i32 to vector<16xi32>
        %add3A_847 = arith.addi %get3A_76, %add3A_846 : vector<16xi32>
        %add3A_848 = arith.constant 1 : i32
        %add3A_849 = vector.broadcast %add3A_848 : i32 to vector<16xi32>
        %add3A_850 = arith.addi %get3A_81, %add3A_849 : vector<16xi32>
        %add3A_851 = arith.constant -1 : i32
        %add3A_852 = vector.broadcast %add3A_851 : i32 to vector<16xi32>
        %add3A_853 = arith.addi %get3A_86, %add3A_852 : vector<16xi32>
        %ge3A_854 = arith.constant 0 : i32
        %ge3A_855 = vector.broadcast %ge3A_854 : i32 to vector<16xi32>
        %ge3A_856 = arith.cmpi sge, %add3A_847, %ge3A_855 : vector<16xi32>
        %lt3A_857 = arith.constant 128 : i32
        %lt3A_858 = vector.broadcast %lt3A_857 : i32 to vector<16xi32>
        %lt3A_859 = arith.cmpi slt, %add3A_847, %lt3A_858 : vector<16xi32>
        %and3A_860 = arith.andi %ge3A_856, %lt3A_859 : vector<16xi1>
        %ge3A_861 = arith.constant 0 : i32
        %ge3A_862 = vector.broadcast %ge3A_861 : i32 to vector<16xi32>
        %ge3A_863 = arith.cmpi sge, %add3A_850, %ge3A_862 : vector<16xi32>
        %and3A_864 = arith.andi %and3A_860, %ge3A_863 : vector<16xi1>
        %lt3A_865 = arith.constant 128 : i32
        %lt3A_866 = vector.broadcast %lt3A_865 : i32 to vector<16xi32>
        %lt3A_867 = arith.cmpi slt, %add3A_850, %lt3A_866 : vector<16xi32>
        %and3A_868 = arith.andi %and3A_864, %lt3A_867 : vector<16xi1>
        %ge3A_869 = arith.constant 0 : i32
        %ge3A_870 = vector.broadcast %ge3A_869 : i32 to vector<16xi32>
        %ge3A_871 = arith.cmpi sge, %add3A_853, %ge3A_870 : vector<16xi32>
        %and3A_872 = arith.andi %and3A_868, %ge3A_871 : vector<16xi1>
        %lt3A_873 = arith.constant 128 : i32
        %lt3A_874 = vector.broadcast %lt3A_873 : i32 to vector<16xi32>
        %lt3A_875 = arith.cmpi slt, %add3A_853, %lt3A_874 : vector<16xi32>
        %and3A_876 = arith.andi %and3A_872, %lt3A_875 : vector<16xi1>
        %mul3A_877 = arith.constant 128 : i32
        %mul3A_878 = vector.broadcast %mul3A_877 : i32 to vector<16xi32>
        %mul3A_879 = arith.muli %add3A_847, %mul3A_878 : vector<16xi32>
        %add3A_880 = arith.addi %mul3A_879, %add3A_850 : vector<16xi32>
        %mul3A_881 = arith.constant 128 : i32
        %mul3A_882 = vector.broadcast %mul3A_881 : i32 to vector<16xi32>
        %mul3A_883 = arith.muli %add3A_880, %mul3A_882 : vector<16xi32>
        %add3A_884 = arith.addi %mul3A_883, %add3A_853 : vector<16xi32>
        %jit3A_885 = arith.constant 2097160 : i32
        %broadcast_in_dim3A_886 = vector.broadcast %jit3A_885 : i32 to vector<16xi32>
        %select_n3A_887 = arith.select %and3A_876, %add3A_884, %broadcast_in_dim3A_886 : vector<16xi1>, vector<16xi32>
        %mul3A_888 = arith.constant 16 : i32
        %mul3A_889 = arith.muli %scan3A_71, %mul3A_888 : i32
        %add3A_890 = arith.constant 6720 : i32
        %add3A_891 = arith.addi %add3A_890, %mul3A_889 : i32
        %swap3A_892 = arith.index_cast %add3A_891 : i32 to index
        %swap3A_893 = tpu.vector_load %arg16[%swap3A_892] {strides = array<i32>} : memref<12096xi32, #tpu.memory_space<vmem>>, vector<16xi32>,
        %swap3A_894 = vector.shape_cast %swap3A_893 : vector<16xi32> to vector<16xi32>
        %swap3A_895 = vector.shape_cast %select_n3A_887 : vector<16xi32> to vector<16xi32>
        tpu.vector_store %arg16[%swap3A_892], %swap3A_895 {strides = array<i32>} : memref<12096xi32, #tpu.memory_space<vmem>>, vector<16xi32>,
        %add3A_896 = arith.constant 0 : i32
        %add3A_897 = vector.broadcast %add3A_896 : i32 to vector<16xi32>
        %add3A_898 = arith.addi %get3A_76, %add3A_897 : vector<16xi32>
        %add3A_899 = arith.constant 1 : i32
        %add3A_900 = vector.broadcast %add3A_899 : i32 to vector<16xi32>
        %add3A_901 = arith.addi %get3A_81, %add3A_900 : vector<16xi32>
        %add3A_902 = arith.constant 0 : i32
        %add3A_903 = vector.broadcast %add3A_902 : i32 to vector<16xi32>
        %add3A_904 = arith.addi %get3A_86, %add3A_903 : vector<16xi32>
        %ge3A_905 = arith.constant 0 : i32
        %ge3A_906 = vector.broadcast %ge3A_905 : i32 to vector<16xi32>
        %ge3A_907 = arith.cmpi sge, %add3A_898, %ge3A_906 : vector<16xi32>
        %lt3A_908 = arith.constant 128 : i32
        %lt3A_909 = vector.broadcast %lt3A_908 : i32 to vector<16xi32>
        %lt3A_910 = arith.cmpi slt, %add3A_898, %lt3A_909 : vector<16xi32>
        %and3A_911 = arith.andi %ge3A_907, %lt3A_910 : vector<16xi1>
        %ge3A_912 = arith.constant 0 : i32
        %ge3A_913 = vector.broadcast %ge3A_912 : i32 to vector<16xi32>
        %ge3A_914 = arith.cmpi sge, %add3A_901, %ge3A_913 : vector<16xi32>
        %and3A_915 = arith.andi %and3A_911, %ge3A_914 : vector<16xi1>
        %lt3A_916 = arith.constant 128 : i32
        %lt3A_917 = vector.broadcast %lt3A_916 : i32 to vector<16xi32>
        %lt3A_918 = arith.cmpi slt, %add3A_901, %lt3A_917 : vector<16xi32>
        %and3A_919 = arith.andi %and3A_915, %lt3A_918 : vector<16xi1>
        %ge3A_920 = arith.constant 0 : i32
        %ge3A_921 = vector.broadcast %ge3A_920 : i32 to vector<16xi32>
        %ge3A_922 = arith.cmpi sge, %add3A_904, %ge3A_921 : vector<16xi32>
        %and3A_923 = arith.andi %and3A_919, %ge3A_922 : vector<16xi1>
        %lt3A_924 = arith.constant 128 : i32
        %lt3A_925 = vector.broadcast %lt3A_924 : i32 to vector<16xi32>
        %lt3A_926 = arith.cmpi slt, %add3A_904, %lt3A_925 : vector<16xi32>
        %and3A_927 = arith.andi %and3A_923, %lt3A_926 : vector<16xi1>
        %mul3A_928 = arith.constant 128 : i32
        %mul3A_929 = vector.broadcast %mul3A_928 : i32 to vector<16xi32>
        %mul3A_930 = arith.muli %add3A_898, %mul3A_929 : vector<16xi32>
        %add3A_931 = arith.addi %mul3A_930, %add3A_901 : vector<16xi32>
        %mul3A_932 = arith.constant 128 : i32
        %mul3A_933 = vector.broadcast %mul3A_932 : i32 to vector<16xi32>
        %mul3A_934 = arith.muli %add3A_931, %mul3A_933 : vector<16xi32>
        %add3A_935 = arith.addi %mul3A_934, %add3A_904 : vector<16xi32>
        %jit3A_936 = arith.constant 2097160 : i32
        %broadcast_in_dim3A_937 = vector.broadcast %jit3A_936 : i32 to vector<16xi32>
        %select_n3A_938 = arith.select %and3A_927, %add3A_935, %broadcast_in_dim3A_937 : vector<16xi1>, vector<16xi32>
        %mul3A_939 = arith.constant 16 : i32
        %mul3A_940 = arith.muli %scan3A_71, %mul3A_939 : i32
        %add3A_941 = arith.constant 7168 : i32
        %add3A_942 = arith.addi %add3A_941, %mul3A_940 : i32
        %swap3A_943 = arith.index_cast %add3A_942 : i32 to index
        %swap3A_944 = tpu.vector_load %arg16[%swap3A_943] {strides = array<i32>} : memref<12096xi32, #tpu.memory_space<vmem>>, vector<16xi32>,
        %swap3A_945 = vector.shape_cast %swap3A_944 : vector<16xi32> to vector<16xi32>
        %swap3A_946 = vector.shape_cast %select_n3A_938 : vector<16xi32> to vector<16xi32>
        tpu.vector_store %arg16[%swap3A_943], %swap3A_946 {strides = array<i32>} : memref<12096xi32, #tpu.memory_space<vmem>>, vector<16xi32>,
        %add3A_947 = arith.constant 0 : i32
        %add3A_948 = vector.broadcast %add3A_947 : i32 to vector<16xi32>
        %add3A_949 = arith.addi %get3A_76, %add3A_948 : vector<16xi32>
        %add3A_950 = arith.constant 1 : i32
        %add3A_951 = vector.broadcast %add3A_950 : i32 to vector<16xi32>
        %add3A_952 = arith.addi %get3A_81, %add3A_951 : vector<16xi32>
        %add3A_953 = arith.constant 1 : i32
        %add3A_954 = vector.broadcast %add3A_953 : i32 to vector<16xi32>
        %add3A_955 = arith.addi %get3A_86, %add3A_954 : vector<16xi32>
        %ge3A_956 = arith.constant 0 : i32
        %ge3A_957 = vector.broadcast %ge3A_956 : i32 to vector<16xi32>
        %ge3A_958 = arith.cmpi sge, %add3A_949, %ge3A_957 : vector<16xi32>
        %lt3A_959 = arith.constant 128 : i32
        %lt3A_960 = vector.broadcast %lt3A_959 : i32 to vector<16xi32>
        %lt3A_961 = arith.cmpi slt, %add3A_949, %lt3A_960 : vector<16xi32>
        %and3A_962 = arith.andi %ge3A_958, %lt3A_961 : vector<16xi1>
        %ge3A_963 = arith.constant 0 : i32
        %ge3A_964 = vector.broadcast %ge3A_963 : i32 to vector<16xi32>
        %ge3A_965 = arith.cmpi sge, %add3A_952, %ge3A_964 : vector<16xi32>
        %and3A_966 = arith.andi %and3A_962, %ge3A_965 : vector<16xi1>
        %lt3A_967 = arith.constant 128 : i32
        %lt3A_968 = vector.broadcast %lt3A_967 : i32 to vector<16xi32>
        %lt3A_969 = arith.cmpi slt, %add3A_952, %lt3A_968 : vector<16xi32>
        %and3A_970 = arith.andi %and3A_966, %lt3A_969 : vector<16xi1>
        %ge3A_971 = arith.constant 0 : i32
        %ge3A_972 = vector.broadcast %ge3A_971 : i32 to vector<16xi32>
        %ge3A_973 = arith.cmpi sge, %add3A_955, %ge3A_972 : vector<16xi32>
        %and3A_974 = arith.andi %and3A_970, %ge3A_973 : vector<16xi1>
        %lt3A_975 = arith.constant 128 : i32
        %lt3A_976 = vector.broadcast %lt3A_975 : i32 to vector<16xi32>
        %lt3A_977 = arith.cmpi slt, %add3A_955, %lt3A_976 : vector<16xi32>
        %and3A_978 = arith.andi %and3A_974, %lt3A_977 : vector<16xi1>
        %mul3A_979 = arith.constant 128 : i32
        %mul3A_980 = vector.broadcast %mul3A_979 : i32 to vector<16xi32>
        %mul3A_981 = arith.muli %add3A_949, %mul3A_980 : vector<16xi32>
        %add3A_982 = arith.addi %mul3A_981, %add3A_952 : vector<16xi32>
        %mul3A_983 = arith.constant 128 : i32
        %mul3A_984 = vector.broadcast %mul3A_983 : i32 to vector<16xi32>
        %mul3A_985 = arith.muli %add3A_982, %mul3A_984 : vector<16xi32>
        %add3A_986 = arith.addi %mul3A_985, %add3A_955 : vector<16xi32>
        %jit3A_987 = arith.constant 2097160 : i32
        %broadcast_in_dim3A_988 = vector.broadcast %jit3A_987 : i32 to vector<16xi32>
        %select_n3A_989 = arith.select %and3A_978, %add3A_986, %broadcast_in_dim3A_988 : vector<16xi1>, vector<16xi32>
        %mul3A_990 = arith.constant 16 : i32
        %mul3A_991 = arith.muli %scan3A_71, %mul3A_990 : i32
        %add3A_992 = arith.constant 7616 : i32
        %add3A_993 = arith.addi %add3A_992, %mul3A_991 : i32
        %swap3A_994 = arith.index_cast %add3A_993 : i32 to index
        %swap3A_995 = tpu.vector_load %arg16[%swap3A_994] {strides = array<i32>} : memref<12096xi32, #tpu.memory_space<vmem>>, vector<16xi32>,
        %swap3A_996 = vector.shape_cast %swap3A_995 : vector<16xi32> to vector<16xi32>
        %swap3A_997 = vector.shape_cast %select_n3A_989 : vector<16xi32> to vector<16xi32>
        tpu.vector_store %arg16[%swap3A_994], %swap3A_997 {strides = array<i32>} : memref<12096xi32, #tpu.memory_space<vmem>>, vector<16xi32>,
        %add3A_998 = arith.constant 1 : i32
        %add3A_999 = vector.broadcast %add3A_998 : i32 to vector<16xi32>
        %add3A_1000 = arith.addi %get3A_76, %add3A_999 : vector<16xi32>
        %add3A_1001 = arith.constant -1 : i32
        %add3A_1002 = vector.broadcast %add3A_1001 : i32 to vector<16xi32>
        %add3A_1003 = arith.addi %get3A_81, %add3A_1002 : vector<16xi32>
        %add3A_1004 = arith.constant -1 : i32
        %add3A_1005 = vector.broadcast %add3A_1004 : i32 to vector<16xi32>
        %add3A_1006 = arith.addi %get3A_86, %add3A_1005 : vector<16xi32>
        %ge3A_1007 = arith.constant 0 : i32
        %ge3A_1008 = vector.broadcast %ge3A_1007 : i32 to vector<16xi32>
        %ge3A_1009 = arith.cmpi sge, %add3A_1000, %ge3A_1008 : vector<16xi32>
        %lt3A_1010 = arith.constant 128 : i32
        %lt3A_1011 = vector.broadcast %lt3A_1010 : i32 to vector<16xi32>
        %lt3A_1012 = arith.cmpi slt, %add3A_1000, %lt3A_1011 : vector<16xi32>
        %and3A_1013 = arith.andi %ge3A_1009, %lt3A_1012 : vector<16xi1>
        %ge3A_1014 = arith.constant 0 : i32
        %ge3A_1015 = vector.broadcast %ge3A_1014 : i32 to vector<16xi32>
        %ge3A_1016 = arith.cmpi sge, %add3A_1003, %ge3A_1015 : vector<16xi32>
        %and3A_1017 = arith.andi %and3A_1013, %ge3A_1016 : vector<16xi1>
        %lt3A_1018 = arith.constant 128 : i32
        %lt3A_1019 = vector.broadcast %lt3A_1018 : i32 to vector<16xi32>
        %lt3A_1020 = arith.cmpi slt, %add3A_1003, %lt3A_1019 : vector<16xi32>
        %and3A_1021 = arith.andi %and3A_1017, %lt3A_1020 : vector<16xi1>
        %ge3A_1022 = arith.constant 0 : i32
        %ge3A_1023 = vector.broadcast %ge3A_1022 : i32 to vector<16xi32>
        %ge3A_1024 = arith.cmpi sge, %add3A_1006, %ge3A_1023 : vector<16xi32>
        %and3A_1025 = arith.andi %and3A_1021, %ge3A_1024 : vector<16xi1>
        %lt3A_1026 = arith.constant 128 : i32
        %lt3A_1027 = vector.broadcast %lt3A_1026 : i32 to vector<16xi32>
        %lt3A_1028 = arith.cmpi slt, %add3A_1006, %lt3A_1027 : vector<16xi32>
        %and3A_1029 = arith.andi %and3A_1025, %lt3A_1028 : vector<16xi1>
        %mul3A_1030 = arith.constant 128 : i32
        %mul3A_1031 = vector.broadcast %mul3A_1030 : i32 to vector<16xi32>
        %mul3A_1032 = arith.muli %add3A_1000, %mul3A_1031 : vector<16xi32>
        %add3A_1033 = arith.addi %mul3A_1032, %add3A_1003 : vector<16xi32>
        %mul3A_1034 = arith.constant 128 : i32
        %mul3A_1035 = vector.broadcast %mul3A_1034 : i32 to vector<16xi32>
        %mul3A_1036 = arith.muli %add3A_1033, %mul3A_1035 : vector<16xi32>
        %add3A_1037 = arith.addi %mul3A_1036, %add3A_1006 : vector<16xi32>
        %jit3A_1038 = arith.constant 2097160 : i32
        %broadcast_in_dim3A_1039 = vector.broadcast %jit3A_1038 : i32 to vector<16xi32>
        %select_n3A_1040 = arith.select %and3A_1029, %add3A_1037, %broadcast_in_dim3A_1039 : vector<16xi1>, vector<16xi32>
        %mul3A_1041 = arith.constant 16 : i32
        %mul3A_1042 = arith.muli %scan3A_71, %mul3A_1041 : i32
        %add3A_1043 = arith.constant 8064 : i32
        %add3A_1044 = arith.addi %add3A_1043, %mul3A_1042 : i32
        %swap3A_1045 = arith.index_cast %add3A_1044 : i32 to index
        %swap3A_1046 = tpu.vector_load %arg16[%swap3A_1045] {strides = array<i32>} : memref<12096xi32, #tpu.memory_space<vmem>>, vector<16xi32>,
        %swap3A_1047 = vector.shape_cast %swap3A_1046 : vector<16xi32> to vector<16xi32>
        %swap3A_1048 = vector.shape_cast %select_n3A_1040 : vector<16xi32> to vector<16xi32>
        tpu.vector_store %arg16[%swap3A_1045], %swap3A_1048 {strides = array<i32>} : memref<12096xi32, #tpu.memory_space<vmem>>, vector<16xi32>,
        %add3A_1049 = arith.constant 1 : i32
        %add3A_1050 = vector.broadcast %add3A_1049 : i32 to vector<16xi32>
        %add3A_1051 = arith.addi %get3A_76, %add3A_1050 : vector<16xi32>
        %add3A_1052 = arith.constant -1 : i32
        %add3A_1053 = vector.broadcast %add3A_1052 : i32 to vector<16xi32>
        %add3A_1054 = arith.addi %get3A_81, %add3A_1053 : vector<16xi32>
        %add3A_1055 = arith.constant 0 : i32
        %add3A_1056 = vector.broadcast %add3A_1055 : i32 to vector<16xi32>
        %add3A_1057 = arith.addi %get3A_86, %add3A_1056 : vector<16xi32>
        %ge3A_1058 = arith.constant 0 : i32
        %ge3A_1059 = vector.broadcast %ge3A_1058 : i32 to vector<16xi32>
        %ge3A_1060 = arith.cmpi sge, %add3A_1051, %ge3A_1059 : vector<16xi32>
        %lt3A_1061 = arith.constant 128 : i32
        %lt3A_1062 = vector.broadcast %lt3A_1061 : i32 to vector<16xi32>
        %lt3A_1063 = arith.cmpi slt, %add3A_1051, %lt3A_1062 : vector<16xi32>
        %and3A_1064 = arith.andi %ge3A_1060, %lt3A_1063 : vector<16xi1>
        %ge3A_1065 = arith.constant 0 : i32
        %ge3A_1066 = vector.broadcast %ge3A_1065 : i32 to vector<16xi32>
        %ge3A_1067 = arith.cmpi sge, %add3A_1054, %ge3A_1066 : vector<16xi32>
        %and3A_1068 = arith.andi %and3A_1064, %ge3A_1067 : vector<16xi1>
        %lt3A_1069 = arith.constant 128 : i32
        %lt3A_1070 = vector.broadcast %lt3A_1069 : i32 to vector<16xi32>
        %lt3A_1071 = arith.cmpi slt, %add3A_1054, %lt3A_1070 : vector<16xi32>
        %and3A_1072 = arith.andi %and3A_1068, %lt3A_1071 : vector<16xi1>
        %ge3A_1073 = arith.constant 0 : i32
        %ge3A_1074 = vector.broadcast %ge3A_1073 : i32 to vector<16xi32>
        %ge3A_1075 = arith.cmpi sge, %add3A_1057, %ge3A_1074 : vector<16xi32>
        %and3A_1076 = arith.andi %and3A_1072, %ge3A_1075 : vector<16xi1>
        %lt3A_1077 = arith.constant 128 : i32
        %lt3A_1078 = vector.broadcast %lt3A_1077 : i32 to vector<16xi32>
        %lt3A_1079 = arith.cmpi slt, %add3A_1057, %lt3A_1078 : vector<16xi32>
        %and3A_1080 = arith.andi %and3A_1076, %lt3A_1079 : vector<16xi1>
        %mul3A_1081 = arith.constant 128 : i32
        %mul3A_1082 = vector.broadcast %mul3A_1081 : i32 to vector<16xi32>
        %mul3A_1083 = arith.muli %add3A_1051, %mul3A_1082 : vector<16xi32>
        %add3A_1084 = arith.addi %mul3A_1083, %add3A_1054 : vector<16xi32>
        %mul3A_1085 = arith.constant 128 : i32
        %mul3A_1086 = vector.broadcast %mul3A_1085 : i32 to vector<16xi32>
        %mul3A_1087 = arith.muli %add3A_1084, %mul3A_1086 : vector<16xi32>
        %add3A_1088 = arith.addi %mul3A_1087, %add3A_1057 : vector<16xi32>
        %jit3A_1089 = arith.constant 2097160 : i32
        %broadcast_in_dim3A_1090 = vector.broadcast %jit3A_1089 : i32 to vector<16xi32>
        %select_n3A_1091 = arith.select %and3A_1080, %add3A_1088, %broadcast_in_dim3A_1090 : vector<16xi1>, vector<16xi32>
        %mul3A_1092 = arith.constant 16 : i32
        %mul3A_1093 = arith.muli %scan3A_71, %mul3A_1092 : i32
        %add3A_1094 = arith.constant 8512 : i32
        %add3A_1095 = arith.addi %add3A_1094, %mul3A_1093 : i32
        %swap3A_1096 = arith.index_cast %add3A_1095 : i32 to index
        %swap3A_1097 = tpu.vector_load %arg16[%swap3A_1096] {strides = array<i32>} : memref<12096xi32, #tpu.memory_space<vmem>>, vector<16xi32>,
        %swap3A_1098 = vector.shape_cast %swap3A_1097 : vector<16xi32> to vector<16xi32>
        %swap3A_1099 = vector.shape_cast %select_n3A_1091 : vector<16xi32> to vector<16xi32>
        tpu.vector_store %arg16[%swap3A_1096], %swap3A_1099 {strides = array<i32>} : memref<12096xi32, #tpu.memory_space<vmem>>, vector<16xi32>,
        %add3A_1100 = arith.constant 1 : i32
        %add3A_1101 = vector.broadcast %add3A_1100 : i32 to vector<16xi32>
        %add3A_1102 = arith.addi %get3A_76, %add3A_1101 : vector<16xi32>
        %add3A_1103 = arith.constant -1 : i32
        %add3A_1104 = vector.broadcast %add3A_1103 : i32 to vector<16xi32>
        %add3A_1105 = arith.addi %get3A_81, %add3A_1104 : vector<16xi32>
        %add3A_1106 = arith.constant 1 : i32
        %add3A_1107 = vector.broadcast %add3A_1106 : i32 to vector<16xi32>
        %add3A_1108 = arith.addi %get3A_86, %add3A_1107 : vector<16xi32>
        %ge3A_1109 = arith.constant 0 : i32
        %ge3A_1110 = vector.broadcast %ge3A_1109 : i32 to vector<16xi32>
        %ge3A_1111 = arith.cmpi sge, %add3A_1102, %ge3A_1110 : vector<16xi32>
        %lt3A_1112 = arith.constant 128 : i32
        %lt3A_1113 = vector.broadcast %lt3A_1112 : i32 to vector<16xi32>
        %lt3A_1114 = arith.cmpi slt, %add3A_1102, %lt3A_1113 : vector<16xi32>
        %and3A_1115 = arith.andi %ge3A_1111, %lt3A_1114 : vector<16xi1>
        %ge3A_1116 = arith.constant 0 : i32
        %ge3A_1117 = vector.broadcast %ge3A_1116 : i32 to vector<16xi32>
        %ge3A_1118 = arith.cmpi sge, %add3A_1105, %ge3A_1117 : vector<16xi32>
        %and3A_1119 = arith.andi %and3A_1115, %ge3A_1118 : vector<16xi1>
        %lt3A_1120 = arith.constant 128 : i32
        %lt3A_1121 = vector.broadcast %lt3A_1120 : i32 to vector<16xi32>
        %lt3A_1122 = arith.cmpi slt, %add3A_1105, %lt3A_1121 : vector<16xi32>
        %and3A_1123 = arith.andi %and3A_1119, %lt3A_1122 : vector<16xi1>
        %ge3A_1124 = arith.constant 0 : i32
        %ge3A_1125 = vector.broadcast %ge3A_1124 : i32 to vector<16xi32>
        %ge3A_1126 = arith.cmpi sge, %add3A_1108, %ge3A_1125 : vector<16xi32>
        %and3A_1127 = arith.andi %and3A_1123, %ge3A_1126 : vector<16xi1>
        %lt3A_1128 = arith.constant 128 : i32
        %lt3A_1129 = vector.broadcast %lt3A_1128 : i32 to vector<16xi32>
        %lt3A_1130 = arith.cmpi slt, %add3A_1108, %lt3A_1129 : vector<16xi32>
        %and3A_1131 = arith.andi %and3A_1127, %lt3A_1130 : vector<16xi1>
        %mul3A_1132 = arith.constant 128 : i32
        %mul3A_1133 = vector.broadcast %mul3A_1132 : i32 to vector<16xi32>
        %mul3A_1134 = arith.muli %add3A_1102, %mul3A_1133 : vector<16xi32>
        %add3A_1135 = arith.addi %mul3A_1134, %add3A_1105 : vector<16xi32>
        %mul3A_1136 = arith.constant 128 : i32
        %mul3A_1137 = vector.broadcast %mul3A_1136 : i32 to vector<16xi32>
        %mul3A_1138 = arith.muli %add3A_1135, %mul3A_1137 : vector<16xi32>
        %add3A_1139 = arith.addi %mul3A_1138, %add3A_1108 : vector<16xi32>
        %jit3A_1140 = arith.constant 2097160 : i32
        %broadcast_in_dim3A_1141 = vector.broadcast %jit3A_1140 : i32 to vector<16xi32>
        %select_n3A_1142 = arith.select %and3A_1131, %add3A_1139, %broadcast_in_dim3A_1141 : vector<16xi1>, vector<16xi32>
        %mul3A_1143 = arith.constant 16 : i32
        %mul3A_1144 = arith.muli %scan3A_71, %mul3A_1143 : i32
        %add3A_1145 = arith.constant 8960 : i32
        %add3A_1146 = arith.addi %add3A_1145, %mul3A_1144 : i32
        %swap3A_1147 = arith.index_cast %add3A_1146 : i32 to index
        %swap3A_1148 = tpu.vector_load %arg16[%swap3A_1147] {strides = array<i32>} : memref<12096xi32, #tpu.memory_space<vmem>>, vector<16xi32>,
        %swap3A_1149 = vector.shape_cast %swap3A_1148 : vector<16xi32> to vector<16xi32>
        %swap3A_1150 = vector.shape_cast %select_n3A_1142 : vector<16xi32> to vector<16xi32>
        tpu.vector_store %arg16[%swap3A_1147], %swap3A_1150 {strides = array<i32>} : memref<12096xi32, #tpu.memory_space<vmem>>, vector<16xi32>,
        %add3A_1151 = arith.constant 1 : i32
        %add3A_1152 = vector.broadcast %add3A_1151 : i32 to vector<16xi32>
        %add3A_1153 = arith.addi %get3A_76, %add3A_1152 : vector<16xi32>
        %add3A_1154 = arith.constant 0 : i32
        %add3A_1155 = vector.broadcast %add3A_1154 : i32 to vector<16xi32>
        %add3A_1156 = arith.addi %get3A_81, %add3A_1155 : vector<16xi32>
        %add3A_1157 = arith.constant -1 : i32
        %add3A_1158 = vector.broadcast %add3A_1157 : i32 to vector<16xi32>
        %add3A_1159 = arith.addi %get3A_86, %add3A_1158 : vector<16xi32>
        %ge3A_1160 = arith.constant 0 : i32
        %ge3A_1161 = vector.broadcast %ge3A_1160 : i32 to vector<16xi32>
        %ge3A_1162 = arith.cmpi sge, %add3A_1153, %ge3A_1161 : vector<16xi32>
        %lt3A_1163 = arith.constant 128 : i32
        %lt3A_1164 = vector.broadcast %lt3A_1163 : i32 to vector<16xi32>
        %lt3A_1165 = arith.cmpi slt, %add3A_1153, %lt3A_1164 : vector<16xi32>
        %and3A_1166 = arith.andi %ge3A_1162, %lt3A_1165 : vector<16xi1>
        %ge3A_1167 = arith.constant 0 : i32
        %ge3A_1168 = vector.broadcast %ge3A_1167 : i32 to vector<16xi32>
        %ge3A_1169 = arith.cmpi sge, %add3A_1156, %ge3A_1168 : vector<16xi32>
        %and3A_1170 = arith.andi %and3A_1166, %ge3A_1169 : vector<16xi1>
        %lt3A_1171 = arith.constant 128 : i32
        %lt3A_1172 = vector.broadcast %lt3A_1171 : i32 to vector<16xi32>
        %lt3A_1173 = arith.cmpi slt, %add3A_1156, %lt3A_1172 : vector<16xi32>
        %and3A_1174 = arith.andi %and3A_1170, %lt3A_1173 : vector<16xi1>
        %ge3A_1175 = arith.constant 0 : i32
        %ge3A_1176 = vector.broadcast %ge3A_1175 : i32 to vector<16xi32>
        %ge3A_1177 = arith.cmpi sge, %add3A_1159, %ge3A_1176 : vector<16xi32>
        %and3A_1178 = arith.andi %and3A_1174, %ge3A_1177 : vector<16xi1>
        %lt3A_1179 = arith.constant 128 : i32
        %lt3A_1180 = vector.broadcast %lt3A_1179 : i32 to vector<16xi32>
        %lt3A_1181 = arith.cmpi slt, %add3A_1159, %lt3A_1180 : vector<16xi32>
        %and3A_1182 = arith.andi %and3A_1178, %lt3A_1181 : vector<16xi1>
        %mul3A_1183 = arith.constant 128 : i32
        %mul3A_1184 = vector.broadcast %mul3A_1183 : i32 to vector<16xi32>
        %mul3A_1185 = arith.muli %add3A_1153, %mul3A_1184 : vector<16xi32>
        %add3A_1186 = arith.addi %mul3A_1185, %add3A_1156 : vector<16xi32>
        %mul3A_1187 = arith.constant 128 : i32
        %mul3A_1188 = vector.broadcast %mul3A_1187 : i32 to vector<16xi32>
        %mul3A_1189 = arith.muli %add3A_1186, %mul3A_1188 : vector<16xi32>
        %add3A_1190 = arith.addi %mul3A_1189, %add3A_1159 : vector<16xi32>
        %jit3A_1191 = arith.constant 2097160 : i32
        %broadcast_in_dim3A_1192 = vector.broadcast %jit3A_1191 : i32 to vector<16xi32>
        %select_n3A_1193 = arith.select %and3A_1182, %add3A_1190, %broadcast_in_dim3A_1192 : vector<16xi1>, vector<16xi32>
        %mul3A_1194 = arith.constant 16 : i32
        %mul3A_1195 = arith.muli %scan3A_71, %mul3A_1194 : i32
        %add3A_1196 = arith.constant 9408 : i32
        %add3A_1197 = arith.addi %add3A_1196, %mul3A_1195 : i32
        %swap3A_1198 = arith.index_cast %add3A_1197 : i32 to index
        %swap3A_1199 = tpu.vector_load %arg16[%swap3A_1198] {strides = array<i32>} : memref<12096xi32, #tpu.memory_space<vmem>>, vector<16xi32>,
        %swap3A_1200 = vector.shape_cast %swap3A_1199 : vector<16xi32> to vector<16xi32>
        %swap3A_1201 = vector.shape_cast %select_n3A_1193 : vector<16xi32> to vector<16xi32>
        tpu.vector_store %arg16[%swap3A_1198], %swap3A_1201 {strides = array<i32>} : memref<12096xi32, #tpu.memory_space<vmem>>, vector<16xi32>,
        %add3A_1202 = arith.constant 1 : i32
        %add3A_1203 = vector.broadcast %add3A_1202 : i32 to vector<16xi32>
        %add3A_1204 = arith.addi %get3A_76, %add3A_1203 : vector<16xi32>
        %add3A_1205 = arith.constant 0 : i32
        %add3A_1206 = vector.broadcast %add3A_1205 : i32 to vector<16xi32>
        %add3A_1207 = arith.addi %get3A_81, %add3A_1206 : vector<16xi32>
        %add3A_1208 = arith.constant 0 : i32
        %add3A_1209 = vector.broadcast %add3A_1208 : i32 to vector<16xi32>
        %add3A_1210 = arith.addi %get3A_86, %add3A_1209 : vector<16xi32>
        %ge3A_1211 = arith.constant 0 : i32
        %ge3A_1212 = vector.broadcast %ge3A_1211 : i32 to vector<16xi32>
        %ge3A_1213 = arith.cmpi sge, %add3A_1204, %ge3A_1212 : vector<16xi32>
        %lt3A_1214 = arith.constant 128 : i32
        %lt3A_1215 = vector.broadcast %lt3A_1214 : i32 to vector<16xi32>
        %lt3A_1216 = arith.cmpi slt, %add3A_1204, %lt3A_1215 : vector<16xi32>
        %and3A_1217 = arith.andi %ge3A_1213, %lt3A_1216 : vector<16xi1>
        %ge3A_1218 = arith.constant 0 : i32
        %ge3A_1219 = vector.broadcast %ge3A_1218 : i32 to vector<16xi32>
        %ge3A_1220 = arith.cmpi sge, %add3A_1207, %ge3A_1219 : vector<16xi32>
        %and3A_1221 = arith.andi %and3A_1217, %ge3A_1220 : vector<16xi1>
        %lt3A_1222 = arith.constant 128 : i32
        %lt3A_1223 = vector.broadcast %lt3A_1222 : i32 to vector<16xi32>
        %lt3A_1224 = arith.cmpi slt, %add3A_1207, %lt3A_1223 : vector<16xi32>
        %and3A_1225 = arith.andi %and3A_1221, %lt3A_1224 : vector<16xi1>
        %ge3A_1226 = arith.constant 0 : i32
        %ge3A_1227 = vector.broadcast %ge3A_1226 : i32 to vector<16xi32>
        %ge3A_1228 = arith.cmpi sge, %add3A_1210, %ge3A_1227 : vector<16xi32>
        %and3A_1229 = arith.andi %and3A_1225, %ge3A_1228 : vector<16xi1>
        %lt3A_1230 = arith.constant 128 : i32
        %lt3A_1231 = vector.broadcast %lt3A_1230 : i32 to vector<16xi32>
        %lt3A_1232 = arith.cmpi slt, %add3A_1210, %lt3A_1231 : vector<16xi32>
        %and3A_1233 = arith.andi %and3A_1229, %lt3A_1232 : vector<16xi1>
        %mul3A_1234 = arith.constant 128 : i32
        %mul3A_1235 = vector.broadcast %mul3A_1234 : i32 to vector<16xi32>
        %mul3A_1236 = arith.muli %add3A_1204, %mul3A_1235 : vector<16xi32>
        %add3A_1237 = arith.addi %mul3A_1236, %add3A_1207 : vector<16xi32>
        %mul3A_1238 = arith.constant 128 : i32
        %mul3A_1239 = vector.broadcast %mul3A_1238 : i32 to vector<16xi32>
        %mul3A_1240 = arith.muli %add3A_1237, %mul3A_1239 : vector<16xi32>
        %add3A_1241 = arith.addi %mul3A_1240, %add3A_1210 : vector<16xi32>
        %jit3A_1242 = arith.constant 2097160 : i32
        %broadcast_in_dim3A_1243 = vector.broadcast %jit3A_1242 : i32 to vector<16xi32>
        %select_n3A_1244 = arith.select %and3A_1233, %add3A_1241, %broadcast_in_dim3A_1243 : vector<16xi1>, vector<16xi32>
        %mul3A_1245 = arith.constant 16 : i32
        %mul3A_1246 = arith.muli %scan3A_71, %mul3A_1245 : i32
        %add3A_1247 = arith.constant 9856 : i32
        %add3A_1248 = arith.addi %add3A_1247, %mul3A_1246 : i32
        %swap3A_1249 = arith.index_cast %add3A_1248 : i32 to index
        %swap3A_1250 = tpu.vector_load %arg16[%swap3A_1249] {strides = array<i32>} : memref<12096xi32, #tpu.memory_space<vmem>>, vector<16xi32>,
        %swap3A_1251 = vector.shape_cast %swap3A_1250 : vector<16xi32> to vector<16xi32>
        %swap3A_1252 = vector.shape_cast %select_n3A_1244 : vector<16xi32> to vector<16xi32>
        tpu.vector_store %arg16[%swap3A_1249], %swap3A_1252 {strides = array<i32>} : memref<12096xi32, #tpu.memory_space<vmem>>, vector<16xi32>,
        %add3A_1253 = arith.constant 1 : i32
        %add3A_1254 = vector.broadcast %add3A_1253 : i32 to vector<16xi32>
        %add3A_1255 = arith.addi %get3A_76, %add3A_1254 : vector<16xi32>
        %add3A_1256 = arith.constant 0 : i32
        %add3A_1257 = vector.broadcast %add3A_1256 : i32 to vector<16xi32>
        %add3A_1258 = arith.addi %get3A_81, %add3A_1257 : vector<16xi32>
        %add3A_1259 = arith.constant 1 : i32
        %add3A_1260 = vector.broadcast %add3A_1259 : i32 to vector<16xi32>
        %add3A_1261 = arith.addi %get3A_86, %add3A_1260 : vector<16xi32>
        %ge3A_1262 = arith.constant 0 : i32
        %ge3A_1263 = vector.broadcast %ge3A_1262 : i32 to vector<16xi32>
        %ge3A_1264 = arith.cmpi sge, %add3A_1255, %ge3A_1263 : vector<16xi32>
        %lt3A_1265 = arith.constant 128 : i32
        %lt3A_1266 = vector.broadcast %lt3A_1265 : i32 to vector<16xi32>
        %lt3A_1267 = arith.cmpi slt, %add3A_1255, %lt3A_1266 : vector<16xi32>
        %and3A_1268 = arith.andi %ge3A_1264, %lt3A_1267 : vector<16xi1>
        %ge3A_1269 = arith.constant 0 : i32
        %ge3A_1270 = vector.broadcast %ge3A_1269 : i32 to vector<16xi32>
        %ge3A_1271 = arith.cmpi sge, %add3A_1258, %ge3A_1270 : vector<16xi32>
        %and3A_1272 = arith.andi %and3A_1268, %ge3A_1271 : vector<16xi1>
        %lt3A_1273 = arith.constant 128 : i32
        %lt3A_1274 = vector.broadcast %lt3A_1273 : i32 to vector<16xi32>
        %lt3A_1275 = arith.cmpi slt, %add3A_1258, %lt3A_1274 : vector<16xi32>
        %and3A_1276 = arith.andi %and3A_1272, %lt3A_1275 : vector<16xi1>
        %ge3A_1277 = arith.constant 0 : i32
        %ge3A_1278 = vector.broadcast %ge3A_1277 : i32 to vector<16xi32>
        %ge3A_1279 = arith.cmpi sge, %add3A_1261, %ge3A_1278 : vector<16xi32>
        %and3A_1280 = arith.andi %and3A_1276, %ge3A_1279 : vector<16xi1>
        %lt3A_1281 = arith.constant 128 : i32
        %lt3A_1282 = vector.broadcast %lt3A_1281 : i32 to vector<16xi32>
        %lt3A_1283 = arith.cmpi slt, %add3A_1261, %lt3A_1282 : vector<16xi32>
        %and3A_1284 = arith.andi %and3A_1280, %lt3A_1283 : vector<16xi1>
        %mul3A_1285 = arith.constant 128 : i32
        %mul3A_1286 = vector.broadcast %mul3A_1285 : i32 to vector<16xi32>
        %mul3A_1287 = arith.muli %add3A_1255, %mul3A_1286 : vector<16xi32>
        %add3A_1288 = arith.addi %mul3A_1287, %add3A_1258 : vector<16xi32>
        %mul3A_1289 = arith.constant 128 : i32
        %mul3A_1290 = vector.broadcast %mul3A_1289 : i32 to vector<16xi32>
        %mul3A_1291 = arith.muli %add3A_1288, %mul3A_1290 : vector<16xi32>
        %add3A_1292 = arith.addi %mul3A_1291, %add3A_1261 : vector<16xi32>
        %jit3A_1293 = arith.constant 2097160 : i32
        %broadcast_in_dim3A_1294 = vector.broadcast %jit3A_1293 : i32 to vector<16xi32>
        %select_n3A_1295 = arith.select %and3A_1284, %add3A_1292, %broadcast_in_dim3A_1294 : vector<16xi1>, vector<16xi32>
        %mul3A_1296 = arith.constant 16 : i32
        %mul3A_1297 = arith.muli %scan3A_71, %mul3A_1296 : i32
        %add3A_1298 = arith.constant 10304 : i32
        %add3A_1299 = arith.addi %add3A_1298, %mul3A_1297 : i32
        %swap3A_1300 = arith.index_cast %add3A_1299 : i32 to index
        %swap3A_1301 = tpu.vector_load %arg16[%swap3A_1300] {strides = array<i32>} : memref<12096xi32, #tpu.memory_space<vmem>>, vector<16xi32>,
        %swap3A_1302 = vector.shape_cast %swap3A_1301 : vector<16xi32> to vector<16xi32>
        %swap3A_1303 = vector.shape_cast %select_n3A_1295 : vector<16xi32> to vector<16xi32>
        tpu.vector_store %arg16[%swap3A_1300], %swap3A_1303 {strides = array<i32>} : memref<12096xi32, #tpu.memory_space<vmem>>, vector<16xi32>,
        %add3A_1304 = arith.constant 1 : i32
        %add3A_1305 = vector.broadcast %add3A_1304 : i32 to vector<16xi32>
        %add3A_1306 = arith.addi %get3A_76, %add3A_1305 : vector<16xi32>
        %add3A_1307 = arith.constant 1 : i32
        %add3A_1308 = vector.broadcast %add3A_1307 : i32 to vector<16xi32>
        %add3A_1309 = arith.addi %get3A_81, %add3A_1308 : vector<16xi32>
        %add3A_1310 = arith.constant -1 : i32
        %add3A_1311 = vector.broadcast %add3A_1310 : i32 to vector<16xi32>
        %add3A_1312 = arith.addi %get3A_86, %add3A_1311 : vector<16xi32>
        %ge3A_1313 = arith.constant 0 : i32
        %ge3A_1314 = vector.broadcast %ge3A_1313 : i32 to vector<16xi32>
        %ge3A_1315 = arith.cmpi sge, %add3A_1306, %ge3A_1314 : vector<16xi32>
        %lt3A_1316 = arith.constant 128 : i32
        %lt3A_1317 = vector.broadcast %lt3A_1316 : i32 to vector<16xi32>
        %lt3A_1318 = arith.cmpi slt, %add3A_1306, %lt3A_1317 : vector<16xi32>
        %and3A_1319 = arith.andi %ge3A_1315, %lt3A_1318 : vector<16xi1>
        %ge3A_1320 = arith.constant 0 : i32
        %ge3A_1321 = vector.broadcast %ge3A_1320 : i32 to vector<16xi32>
        %ge3A_1322 = arith.cmpi sge, %add3A_1309, %ge3A_1321 : vector<16xi32>
        %and3A_1323 = arith.andi %and3A_1319, %ge3A_1322 : vector<16xi1>
        %lt3A_1324 = arith.constant 128 : i32
        %lt3A_1325 = vector.broadcast %lt3A_1324 : i32 to vector<16xi32>
        %lt3A_1326 = arith.cmpi slt, %add3A_1309, %lt3A_1325 : vector<16xi32>
        %and3A_1327 = arith.andi %and3A_1323, %lt3A_1326 : vector<16xi1>
        %ge3A_1328 = arith.constant 0 : i32
        %ge3A_1329 = vector.broadcast %ge3A_1328 : i32 to vector<16xi32>
        %ge3A_1330 = arith.cmpi sge, %add3A_1312, %ge3A_1329 : vector<16xi32>
        %and3A_1331 = arith.andi %and3A_1327, %ge3A_1330 : vector<16xi1>
        %lt3A_1332 = arith.constant 128 : i32
        %lt3A_1333 = vector.broadcast %lt3A_1332 : i32 to vector<16xi32>
        %lt3A_1334 = arith.cmpi slt, %add3A_1312, %lt3A_1333 : vector<16xi32>
        %and3A_1335 = arith.andi %and3A_1331, %lt3A_1334 : vector<16xi1>
        %mul3A_1336 = arith.constant 128 : i32
        %mul3A_1337 = vector.broadcast %mul3A_1336 : i32 to vector<16xi32>
        %mul3A_1338 = arith.muli %add3A_1306, %mul3A_1337 : vector<16xi32>
        %add3A_1339 = arith.addi %mul3A_1338, %add3A_1309 : vector<16xi32>
        %mul3A_1340 = arith.constant 128 : i32
        %mul3A_1341 = vector.broadcast %mul3A_1340 : i32 to vector<16xi32>
        %mul3A_1342 = arith.muli %add3A_1339, %mul3A_1341 : vector<16xi32>
        %add3A_1343 = arith.addi %mul3A_1342, %add3A_1312 : vector<16xi32>
        %jit3A_1344 = arith.constant 2097160 : i32
        %broadcast_in_dim3A_1345 = vector.broadcast %jit3A_1344 : i32 to vector<16xi32>
        %select_n3A_1346 = arith.select %and3A_1335, %add3A_1343, %broadcast_in_dim3A_1345 : vector<16xi1>, vector<16xi32>
        %mul3A_1347 = arith.constant 16 : i32
        %mul3A_1348 = arith.muli %scan3A_71, %mul3A_1347 : i32
        %add3A_1349 = arith.constant 10752 : i32
        %add3A_1350 = arith.addi %add3A_1349, %mul3A_1348 : i32
        %swap3A_1351 = arith.index_cast %add3A_1350 : i32 to index
        %swap3A_1352 = tpu.vector_load %arg16[%swap3A_1351] {strides = array<i32>} : memref<12096xi32, #tpu.memory_space<vmem>>, vector<16xi32>,
        %swap3A_1353 = vector.shape_cast %swap3A_1352 : vector<16xi32> to vector<16xi32>
        %swap3A_1354 = vector.shape_cast %select_n3A_1346 : vector<16xi32> to vector<16xi32>
        tpu.vector_store %arg16[%swap3A_1351], %swap3A_1354 {strides = array<i32>} : memref<12096xi32, #tpu.memory_space<vmem>>, vector<16xi32>,
        %add3A_1355 = arith.constant 1 : i32
        %add3A_1356 = vector.broadcast %add3A_1355 : i32 to vector<16xi32>
        %add3A_1357 = arith.addi %get3A_76, %add3A_1356 : vector<16xi32>
        %add3A_1358 = arith.constant 1 : i32
        %add3A_1359 = vector.broadcast %add3A_1358 : i32 to vector<16xi32>
        %add3A_1360 = arith.addi %get3A_81, %add3A_1359 : vector<16xi32>
        %add3A_1361 = arith.constant 0 : i32
        %add3A_1362 = vector.broadcast %add3A_1361 : i32 to vector<16xi32>
        %add3A_1363 = arith.addi %get3A_86, %add3A_1362 : vector<16xi32>
        %ge3A_1364 = arith.constant 0 : i32
        %ge3A_1365 = vector.broadcast %ge3A_1364 : i32 to vector<16xi32>
        %ge3A_1366 = arith.cmpi sge, %add3A_1357, %ge3A_1365 : vector<16xi32>
        %lt3A_1367 = arith.constant 128 : i32
        %lt3A_1368 = vector.broadcast %lt3A_1367 : i32 to vector<16xi32>
        %lt3A_1369 = arith.cmpi slt, %add3A_1357, %lt3A_1368 : vector<16xi32>
        %and3A_1370 = arith.andi %ge3A_1366, %lt3A_1369 : vector<16xi1>
        %ge3A_1371 = arith.constant 0 : i32
        %ge3A_1372 = vector.broadcast %ge3A_1371 : i32 to vector<16xi32>
        %ge3A_1373 = arith.cmpi sge, %add3A_1360, %ge3A_1372 : vector<16xi32>
        %and3A_1374 = arith.andi %and3A_1370, %ge3A_1373 : vector<16xi1>
        %lt3A_1375 = arith.constant 128 : i32
        %lt3A_1376 = vector.broadcast %lt3A_1375 : i32 to vector<16xi32>
        %lt3A_1377 = arith.cmpi slt, %add3A_1360, %lt3A_1376 : vector<16xi32>
        %and3A_1378 = arith.andi %and3A_1374, %lt3A_1377 : vector<16xi1>
        %ge3A_1379 = arith.constant 0 : i32
        %ge3A_1380 = vector.broadcast %ge3A_1379 : i32 to vector<16xi32>
        %ge3A_1381 = arith.cmpi sge, %add3A_1363, %ge3A_1380 : vector<16xi32>
        %and3A_1382 = arith.andi %and3A_1378, %ge3A_1381 : vector<16xi1>
        %lt3A_1383 = arith.constant 128 : i32
        %lt3A_1384 = vector.broadcast %lt3A_1383 : i32 to vector<16xi32>
        %lt3A_1385 = arith.cmpi slt, %add3A_1363, %lt3A_1384 : vector<16xi32>
        %and3A_1386 = arith.andi %and3A_1382, %lt3A_1385 : vector<16xi1>
        %mul3A_1387 = arith.constant 128 : i32
        %mul3A_1388 = vector.broadcast %mul3A_1387 : i32 to vector<16xi32>
        %mul3A_1389 = arith.muli %add3A_1357, %mul3A_1388 : vector<16xi32>
        %add3A_1390 = arith.addi %mul3A_1389, %add3A_1360 : vector<16xi32>
        %mul3A_1391 = arith.constant 128 : i32
        %mul3A_1392 = vector.broadcast %mul3A_1391 : i32 to vector<16xi32>
        %mul3A_1393 = arith.muli %add3A_1390, %mul3A_1392 : vector<16xi32>
        %add3A_1394 = arith.addi %mul3A_1393, %add3A_1363 : vector<16xi32>
        %jit3A_1395 = arith.constant 2097160 : i32
        %broadcast_in_dim3A_1396 = vector.broadcast %jit3A_1395 : i32 to vector<16xi32>
        %select_n3A_1397 = arith.select %and3A_1386, %add3A_1394, %broadcast_in_dim3A_1396 : vector<16xi1>, vector<16xi32>
        %mul3A_1398 = arith.constant 16 : i32
        %mul3A_1399 = arith.muli %scan3A_71, %mul3A_1398 : i32
        %add3A_1400 = arith.constant 11200 : i32
        %add3A_1401 = arith.addi %add3A_1400, %mul3A_1399 : i32
        %swap3A_1402 = arith.index_cast %add3A_1401 : i32 to index
        %swap3A_1403 = tpu.vector_load %arg16[%swap3A_1402] {strides = array<i32>} : memref<12096xi32, #tpu.memory_space<vmem>>, vector<16xi32>,
        %swap3A_1404 = vector.shape_cast %swap3A_1403 : vector<16xi32> to vector<16xi32>
        %swap3A_1405 = vector.shape_cast %select_n3A_1397 : vector<16xi32> to vector<16xi32>
        tpu.vector_store %arg16[%swap3A_1402], %swap3A_1405 {strides = array<i32>} : memref<12096xi32, #tpu.memory_space<vmem>>, vector<16xi32>,
        %add3A_1406 = arith.constant 1 : i32
        %add3A_1407 = vector.broadcast %add3A_1406 : i32 to vector<16xi32>
        %add3A_1408 = arith.addi %get3A_76, %add3A_1407 : vector<16xi32>
        %add3A_1409 = arith.constant 1 : i32
        %add3A_1410 = vector.broadcast %add3A_1409 : i32 to vector<16xi32>
        %add3A_1411 = arith.addi %get3A_81, %add3A_1410 : vector<16xi32>
        %add3A_1412 = arith.constant 1 : i32
        %add3A_1413 = vector.broadcast %add3A_1412 : i32 to vector<16xi32>
        %add3A_1414 = arith.addi %get3A_86, %add3A_1413 : vector<16xi32>
        %ge3A_1415 = arith.constant 0 : i32
        %ge3A_1416 = vector.broadcast %ge3A_1415 : i32 to vector<16xi32>
        %ge3A_1417 = arith.cmpi sge, %add3A_1408, %ge3A_1416 : vector<16xi32>
        %lt3A_1418 = arith.constant 128 : i32
        %lt3A_1419 = vector.broadcast %lt3A_1418 : i32 to vector<16xi32>
        %lt3A_1420 = arith.cmpi slt, %add3A_1408, %lt3A_1419 : vector<16xi32>
        %and3A_1421 = arith.andi %ge3A_1417, %lt3A_1420 : vector<16xi1>
        %ge3A_1422 = arith.constant 0 : i32
        %ge3A_1423 = vector.broadcast %ge3A_1422 : i32 to vector<16xi32>
        %ge3A_1424 = arith.cmpi sge, %add3A_1411, %ge3A_1423 : vector<16xi32>
        %and3A_1425 = arith.andi %and3A_1421, %ge3A_1424 : vector<16xi1>
        %lt3A_1426 = arith.constant 128 : i32
        %lt3A_1427 = vector.broadcast %lt3A_1426 : i32 to vector<16xi32>
        %lt3A_1428 = arith.cmpi slt, %add3A_1411, %lt3A_1427 : vector<16xi32>
        %and3A_1429 = arith.andi %and3A_1425, %lt3A_1428 : vector<16xi1>
        %ge3A_1430 = arith.constant 0 : i32
        %ge3A_1431 = vector.broadcast %ge3A_1430 : i32 to vector<16xi32>
        %ge3A_1432 = arith.cmpi sge, %add3A_1414, %ge3A_1431 : vector<16xi32>
        %and3A_1433 = arith.andi %and3A_1429, %ge3A_1432 : vector<16xi1>
        %lt3A_1434 = arith.constant 128 : i32
        %lt3A_1435 = vector.broadcast %lt3A_1434 : i32 to vector<16xi32>
        %lt3A_1436 = arith.cmpi slt, %add3A_1414, %lt3A_1435 : vector<16xi32>
        %and3A_1437 = arith.andi %and3A_1433, %lt3A_1436 : vector<16xi1>
        %mul3A_1438 = arith.constant 128 : i32
        %mul3A_1439 = vector.broadcast %mul3A_1438 : i32 to vector<16xi32>
        %mul3A_1440 = arith.muli %add3A_1408, %mul3A_1439 : vector<16xi32>
        %add3A_1441 = arith.addi %mul3A_1440, %add3A_1411 : vector<16xi32>
        %mul3A_1442 = arith.constant 128 : i32
        %mul3A_1443 = vector.broadcast %mul3A_1442 : i32 to vector<16xi32>
        %mul3A_1444 = arith.muli %add3A_1441, %mul3A_1443 : vector<16xi32>
        %add3A_1445 = arith.addi %mul3A_1444, %add3A_1414 : vector<16xi32>
        %jit3A_1446 = arith.constant 2097160 : i32
        %broadcast_in_dim3A_1447 = vector.broadcast %jit3A_1446 : i32 to vector<16xi32>
        %select_n3A_1448 = arith.select %and3A_1437, %add3A_1445, %broadcast_in_dim3A_1447 : vector<16xi1>, vector<16xi32>
        %mul3A_1449 = arith.constant 16 : i32
        %mul3A_1450 = arith.muli %scan3A_71, %mul3A_1449 : i32
        %add3A_1451 = arith.constant 11648 : i32
        %add3A_1452 = arith.addi %add3A_1451, %mul3A_1450 : i32
        %swap3A_1453 = arith.index_cast %add3A_1452 : i32 to index
        %swap3A_1454 = tpu.vector_load %arg16[%swap3A_1453] {strides = array<i32>} : memref<12096xi32, #tpu.memory_space<vmem>>, vector<16xi32>,
        %swap3A_1455 = vector.shape_cast %swap3A_1454 : vector<16xi32> to vector<16xi32>
        %swap3A_1456 = vector.shape_cast %select_n3A_1448 : vector<16xi32> to vector<16xi32>
        tpu.vector_store %arg16[%swap3A_1453], %swap3A_1456 {strides = array<i32>} : memref<12096xi32, #tpu.memory_space<vmem>>, vector<16xi32>,
        %scan3A_1457 = arith.constant 0 : i32
        scf.yield %scan3A_1457 : i32
      }
      %scan3A_20 = arith.constant 28 : i32
      %dma_start3A = arith.constant 0 : i32
      %dma_start3A_21 = tpu.memref_slice %arg5[%dma_start3A] : memref<2097184xi32, #tpu.memory_space<hbm>> -> memref<2097184xi32, #tpu.memory_space<hbm>>
      tpu.enqueue_indirect_dma source(%dma_start3A_21 : memref<2097184xi32, #tpu.memory_space<hbm>>) target(%arg17 : memref<12096xi32, #tpu.memory_space<vmem>>) offsets(%arg16 : memref<12096xi32, #tpu.memory_space<vmem>>) semaphore(%arg24 : memref<!tpu.dma_semaphore, #tpu.memory_space<semaphore_mem>>)
      %scan3A_22 = arith.constant 0 : i32
      %scan3A_23 = arith.constant 0 : i32
      %scan3A_24 = arith.constant 28 : i32
      %scan3A_25 = arith.addi %scan3A_23, %scan3A_24 : i32
      %scan3A_26 = arith.constant 1 : i32
      %scan3A_27 = scf.for %scan3A_71 = %scan3A_23 to %scan3A_25 step %scan3A_26 iter_args(%scan3A_72 = %scan3A_22) -> (i32)  : i32 {
        %mul3A_73 = arith.constant 16 : i32
        %mul3A_74 = arith.muli %scan3A_71, %mul3A_73 : i32
        %get3A = arith.index_cast %mul3A_74 : i32 to index
        %get3A_75 = tpu.vector_load %arg13[%get3A] {strides = array<i32>} : memref<448xi32, #tpu.memory_space<vmem>>, vector<16xi32>,
        %get3A_76 = vector.shape_cast %get3A_75 : vector<16xi32> to vector<16xi32>
        %mul3A_77 = arith.constant 16 : i32
        %mul3A_78 = arith.muli %scan3A_71, %mul3A_77 : i32
        %get3A_79 = arith.index_cast %mul3A_78 : i32 to index
        %get3A_80 = tpu.vector_load %arg14[%get3A_79] {strides = array<i32>} : memref<448xi32, #tpu.memory_space<vmem>>, vector<16xi32>,
        %get3A_81 = vector.shape_cast %get3A_80 : vector<16xi32> to vector<16xi32>
        %mul3A_82 = arith.constant 16 : i32
        %mul3A_83 = arith.muli %scan3A_71, %mul3A_82 : i32
        %get3A_84 = arith.index_cast %mul3A_83 : i32 to index
        %get3A_85 = tpu.vector_load %arg15[%get3A_84] {strides = array<i32>} : memref<448xi32, #tpu.memory_space<vmem>>, vector<16xi32>,
        %get3A_86 = vector.shape_cast %get3A_85 : vector<16xi32> to vector<16xi32>
        %sub3A = arith.constant -1 : i32
        %sub3A_87 = vector.broadcast %sub3A : i32 to vector<16xi32>
        %sub3A_88 = arith.subi %get3A_76, %sub3A_87 : vector<16xi32>
        %sub3A_89 = arith.constant -1 : i32
        %sub3A_90 = vector.broadcast %sub3A_89 : i32 to vector<16xi32>
        %sub3A_91 = arith.subi %get3A_81, %sub3A_90 : vector<16xi32>
        %sub3A_92 = arith.constant -1 : i32
        %sub3A_93 = vector.broadcast %sub3A_92 : i32 to vector<16xi32>
        %sub3A_94 = arith.subi %get3A_86, %sub3A_93 : vector<16xi32>
        %or3A = arith.ori %sub3A_88, %sub3A_91 : vector<16xi32>
        %or3A_95 = arith.ori %or3A, %sub3A_94 : vector<16xi32>
        %and3A = arith.constant 1 : i32
        %and3A_96 = vector.broadcast %and3A : i32 to vector<16xi32>
        %and3A_97 = arith.andi %or3A_95, %and3A_96 : vector<16xi32>
        %eq3A = arith.constant 0 : i32
        %eq3A_98 = vector.broadcast %eq3A : i32 to vector<16xi32>
        %eq3A_99 = arith.cmpi eq, %and3A_97, %eq3A_98 : vector<16xi32>
        %ge3A = arith.constant 0 : i32
        %ge3A_100 = vector.broadcast %ge3A : i32 to vector<16xi32>
        %ge3A_101 = arith.cmpi sge, %sub3A_88, %ge3A_100 : vector<16xi32>
        %and3A_102 = arith.andi %eq3A_99, %ge3A_101 : vector<16xi1>
        %ge3A_103 = arith.constant 0 : i32
        %ge3A_104 = vector.broadcast %ge3A_103 : i32 to vector<16xi32>
        %ge3A_105 = arith.cmpi sge, %sub3A_91, %ge3A_104 : vector<16xi32>
        %and3A_106 = arith.andi %and3A_102, %ge3A_105 : vector<16xi1>
        %ge3A_107 = arith.constant 0 : i32
        %ge3A_108 = vector.broadcast %ge3A_107 : i32 to vector<16xi32>
        %ge3A_109 = arith.cmpi sge, %sub3A_94, %ge3A_108 : vector<16xi32>
        %and3A_110 = arith.andi %and3A_106, %ge3A_109 : vector<16xi1>
        %lt3A = arith.constant 128 : i32
        %lt3A_111 = vector.broadcast %lt3A : i32 to vector<16xi32>
        %lt3A_112 = arith.cmpi slt, %sub3A_88, %lt3A_111 : vector<16xi32>
        %and3A_113 = arith.andi %and3A_110, %lt3A_112 : vector<16xi1>
        %lt3A_114 = arith.constant 128 : i32
        %lt3A_115 = vector.broadcast %lt3A_114 : i32 to vector<16xi32>
        %lt3A_116 = arith.cmpi slt, %sub3A_91, %lt3A_115 : vector<16xi32>
        %and3A_117 = arith.andi %and3A_113, %lt3A_116 : vector<16xi1>
        %lt3A_118 = arith.constant 128 : i32
        %lt3A_119 = vector.broadcast %lt3A_118 : i32 to vector<16xi32>
        %lt3A_120 = arith.cmpi slt, %sub3A_94, %lt3A_119 : vector<16xi32>
        %and3A_121 = arith.andi %and3A_117, %lt3A_120 : vector<16xi1>
        %shift_right_arithmetic3A = arith.constant 1 : i32
        %shift_right_arithmetic3A_122 = vector.broadcast %shift_right_arithmetic3A : i32 to vector<16xi32>
        %shift_right_arithmetic3A_123 = arith.shrsi %sub3A_88, %shift_right_arithmetic3A_122 : vector<16xi32>
        %mul3A_124 = arith.constant 64 : i32
        %mul3A_125 = vector.broadcast %mul3A_124 : i32 to vector<16xi32>
        %mul3A_126 = arith.muli %shift_right_arithmetic3A_123, %mul3A_125 : vector<16xi32>
        %shift_right_arithmetic3A_127 = arith.constant 1 : i32
        %shift_right_arithmetic3A_128 = vector.broadcast %shift_right_arithmetic3A_127 : i32 to vector<16xi32>
        %shift_right_arithmetic3A_129 = arith.shrsi %sub3A_91, %shift_right_arithmetic3A_128 : vector<16xi32>
        %add3A_130 = arith.addi %mul3A_126, %shift_right_arithmetic3A_129 : vector<16xi32>
        %mul3A_131 = arith.constant 64 : i32
        %mul3A_132 = vector.broadcast %mul3A_131 : i32 to vector<16xi32>
        %mul3A_133 = arith.muli %add3A_130, %mul3A_132 : vector<16xi32>
        %shift_right_arithmetic3A_134 = arith.constant 1 : i32
        %shift_right_arithmetic3A_135 = vector.broadcast %shift_right_arithmetic3A_134 : i32 to vector<16xi32>
        %shift_right_arithmetic3A_136 = arith.shrsi %sub3A_94, %shift_right_arithmetic3A_135 : vector<16xi32>
        %add3A_137 = arith.addi %mul3A_133, %shift_right_arithmetic3A_136 : vector<16xi32>
        %jit3A = arith.constant 262144 : i32
        %broadcast_in_dim3A = vector.broadcast %jit3A : i32 to vector<16xi32>
        %select_n3A = arith.select %and3A_121, %add3A_137, %broadcast_in_dim3A : vector<16xi1>, vector<16xi32>
        %mul3A_138 = arith.constant 16 : i32
        %mul3A_139 = arith.muli %scan3A_71, %mul3A_138 : i32
        %add3A_140 = arith.constant 0 : i32
        %add3A_141 = arith.addi %add3A_140, %mul3A_139 : i32
        %swap3A = arith.index_cast %add3A_141 : i32 to index
        %swap3A_142 = tpu.vector_load %arg18[%swap3A] {strides = array<i32>} : memref<12096xi32, #tpu.memory_space<vmem>>, vector<16xi32>,
        %swap3A_143 = vector.shape_cast %swap3A_142 : vector<16xi32> to vector<16xi32>
        %swap3A_144 = vector.shape_cast %select_n3A : vector<16xi32> to vector<16xi32>
        tpu.vector_store %arg18[%swap3A], %swap3A_144 {strides = array<i32>} : memref<12096xi32, #tpu.memory_space<vmem>>, vector<16xi32>,
        %sub3A_145 = arith.constant -1 : i32
        %sub3A_146 = vector.broadcast %sub3A_145 : i32 to vector<16xi32>
        %sub3A_147 = arith.subi %get3A_76, %sub3A_146 : vector<16xi32>
        %sub3A_148 = arith.constant -1 : i32
        %sub3A_149 = vector.broadcast %sub3A_148 : i32 to vector<16xi32>
        %sub3A_150 = arith.subi %get3A_81, %sub3A_149 : vector<16xi32>
        %sub3A_151 = arith.constant 0 : i32
        %sub3A_152 = vector.broadcast %sub3A_151 : i32 to vector<16xi32>
        %sub3A_153 = arith.subi %get3A_86, %sub3A_152 : vector<16xi32>
        %or3A_154 = arith.ori %sub3A_147, %sub3A_150 : vector<16xi32>
        %or3A_155 = arith.ori %or3A_154, %sub3A_153 : vector<16xi32>
        %and3A_156 = arith.constant 1 : i32
        %and3A_157 = vector.broadcast %and3A_156 : i32 to vector<16xi32>
        %and3A_158 = arith.andi %or3A_155, %and3A_157 : vector<16xi32>
        %eq3A_159 = arith.constant 0 : i32
        %eq3A_160 = vector.broadcast %eq3A_159 : i32 to vector<16xi32>
        %eq3A_161 = arith.cmpi eq, %and3A_158, %eq3A_160 : vector<16xi32>
        %ge3A_162 = arith.constant 0 : i32
        %ge3A_163 = vector.broadcast %ge3A_162 : i32 to vector<16xi32>
        %ge3A_164 = arith.cmpi sge, %sub3A_147, %ge3A_163 : vector<16xi32>
        %and3A_165 = arith.andi %eq3A_161, %ge3A_164 : vector<16xi1>
        %ge3A_166 = arith.constant 0 : i32
        %ge3A_167 = vector.broadcast %ge3A_166 : i32 to vector<16xi32>
        %ge3A_168 = arith.cmpi sge, %sub3A_150, %ge3A_167 : vector<16xi32>
        %and3A_169 = arith.andi %and3A_165, %ge3A_168 : vector<16xi1>
        %ge3A_170 = arith.constant 0 : i32
        %ge3A_171 = vector.broadcast %ge3A_170 : i32 to vector<16xi32>
        %ge3A_172 = arith.cmpi sge, %sub3A_153, %ge3A_171 : vector<16xi32>
        %and3A_173 = arith.andi %and3A_169, %ge3A_172 : vector<16xi1>
        %lt3A_174 = arith.constant 128 : i32
        %lt3A_175 = vector.broadcast %lt3A_174 : i32 to vector<16xi32>
        %lt3A_176 = arith.cmpi slt, %sub3A_147, %lt3A_175 : vector<16xi32>
        %and3A_177 = arith.andi %and3A_173, %lt3A_176 : vector<16xi1>
        %lt3A_178 = arith.constant 128 : i32
        %lt3A_179 = vector.broadcast %lt3A_178 : i32 to vector<16xi32>
        %lt3A_180 = arith.cmpi slt, %sub3A_150, %lt3A_179 : vector<16xi32>
        %and3A_181 = arith.andi %and3A_177, %lt3A_180 : vector<16xi1>
        %lt3A_182 = arith.constant 128 : i32
        %lt3A_183 = vector.broadcast %lt3A_182 : i32 to vector<16xi32>
        %lt3A_184 = arith.cmpi slt, %sub3A_153, %lt3A_183 : vector<16xi32>
        %and3A_185 = arith.andi %and3A_181, %lt3A_184 : vector<16xi1>
        %shift_right_arithmetic3A_186 = arith.constant 1 : i32
        %shift_right_arithmetic3A_187 = vector.broadcast %shift_right_arithmetic3A_186 : i32 to vector<16xi32>
        %shift_right_arithmetic3A_188 = arith.shrsi %sub3A_147, %shift_right_arithmetic3A_187 : vector<16xi32>
        %mul3A_189 = arith.constant 64 : i32
        %mul3A_190 = vector.broadcast %mul3A_189 : i32 to vector<16xi32>
        %mul3A_191 = arith.muli %shift_right_arithmetic3A_188, %mul3A_190 : vector<16xi32>
        %shift_right_arithmetic3A_192 = arith.constant 1 : i32
        %shift_right_arithmetic3A_193 = vector.broadcast %shift_right_arithmetic3A_192 : i32 to vector<16xi32>
        %shift_right_arithmetic3A_194 = arith.shrsi %sub3A_150, %shift_right_arithmetic3A_193 : vector<16xi32>
        %add3A_195 = arith.addi %mul3A_191, %shift_right_arithmetic3A_194 : vector<16xi32>
        %mul3A_196 = arith.constant 64 : i32
        %mul3A_197 = vector.broadcast %mul3A_196 : i32 to vector<16xi32>
        %mul3A_198 = arith.muli %add3A_195, %mul3A_197 : vector<16xi32>
        %shift_right_arithmetic3A_199 = arith.constant 1 : i32
        %shift_right_arithmetic3A_200 = vector.broadcast %shift_right_arithmetic3A_199 : i32 to vector<16xi32>
        %shift_right_arithmetic3A_201 = arith.shrsi %sub3A_153, %shift_right_arithmetic3A_200 : vector<16xi32>
        %add3A_202 = arith.addi %mul3A_198, %shift_right_arithmetic3A_201 : vector<16xi32>
        %jit3A_203 = arith.constant 262144 : i32
        %broadcast_in_dim3A_204 = vector.broadcast %jit3A_203 : i32 to vector<16xi32>
        %select_n3A_205 = arith.select %and3A_185, %add3A_202, %broadcast_in_dim3A_204 : vector<16xi1>, vector<16xi32>
        %mul3A_206 = arith.constant 16 : i32
        %mul3A_207 = arith.muli %scan3A_71, %mul3A_206 : i32
        %add3A_208 = arith.constant 448 : i32
        %add3A_209 = arith.addi %add3A_208, %mul3A_207 : i32
        %swap3A_210 = arith.index_cast %add3A_209 : i32 to index
        %swap3A_211 = tpu.vector_load %arg18[%swap3A_210] {strides = array<i32>} : memref<12096xi32, #tpu.memory_space<vmem>>, vector<16xi32>,
        %swap3A_212 = vector.shape_cast %swap3A_211 : vector<16xi32> to vector<16xi32>
        %swap3A_213 = vector.shape_cast %select_n3A_205 : vector<16xi32> to vector<16xi32>
        tpu.vector_store %arg18[%swap3A_210], %swap3A_213 {strides = array<i32>} : memref<12096xi32, #tpu.memory_space<vmem>>, vector<16xi32>,
        %sub3A_214 = arith.constant -1 : i32
        %sub3A_215 = vector.broadcast %sub3A_214 : i32 to vector<16xi32>
        %sub3A_216 = arith.subi %get3A_76, %sub3A_215 : vector<16xi32>
        %sub3A_217 = arith.constant -1 : i32
        %sub3A_218 = vector.broadcast %sub3A_217 : i32 to vector<16xi32>
        %sub3A_219 = arith.subi %get3A_81, %sub3A_218 : vector<16xi32>
        %sub3A_220 = arith.constant 1 : i32
        %sub3A_221 = vector.broadcast %sub3A_220 : i32 to vector<16xi32>
        %sub3A_222 = arith.subi %get3A_86, %sub3A_221 : vector<16xi32>
        %or3A_223 = arith.ori %sub3A_216, %sub3A_219 : vector<16xi32>
        %or3A_224 = arith.ori %or3A_223, %sub3A_222 : vector<16xi32>
        %and3A_225 = arith.constant 1 : i32
        %and3A_226 = vector.broadcast %and3A_225 : i32 to vector<16xi32>
        %and3A_227 = arith.andi %or3A_224, %and3A_226 : vector<16xi32>
        %eq3A_228 = arith.constant 0 : i32
        %eq3A_229 = vector.broadcast %eq3A_228 : i32 to vector<16xi32>
        %eq3A_230 = arith.cmpi eq, %and3A_227, %eq3A_229 : vector<16xi32>
        %ge3A_231 = arith.constant 0 : i32
        %ge3A_232 = vector.broadcast %ge3A_231 : i32 to vector<16xi32>
        %ge3A_233 = arith.cmpi sge, %sub3A_216, %ge3A_232 : vector<16xi32>
        %and3A_234 = arith.andi %eq3A_230, %ge3A_233 : vector<16xi1>
        %ge3A_235 = arith.constant 0 : i32
        %ge3A_236 = vector.broadcast %ge3A_235 : i32 to vector<16xi32>
        %ge3A_237 = arith.cmpi sge, %sub3A_219, %ge3A_236 : vector<16xi32>
        %and3A_238 = arith.andi %and3A_234, %ge3A_237 : vector<16xi1>
        %ge3A_239 = arith.constant 0 : i32
        %ge3A_240 = vector.broadcast %ge3A_239 : i32 to vector<16xi32>
        %ge3A_241 = arith.cmpi sge, %sub3A_222, %ge3A_240 : vector<16xi32>
        %and3A_242 = arith.andi %and3A_238, %ge3A_241 : vector<16xi1>
        %lt3A_243 = arith.constant 128 : i32
        %lt3A_244 = vector.broadcast %lt3A_243 : i32 to vector<16xi32>
        %lt3A_245 = arith.cmpi slt, %sub3A_216, %lt3A_244 : vector<16xi32>
        %and3A_246 = arith.andi %and3A_242, %lt3A_245 : vector<16xi1>
        %lt3A_247 = arith.constant 128 : i32
        %lt3A_248 = vector.broadcast %lt3A_247 : i32 to vector<16xi32>
        %lt3A_249 = arith.cmpi slt, %sub3A_219, %lt3A_248 : vector<16xi32>
        %and3A_250 = arith.andi %and3A_246, %lt3A_249 : vector<16xi1>
        %lt3A_251 = arith.constant 128 : i32
        %lt3A_252 = vector.broadcast %lt3A_251 : i32 to vector<16xi32>
        %lt3A_253 = arith.cmpi slt, %sub3A_222, %lt3A_252 : vector<16xi32>
        %and3A_254 = arith.andi %and3A_250, %lt3A_253 : vector<16xi1>
        %shift_right_arithmetic3A_255 = arith.constant 1 : i32
        %shift_right_arithmetic3A_256 = vector.broadcast %shift_right_arithmetic3A_255 : i32 to vector<16xi32>
        %shift_right_arithmetic3A_257 = arith.shrsi %sub3A_216, %shift_right_arithmetic3A_256 : vector<16xi32>
        %mul3A_258 = arith.constant 64 : i32
        %mul3A_259 = vector.broadcast %mul3A_258 : i32 to vector<16xi32>
        %mul3A_260 = arith.muli %shift_right_arithmetic3A_257, %mul3A_259 : vector<16xi32>
        %shift_right_arithmetic3A_261 = arith.constant 1 : i32
        %shift_right_arithmetic3A_262 = vector.broadcast %shift_right_arithmetic3A_261 : i32 to vector<16xi32>
        %shift_right_arithmetic3A_263 = arith.shrsi %sub3A_219, %shift_right_arithmetic3A_262 : vector<16xi32>
        %add3A_264 = arith.addi %mul3A_260, %shift_right_arithmetic3A_263 : vector<16xi32>
        %mul3A_265 = arith.constant 64 : i32
        %mul3A_266 = vector.broadcast %mul3A_265 : i32 to vector<16xi32>
        %mul3A_267 = arith.muli %add3A_264, %mul3A_266 : vector<16xi32>
        %shift_right_arithmetic3A_268 = arith.constant 1 : i32
        %shift_right_arithmetic3A_269 = vector.broadcast %shift_right_arithmetic3A_268 : i32 to vector<16xi32>
        %shift_right_arithmetic3A_270 = arith.shrsi %sub3A_222, %shift_right_arithmetic3A_269 : vector<16xi32>
        %add3A_271 = arith.addi %mul3A_267, %shift_right_arithmetic3A_270 : vector<16xi32>
        %jit3A_272 = arith.constant 262144 : i32
        %broadcast_in_dim3A_273 = vector.broadcast %jit3A_272 : i32 to vector<16xi32>
        %select_n3A_274 = arith.select %and3A_254, %add3A_271, %broadcast_in_dim3A_273 : vector<16xi1>, vector<16xi32>
        %mul3A_275 = arith.constant 16 : i32
        %mul3A_276 = arith.muli %scan3A_71, %mul3A_275 : i32
        %add3A_277 = arith.constant 896 : i32
        %add3A_278 = arith.addi %add3A_277, %mul3A_276 : i32
        %swap3A_279 = arith.index_cast %add3A_278 : i32 to index
        %swap3A_280 = tpu.vector_load %arg18[%swap3A_279] {strides = array<i32>} : memref<12096xi32, #tpu.memory_space<vmem>>, vector<16xi32>,
        %swap3A_281 = vector.shape_cast %swap3A_280 : vector<16xi32> to vector<16xi32>
        %swap3A_282 = vector.shape_cast %select_n3A_274 : vector<16xi32> to vector<16xi32>
        tpu.vector_store %arg18[%swap3A_279], %swap3A_282 {strides = array<i32>} : memref<12096xi32, #tpu.memory_space<vmem>>, vector<16xi32>,
        %sub3A_283 = arith.constant -1 : i32
        %sub3A_284 = vector.broadcast %sub3A_283 : i32 to vector<16xi32>
        %sub3A_285 = arith.subi %get3A_76, %sub3A_284 : vector<16xi32>
        %sub3A_286 = arith.constant 0 : i32
        %sub3A_287 = vector.broadcast %sub3A_286 : i32 to vector<16xi32>
        %sub3A_288 = arith.subi %get3A_81, %sub3A_287 : vector<16xi32>
        %sub3A_289 = arith.constant -1 : i32
        %sub3A_290 = vector.broadcast %sub3A_289 : i32 to vector<16xi32>
        %sub3A_291 = arith.subi %get3A_86, %sub3A_290 : vector<16xi32>
        %or3A_292 = arith.ori %sub3A_285, %sub3A_288 : vector<16xi32>
        %or3A_293 = arith.ori %or3A_292, %sub3A_291 : vector<16xi32>
        %and3A_294 = arith.constant 1 : i32
        %and3A_295 = vector.broadcast %and3A_294 : i32 to vector<16xi32>
        %and3A_296 = arith.andi %or3A_293, %and3A_295 : vector<16xi32>
        %eq3A_297 = arith.constant 0 : i32
        %eq3A_298 = vector.broadcast %eq3A_297 : i32 to vector<16xi32>
        %eq3A_299 = arith.cmpi eq, %and3A_296, %eq3A_298 : vector<16xi32>
        %ge3A_300 = arith.constant 0 : i32
        %ge3A_301 = vector.broadcast %ge3A_300 : i32 to vector<16xi32>
        %ge3A_302 = arith.cmpi sge, %sub3A_285, %ge3A_301 : vector<16xi32>
        %and3A_303 = arith.andi %eq3A_299, %ge3A_302 : vector<16xi1>
        %ge3A_304 = arith.constant 0 : i32
        %ge3A_305 = vector.broadcast %ge3A_304 : i32 to vector<16xi32>
        %ge3A_306 = arith.cmpi sge, %sub3A_288, %ge3A_305 : vector<16xi32>
        %and3A_307 = arith.andi %and3A_303, %ge3A_306 : vector<16xi1>
        %ge3A_308 = arith.constant 0 : i32
        %ge3A_309 = vector.broadcast %ge3A_308 : i32 to vector<16xi32>
        %ge3A_310 = arith.cmpi sge, %sub3A_291, %ge3A_309 : vector<16xi32>
        %and3A_311 = arith.andi %and3A_307, %ge3A_310 : vector<16xi1>
        %lt3A_312 = arith.constant 128 : i32
        %lt3A_313 = vector.broadcast %lt3A_312 : i32 to vector<16xi32>
        %lt3A_314 = arith.cmpi slt, %sub3A_285, %lt3A_313 : vector<16xi32>
        %and3A_315 = arith.andi %and3A_311, %lt3A_314 : vector<16xi1>
        %lt3A_316 = arith.constant 128 : i32
        %lt3A_317 = vector.broadcast %lt3A_316 : i32 to vector<16xi32>
        %lt3A_318 = arith.cmpi slt, %sub3A_288, %lt3A_317 : vector<16xi32>
        %and3A_319 = arith.andi %and3A_315, %lt3A_318 : vector<16xi1>
        %lt3A_320 = arith.constant 128 : i32
        %lt3A_321 = vector.broadcast %lt3A_320 : i32 to vector<16xi32>
        %lt3A_322 = arith.cmpi slt, %sub3A_291, %lt3A_321 : vector<16xi32>
        %and3A_323 = arith.andi %and3A_319, %lt3A_322 : vector<16xi1>
        %shift_right_arithmetic3A_324 = arith.constant 1 : i32
        %shift_right_arithmetic3A_325 = vector.broadcast %shift_right_arithmetic3A_324 : i32 to vector<16xi32>
        %shift_right_arithmetic3A_326 = arith.shrsi %sub3A_285, %shift_right_arithmetic3A_325 : vector<16xi32>
        %mul3A_327 = arith.constant 64 : i32
        %mul3A_328 = vector.broadcast %mul3A_327 : i32 to vector<16xi32>
        %mul3A_329 = arith.muli %shift_right_arithmetic3A_326, %mul3A_328 : vector<16xi32>
        %shift_right_arithmetic3A_330 = arith.constant 1 : i32
        %shift_right_arithmetic3A_331 = vector.broadcast %shift_right_arithmetic3A_330 : i32 to vector<16xi32>
        %shift_right_arithmetic3A_332 = arith.shrsi %sub3A_288, %shift_right_arithmetic3A_331 : vector<16xi32>
        %add3A_333 = arith.addi %mul3A_329, %shift_right_arithmetic3A_332 : vector<16xi32>
        %mul3A_334 = arith.constant 64 : i32
        %mul3A_335 = vector.broadcast %mul3A_334 : i32 to vector<16xi32>
        %mul3A_336 = arith.muli %add3A_333, %mul3A_335 : vector<16xi32>
        %shift_right_arithmetic3A_337 = arith.constant 1 : i32
        %shift_right_arithmetic3A_338 = vector.broadcast %shift_right_arithmetic3A_337 : i32 to vector<16xi32>
        %shift_right_arithmetic3A_339 = arith.shrsi %sub3A_291, %shift_right_arithmetic3A_338 : vector<16xi32>
        %add3A_340 = arith.addi %mul3A_336, %shift_right_arithmetic3A_339 : vector<16xi32>
        %jit3A_341 = arith.constant 262144 : i32
        %broadcast_in_dim3A_342 = vector.broadcast %jit3A_341 : i32 to vector<16xi32>
        %select_n3A_343 = arith.select %and3A_323, %add3A_340, %broadcast_in_dim3A_342 : vector<16xi1>, vector<16xi32>
        %mul3A_344 = arith.constant 16 : i32
        %mul3A_345 = arith.muli %scan3A_71, %mul3A_344 : i32
        %add3A_346 = arith.constant 1344 : i32
        %add3A_347 = arith.addi %add3A_346, %mul3A_345 : i32
        %swap3A_348 = arith.index_cast %add3A_347 : i32 to index
        %swap3A_349 = tpu.vector_load %arg18[%swap3A_348] {strides = array<i32>} : memref<12096xi32, #tpu.memory_space<vmem>>, vector<16xi32>,
        %swap3A_350 = vector.shape_cast %swap3A_349 : vector<16xi32> to vector<16xi32>
        %swap3A_351 = vector.shape_cast %select_n3A_343 : vector<16xi32> to vector<16xi32>
        tpu.vector_store %arg18[%swap3A_348], %swap3A_351 {strides = array<i32>} : memref<12096xi32, #tpu.memory_space<vmem>>, vector<16xi32>,
        %sub3A_352 = arith.constant -1 : i32
        %sub3A_353 = vector.broadcast %sub3A_352 : i32 to vector<16xi32>
        %sub3A_354 = arith.subi %get3A_76, %sub3A_353 : vector<16xi32>
        %sub3A_355 = arith.constant 0 : i32
        %sub3A_356 = vector.broadcast %sub3A_355 : i32 to vector<16xi32>
        %sub3A_357 = arith.subi %get3A_81, %sub3A_356 : vector<16xi32>
        %sub3A_358 = arith.constant 0 : i32
        %sub3A_359 = vector.broadcast %sub3A_358 : i32 to vector<16xi32>
        %sub3A_360 = arith.subi %get3A_86, %sub3A_359 : vector<16xi32>
        %or3A_361 = arith.ori %sub3A_354, %sub3A_357 : vector<16xi32>
        %or3A_362 = arith.ori %or3A_361, %sub3A_360 : vector<16xi32>
        %and3A_363 = arith.constant 1 : i32
        %and3A_364 = vector.broadcast %and3A_363 : i32 to vector<16xi32>
        %and3A_365 = arith.andi %or3A_362, %and3A_364 : vector<16xi32>
        %eq3A_366 = arith.constant 0 : i32
        %eq3A_367 = vector.broadcast %eq3A_366 : i32 to vector<16xi32>
        %eq3A_368 = arith.cmpi eq, %and3A_365, %eq3A_367 : vector<16xi32>
        %ge3A_369 = arith.constant 0 : i32
        %ge3A_370 = vector.broadcast %ge3A_369 : i32 to vector<16xi32>
        %ge3A_371 = arith.cmpi sge, %sub3A_354, %ge3A_370 : vector<16xi32>
        %and3A_372 = arith.andi %eq3A_368, %ge3A_371 : vector<16xi1>
        %ge3A_373 = arith.constant 0 : i32
        %ge3A_374 = vector.broadcast %ge3A_373 : i32 to vector<16xi32>
        %ge3A_375 = arith.cmpi sge, %sub3A_357, %ge3A_374 : vector<16xi32>
        %and3A_376 = arith.andi %and3A_372, %ge3A_375 : vector<16xi1>
        %ge3A_377 = arith.constant 0 : i32
        %ge3A_378 = vector.broadcast %ge3A_377 : i32 to vector<16xi32>
        %ge3A_379 = arith.cmpi sge, %sub3A_360, %ge3A_378 : vector<16xi32>
        %and3A_380 = arith.andi %and3A_376, %ge3A_379 : vector<16xi1>
        %lt3A_381 = arith.constant 128 : i32
        %lt3A_382 = vector.broadcast %lt3A_381 : i32 to vector<16xi32>
        %lt3A_383 = arith.cmpi slt, %sub3A_354, %lt3A_382 : vector<16xi32>
        %and3A_384 = arith.andi %and3A_380, %lt3A_383 : vector<16xi1>
        %lt3A_385 = arith.constant 128 : i32
        %lt3A_386 = vector.broadcast %lt3A_385 : i32 to vector<16xi32>
        %lt3A_387 = arith.cmpi slt, %sub3A_357, %lt3A_386 : vector<16xi32>
        %and3A_388 = arith.andi %and3A_384, %lt3A_387 : vector<16xi1>
        %lt3A_389 = arith.constant 128 : i32
        %lt3A_390 = vector.broadcast %lt3A_389 : i32 to vector<16xi32>
        %lt3A_391 = arith.cmpi slt, %sub3A_360, %lt3A_390 : vector<16xi32>
        %and3A_392 = arith.andi %and3A_388, %lt3A_391 : vector<16xi1>
        %shift_right_arithmetic3A_393 = arith.constant 1 : i32
        %shift_right_arithmetic3A_394 = vector.broadcast %shift_right_arithmetic3A_393 : i32 to vector<16xi32>
        %shift_right_arithmetic3A_395 = arith.shrsi %sub3A_354, %shift_right_arithmetic3A_394 : vector<16xi32>
        %mul3A_396 = arith.constant 64 : i32
        %mul3A_397 = vector.broadcast %mul3A_396 : i32 to vector<16xi32>
        %mul3A_398 = arith.muli %shift_right_arithmetic3A_395, %mul3A_397 : vector<16xi32>
        %shift_right_arithmetic3A_399 = arith.constant 1 : i32
        %shift_right_arithmetic3A_400 = vector.broadcast %shift_right_arithmetic3A_399 : i32 to vector<16xi32>
        %shift_right_arithmetic3A_401 = arith.shrsi %sub3A_357, %shift_right_arithmetic3A_400 : vector<16xi32>
        %add3A_402 = arith.addi %mul3A_398, %shift_right_arithmetic3A_401 : vector<16xi32>
        %mul3A_403 = arith.constant 64 : i32
        %mul3A_404 = vector.broadcast %mul3A_403 : i32 to vector<16xi32>
        %mul3A_405 = arith.muli %add3A_402, %mul3A_404 : vector<16xi32>
        %shift_right_arithmetic3A_406 = arith.constant 1 : i32
        %shift_right_arithmetic3A_407 = vector.broadcast %shift_right_arithmetic3A_406 : i32 to vector<16xi32>
        %shift_right_arithmetic3A_408 = arith.shrsi %sub3A_360, %shift_right_arithmetic3A_407 : vector<16xi32>
        %add3A_409 = arith.addi %mul3A_405, %shift_right_arithmetic3A_408 : vector<16xi32>
        %jit3A_410 = arith.constant 262144 : i32
        %broadcast_in_dim3A_411 = vector.broadcast %jit3A_410 : i32 to vector<16xi32>
        %select_n3A_412 = arith.select %and3A_392, %add3A_409, %broadcast_in_dim3A_411 : vector<16xi1>, vector<16xi32>
        %mul3A_413 = arith.constant 16 : i32
        %mul3A_414 = arith.muli %scan3A_71, %mul3A_413 : i32
        %add3A_415 = arith.constant 1792 : i32
        %add3A_416 = arith.addi %add3A_415, %mul3A_414 : i32
        %swap3A_417 = arith.index_cast %add3A_416 : i32 to index
        %swap3A_418 = tpu.vector_load %arg18[%swap3A_417] {strides = array<i32>} : memref<12096xi32, #tpu.memory_space<vmem>>, vector<16xi32>,
        %swap3A_419 = vector.shape_cast %swap3A_418 : vector<16xi32> to vector<16xi32>
        %swap3A_420 = vector.shape_cast %select_n3A_412 : vector<16xi32> to vector<16xi32>
        tpu.vector_store %arg18[%swap3A_417], %swap3A_420 {strides = array<i32>} : memref<12096xi32, #tpu.memory_space<vmem>>, vector<16xi32>,
        %sub3A_421 = arith.constant -1 : i32
        %sub3A_422 = vector.broadcast %sub3A_421 : i32 to vector<16xi32>
        %sub3A_423 = arith.subi %get3A_76, %sub3A_422 : vector<16xi32>
        %sub3A_424 = arith.constant 0 : i32
        %sub3A_425 = vector.broadcast %sub3A_424 : i32 to vector<16xi32>
        %sub3A_426 = arith.subi %get3A_81, %sub3A_425 : vector<16xi32>
        %sub3A_427 = arith.constant 1 : i32
        %sub3A_428 = vector.broadcast %sub3A_427 : i32 to vector<16xi32>
        %sub3A_429 = arith.subi %get3A_86, %sub3A_428 : vector<16xi32>
        %or3A_430 = arith.ori %sub3A_423, %sub3A_426 : vector<16xi32>
        %or3A_431 = arith.ori %or3A_430, %sub3A_429 : vector<16xi32>
        %and3A_432 = arith.constant 1 : i32
        %and3A_433 = vector.broadcast %and3A_432 : i32 to vector<16xi32>
        %and3A_434 = arith.andi %or3A_431, %and3A_433 : vector<16xi32>
        %eq3A_435 = arith.constant 0 : i32
        %eq3A_436 = vector.broadcast %eq3A_435 : i32 to vector<16xi32>
        %eq3A_437 = arith.cmpi eq, %and3A_434, %eq3A_436 : vector<16xi32>
        %ge3A_438 = arith.constant 0 : i32
        %ge3A_439 = vector.broadcast %ge3A_438 : i32 to vector<16xi32>
        %ge3A_440 = arith.cmpi sge, %sub3A_423, %ge3A_439 : vector<16xi32>
        %and3A_441 = arith.andi %eq3A_437, %ge3A_440 : vector<16xi1>
        %ge3A_442 = arith.constant 0 : i32
        %ge3A_443 = vector.broadcast %ge3A_442 : i32 to vector<16xi32>
        %ge3A_444 = arith.cmpi sge, %sub3A_426, %ge3A_443 : vector<16xi32>
        %and3A_445 = arith.andi %and3A_441, %ge3A_444 : vector<16xi1>
        %ge3A_446 = arith.constant 0 : i32
        %ge3A_447 = vector.broadcast %ge3A_446 : i32 to vector<16xi32>
        %ge3A_448 = arith.cmpi sge, %sub3A_429, %ge3A_447 : vector<16xi32>
        %and3A_449 = arith.andi %and3A_445, %ge3A_448 : vector<16xi1>
        %lt3A_450 = arith.constant 128 : i32
        %lt3A_451 = vector.broadcast %lt3A_450 : i32 to vector<16xi32>
        %lt3A_452 = arith.cmpi slt, %sub3A_423, %lt3A_451 : vector<16xi32>
        %and3A_453 = arith.andi %and3A_449, %lt3A_452 : vector<16xi1>
        %lt3A_454 = arith.constant 128 : i32
        %lt3A_455 = vector.broadcast %lt3A_454 : i32 to vector<16xi32>
        %lt3A_456 = arith.cmpi slt, %sub3A_426, %lt3A_455 : vector<16xi32>
        %and3A_457 = arith.andi %and3A_453, %lt3A_456 : vector<16xi1>
        %lt3A_458 = arith.constant 128 : i32
        %lt3A_459 = vector.broadcast %lt3A_458 : i32 to vector<16xi32>
        %lt3A_460 = arith.cmpi slt, %sub3A_429, %lt3A_459 : vector<16xi32>
        %and3A_461 = arith.andi %and3A_457, %lt3A_460 : vector<16xi1>
        %shift_right_arithmetic3A_462 = arith.constant 1 : i32
        %shift_right_arithmetic3A_463 = vector.broadcast %shift_right_arithmetic3A_462 : i32 to vector<16xi32>
        %shift_right_arithmetic3A_464 = arith.shrsi %sub3A_423, %shift_right_arithmetic3A_463 : vector<16xi32>
        %mul3A_465 = arith.constant 64 : i32
        %mul3A_466 = vector.broadcast %mul3A_465 : i32 to vector<16xi32>
        %mul3A_467 = arith.muli %shift_right_arithmetic3A_464, %mul3A_466 : vector<16xi32>
        %shift_right_arithmetic3A_468 = arith.constant 1 : i32
        %shift_right_arithmetic3A_469 = vector.broadcast %shift_right_arithmetic3A_468 : i32 to vector<16xi32>
        %shift_right_arithmetic3A_470 = arith.shrsi %sub3A_426, %shift_right_arithmetic3A_469 : vector<16xi32>
        %add3A_471 = arith.addi %mul3A_467, %shift_right_arithmetic3A_470 : vector<16xi32>
        %mul3A_472 = arith.constant 64 : i32
        %mul3A_473 = vector.broadcast %mul3A_472 : i32 to vector<16xi32>
        %mul3A_474 = arith.muli %add3A_471, %mul3A_473 : vector<16xi32>
        %shift_right_arithmetic3A_475 = arith.constant 1 : i32
        %shift_right_arithmetic3A_476 = vector.broadcast %shift_right_arithmetic3A_475 : i32 to vector<16xi32>
        %shift_right_arithmetic3A_477 = arith.shrsi %sub3A_429, %shift_right_arithmetic3A_476 : vector<16xi32>
        %add3A_478 = arith.addi %mul3A_474, %shift_right_arithmetic3A_477 : vector<16xi32>
        %jit3A_479 = arith.constant 262144 : i32
        %broadcast_in_dim3A_480 = vector.broadcast %jit3A_479 : i32 to vector<16xi32>
        %select_n3A_481 = arith.select %and3A_461, %add3A_478, %broadcast_in_dim3A_480 : vector<16xi1>, vector<16xi32>
        %mul3A_482 = arith.constant 16 : i32
        %mul3A_483 = arith.muli %scan3A_71, %mul3A_482 : i32
        %add3A_484 = arith.constant 2240 : i32
        %add3A_485 = arith.addi %add3A_484, %mul3A_483 : i32
        %swap3A_486 = arith.index_cast %add3A_485 : i32 to index
        %swap3A_487 = tpu.vector_load %arg18[%swap3A_486] {strides = array<i32>} : memref<12096xi32, #tpu.memory_space<vmem>>, vector<16xi32>,
        %swap3A_488 = vector.shape_cast %swap3A_487 : vector<16xi32> to vector<16xi32>
        %swap3A_489 = vector.shape_cast %select_n3A_481 : vector<16xi32> to vector<16xi32>
        tpu.vector_store %arg18[%swap3A_486], %swap3A_489 {strides = array<i32>} : memref<12096xi32, #tpu.memory_space<vmem>>, vector<16xi32>,
        %sub3A_490 = arith.constant -1 : i32
        %sub3A_491 = vector.broadcast %sub3A_490 : i32 to vector<16xi32>
        %sub3A_492 = arith.subi %get3A_76, %sub3A_491 : vector<16xi32>
        %sub3A_493 = arith.constant 1 : i32
        %sub3A_494 = vector.broadcast %sub3A_493 : i32 to vector<16xi32>
        %sub3A_495 = arith.subi %get3A_81, %sub3A_494 : vector<16xi32>
        %sub3A_496 = arith.constant -1 : i32
        %sub3A_497 = vector.broadcast %sub3A_496 : i32 to vector<16xi32>
        %sub3A_498 = arith.subi %get3A_86, %sub3A_497 : vector<16xi32>
        %or3A_499 = arith.ori %sub3A_492, %sub3A_495 : vector<16xi32>
        %or3A_500 = arith.ori %or3A_499, %sub3A_498 : vector<16xi32>
        %and3A_501 = arith.constant 1 : i32
        %and3A_502 = vector.broadcast %and3A_501 : i32 to vector<16xi32>
        %and3A_503 = arith.andi %or3A_500, %and3A_502 : vector<16xi32>
        %eq3A_504 = arith.constant 0 : i32
        %eq3A_505 = vector.broadcast %eq3A_504 : i32 to vector<16xi32>
        %eq3A_506 = arith.cmpi eq, %and3A_503, %eq3A_505 : vector<16xi32>
        %ge3A_507 = arith.constant 0 : i32
        %ge3A_508 = vector.broadcast %ge3A_507 : i32 to vector<16xi32>
        %ge3A_509 = arith.cmpi sge, %sub3A_492, %ge3A_508 : vector<16xi32>
        %and3A_510 = arith.andi %eq3A_506, %ge3A_509 : vector<16xi1>
        %ge3A_511 = arith.constant 0 : i32
        %ge3A_512 = vector.broadcast %ge3A_511 : i32 to vector<16xi32>
        %ge3A_513 = arith.cmpi sge, %sub3A_495, %ge3A_512 : vector<16xi32>
        %and3A_514 = arith.andi %and3A_510, %ge3A_513 : vector<16xi1>
        %ge3A_515 = arith.constant 0 : i32
        %ge3A_516 = vector.broadcast %ge3A_515 : i32 to vector<16xi32>
        %ge3A_517 = arith.cmpi sge, %sub3A_498, %ge3A_516 : vector<16xi32>
        %and3A_518 = arith.andi %and3A_514, %ge3A_517 : vector<16xi1>
        %lt3A_519 = arith.constant 128 : i32
        %lt3A_520 = vector.broadcast %lt3A_519 : i32 to vector<16xi32>
        %lt3A_521 = arith.cmpi slt, %sub3A_492, %lt3A_520 : vector<16xi32>
        %and3A_522 = arith.andi %and3A_518, %lt3A_521 : vector<16xi1>
        %lt3A_523 = arith.constant 128 : i32
        %lt3A_524 = vector.broadcast %lt3A_523 : i32 to vector<16xi32>
        %lt3A_525 = arith.cmpi slt, %sub3A_495, %lt3A_524 : vector<16xi32>
        %and3A_526 = arith.andi %and3A_522, %lt3A_525 : vector<16xi1>
        %lt3A_527 = arith.constant 128 : i32
        %lt3A_528 = vector.broadcast %lt3A_527 : i32 to vector<16xi32>
        %lt3A_529 = arith.cmpi slt, %sub3A_498, %lt3A_528 : vector<16xi32>
        %and3A_530 = arith.andi %and3A_526, %lt3A_529 : vector<16xi1>
        %shift_right_arithmetic3A_531 = arith.constant 1 : i32
        %shift_right_arithmetic3A_532 = vector.broadcast %shift_right_arithmetic3A_531 : i32 to vector<16xi32>
        %shift_right_arithmetic3A_533 = arith.shrsi %sub3A_492, %shift_right_arithmetic3A_532 : vector<16xi32>
        %mul3A_534 = arith.constant 64 : i32
        %mul3A_535 = vector.broadcast %mul3A_534 : i32 to vector<16xi32>
        %mul3A_536 = arith.muli %shift_right_arithmetic3A_533, %mul3A_535 : vector<16xi32>
        %shift_right_arithmetic3A_537 = arith.constant 1 : i32
        %shift_right_arithmetic3A_538 = vector.broadcast %shift_right_arithmetic3A_537 : i32 to vector<16xi32>
        %shift_right_arithmetic3A_539 = arith.shrsi %sub3A_495, %shift_right_arithmetic3A_538 : vector<16xi32>
        %add3A_540 = arith.addi %mul3A_536, %shift_right_arithmetic3A_539 : vector<16xi32>
        %mul3A_541 = arith.constant 64 : i32
        %mul3A_542 = vector.broadcast %mul3A_541 : i32 to vector<16xi32>
        %mul3A_543 = arith.muli %add3A_540, %mul3A_542 : vector<16xi32>
        %shift_right_arithmetic3A_544 = arith.constant 1 : i32
        %shift_right_arithmetic3A_545 = vector.broadcast %shift_right_arithmetic3A_544 : i32 to vector<16xi32>
        %shift_right_arithmetic3A_546 = arith.shrsi %sub3A_498, %shift_right_arithmetic3A_545 : vector<16xi32>
        %add3A_547 = arith.addi %mul3A_543, %shift_right_arithmetic3A_546 : vector<16xi32>
        %jit3A_548 = arith.constant 262144 : i32
        %broadcast_in_dim3A_549 = vector.broadcast %jit3A_548 : i32 to vector<16xi32>
        %select_n3A_550 = arith.select %and3A_530, %add3A_547, %broadcast_in_dim3A_549 : vector<16xi1>, vector<16xi32>
        %mul3A_551 = arith.constant 16 : i32
        %mul3A_552 = arith.muli %scan3A_71, %mul3A_551 : i32
        %add3A_553 = arith.constant 2688 : i32
        %add3A_554 = arith.addi %add3A_553, %mul3A_552 : i32
        %swap3A_555 = arith.index_cast %add3A_554 : i32 to index
        %swap3A_556 = tpu.vector_load %arg18[%swap3A_555] {strides = array<i32>} : memref<12096xi32, #tpu.memory_space<vmem>>, vector<16xi32>,
        %swap3A_557 = vector.shape_cast %swap3A_556 : vector<16xi32> to vector<16xi32>
        %swap3A_558 = vector.shape_cast %select_n3A_550 : vector<16xi32> to vector<16xi32>
        tpu.vector_store %arg18[%swap3A_555], %swap3A_558 {strides = array<i32>} : memref<12096xi32, #tpu.memory_space<vmem>>, vector<16xi32>,
        %sub3A_559 = arith.constant -1 : i32
        %sub3A_560 = vector.broadcast %sub3A_559 : i32 to vector<16xi32>
        %sub3A_561 = arith.subi %get3A_76, %sub3A_560 : vector<16xi32>
        %sub3A_562 = arith.constant 1 : i32
        %sub3A_563 = vector.broadcast %sub3A_562 : i32 to vector<16xi32>
        %sub3A_564 = arith.subi %get3A_81, %sub3A_563 : vector<16xi32>
        %sub3A_565 = arith.constant 0 : i32
        %sub3A_566 = vector.broadcast %sub3A_565 : i32 to vector<16xi32>
        %sub3A_567 = arith.subi %get3A_86, %sub3A_566 : vector<16xi32>
        %or3A_568 = arith.ori %sub3A_561, %sub3A_564 : vector<16xi32>
        %or3A_569 = arith.ori %or3A_568, %sub3A_567 : vector<16xi32>
        %and3A_570 = arith.constant 1 : i32
        %and3A_571 = vector.broadcast %and3A_570 : i32 to vector<16xi32>
        %and3A_572 = arith.andi %or3A_569, %and3A_571 : vector<16xi32>
        %eq3A_573 = arith.constant 0 : i32
        %eq3A_574 = vector.broadcast %eq3A_573 : i32 to vector<16xi32>
        %eq3A_575 = arith.cmpi eq, %and3A_572, %eq3A_574 : vector<16xi32>
        %ge3A_576 = arith.constant 0 : i32
        %ge3A_577 = vector.broadcast %ge3A_576 : i32 to vector<16xi32>
        %ge3A_578 = arith.cmpi sge, %sub3A_561, %ge3A_577 : vector<16xi32>
        %and3A_579 = arith.andi %eq3A_575, %ge3A_578 : vector<16xi1>
        %ge3A_580 = arith.constant 0 : i32
        %ge3A_581 = vector.broadcast %ge3A_580 : i32 to vector<16xi32>
        %ge3A_582 = arith.cmpi sge, %sub3A_564, %ge3A_581 : vector<16xi32>
        %and3A_583 = arith.andi %and3A_579, %ge3A_582 : vector<16xi1>
        %ge3A_584 = arith.constant 0 : i32
        %ge3A_585 = vector.broadcast %ge3A_584 : i32 to vector<16xi32>
        %ge3A_586 = arith.cmpi sge, %sub3A_567, %ge3A_585 : vector<16xi32>
        %and3A_587 = arith.andi %and3A_583, %ge3A_586 : vector<16xi1>
        %lt3A_588 = arith.constant 128 : i32
        %lt3A_589 = vector.broadcast %lt3A_588 : i32 to vector<16xi32>
        %lt3A_590 = arith.cmpi slt, %sub3A_561, %lt3A_589 : vector<16xi32>
        %and3A_591 = arith.andi %and3A_587, %lt3A_590 : vector<16xi1>
        %lt3A_592 = arith.constant 128 : i32
        %lt3A_593 = vector.broadcast %lt3A_592 : i32 to vector<16xi32>
        %lt3A_594 = arith.cmpi slt, %sub3A_564, %lt3A_593 : vector<16xi32>
        %and3A_595 = arith.andi %and3A_591, %lt3A_594 : vector<16xi1>
        %lt3A_596 = arith.constant 128 : i32
        %lt3A_597 = vector.broadcast %lt3A_596 : i32 to vector<16xi32>
        %lt3A_598 = arith.cmpi slt, %sub3A_567, %lt3A_597 : vector<16xi32>
        %and3A_599 = arith.andi %and3A_595, %lt3A_598 : vector<16xi1>
        %shift_right_arithmetic3A_600 = arith.constant 1 : i32
        %shift_right_arithmetic3A_601 = vector.broadcast %shift_right_arithmetic3A_600 : i32 to vector<16xi32>
        %shift_right_arithmetic3A_602 = arith.shrsi %sub3A_561, %shift_right_arithmetic3A_601 : vector<16xi32>
        %mul3A_603 = arith.constant 64 : i32
        %mul3A_604 = vector.broadcast %mul3A_603 : i32 to vector<16xi32>
        %mul3A_605 = arith.muli %shift_right_arithmetic3A_602, %mul3A_604 : vector<16xi32>
        %shift_right_arithmetic3A_606 = arith.constant 1 : i32
        %shift_right_arithmetic3A_607 = vector.broadcast %shift_right_arithmetic3A_606 : i32 to vector<16xi32>
        %shift_right_arithmetic3A_608 = arith.shrsi %sub3A_564, %shift_right_arithmetic3A_607 : vector<16xi32>
        %add3A_609 = arith.addi %mul3A_605, %shift_right_arithmetic3A_608 : vector<16xi32>
        %mul3A_610 = arith.constant 64 : i32
        %mul3A_611 = vector.broadcast %mul3A_610 : i32 to vector<16xi32>
        %mul3A_612 = arith.muli %add3A_609, %mul3A_611 : vector<16xi32>
        %shift_right_arithmetic3A_613 = arith.constant 1 : i32
        %shift_right_arithmetic3A_614 = vector.broadcast %shift_right_arithmetic3A_613 : i32 to vector<16xi32>
        %shift_right_arithmetic3A_615 = arith.shrsi %sub3A_567, %shift_right_arithmetic3A_614 : vector<16xi32>
        %add3A_616 = arith.addi %mul3A_612, %shift_right_arithmetic3A_615 : vector<16xi32>
        %jit3A_617 = arith.constant 262144 : i32
        %broadcast_in_dim3A_618 = vector.broadcast %jit3A_617 : i32 to vector<16xi32>
        %select_n3A_619 = arith.select %and3A_599, %add3A_616, %broadcast_in_dim3A_618 : vector<16xi1>, vector<16xi32>
        %mul3A_620 = arith.constant 16 : i32
        %mul3A_621 = arith.muli %scan3A_71, %mul3A_620 : i32
        %add3A_622 = arith.constant 3136 : i32
        %add3A_623 = arith.addi %add3A_622, %mul3A_621 : i32
        %swap3A_624 = arith.index_cast %add3A_623 : i32 to index
        %swap3A_625 = tpu.vector_load %arg18[%swap3A_624] {strides = array<i32>} : memref<12096xi32, #tpu.memory_space<vmem>>, vector<16xi32>,
        %swap3A_626 = vector.shape_cast %swap3A_625 : vector<16xi32> to vector<16xi32>
        %swap3A_627 = vector.shape_cast %select_n3A_619 : vector<16xi32> to vector<16xi32>
        tpu.vector_store %arg18[%swap3A_624], %swap3A_627 {strides = array<i32>} : memref<12096xi32, #tpu.memory_space<vmem>>, vector<16xi32>,
        %sub3A_628 = arith.constant -1 : i32
        %sub3A_629 = vector.broadcast %sub3A_628 : i32 to vector<16xi32>
        %sub3A_630 = arith.subi %get3A_76, %sub3A_629 : vector<16xi32>
        %sub3A_631 = arith.constant 1 : i32
        %sub3A_632 = vector.broadcast %sub3A_631 : i32 to vector<16xi32>
        %sub3A_633 = arith.subi %get3A_81, %sub3A_632 : vector<16xi32>
        %sub3A_634 = arith.constant 1 : i32
        %sub3A_635 = vector.broadcast %sub3A_634 : i32 to vector<16xi32>
        %sub3A_636 = arith.subi %get3A_86, %sub3A_635 : vector<16xi32>
        %or3A_637 = arith.ori %sub3A_630, %sub3A_633 : vector<16xi32>
        %or3A_638 = arith.ori %or3A_637, %sub3A_636 : vector<16xi32>
        %and3A_639 = arith.constant 1 : i32
        %and3A_640 = vector.broadcast %and3A_639 : i32 to vector<16xi32>
        %and3A_641 = arith.andi %or3A_638, %and3A_640 : vector<16xi32>
        %eq3A_642 = arith.constant 0 : i32
        %eq3A_643 = vector.broadcast %eq3A_642 : i32 to vector<16xi32>
        %eq3A_644 = arith.cmpi eq, %and3A_641, %eq3A_643 : vector<16xi32>
        %ge3A_645 = arith.constant 0 : i32
        %ge3A_646 = vector.broadcast %ge3A_645 : i32 to vector<16xi32>
        %ge3A_647 = arith.cmpi sge, %sub3A_630, %ge3A_646 : vector<16xi32>
        %and3A_648 = arith.andi %eq3A_644, %ge3A_647 : vector<16xi1>
        %ge3A_649 = arith.constant 0 : i32
        %ge3A_650 = vector.broadcast %ge3A_649 : i32 to vector<16xi32>
        %ge3A_651 = arith.cmpi sge, %sub3A_633, %ge3A_650 : vector<16xi32>
        %and3A_652 = arith.andi %and3A_648, %ge3A_651 : vector<16xi1>
        %ge3A_653 = arith.constant 0 : i32
        %ge3A_654 = vector.broadcast %ge3A_653 : i32 to vector<16xi32>
        %ge3A_655 = arith.cmpi sge, %sub3A_636, %ge3A_654 : vector<16xi32>
        %and3A_656 = arith.andi %and3A_652, %ge3A_655 : vector<16xi1>
        %lt3A_657 = arith.constant 128 : i32
        %lt3A_658 = vector.broadcast %lt3A_657 : i32 to vector<16xi32>
        %lt3A_659 = arith.cmpi slt, %sub3A_630, %lt3A_658 : vector<16xi32>
        %and3A_660 = arith.andi %and3A_656, %lt3A_659 : vector<16xi1>
        %lt3A_661 = arith.constant 128 : i32
        %lt3A_662 = vector.broadcast %lt3A_661 : i32 to vector<16xi32>
        %lt3A_663 = arith.cmpi slt, %sub3A_633, %lt3A_662 : vector<16xi32>
        %and3A_664 = arith.andi %and3A_660, %lt3A_663 : vector<16xi1>
        %lt3A_665 = arith.constant 128 : i32
        %lt3A_666 = vector.broadcast %lt3A_665 : i32 to vector<16xi32>
        %lt3A_667 = arith.cmpi slt, %sub3A_636, %lt3A_666 : vector<16xi32>
        %and3A_668 = arith.andi %and3A_664, %lt3A_667 : vector<16xi1>
        %shift_right_arithmetic3A_669 = arith.constant 1 : i32
        %shift_right_arithmetic3A_670 = vector.broadcast %shift_right_arithmetic3A_669 : i32 to vector<16xi32>
        %shift_right_arithmetic3A_671 = arith.shrsi %sub3A_630, %shift_right_arithmetic3A_670 : vector<16xi32>
        %mul3A_672 = arith.constant 64 : i32
        %mul3A_673 = vector.broadcast %mul3A_672 : i32 to vector<16xi32>
        %mul3A_674 = arith.muli %shift_right_arithmetic3A_671, %mul3A_673 : vector<16xi32>
        %shift_right_arithmetic3A_675 = arith.constant 1 : i32
        %shift_right_arithmetic3A_676 = vector.broadcast %shift_right_arithmetic3A_675 : i32 to vector<16xi32>
        %shift_right_arithmetic3A_677 = arith.shrsi %sub3A_633, %shift_right_arithmetic3A_676 : vector<16xi32>
        %add3A_678 = arith.addi %mul3A_674, %shift_right_arithmetic3A_677 : vector<16xi32>
        %mul3A_679 = arith.constant 64 : i32
        %mul3A_680 = vector.broadcast %mul3A_679 : i32 to vector<16xi32>
        %mul3A_681 = arith.muli %add3A_678, %mul3A_680 : vector<16xi32>
        %shift_right_arithmetic3A_682 = arith.constant 1 : i32
        %shift_right_arithmetic3A_683 = vector.broadcast %shift_right_arithmetic3A_682 : i32 to vector<16xi32>
        %shift_right_arithmetic3A_684 = arith.shrsi %sub3A_636, %shift_right_arithmetic3A_683 : vector<16xi32>
        %add3A_685 = arith.addi %mul3A_681, %shift_right_arithmetic3A_684 : vector<16xi32>
        %jit3A_686 = arith.constant 262144 : i32
        %broadcast_in_dim3A_687 = vector.broadcast %jit3A_686 : i32 to vector<16xi32>
        %select_n3A_688 = arith.select %and3A_668, %add3A_685, %broadcast_in_dim3A_687 : vector<16xi1>, vector<16xi32>
        %mul3A_689 = arith.constant 16 : i32
        %mul3A_690 = arith.muli %scan3A_71, %mul3A_689 : i32
        %add3A_691 = arith.constant 3584 : i32
        %add3A_692 = arith.addi %add3A_691, %mul3A_690 : i32
        %swap3A_693 = arith.index_cast %add3A_692 : i32 to index
        %swap3A_694 = tpu.vector_load %arg18[%swap3A_693] {strides = array<i32>} : memref<12096xi32, #tpu.memory_space<vmem>>, vector<16xi32>,
        %swap3A_695 = vector.shape_cast %swap3A_694 : vector<16xi32> to vector<16xi32>
        %swap3A_696 = vector.shape_cast %select_n3A_688 : vector<16xi32> to vector<16xi32>
        tpu.vector_store %arg18[%swap3A_693], %swap3A_696 {strides = array<i32>} : memref<12096xi32, #tpu.memory_space<vmem>>, vector<16xi32>,
        %sub3A_697 = arith.constant 0 : i32
        %sub3A_698 = vector.broadcast %sub3A_697 : i32 to vector<16xi32>
        %sub3A_699 = arith.subi %get3A_76, %sub3A_698 : vector<16xi32>
        %sub3A_700 = arith.constant -1 : i32
        %sub3A_701 = vector.broadcast %sub3A_700 : i32 to vector<16xi32>
        %sub3A_702 = arith.subi %get3A_81, %sub3A_701 : vector<16xi32>
        %sub3A_703 = arith.constant -1 : i32
        %sub3A_704 = vector.broadcast %sub3A_703 : i32 to vector<16xi32>
        %sub3A_705 = arith.subi %get3A_86, %sub3A_704 : vector<16xi32>
        %or3A_706 = arith.ori %sub3A_699, %sub3A_702 : vector<16xi32>
        %or3A_707 = arith.ori %or3A_706, %sub3A_705 : vector<16xi32>
        %and3A_708 = arith.constant 1 : i32
        %and3A_709 = vector.broadcast %and3A_708 : i32 to vector<16xi32>
        %and3A_710 = arith.andi %or3A_707, %and3A_709 : vector<16xi32>
        %eq3A_711 = arith.constant 0 : i32
        %eq3A_712 = vector.broadcast %eq3A_711 : i32 to vector<16xi32>
        %eq3A_713 = arith.cmpi eq, %and3A_710, %eq3A_712 : vector<16xi32>
        %ge3A_714 = arith.constant 0 : i32
        %ge3A_715 = vector.broadcast %ge3A_714 : i32 to vector<16xi32>
        %ge3A_716 = arith.cmpi sge, %sub3A_699, %ge3A_715 : vector<16xi32>
        %and3A_717 = arith.andi %eq3A_713, %ge3A_716 : vector<16xi1>
        %ge3A_718 = arith.constant 0 : i32
        %ge3A_719 = vector.broadcast %ge3A_718 : i32 to vector<16xi32>
        %ge3A_720 = arith.cmpi sge, %sub3A_702, %ge3A_719 : vector<16xi32>
        %and3A_721 = arith.andi %and3A_717, %ge3A_720 : vector<16xi1>
        %ge3A_722 = arith.constant 0 : i32
        %ge3A_723 = vector.broadcast %ge3A_722 : i32 to vector<16xi32>
        %ge3A_724 = arith.cmpi sge, %sub3A_705, %ge3A_723 : vector<16xi32>
        %and3A_725 = arith.andi %and3A_721, %ge3A_724 : vector<16xi1>
        %lt3A_726 = arith.constant 128 : i32
        %lt3A_727 = vector.broadcast %lt3A_726 : i32 to vector<16xi32>
        %lt3A_728 = arith.cmpi slt, %sub3A_699, %lt3A_727 : vector<16xi32>
        %and3A_729 = arith.andi %and3A_725, %lt3A_728 : vector<16xi1>
        %lt3A_730 = arith.constant 128 : i32
        %lt3A_731 = vector.broadcast %lt3A_730 : i32 to vector<16xi32>
        %lt3A_732 = arith.cmpi slt, %sub3A_702, %lt3A_731 : vector<16xi32>
        %and3A_733 = arith.andi %and3A_729, %lt3A_732 : vector<16xi1>
        %lt3A_734 = arith.constant 128 : i32
        %lt3A_735 = vector.broadcast %lt3A_734 : i32 to vector<16xi32>
        %lt3A_736 = arith.cmpi slt, %sub3A_705, %lt3A_735 : vector<16xi32>
        %and3A_737 = arith.andi %and3A_733, %lt3A_736 : vector<16xi1>
        %shift_right_arithmetic3A_738 = arith.constant 1 : i32
        %shift_right_arithmetic3A_739 = vector.broadcast %shift_right_arithmetic3A_738 : i32 to vector<16xi32>
        %shift_right_arithmetic3A_740 = arith.shrsi %sub3A_699, %shift_right_arithmetic3A_739 : vector<16xi32>
        %mul3A_741 = arith.constant 64 : i32
        %mul3A_742 = vector.broadcast %mul3A_741 : i32 to vector<16xi32>
        %mul3A_743 = arith.muli %shift_right_arithmetic3A_740, %mul3A_742 : vector<16xi32>
        %shift_right_arithmetic3A_744 = arith.constant 1 : i32
        %shift_right_arithmetic3A_745 = vector.broadcast %shift_right_arithmetic3A_744 : i32 to vector<16xi32>
        %shift_right_arithmetic3A_746 = arith.shrsi %sub3A_702, %shift_right_arithmetic3A_745 : vector<16xi32>
        %add3A_747 = arith.addi %mul3A_743, %shift_right_arithmetic3A_746 : vector<16xi32>
        %mul3A_748 = arith.constant 64 : i32
        %mul3A_749 = vector.broadcast %mul3A_748 : i32 to vector<16xi32>
        %mul3A_750 = arith.muli %add3A_747, %mul3A_749 : vector<16xi32>
        %shift_right_arithmetic3A_751 = arith.constant 1 : i32
        %shift_right_arithmetic3A_752 = vector.broadcast %shift_right_arithmetic3A_751 : i32 to vector<16xi32>
        %shift_right_arithmetic3A_753 = arith.shrsi %sub3A_705, %shift_right_arithmetic3A_752 : vector<16xi32>
        %add3A_754 = arith.addi %mul3A_750, %shift_right_arithmetic3A_753 : vector<16xi32>
        %jit3A_755 = arith.constant 262144 : i32
        %broadcast_in_dim3A_756 = vector.broadcast %jit3A_755 : i32 to vector<16xi32>
        %select_n3A_757 = arith.select %and3A_737, %add3A_754, %broadcast_in_dim3A_756 : vector<16xi1>, vector<16xi32>
        %mul3A_758 = arith.constant 16 : i32
        %mul3A_759 = arith.muli %scan3A_71, %mul3A_758 : i32
        %add3A_760 = arith.constant 4032 : i32
        %add3A_761 = arith.addi %add3A_760, %mul3A_759 : i32
        %swap3A_762 = arith.index_cast %add3A_761 : i32 to index
        %swap3A_763 = tpu.vector_load %arg18[%swap3A_762] {strides = array<i32>} : memref<12096xi32, #tpu.memory_space<vmem>>, vector<16xi32>,
        %swap3A_764 = vector.shape_cast %swap3A_763 : vector<16xi32> to vector<16xi32>
        %swap3A_765 = vector.shape_cast %select_n3A_757 : vector<16xi32> to vector<16xi32>
        tpu.vector_store %arg18[%swap3A_762], %swap3A_765 {strides = array<i32>} : memref<12096xi32, #tpu.memory_space<vmem>>, vector<16xi32>,
        %sub3A_766 = arith.constant 0 : i32
        %sub3A_767 = vector.broadcast %sub3A_766 : i32 to vector<16xi32>
        %sub3A_768 = arith.subi %get3A_76, %sub3A_767 : vector<16xi32>
        %sub3A_769 = arith.constant -1 : i32
        %sub3A_770 = vector.broadcast %sub3A_769 : i32 to vector<16xi32>
        %sub3A_771 = arith.subi %get3A_81, %sub3A_770 : vector<16xi32>
        %sub3A_772 = arith.constant 0 : i32
        %sub3A_773 = vector.broadcast %sub3A_772 : i32 to vector<16xi32>
        %sub3A_774 = arith.subi %get3A_86, %sub3A_773 : vector<16xi32>
        %or3A_775 = arith.ori %sub3A_768, %sub3A_771 : vector<16xi32>
        %or3A_776 = arith.ori %or3A_775, %sub3A_774 : vector<16xi32>
        %and3A_777 = arith.constant 1 : i32
        %and3A_778 = vector.broadcast %and3A_777 : i32 to vector<16xi32>
        %and3A_779 = arith.andi %or3A_776, %and3A_778 : vector<16xi32>
        %eq3A_780 = arith.constant 0 : i32
        %eq3A_781 = vector.broadcast %eq3A_780 : i32 to vector<16xi32>
        %eq3A_782 = arith.cmpi eq, %and3A_779, %eq3A_781 : vector<16xi32>
        %ge3A_783 = arith.constant 0 : i32
        %ge3A_784 = vector.broadcast %ge3A_783 : i32 to vector<16xi32>
        %ge3A_785 = arith.cmpi sge, %sub3A_768, %ge3A_784 : vector<16xi32>
        %and3A_786 = arith.andi %eq3A_782, %ge3A_785 : vector<16xi1>
        %ge3A_787 = arith.constant 0 : i32
        %ge3A_788 = vector.broadcast %ge3A_787 : i32 to vector<16xi32>
        %ge3A_789 = arith.cmpi sge, %sub3A_771, %ge3A_788 : vector<16xi32>
        %and3A_790 = arith.andi %and3A_786, %ge3A_789 : vector<16xi1>
        %ge3A_791 = arith.constant 0 : i32
        %ge3A_792 = vector.broadcast %ge3A_791 : i32 to vector<16xi32>
        %ge3A_793 = arith.cmpi sge, %sub3A_774, %ge3A_792 : vector<16xi32>
        %and3A_794 = arith.andi %and3A_790, %ge3A_793 : vector<16xi1>
        %lt3A_795 = arith.constant 128 : i32
        %lt3A_796 = vector.broadcast %lt3A_795 : i32 to vector<16xi32>
        %lt3A_797 = arith.cmpi slt, %sub3A_768, %lt3A_796 : vector<16xi32>
        %and3A_798 = arith.andi %and3A_794, %lt3A_797 : vector<16xi1>
        %lt3A_799 = arith.constant 128 : i32
        %lt3A_800 = vector.broadcast %lt3A_799 : i32 to vector<16xi32>
        %lt3A_801 = arith.cmpi slt, %sub3A_771, %lt3A_800 : vector<16xi32>
        %and3A_802 = arith.andi %and3A_798, %lt3A_801 : vector<16xi1>
        %lt3A_803 = arith.constant 128 : i32
        %lt3A_804 = vector.broadcast %lt3A_803 : i32 to vector<16xi32>
        %lt3A_805 = arith.cmpi slt, %sub3A_774, %lt3A_804 : vector<16xi32>
        %and3A_806 = arith.andi %and3A_802, %lt3A_805 : vector<16xi1>
        %shift_right_arithmetic3A_807 = arith.constant 1 : i32
        %shift_right_arithmetic3A_808 = vector.broadcast %shift_right_arithmetic3A_807 : i32 to vector<16xi32>
        %shift_right_arithmetic3A_809 = arith.shrsi %sub3A_768, %shift_right_arithmetic3A_808 : vector<16xi32>
        %mul3A_810 = arith.constant 64 : i32
        %mul3A_811 = vector.broadcast %mul3A_810 : i32 to vector<16xi32>
        %mul3A_812 = arith.muli %shift_right_arithmetic3A_809, %mul3A_811 : vector<16xi32>
        %shift_right_arithmetic3A_813 = arith.constant 1 : i32
        %shift_right_arithmetic3A_814 = vector.broadcast %shift_right_arithmetic3A_813 : i32 to vector<16xi32>
        %shift_right_arithmetic3A_815 = arith.shrsi %sub3A_771, %shift_right_arithmetic3A_814 : vector<16xi32>
        %add3A_816 = arith.addi %mul3A_812, %shift_right_arithmetic3A_815 : vector<16xi32>
        %mul3A_817 = arith.constant 64 : i32
        %mul3A_818 = vector.broadcast %mul3A_817 : i32 to vector<16xi32>
        %mul3A_819 = arith.muli %add3A_816, %mul3A_818 : vector<16xi32>
        %shift_right_arithmetic3A_820 = arith.constant 1 : i32
        %shift_right_arithmetic3A_821 = vector.broadcast %shift_right_arithmetic3A_820 : i32 to vector<16xi32>
        %shift_right_arithmetic3A_822 = arith.shrsi %sub3A_774, %shift_right_arithmetic3A_821 : vector<16xi32>
        %add3A_823 = arith.addi %mul3A_819, %shift_right_arithmetic3A_822 : vector<16xi32>
        %jit3A_824 = arith.constant 262144 : i32
        %broadcast_in_dim3A_825 = vector.broadcast %jit3A_824 : i32 to vector<16xi32>
        %select_n3A_826 = arith.select %and3A_806, %add3A_823, %broadcast_in_dim3A_825 : vector<16xi1>, vector<16xi32>
        %mul3A_827 = arith.constant 16 : i32
        %mul3A_828 = arith.muli %scan3A_71, %mul3A_827 : i32
        %add3A_829 = arith.constant 4480 : i32
        %add3A_830 = arith.addi %add3A_829, %mul3A_828 : i32
        %swap3A_831 = arith.index_cast %add3A_830 : i32 to index
        %swap3A_832 = tpu.vector_load %arg18[%swap3A_831] {strides = array<i32>} : memref<12096xi32, #tpu.memory_space<vmem>>, vector<16xi32>,
        %swap3A_833 = vector.shape_cast %swap3A_832 : vector<16xi32> to vector<16xi32>
        %swap3A_834 = vector.shape_cast %select_n3A_826 : vector<16xi32> to vector<16xi32>
        tpu.vector_store %arg18[%swap3A_831], %swap3A_834 {strides = array<i32>} : memref<12096xi32, #tpu.memory_space<vmem>>, vector<16xi32>,
        %sub3A_835 = arith.constant 0 : i32
        %sub3A_836 = vector.broadcast %sub3A_835 : i32 to vector<16xi32>
        %sub3A_837 = arith.subi %get3A_76, %sub3A_836 : vector<16xi32>
        %sub3A_838 = arith.constant -1 : i32
        %sub3A_839 = vector.broadcast %sub3A_838 : i32 to vector<16xi32>
        %sub3A_840 = arith.subi %get3A_81, %sub3A_839 : vector<16xi32>
        %sub3A_841 = arith.constant 1 : i32
        %sub3A_842 = vector.broadcast %sub3A_841 : i32 to vector<16xi32>
        %sub3A_843 = arith.subi %get3A_86, %sub3A_842 : vector<16xi32>
        %or3A_844 = arith.ori %sub3A_837, %sub3A_840 : vector<16xi32>
        %or3A_845 = arith.ori %or3A_844, %sub3A_843 : vector<16xi32>
        %and3A_846 = arith.constant 1 : i32
        %and3A_847 = vector.broadcast %and3A_846 : i32 to vector<16xi32>
        %and3A_848 = arith.andi %or3A_845, %and3A_847 : vector<16xi32>
        %eq3A_849 = arith.constant 0 : i32
        %eq3A_850 = vector.broadcast %eq3A_849 : i32 to vector<16xi32>
        %eq3A_851 = arith.cmpi eq, %and3A_848, %eq3A_850 : vector<16xi32>
        %ge3A_852 = arith.constant 0 : i32
        %ge3A_853 = vector.broadcast %ge3A_852 : i32 to vector<16xi32>
        %ge3A_854 = arith.cmpi sge, %sub3A_837, %ge3A_853 : vector<16xi32>
        %and3A_855 = arith.andi %eq3A_851, %ge3A_854 : vector<16xi1>
        %ge3A_856 = arith.constant 0 : i32
        %ge3A_857 = vector.broadcast %ge3A_856 : i32 to vector<16xi32>
        %ge3A_858 = arith.cmpi sge, %sub3A_840, %ge3A_857 : vector<16xi32>
        %and3A_859 = arith.andi %and3A_855, %ge3A_858 : vector<16xi1>
        %ge3A_860 = arith.constant 0 : i32
        %ge3A_861 = vector.broadcast %ge3A_860 : i32 to vector<16xi32>
        %ge3A_862 = arith.cmpi sge, %sub3A_843, %ge3A_861 : vector<16xi32>
        %and3A_863 = arith.andi %and3A_859, %ge3A_862 : vector<16xi1>
        %lt3A_864 = arith.constant 128 : i32
        %lt3A_865 = vector.broadcast %lt3A_864 : i32 to vector<16xi32>
        %lt3A_866 = arith.cmpi slt, %sub3A_837, %lt3A_865 : vector<16xi32>
        %and3A_867 = arith.andi %and3A_863, %lt3A_866 : vector<16xi1>
        %lt3A_868 = arith.constant 128 : i32
        %lt3A_869 = vector.broadcast %lt3A_868 : i32 to vector<16xi32>
        %lt3A_870 = arith.cmpi slt, %sub3A_840, %lt3A_869 : vector<16xi32>
        %and3A_871 = arith.andi %and3A_867, %lt3A_870 : vector<16xi1>
        %lt3A_872 = arith.constant 128 : i32
        %lt3A_873 = vector.broadcast %lt3A_872 : i32 to vector<16xi32>
        %lt3A_874 = arith.cmpi slt, %sub3A_843, %lt3A_873 : vector<16xi32>
        %and3A_875 = arith.andi %and3A_871, %lt3A_874 : vector<16xi1>
        %shift_right_arithmetic3A_876 = arith.constant 1 : i32
        %shift_right_arithmetic3A_877 = vector.broadcast %shift_right_arithmetic3A_876 : i32 to vector<16xi32>
        %shift_right_arithmetic3A_878 = arith.shrsi %sub3A_837, %shift_right_arithmetic3A_877 : vector<16xi32>
        %mul3A_879 = arith.constant 64 : i32
        %mul3A_880 = vector.broadcast %mul3A_879 : i32 to vector<16xi32>
        %mul3A_881 = arith.muli %shift_right_arithmetic3A_878, %mul3A_880 : vector<16xi32>
        %shift_right_arithmetic3A_882 = arith.constant 1 : i32
        %shift_right_arithmetic3A_883 = vector.broadcast %shift_right_arithmetic3A_882 : i32 to vector<16xi32>
        %shift_right_arithmetic3A_884 = arith.shrsi %sub3A_840, %shift_right_arithmetic3A_883 : vector<16xi32>
        %add3A_885 = arith.addi %mul3A_881, %shift_right_arithmetic3A_884 : vector<16xi32>
        %mul3A_886 = arith.constant 64 : i32
        %mul3A_887 = vector.broadcast %mul3A_886 : i32 to vector<16xi32>
        %mul3A_888 = arith.muli %add3A_885, %mul3A_887 : vector<16xi32>
        %shift_right_arithmetic3A_889 = arith.constant 1 : i32
        %shift_right_arithmetic3A_890 = vector.broadcast %shift_right_arithmetic3A_889 : i32 to vector<16xi32>
        %shift_right_arithmetic3A_891 = arith.shrsi %sub3A_843, %shift_right_arithmetic3A_890 : vector<16xi32>
        %add3A_892 = arith.addi %mul3A_888, %shift_right_arithmetic3A_891 : vector<16xi32>
        %jit3A_893 = arith.constant 262144 : i32
        %broadcast_in_dim3A_894 = vector.broadcast %jit3A_893 : i32 to vector<16xi32>
        %select_n3A_895 = arith.select %and3A_875, %add3A_892, %broadcast_in_dim3A_894 : vector<16xi1>, vector<16xi32>
        %mul3A_896 = arith.constant 16 : i32
        %mul3A_897 = arith.muli %scan3A_71, %mul3A_896 : i32
        %add3A_898 = arith.constant 4928 : i32
        %add3A_899 = arith.addi %add3A_898, %mul3A_897 : i32
        %swap3A_900 = arith.index_cast %add3A_899 : i32 to index
        %swap3A_901 = tpu.vector_load %arg18[%swap3A_900] {strides = array<i32>} : memref<12096xi32, #tpu.memory_space<vmem>>, vector<16xi32>,
        %swap3A_902 = vector.shape_cast %swap3A_901 : vector<16xi32> to vector<16xi32>
        %swap3A_903 = vector.shape_cast %select_n3A_895 : vector<16xi32> to vector<16xi32>
        tpu.vector_store %arg18[%swap3A_900], %swap3A_903 {strides = array<i32>} : memref<12096xi32, #tpu.memory_space<vmem>>, vector<16xi32>,
        %sub3A_904 = arith.constant 0 : i32
        %sub3A_905 = vector.broadcast %sub3A_904 : i32 to vector<16xi32>
        %sub3A_906 = arith.subi %get3A_76, %sub3A_905 : vector<16xi32>
        %sub3A_907 = arith.constant 0 : i32
        %sub3A_908 = vector.broadcast %sub3A_907 : i32 to vector<16xi32>
        %sub3A_909 = arith.subi %get3A_81, %sub3A_908 : vector<16xi32>
        %sub3A_910 = arith.constant -1 : i32
        %sub3A_911 = vector.broadcast %sub3A_910 : i32 to vector<16xi32>
        %sub3A_912 = arith.subi %get3A_86, %sub3A_911 : vector<16xi32>
        %or3A_913 = arith.ori %sub3A_906, %sub3A_909 : vector<16xi32>
        %or3A_914 = arith.ori %or3A_913, %sub3A_912 : vector<16xi32>
        %and3A_915 = arith.constant 1 : i32
        %and3A_916 = vector.broadcast %and3A_915 : i32 to vector<16xi32>
        %and3A_917 = arith.andi %or3A_914, %and3A_916 : vector<16xi32>
        %eq3A_918 = arith.constant 0 : i32
        %eq3A_919 = vector.broadcast %eq3A_918 : i32 to vector<16xi32>
        %eq3A_920 = arith.cmpi eq, %and3A_917, %eq3A_919 : vector<16xi32>
        %ge3A_921 = arith.constant 0 : i32
        %ge3A_922 = vector.broadcast %ge3A_921 : i32 to vector<16xi32>
        %ge3A_923 = arith.cmpi sge, %sub3A_906, %ge3A_922 : vector<16xi32>
        %and3A_924 = arith.andi %eq3A_920, %ge3A_923 : vector<16xi1>
        %ge3A_925 = arith.constant 0 : i32
        %ge3A_926 = vector.broadcast %ge3A_925 : i32 to vector<16xi32>
        %ge3A_927 = arith.cmpi sge, %sub3A_909, %ge3A_926 : vector<16xi32>
        %and3A_928 = arith.andi %and3A_924, %ge3A_927 : vector<16xi1>
        %ge3A_929 = arith.constant 0 : i32
        %ge3A_930 = vector.broadcast %ge3A_929 : i32 to vector<16xi32>
        %ge3A_931 = arith.cmpi sge, %sub3A_912, %ge3A_930 : vector<16xi32>
        %and3A_932 = arith.andi %and3A_928, %ge3A_931 : vector<16xi1>
        %lt3A_933 = arith.constant 128 : i32
        %lt3A_934 = vector.broadcast %lt3A_933 : i32 to vector<16xi32>
        %lt3A_935 = arith.cmpi slt, %sub3A_906, %lt3A_934 : vector<16xi32>
        %and3A_936 = arith.andi %and3A_932, %lt3A_935 : vector<16xi1>
        %lt3A_937 = arith.constant 128 : i32
        %lt3A_938 = vector.broadcast %lt3A_937 : i32 to vector<16xi32>
        %lt3A_939 = arith.cmpi slt, %sub3A_909, %lt3A_938 : vector<16xi32>
        %and3A_940 = arith.andi %and3A_936, %lt3A_939 : vector<16xi1>
        %lt3A_941 = arith.constant 128 : i32
        %lt3A_942 = vector.broadcast %lt3A_941 : i32 to vector<16xi32>
        %lt3A_943 = arith.cmpi slt, %sub3A_912, %lt3A_942 : vector<16xi32>
        %and3A_944 = arith.andi %and3A_940, %lt3A_943 : vector<16xi1>
        %shift_right_arithmetic3A_945 = arith.constant 1 : i32
        %shift_right_arithmetic3A_946 = vector.broadcast %shift_right_arithmetic3A_945 : i32 to vector<16xi32>
        %shift_right_arithmetic3A_947 = arith.shrsi %sub3A_906, %shift_right_arithmetic3A_946 : vector<16xi32>
        %mul3A_948 = arith.constant 64 : i32
        %mul3A_949 = vector.broadcast %mul3A_948 : i32 to vector<16xi32>
        %mul3A_950 = arith.muli %shift_right_arithmetic3A_947, %mul3A_949 : vector<16xi32>
        %shift_right_arithmetic3A_951 = arith.constant 1 : i32
        %shift_right_arithmetic3A_952 = vector.broadcast %shift_right_arithmetic3A_951 : i32 to vector<16xi32>
        %shift_right_arithmetic3A_953 = arith.shrsi %sub3A_909, %shift_right_arithmetic3A_952 : vector<16xi32>
        %add3A_954 = arith.addi %mul3A_950, %shift_right_arithmetic3A_953 : vector<16xi32>
        %mul3A_955 = arith.constant 64 : i32
        %mul3A_956 = vector.broadcast %mul3A_955 : i32 to vector<16xi32>
        %mul3A_957 = arith.muli %add3A_954, %mul3A_956 : vector<16xi32>
        %shift_right_arithmetic3A_958 = arith.constant 1 : i32
        %shift_right_arithmetic3A_959 = vector.broadcast %shift_right_arithmetic3A_958 : i32 to vector<16xi32>
        %shift_right_arithmetic3A_960 = arith.shrsi %sub3A_912, %shift_right_arithmetic3A_959 : vector<16xi32>
        %add3A_961 = arith.addi %mul3A_957, %shift_right_arithmetic3A_960 : vector<16xi32>
        %jit3A_962 = arith.constant 262144 : i32
        %broadcast_in_dim3A_963 = vector.broadcast %jit3A_962 : i32 to vector<16xi32>
        %select_n3A_964 = arith.select %and3A_944, %add3A_961, %broadcast_in_dim3A_963 : vector<16xi1>, vector<16xi32>
        %mul3A_965 = arith.constant 16 : i32
        %mul3A_966 = arith.muli %scan3A_71, %mul3A_965 : i32
        %add3A_967 = arith.constant 5376 : i32
        %add3A_968 = arith.addi %add3A_967, %mul3A_966 : i32
        %swap3A_969 = arith.index_cast %add3A_968 : i32 to index
        %swap3A_970 = tpu.vector_load %arg18[%swap3A_969] {strides = array<i32>} : memref<12096xi32, #tpu.memory_space<vmem>>, vector<16xi32>,
        %swap3A_971 = vector.shape_cast %swap3A_970 : vector<16xi32> to vector<16xi32>
        %swap3A_972 = vector.shape_cast %select_n3A_964 : vector<16xi32> to vector<16xi32>
        tpu.vector_store %arg18[%swap3A_969], %swap3A_972 {strides = array<i32>} : memref<12096xi32, #tpu.memory_space<vmem>>, vector<16xi32>,
        %sub3A_973 = arith.constant 0 : i32
        %sub3A_974 = vector.broadcast %sub3A_973 : i32 to vector<16xi32>
        %sub3A_975 = arith.subi %get3A_76, %sub3A_974 : vector<16xi32>
        %sub3A_976 = arith.constant 0 : i32
        %sub3A_977 = vector.broadcast %sub3A_976 : i32 to vector<16xi32>
        %sub3A_978 = arith.subi %get3A_81, %sub3A_977 : vector<16xi32>
        %sub3A_979 = arith.constant 0 : i32
        %sub3A_980 = vector.broadcast %sub3A_979 : i32 to vector<16xi32>
        %sub3A_981 = arith.subi %get3A_86, %sub3A_980 : vector<16xi32>
        %or3A_982 = arith.ori %sub3A_975, %sub3A_978 : vector<16xi32>
        %or3A_983 = arith.ori %or3A_982, %sub3A_981 : vector<16xi32>
        %and3A_984 = arith.constant 1 : i32
        %and3A_985 = vector.broadcast %and3A_984 : i32 to vector<16xi32>
        %and3A_986 = arith.andi %or3A_983, %and3A_985 : vector<16xi32>
        %eq3A_987 = arith.constant 0 : i32
        %eq3A_988 = vector.broadcast %eq3A_987 : i32 to vector<16xi32>
        %eq3A_989 = arith.cmpi eq, %and3A_986, %eq3A_988 : vector<16xi32>
        %ge3A_990 = arith.constant 0 : i32
        %ge3A_991 = vector.broadcast %ge3A_990 : i32 to vector<16xi32>
        %ge3A_992 = arith.cmpi sge, %sub3A_975, %ge3A_991 : vector<16xi32>
        %and3A_993 = arith.andi %eq3A_989, %ge3A_992 : vector<16xi1>
        %ge3A_994 = arith.constant 0 : i32
        %ge3A_995 = vector.broadcast %ge3A_994 : i32 to vector<16xi32>
        %ge3A_996 = arith.cmpi sge, %sub3A_978, %ge3A_995 : vector<16xi32>
        %and3A_997 = arith.andi %and3A_993, %ge3A_996 : vector<16xi1>
        %ge3A_998 = arith.constant 0 : i32
        %ge3A_999 = vector.broadcast %ge3A_998 : i32 to vector<16xi32>
        %ge3A_1000 = arith.cmpi sge, %sub3A_981, %ge3A_999 : vector<16xi32>
        %and3A_1001 = arith.andi %and3A_997, %ge3A_1000 : vector<16xi1>
        %lt3A_1002 = arith.constant 128 : i32
        %lt3A_1003 = vector.broadcast %lt3A_1002 : i32 to vector<16xi32>
        %lt3A_1004 = arith.cmpi slt, %sub3A_975, %lt3A_1003 : vector<16xi32>
        %and3A_1005 = arith.andi %and3A_1001, %lt3A_1004 : vector<16xi1>
        %lt3A_1006 = arith.constant 128 : i32
        %lt3A_1007 = vector.broadcast %lt3A_1006 : i32 to vector<16xi32>
        %lt3A_1008 = arith.cmpi slt, %sub3A_978, %lt3A_1007 : vector<16xi32>
        %and3A_1009 = arith.andi %and3A_1005, %lt3A_1008 : vector<16xi1>
        %lt3A_1010 = arith.constant 128 : i32
        %lt3A_1011 = vector.broadcast %lt3A_1010 : i32 to vector<16xi32>
        %lt3A_1012 = arith.cmpi slt, %sub3A_981, %lt3A_1011 : vector<16xi32>
        %and3A_1013 = arith.andi %and3A_1009, %lt3A_1012 : vector<16xi1>
        %shift_right_arithmetic3A_1014 = arith.constant 1 : i32
        %shift_right_arithmetic3A_1015 = vector.broadcast %shift_right_arithmetic3A_1014 : i32 to vector<16xi32>
        %shift_right_arithmetic3A_1016 = arith.shrsi %sub3A_975, %shift_right_arithmetic3A_1015 : vector<16xi32>
        %mul3A_1017 = arith.constant 64 : i32
        %mul3A_1018 = vector.broadcast %mul3A_1017 : i32 to vector<16xi32>
        %mul3A_1019 = arith.muli %shift_right_arithmetic3A_1016, %mul3A_1018 : vector<16xi32>
        %shift_right_arithmetic3A_1020 = arith.constant 1 : i32
        %shift_right_arithmetic3A_1021 = vector.broadcast %shift_right_arithmetic3A_1020 : i32 to vector<16xi32>
        %shift_right_arithmetic3A_1022 = arith.shrsi %sub3A_978, %shift_right_arithmetic3A_1021 : vector<16xi32>
        %add3A_1023 = arith.addi %mul3A_1019, %shift_right_arithmetic3A_1022 : vector<16xi32>
        %mul3A_1024 = arith.constant 64 : i32
        %mul3A_1025 = vector.broadcast %mul3A_1024 : i32 to vector<16xi32>
        %mul3A_1026 = arith.muli %add3A_1023, %mul3A_1025 : vector<16xi32>
        %shift_right_arithmetic3A_1027 = arith.constant 1 : i32
        %shift_right_arithmetic3A_1028 = vector.broadcast %shift_right_arithmetic3A_1027 : i32 to vector<16xi32>
        %shift_right_arithmetic3A_1029 = arith.shrsi %sub3A_981, %shift_right_arithmetic3A_1028 : vector<16xi32>
        %add3A_1030 = arith.addi %mul3A_1026, %shift_right_arithmetic3A_1029 : vector<16xi32>
        %jit3A_1031 = arith.constant 262144 : i32
        %broadcast_in_dim3A_1032 = vector.broadcast %jit3A_1031 : i32 to vector<16xi32>
        %select_n3A_1033 = arith.select %and3A_1013, %add3A_1030, %broadcast_in_dim3A_1032 : vector<16xi1>, vector<16xi32>
        %mul3A_1034 = arith.constant 16 : i32
        %mul3A_1035 = arith.muli %scan3A_71, %mul3A_1034 : i32
        %add3A_1036 = arith.constant 5824 : i32
        %add3A_1037 = arith.addi %add3A_1036, %mul3A_1035 : i32
        %swap3A_1038 = arith.index_cast %add3A_1037 : i32 to index
        %swap3A_1039 = tpu.vector_load %arg18[%swap3A_1038] {strides = array<i32>} : memref<12096xi32, #tpu.memory_space<vmem>>, vector<16xi32>,
        %swap3A_1040 = vector.shape_cast %swap3A_1039 : vector<16xi32> to vector<16xi32>
        %swap3A_1041 = vector.shape_cast %select_n3A_1033 : vector<16xi32> to vector<16xi32>
        tpu.vector_store %arg18[%swap3A_1038], %swap3A_1041 {strides = array<i32>} : memref<12096xi32, #tpu.memory_space<vmem>>, vector<16xi32>,
        %sub3A_1042 = arith.constant 0 : i32
        %sub3A_1043 = vector.broadcast %sub3A_1042 : i32 to vector<16xi32>
        %sub3A_1044 = arith.subi %get3A_76, %sub3A_1043 : vector<16xi32>
        %sub3A_1045 = arith.constant 0 : i32
        %sub3A_1046 = vector.broadcast %sub3A_1045 : i32 to vector<16xi32>
        %sub3A_1047 = arith.subi %get3A_81, %sub3A_1046 : vector<16xi32>
        %sub3A_1048 = arith.constant 1 : i32
        %sub3A_1049 = vector.broadcast %sub3A_1048 : i32 to vector<16xi32>
        %sub3A_1050 = arith.subi %get3A_86, %sub3A_1049 : vector<16xi32>
        %or3A_1051 = arith.ori %sub3A_1044, %sub3A_1047 : vector<16xi32>
        %or3A_1052 = arith.ori %or3A_1051, %sub3A_1050 : vector<16xi32>
        %and3A_1053 = arith.constant 1 : i32
        %and3A_1054 = vector.broadcast %and3A_1053 : i32 to vector<16xi32>
        %and3A_1055 = arith.andi %or3A_1052, %and3A_1054 : vector<16xi32>
        %eq3A_1056 = arith.constant 0 : i32
        %eq3A_1057 = vector.broadcast %eq3A_1056 : i32 to vector<16xi32>
        %eq3A_1058 = arith.cmpi eq, %and3A_1055, %eq3A_1057 : vector<16xi32>
        %ge3A_1059 = arith.constant 0 : i32
        %ge3A_1060 = vector.broadcast %ge3A_1059 : i32 to vector<16xi32>
        %ge3A_1061 = arith.cmpi sge, %sub3A_1044, %ge3A_1060 : vector<16xi32>
        %and3A_1062 = arith.andi %eq3A_1058, %ge3A_1061 : vector<16xi1>
        %ge3A_1063 = arith.constant 0 : i32
        %ge3A_1064 = vector.broadcast %ge3A_1063 : i32 to vector<16xi32>
        %ge3A_1065 = arith.cmpi sge, %sub3A_1047, %ge3A_1064 : vector<16xi32>
        %and3A_1066 = arith.andi %and3A_1062, %ge3A_1065 : vector<16xi1>
        %ge3A_1067 = arith.constant 0 : i32
        %ge3A_1068 = vector.broadcast %ge3A_1067 : i32 to vector<16xi32>
        %ge3A_1069 = arith.cmpi sge, %sub3A_1050, %ge3A_1068 : vector<16xi32>
        %and3A_1070 = arith.andi %and3A_1066, %ge3A_1069 : vector<16xi1>
        %lt3A_1071 = arith.constant 128 : i32
        %lt3A_1072 = vector.broadcast %lt3A_1071 : i32 to vector<16xi32>
        %lt3A_1073 = arith.cmpi slt, %sub3A_1044, %lt3A_1072 : vector<16xi32>
        %and3A_1074 = arith.andi %and3A_1070, %lt3A_1073 : vector<16xi1>
        %lt3A_1075 = arith.constant 128 : i32
        %lt3A_1076 = vector.broadcast %lt3A_1075 : i32 to vector<16xi32>
        %lt3A_1077 = arith.cmpi slt, %sub3A_1047, %lt3A_1076 : vector<16xi32>
        %and3A_1078 = arith.andi %and3A_1074, %lt3A_1077 : vector<16xi1>
        %lt3A_1079 = arith.constant 128 : i32
        %lt3A_1080 = vector.broadcast %lt3A_1079 : i32 to vector<16xi32>
        %lt3A_1081 = arith.cmpi slt, %sub3A_1050, %lt3A_1080 : vector<16xi32>
        %and3A_1082 = arith.andi %and3A_1078, %lt3A_1081 : vector<16xi1>
        %shift_right_arithmetic3A_1083 = arith.constant 1 : i32
        %shift_right_arithmetic3A_1084 = vector.broadcast %shift_right_arithmetic3A_1083 : i32 to vector<16xi32>
        %shift_right_arithmetic3A_1085 = arith.shrsi %sub3A_1044, %shift_right_arithmetic3A_1084 : vector<16xi32>
        %mul3A_1086 = arith.constant 64 : i32
        %mul3A_1087 = vector.broadcast %mul3A_1086 : i32 to vector<16xi32>
        %mul3A_1088 = arith.muli %shift_right_arithmetic3A_1085, %mul3A_1087 : vector<16xi32>
        %shift_right_arithmetic3A_1089 = arith.constant 1 : i32
        %shift_right_arithmetic3A_1090 = vector.broadcast %shift_right_arithmetic3A_1089 : i32 to vector<16xi32>
        %shift_right_arithmetic3A_1091 = arith.shrsi %sub3A_1047, %shift_right_arithmetic3A_1090 : vector<16xi32>
        %add3A_1092 = arith.addi %mul3A_1088, %shift_right_arithmetic3A_1091 : vector<16xi32>
        %mul3A_1093 = arith.constant 64 : i32
        %mul3A_1094 = vector.broadcast %mul3A_1093 : i32 to vector<16xi32>
        %mul3A_1095 = arith.muli %add3A_1092, %mul3A_1094 : vector<16xi32>
        %shift_right_arithmetic3A_1096 = arith.constant 1 : i32
        %shift_right_arithmetic3A_1097 = vector.broadcast %shift_right_arithmetic3A_1096 : i32 to vector<16xi32>
        %shift_right_arithmetic3A_1098 = arith.shrsi %sub3A_1050, %shift_right_arithmetic3A_1097 : vector<16xi32>
        %add3A_1099 = arith.addi %mul3A_1095, %shift_right_arithmetic3A_1098 : vector<16xi32>
        %jit3A_1100 = arith.constant 262144 : i32
        %broadcast_in_dim3A_1101 = vector.broadcast %jit3A_1100 : i32 to vector<16xi32>
        %select_n3A_1102 = arith.select %and3A_1082, %add3A_1099, %broadcast_in_dim3A_1101 : vector<16xi1>, vector<16xi32>
        %mul3A_1103 = arith.constant 16 : i32
        %mul3A_1104 = arith.muli %scan3A_71, %mul3A_1103 : i32
        %add3A_1105 = arith.constant 6272 : i32
        %add3A_1106 = arith.addi %add3A_1105, %mul3A_1104 : i32
        %swap3A_1107 = arith.index_cast %add3A_1106 : i32 to index
        %swap3A_1108 = tpu.vector_load %arg18[%swap3A_1107] {strides = array<i32>} : memref<12096xi32, #tpu.memory_space<vmem>>, vector<16xi32>,
        %swap3A_1109 = vector.shape_cast %swap3A_1108 : vector<16xi32> to vector<16xi32>
        %swap3A_1110 = vector.shape_cast %select_n3A_1102 : vector<16xi32> to vector<16xi32>
        tpu.vector_store %arg18[%swap3A_1107], %swap3A_1110 {strides = array<i32>} : memref<12096xi32, #tpu.memory_space<vmem>>, vector<16xi32>,
        %sub3A_1111 = arith.constant 0 : i32
        %sub3A_1112 = vector.broadcast %sub3A_1111 : i32 to vector<16xi32>
        %sub3A_1113 = arith.subi %get3A_76, %sub3A_1112 : vector<16xi32>
        %sub3A_1114 = arith.constant 1 : i32
        %sub3A_1115 = vector.broadcast %sub3A_1114 : i32 to vector<16xi32>
        %sub3A_1116 = arith.subi %get3A_81, %sub3A_1115 : vector<16xi32>
        %sub3A_1117 = arith.constant -1 : i32
        %sub3A_1118 = vector.broadcast %sub3A_1117 : i32 to vector<16xi32>
        %sub3A_1119 = arith.subi %get3A_86, %sub3A_1118 : vector<16xi32>
        %or3A_1120 = arith.ori %sub3A_1113, %sub3A_1116 : vector<16xi32>
        %or3A_1121 = arith.ori %or3A_1120, %sub3A_1119 : vector<16xi32>
        %and3A_1122 = arith.constant 1 : i32
        %and3A_1123 = vector.broadcast %and3A_1122 : i32 to vector<16xi32>
        %and3A_1124 = arith.andi %or3A_1121, %and3A_1123 : vector<16xi32>
        %eq3A_1125 = arith.constant 0 : i32
        %eq3A_1126 = vector.broadcast %eq3A_1125 : i32 to vector<16xi32>
        %eq3A_1127 = arith.cmpi eq, %and3A_1124, %eq3A_1126 : vector<16xi32>
        %ge3A_1128 = arith.constant 0 : i32
        %ge3A_1129 = vector.broadcast %ge3A_1128 : i32 to vector<16xi32>
        %ge3A_1130 = arith.cmpi sge, %sub3A_1113, %ge3A_1129 : vector<16xi32>
        %and3A_1131 = arith.andi %eq3A_1127, %ge3A_1130 : vector<16xi1>
        %ge3A_1132 = arith.constant 0 : i32
        %ge3A_1133 = vector.broadcast %ge3A_1132 : i32 to vector<16xi32>
        %ge3A_1134 = arith.cmpi sge, %sub3A_1116, %ge3A_1133 : vector<16xi32>
        %and3A_1135 = arith.andi %and3A_1131, %ge3A_1134 : vector<16xi1>
        %ge3A_1136 = arith.constant 0 : i32
        %ge3A_1137 = vector.broadcast %ge3A_1136 : i32 to vector<16xi32>
        %ge3A_1138 = arith.cmpi sge, %sub3A_1119, %ge3A_1137 : vector<16xi32>
        %and3A_1139 = arith.andi %and3A_1135, %ge3A_1138 : vector<16xi1>
        %lt3A_1140 = arith.constant 128 : i32
        %lt3A_1141 = vector.broadcast %lt3A_1140 : i32 to vector<16xi32>
        %lt3A_1142 = arith.cmpi slt, %sub3A_1113, %lt3A_1141 : vector<16xi32>
        %and3A_1143 = arith.andi %and3A_1139, %lt3A_1142 : vector<16xi1>
        %lt3A_1144 = arith.constant 128 : i32
        %lt3A_1145 = vector.broadcast %lt3A_1144 : i32 to vector<16xi32>
        %lt3A_1146 = arith.cmpi slt, %sub3A_1116, %lt3A_1145 : vector<16xi32>
        %and3A_1147 = arith.andi %and3A_1143, %lt3A_1146 : vector<16xi1>
        %lt3A_1148 = arith.constant 128 : i32
        %lt3A_1149 = vector.broadcast %lt3A_1148 : i32 to vector<16xi32>
        %lt3A_1150 = arith.cmpi slt, %sub3A_1119, %lt3A_1149 : vector<16xi32>
        %and3A_1151 = arith.andi %and3A_1147, %lt3A_1150 : vector<16xi1>
        %shift_right_arithmetic3A_1152 = arith.constant 1 : i32
        %shift_right_arithmetic3A_1153 = vector.broadcast %shift_right_arithmetic3A_1152 : i32 to vector<16xi32>
        %shift_right_arithmetic3A_1154 = arith.shrsi %sub3A_1113, %shift_right_arithmetic3A_1153 : vector<16xi32>
        %mul3A_1155 = arith.constant 64 : i32
        %mul3A_1156 = vector.broadcast %mul3A_1155 : i32 to vector<16xi32>
        %mul3A_1157 = arith.muli %shift_right_arithmetic3A_1154, %mul3A_1156 : vector<16xi32>
        %shift_right_arithmetic3A_1158 = arith.constant 1 : i32
        %shift_right_arithmetic3A_1159 = vector.broadcast %shift_right_arithmetic3A_1158 : i32 to vector<16xi32>
        %shift_right_arithmetic3A_1160 = arith.shrsi %sub3A_1116, %shift_right_arithmetic3A_1159 : vector<16xi32>
        %add3A_1161 = arith.addi %mul3A_1157, %shift_right_arithmetic3A_1160 : vector<16xi32>
        %mul3A_1162 = arith.constant 64 : i32
        %mul3A_1163 = vector.broadcast %mul3A_1162 : i32 to vector<16xi32>
        %mul3A_1164 = arith.muli %add3A_1161, %mul3A_1163 : vector<16xi32>
        %shift_right_arithmetic3A_1165 = arith.constant 1 : i32
        %shift_right_arithmetic3A_1166 = vector.broadcast %shift_right_arithmetic3A_1165 : i32 to vector<16xi32>
        %shift_right_arithmetic3A_1167 = arith.shrsi %sub3A_1119, %shift_right_arithmetic3A_1166 : vector<16xi32>
        %add3A_1168 = arith.addi %mul3A_1164, %shift_right_arithmetic3A_1167 : vector<16xi32>
        %jit3A_1169 = arith.constant 262144 : i32
        %broadcast_in_dim3A_1170 = vector.broadcast %jit3A_1169 : i32 to vector<16xi32>
        %select_n3A_1171 = arith.select %and3A_1151, %add3A_1168, %broadcast_in_dim3A_1170 : vector<16xi1>, vector<16xi32>
        %mul3A_1172 = arith.constant 16 : i32
        %mul3A_1173 = arith.muli %scan3A_71, %mul3A_1172 : i32
        %add3A_1174 = arith.constant 6720 : i32
        %add3A_1175 = arith.addi %add3A_1174, %mul3A_1173 : i32
        %swap3A_1176 = arith.index_cast %add3A_1175 : i32 to index
        %swap3A_1177 = tpu.vector_load %arg18[%swap3A_1176] {strides = array<i32>} : memref<12096xi32, #tpu.memory_space<vmem>>, vector<16xi32>,
        %swap3A_1178 = vector.shape_cast %swap3A_1177 : vector<16xi32> to vector<16xi32>
        %swap3A_1179 = vector.shape_cast %select_n3A_1171 : vector<16xi32> to vector<16xi32>
        tpu.vector_store %arg18[%swap3A_1176], %swap3A_1179 {strides = array<i32>} : memref<12096xi32, #tpu.memory_space<vmem>>, vector<16xi32>,
        %sub3A_1180 = arith.constant 0 : i32
        %sub3A_1181 = vector.broadcast %sub3A_1180 : i32 to vector<16xi32>
        %sub3A_1182 = arith.subi %get3A_76, %sub3A_1181 : vector<16xi32>
        %sub3A_1183 = arith.constant 1 : i32
        %sub3A_1184 = vector.broadcast %sub3A_1183 : i32 to vector<16xi32>
        %sub3A_1185 = arith.subi %get3A_81, %sub3A_1184 : vector<16xi32>
        %sub3A_1186 = arith.constant 0 : i32
        %sub3A_1187 = vector.broadcast %sub3A_1186 : i32 to vector<16xi32>
        %sub3A_1188 = arith.subi %get3A_86, %sub3A_1187 : vector<16xi32>
        %or3A_1189 = arith.ori %sub3A_1182, %sub3A_1185 : vector<16xi32>
        %or3A_1190 = arith.ori %or3A_1189, %sub3A_1188 : vector<16xi32>
        %and3A_1191 = arith.constant 1 : i32
        %and3A_1192 = vector.broadcast %and3A_1191 : i32 to vector<16xi32>
        %and3A_1193 = arith.andi %or3A_1190, %and3A_1192 : vector<16xi32>
        %eq3A_1194 = arith.constant 0 : i32
        %eq3A_1195 = vector.broadcast %eq3A_1194 : i32 to vector<16xi32>
        %eq3A_1196 = arith.cmpi eq, %and3A_1193, %eq3A_1195 : vector<16xi32>
        %ge3A_1197 = arith.constant 0 : i32
        %ge3A_1198 = vector.broadcast %ge3A_1197 : i32 to vector<16xi32>
        %ge3A_1199 = arith.cmpi sge, %sub3A_1182, %ge3A_1198 : vector<16xi32>
        %and3A_1200 = arith.andi %eq3A_1196, %ge3A_1199 : vector<16xi1>
        %ge3A_1201 = arith.constant 0 : i32
        %ge3A_1202 = vector.broadcast %ge3A_1201 : i32 to vector<16xi32>
        %ge3A_1203 = arith.cmpi sge, %sub3A_1185, %ge3A_1202 : vector<16xi32>
        %and3A_1204 = arith.andi %and3A_1200, %ge3A_1203 : vector<16xi1>
        %ge3A_1205 = arith.constant 0 : i32
        %ge3A_1206 = vector.broadcast %ge3A_1205 : i32 to vector<16xi32>
        %ge3A_1207 = arith.cmpi sge, %sub3A_1188, %ge3A_1206 : vector<16xi32>
        %and3A_1208 = arith.andi %and3A_1204, %ge3A_1207 : vector<16xi1>
        %lt3A_1209 = arith.constant 128 : i32
        %lt3A_1210 = vector.broadcast %lt3A_1209 : i32 to vector<16xi32>
        %lt3A_1211 = arith.cmpi slt, %sub3A_1182, %lt3A_1210 : vector<16xi32>
        %and3A_1212 = arith.andi %and3A_1208, %lt3A_1211 : vector<16xi1>
        %lt3A_1213 = arith.constant 128 : i32
        %lt3A_1214 = vector.broadcast %lt3A_1213 : i32 to vector<16xi32>
        %lt3A_1215 = arith.cmpi slt, %sub3A_1185, %lt3A_1214 : vector<16xi32>
        %and3A_1216 = arith.andi %and3A_1212, %lt3A_1215 : vector<16xi1>
        %lt3A_1217 = arith.constant 128 : i32
        %lt3A_1218 = vector.broadcast %lt3A_1217 : i32 to vector<16xi32>
        %lt3A_1219 = arith.cmpi slt, %sub3A_1188, %lt3A_1218 : vector<16xi32>
        %and3A_1220 = arith.andi %and3A_1216, %lt3A_1219 : vector<16xi1>
        %shift_right_arithmetic3A_1221 = arith.constant 1 : i32
        %shift_right_arithmetic3A_1222 = vector.broadcast %shift_right_arithmetic3A_1221 : i32 to vector<16xi32>
        %shift_right_arithmetic3A_1223 = arith.shrsi %sub3A_1182, %shift_right_arithmetic3A_1222 : vector<16xi32>
        %mul3A_1224 = arith.constant 64 : i32
        %mul3A_1225 = vector.broadcast %mul3A_1224 : i32 to vector<16xi32>
        %mul3A_1226 = arith.muli %shift_right_arithmetic3A_1223, %mul3A_1225 : vector<16xi32>
        %shift_right_arithmetic3A_1227 = arith.constant 1 : i32
        %shift_right_arithmetic3A_1228 = vector.broadcast %shift_right_arithmetic3A_1227 : i32 to vector<16xi32>
        %shift_right_arithmetic3A_1229 = arith.shrsi %sub3A_1185, %shift_right_arithmetic3A_1228 : vector<16xi32>
        %add3A_1230 = arith.addi %mul3A_1226, %shift_right_arithmetic3A_1229 : vector<16xi32>
        %mul3A_1231 = arith.constant 64 : i32
        %mul3A_1232 = vector.broadcast %mul3A_1231 : i32 to vector<16xi32>
        %mul3A_1233 = arith.muli %add3A_1230, %mul3A_1232 : vector<16xi32>
        %shift_right_arithmetic3A_1234 = arith.constant 1 : i32
        %shift_right_arithmetic3A_1235 = vector.broadcast %shift_right_arithmetic3A_1234 : i32 to vector<16xi32>
        %shift_right_arithmetic3A_1236 = arith.shrsi %sub3A_1188, %shift_right_arithmetic3A_1235 : vector<16xi32>
        %add3A_1237 = arith.addi %mul3A_1233, %shift_right_arithmetic3A_1236 : vector<16xi32>
        %jit3A_1238 = arith.constant 262144 : i32
        %broadcast_in_dim3A_1239 = vector.broadcast %jit3A_1238 : i32 to vector<16xi32>
        %select_n3A_1240 = arith.select %and3A_1220, %add3A_1237, %broadcast_in_dim3A_1239 : vector<16xi1>, vector<16xi32>
        %mul3A_1241 = arith.constant 16 : i32
        %mul3A_1242 = arith.muli %scan3A_71, %mul3A_1241 : i32
        %add3A_1243 = arith.constant 7168 : i32
        %add3A_1244 = arith.addi %add3A_1243, %mul3A_1242 : i32
        %swap3A_1245 = arith.index_cast %add3A_1244 : i32 to index
        %swap3A_1246 = tpu.vector_load %arg18[%swap3A_1245] {strides = array<i32>} : memref<12096xi32, #tpu.memory_space<vmem>>, vector<16xi32>,
        %swap3A_1247 = vector.shape_cast %swap3A_1246 : vector<16xi32> to vector<16xi32>
        %swap3A_1248 = vector.shape_cast %select_n3A_1240 : vector<16xi32> to vector<16xi32>
        tpu.vector_store %arg18[%swap3A_1245], %swap3A_1248 {strides = array<i32>} : memref<12096xi32, #tpu.memory_space<vmem>>, vector<16xi32>,
        %sub3A_1249 = arith.constant 0 : i32
        %sub3A_1250 = vector.broadcast %sub3A_1249 : i32 to vector<16xi32>
        %sub3A_1251 = arith.subi %get3A_76, %sub3A_1250 : vector<16xi32>
        %sub3A_1252 = arith.constant 1 : i32
        %sub3A_1253 = vector.broadcast %sub3A_1252 : i32 to vector<16xi32>
        %sub3A_1254 = arith.subi %get3A_81, %sub3A_1253 : vector<16xi32>
        %sub3A_1255 = arith.constant 1 : i32
        %sub3A_1256 = vector.broadcast %sub3A_1255 : i32 to vector<16xi32>
        %sub3A_1257 = arith.subi %get3A_86, %sub3A_1256 : vector<16xi32>
        %or3A_1258 = arith.ori %sub3A_1251, %sub3A_1254 : vector<16xi32>
        %or3A_1259 = arith.ori %or3A_1258, %sub3A_1257 : vector<16xi32>
        %and3A_1260 = arith.constant 1 : i32
        %and3A_1261 = vector.broadcast %and3A_1260 : i32 to vector<16xi32>
        %and3A_1262 = arith.andi %or3A_1259, %and3A_1261 : vector<16xi32>
        %eq3A_1263 = arith.constant 0 : i32
        %eq3A_1264 = vector.broadcast %eq3A_1263 : i32 to vector<16xi32>
        %eq3A_1265 = arith.cmpi eq, %and3A_1262, %eq3A_1264 : vector<16xi32>
        %ge3A_1266 = arith.constant 0 : i32
        %ge3A_1267 = vector.broadcast %ge3A_1266 : i32 to vector<16xi32>
        %ge3A_1268 = arith.cmpi sge, %sub3A_1251, %ge3A_1267 : vector<16xi32>
        %and3A_1269 = arith.andi %eq3A_1265, %ge3A_1268 : vector<16xi1>
        %ge3A_1270 = arith.constant 0 : i32
        %ge3A_1271 = vector.broadcast %ge3A_1270 : i32 to vector<16xi32>
        %ge3A_1272 = arith.cmpi sge, %sub3A_1254, %ge3A_1271 : vector<16xi32>
        %and3A_1273 = arith.andi %and3A_1269, %ge3A_1272 : vector<16xi1>
        %ge3A_1274 = arith.constant 0 : i32
        %ge3A_1275 = vector.broadcast %ge3A_1274 : i32 to vector<16xi32>
        %ge3A_1276 = arith.cmpi sge, %sub3A_1257, %ge3A_1275 : vector<16xi32>
        %and3A_1277 = arith.andi %and3A_1273, %ge3A_1276 : vector<16xi1>
        %lt3A_1278 = arith.constant 128 : i32
        %lt3A_1279 = vector.broadcast %lt3A_1278 : i32 to vector<16xi32>
        %lt3A_1280 = arith.cmpi slt, %sub3A_1251, %lt3A_1279 : vector<16xi32>
        %and3A_1281 = arith.andi %and3A_1277, %lt3A_1280 : vector<16xi1>
        %lt3A_1282 = arith.constant 128 : i32
        %lt3A_1283 = vector.broadcast %lt3A_1282 : i32 to vector<16xi32>
        %lt3A_1284 = arith.cmpi slt, %sub3A_1254, %lt3A_1283 : vector<16xi32>
        %and3A_1285 = arith.andi %and3A_1281, %lt3A_1284 : vector<16xi1>
        %lt3A_1286 = arith.constant 128 : i32
        %lt3A_1287 = vector.broadcast %lt3A_1286 : i32 to vector<16xi32>
        %lt3A_1288 = arith.cmpi slt, %sub3A_1257, %lt3A_1287 : vector<16xi32>
        %and3A_1289 = arith.andi %and3A_1285, %lt3A_1288 : vector<16xi1>
        %shift_right_arithmetic3A_1290 = arith.constant 1 : i32
        %shift_right_arithmetic3A_1291 = vector.broadcast %shift_right_arithmetic3A_1290 : i32 to vector<16xi32>
        %shift_right_arithmetic3A_1292 = arith.shrsi %sub3A_1251, %shift_right_arithmetic3A_1291 : vector<16xi32>
        %mul3A_1293 = arith.constant 64 : i32
        %mul3A_1294 = vector.broadcast %mul3A_1293 : i32 to vector<16xi32>
        %mul3A_1295 = arith.muli %shift_right_arithmetic3A_1292, %mul3A_1294 : vector<16xi32>
        %shift_right_arithmetic3A_1296 = arith.constant 1 : i32
        %shift_right_arithmetic3A_1297 = vector.broadcast %shift_right_arithmetic3A_1296 : i32 to vector<16xi32>
        %shift_right_arithmetic3A_1298 = arith.shrsi %sub3A_1254, %shift_right_arithmetic3A_1297 : vector<16xi32>
        %add3A_1299 = arith.addi %mul3A_1295, %shift_right_arithmetic3A_1298 : vector<16xi32>
        %mul3A_1300 = arith.constant 64 : i32
        %mul3A_1301 = vector.broadcast %mul3A_1300 : i32 to vector<16xi32>
        %mul3A_1302 = arith.muli %add3A_1299, %mul3A_1301 : vector<16xi32>
        %shift_right_arithmetic3A_1303 = arith.constant 1 : i32
        %shift_right_arithmetic3A_1304 = vector.broadcast %shift_right_arithmetic3A_1303 : i32 to vector<16xi32>
        %shift_right_arithmetic3A_1305 = arith.shrsi %sub3A_1257, %shift_right_arithmetic3A_1304 : vector<16xi32>
        %add3A_1306 = arith.addi %mul3A_1302, %shift_right_arithmetic3A_1305 : vector<16xi32>
        %jit3A_1307 = arith.constant 262144 : i32
        %broadcast_in_dim3A_1308 = vector.broadcast %jit3A_1307 : i32 to vector<16xi32>
        %select_n3A_1309 = arith.select %and3A_1289, %add3A_1306, %broadcast_in_dim3A_1308 : vector<16xi1>, vector<16xi32>
        %mul3A_1310 = arith.constant 16 : i32
        %mul3A_1311 = arith.muli %scan3A_71, %mul3A_1310 : i32
        %add3A_1312 = arith.constant 7616 : i32
        %add3A_1313 = arith.addi %add3A_1312, %mul3A_1311 : i32
        %swap3A_1314 = arith.index_cast %add3A_1313 : i32 to index
        %swap3A_1315 = tpu.vector_load %arg18[%swap3A_1314] {strides = array<i32>} : memref<12096xi32, #tpu.memory_space<vmem>>, vector<16xi32>,
        %swap3A_1316 = vector.shape_cast %swap3A_1315 : vector<16xi32> to vector<16xi32>
        %swap3A_1317 = vector.shape_cast %select_n3A_1309 : vector<16xi32> to vector<16xi32>
        tpu.vector_store %arg18[%swap3A_1314], %swap3A_1317 {strides = array<i32>} : memref<12096xi32, #tpu.memory_space<vmem>>, vector<16xi32>,
        %sub3A_1318 = arith.constant 1 : i32
        %sub3A_1319 = vector.broadcast %sub3A_1318 : i32 to vector<16xi32>
        %sub3A_1320 = arith.subi %get3A_76, %sub3A_1319 : vector<16xi32>
        %sub3A_1321 = arith.constant -1 : i32
        %sub3A_1322 = vector.broadcast %sub3A_1321 : i32 to vector<16xi32>
        %sub3A_1323 = arith.subi %get3A_81, %sub3A_1322 : vector<16xi32>
        %sub3A_1324 = arith.constant -1 : i32
        %sub3A_1325 = vector.broadcast %sub3A_1324 : i32 to vector<16xi32>
        %sub3A_1326 = arith.subi %get3A_86, %sub3A_1325 : vector<16xi32>
        %or3A_1327 = arith.ori %sub3A_1320, %sub3A_1323 : vector<16xi32>
        %or3A_1328 = arith.ori %or3A_1327, %sub3A_1326 : vector<16xi32>
        %and3A_1329 = arith.constant 1 : i32
        %and3A_1330 = vector.broadcast %and3A_1329 : i32 to vector<16xi32>
        %and3A_1331 = arith.andi %or3A_1328, %and3A_1330 : vector<16xi32>
        %eq3A_1332 = arith.constant 0 : i32
        %eq3A_1333 = vector.broadcast %eq3A_1332 : i32 to vector<16xi32>
        %eq3A_1334 = arith.cmpi eq, %and3A_1331, %eq3A_1333 : vector<16xi32>
        %ge3A_1335 = arith.constant 0 : i32
        %ge3A_1336 = vector.broadcast %ge3A_1335 : i32 to vector<16xi32>
        %ge3A_1337 = arith.cmpi sge, %sub3A_1320, %ge3A_1336 : vector<16xi32>
        %and3A_1338 = arith.andi %eq3A_1334, %ge3A_1337 : vector<16xi1>
        %ge3A_1339 = arith.constant 0 : i32
        %ge3A_1340 = vector.broadcast %ge3A_1339 : i32 to vector<16xi32>
        %ge3A_1341 = arith.cmpi sge, %sub3A_1323, %ge3A_1340 : vector<16xi32>
        %and3A_1342 = arith.andi %and3A_1338, %ge3A_1341 : vector<16xi1>
        %ge3A_1343 = arith.constant 0 : i32
        %ge3A_1344 = vector.broadcast %ge3A_1343 : i32 to vector<16xi32>
        %ge3A_1345 = arith.cmpi sge, %sub3A_1326, %ge3A_1344 : vector<16xi32>
        %and3A_1346 = arith.andi %and3A_1342, %ge3A_1345 : vector<16xi1>
        %lt3A_1347 = arith.constant 128 : i32
        %lt3A_1348 = vector.broadcast %lt3A_1347 : i32 to vector<16xi32>
        %lt3A_1349 = arith.cmpi slt, %sub3A_1320, %lt3A_1348 : vector<16xi32>
        %and3A_1350 = arith.andi %and3A_1346, %lt3A_1349 : vector<16xi1>
        %lt3A_1351 = arith.constant 128 : i32
        %lt3A_1352 = vector.broadcast %lt3A_1351 : i32 to vector<16xi32>
        %lt3A_1353 = arith.cmpi slt, %sub3A_1323, %lt3A_1352 : vector<16xi32>
        %and3A_1354 = arith.andi %and3A_1350, %lt3A_1353 : vector<16xi1>
        %lt3A_1355 = arith.constant 128 : i32
        %lt3A_1356 = vector.broadcast %lt3A_1355 : i32 to vector<16xi32>
        %lt3A_1357 = arith.cmpi slt, %sub3A_1326, %lt3A_1356 : vector<16xi32>
        %and3A_1358 = arith.andi %and3A_1354, %lt3A_1357 : vector<16xi1>
        %shift_right_arithmetic3A_1359 = arith.constant 1 : i32
        %shift_right_arithmetic3A_1360 = vector.broadcast %shift_right_arithmetic3A_1359 : i32 to vector<16xi32>
        %shift_right_arithmetic3A_1361 = arith.shrsi %sub3A_1320, %shift_right_arithmetic3A_1360 : vector<16xi32>
        %mul3A_1362 = arith.constant 64 : i32
        %mul3A_1363 = vector.broadcast %mul3A_1362 : i32 to vector<16xi32>
        %mul3A_1364 = arith.muli %shift_right_arithmetic3A_1361, %mul3A_1363 : vector<16xi32>
        %shift_right_arithmetic3A_1365 = arith.constant 1 : i32
        %shift_right_arithmetic3A_1366 = vector.broadcast %shift_right_arithmetic3A_1365 : i32 to vector<16xi32>
        %shift_right_arithmetic3A_1367 = arith.shrsi %sub3A_1323, %shift_right_arithmetic3A_1366 : vector<16xi32>
        %add3A_1368 = arith.addi %mul3A_1364, %shift_right_arithmetic3A_1367 : vector<16xi32>
        %mul3A_1369 = arith.constant 64 : i32
        %mul3A_1370 = vector.broadcast %mul3A_1369 : i32 to vector<16xi32>
        %mul3A_1371 = arith.muli %add3A_1368, %mul3A_1370 : vector<16xi32>
        %shift_right_arithmetic3A_1372 = arith.constant 1 : i32
        %shift_right_arithmetic3A_1373 = vector.broadcast %shift_right_arithmetic3A_1372 : i32 to vector<16xi32>
        %shift_right_arithmetic3A_1374 = arith.shrsi %sub3A_1326, %shift_right_arithmetic3A_1373 : vector<16xi32>
        %add3A_1375 = arith.addi %mul3A_1371, %shift_right_arithmetic3A_1374 : vector<16xi32>
        %jit3A_1376 = arith.constant 262144 : i32
        %broadcast_in_dim3A_1377 = vector.broadcast %jit3A_1376 : i32 to vector<16xi32>
        %select_n3A_1378 = arith.select %and3A_1358, %add3A_1375, %broadcast_in_dim3A_1377 : vector<16xi1>, vector<16xi32>
        %mul3A_1379 = arith.constant 16 : i32
        %mul3A_1380 = arith.muli %scan3A_71, %mul3A_1379 : i32
        %add3A_1381 = arith.constant 8064 : i32
        %add3A_1382 = arith.addi %add3A_1381, %mul3A_1380 : i32
        %swap3A_1383 = arith.index_cast %add3A_1382 : i32 to index
        %swap3A_1384 = tpu.vector_load %arg18[%swap3A_1383] {strides = array<i32>} : memref<12096xi32, #tpu.memory_space<vmem>>, vector<16xi32>,
        %swap3A_1385 = vector.shape_cast %swap3A_1384 : vector<16xi32> to vector<16xi32>
        %swap3A_1386 = vector.shape_cast %select_n3A_1378 : vector<16xi32> to vector<16xi32>
        tpu.vector_store %arg18[%swap3A_1383], %swap3A_1386 {strides = array<i32>} : memref<12096xi32, #tpu.memory_space<vmem>>, vector<16xi32>,
        %sub3A_1387 = arith.constant 1 : i32
        %sub3A_1388 = vector.broadcast %sub3A_1387 : i32 to vector<16xi32>
        %sub3A_1389 = arith.subi %get3A_76, %sub3A_1388 : vector<16xi32>
        %sub3A_1390 = arith.constant -1 : i32
        %sub3A_1391 = vector.broadcast %sub3A_1390 : i32 to vector<16xi32>
        %sub3A_1392 = arith.subi %get3A_81, %sub3A_1391 : vector<16xi32>
        %sub3A_1393 = arith.constant 0 : i32
        %sub3A_1394 = vector.broadcast %sub3A_1393 : i32 to vector<16xi32>
        %sub3A_1395 = arith.subi %get3A_86, %sub3A_1394 : vector<16xi32>
        %or3A_1396 = arith.ori %sub3A_1389, %sub3A_1392 : vector<16xi32>
        %or3A_1397 = arith.ori %or3A_1396, %sub3A_1395 : vector<16xi32>
        %and3A_1398 = arith.constant 1 : i32
        %and3A_1399 = vector.broadcast %and3A_1398 : i32 to vector<16xi32>
        %and3A_1400 = arith.andi %or3A_1397, %and3A_1399 : vector<16xi32>
        %eq3A_1401 = arith.constant 0 : i32
        %eq3A_1402 = vector.broadcast %eq3A_1401 : i32 to vector<16xi32>
        %eq3A_1403 = arith.cmpi eq, %and3A_1400, %eq3A_1402 : vector<16xi32>
        %ge3A_1404 = arith.constant 0 : i32
        %ge3A_1405 = vector.broadcast %ge3A_1404 : i32 to vector<16xi32>
        %ge3A_1406 = arith.cmpi sge, %sub3A_1389, %ge3A_1405 : vector<16xi32>
        %and3A_1407 = arith.andi %eq3A_1403, %ge3A_1406 : vector<16xi1>
        %ge3A_1408 = arith.constant 0 : i32
        %ge3A_1409 = vector.broadcast %ge3A_1408 : i32 to vector<16xi32>
        %ge3A_1410 = arith.cmpi sge, %sub3A_1392, %ge3A_1409 : vector<16xi32>
        %and3A_1411 = arith.andi %and3A_1407, %ge3A_1410 : vector<16xi1>
        %ge3A_1412 = arith.constant 0 : i32
        %ge3A_1413 = vector.broadcast %ge3A_1412 : i32 to vector<16xi32>
        %ge3A_1414 = arith.cmpi sge, %sub3A_1395, %ge3A_1413 : vector<16xi32>
        %and3A_1415 = arith.andi %and3A_1411, %ge3A_1414 : vector<16xi1>
        %lt3A_1416 = arith.constant 128 : i32
        %lt3A_1417 = vector.broadcast %lt3A_1416 : i32 to vector<16xi32>
        %lt3A_1418 = arith.cmpi slt, %sub3A_1389, %lt3A_1417 : vector<16xi32>
        %and3A_1419 = arith.andi %and3A_1415, %lt3A_1418 : vector<16xi1>
        %lt3A_1420 = arith.constant 128 : i32
        %lt3A_1421 = vector.broadcast %lt3A_1420 : i32 to vector<16xi32>
        %lt3A_1422 = arith.cmpi slt, %sub3A_1392, %lt3A_1421 : vector<16xi32>
        %and3A_1423 = arith.andi %and3A_1419, %lt3A_1422 : vector<16xi1>
        %lt3A_1424 = arith.constant 128 : i32
        %lt3A_1425 = vector.broadcast %lt3A_1424 : i32 to vector<16xi32>
        %lt3A_1426 = arith.cmpi slt, %sub3A_1395, %lt3A_1425 : vector<16xi32>
        %and3A_1427 = arith.andi %and3A_1423, %lt3A_1426 : vector<16xi1>
        %shift_right_arithmetic3A_1428 = arith.constant 1 : i32
        %shift_right_arithmetic3A_1429 = vector.broadcast %shift_right_arithmetic3A_1428 : i32 to vector<16xi32>
        %shift_right_arithmetic3A_1430 = arith.shrsi %sub3A_1389, %shift_right_arithmetic3A_1429 : vector<16xi32>
        %mul3A_1431 = arith.constant 64 : i32
        %mul3A_1432 = vector.broadcast %mul3A_1431 : i32 to vector<16xi32>
        %mul3A_1433 = arith.muli %shift_right_arithmetic3A_1430, %mul3A_1432 : vector<16xi32>
        %shift_right_arithmetic3A_1434 = arith.constant 1 : i32
        %shift_right_arithmetic3A_1435 = vector.broadcast %shift_right_arithmetic3A_1434 : i32 to vector<16xi32>
        %shift_right_arithmetic3A_1436 = arith.shrsi %sub3A_1392, %shift_right_arithmetic3A_1435 : vector<16xi32>
        %add3A_1437 = arith.addi %mul3A_1433, %shift_right_arithmetic3A_1436 : vector<16xi32>
        %mul3A_1438 = arith.constant 64 : i32
        %mul3A_1439 = vector.broadcast %mul3A_1438 : i32 to vector<16xi32>
        %mul3A_1440 = arith.muli %add3A_1437, %mul3A_1439 : vector<16xi32>
        %shift_right_arithmetic3A_1441 = arith.constant 1 : i32
        %shift_right_arithmetic3A_1442 = vector.broadcast %shift_right_arithmetic3A_1441 : i32 to vector<16xi32>
        %shift_right_arithmetic3A_1443 = arith.shrsi %sub3A_1395, %shift_right_arithmetic3A_1442 : vector<16xi32>
        %add3A_1444 = arith.addi %mul3A_1440, %shift_right_arithmetic3A_1443 : vector<16xi32>
        %jit3A_1445 = arith.constant 262144 : i32
        %broadcast_in_dim3A_1446 = vector.broadcast %jit3A_1445 : i32 to vector<16xi32>
        %select_n3A_1447 = arith.select %and3A_1427, %add3A_1444, %broadcast_in_dim3A_1446 : vector<16xi1>, vector<16xi32>
        %mul3A_1448 = arith.constant 16 : i32
        %mul3A_1449 = arith.muli %scan3A_71, %mul3A_1448 : i32
        %add3A_1450 = arith.constant 8512 : i32
        %add3A_1451 = arith.addi %add3A_1450, %mul3A_1449 : i32
        %swap3A_1452 = arith.index_cast %add3A_1451 : i32 to index
        %swap3A_1453 = tpu.vector_load %arg18[%swap3A_1452] {strides = array<i32>} : memref<12096xi32, #tpu.memory_space<vmem>>, vector<16xi32>,
        %swap3A_1454 = vector.shape_cast %swap3A_1453 : vector<16xi32> to vector<16xi32>
        %swap3A_1455 = vector.shape_cast %select_n3A_1447 : vector<16xi32> to vector<16xi32>
        tpu.vector_store %arg18[%swap3A_1452], %swap3A_1455 {strides = array<i32>} : memref<12096xi32, #tpu.memory_space<vmem>>, vector<16xi32>,
        %sub3A_1456 = arith.constant 1 : i32
        %sub3A_1457 = vector.broadcast %sub3A_1456 : i32 to vector<16xi32>
        %sub3A_1458 = arith.subi %get3A_76, %sub3A_1457 : vector<16xi32>
        %sub3A_1459 = arith.constant -1 : i32
        %sub3A_1460 = vector.broadcast %sub3A_1459 : i32 to vector<16xi32>
        %sub3A_1461 = arith.subi %get3A_81, %sub3A_1460 : vector<16xi32>
        %sub3A_1462 = arith.constant 1 : i32
        %sub3A_1463 = vector.broadcast %sub3A_1462 : i32 to vector<16xi32>
        %sub3A_1464 = arith.subi %get3A_86, %sub3A_1463 : vector<16xi32>
        %or3A_1465 = arith.ori %sub3A_1458, %sub3A_1461 : vector<16xi32>
        %or3A_1466 = arith.ori %or3A_1465, %sub3A_1464 : vector<16xi32>
        %and3A_1467 = arith.constant 1 : i32
        %and3A_1468 = vector.broadcast %and3A_1467 : i32 to vector<16xi32>
        %and3A_1469 = arith.andi %or3A_1466, %and3A_1468 : vector<16xi32>
        %eq3A_1470 = arith.constant 0 : i32
        %eq3A_1471 = vector.broadcast %eq3A_1470 : i32 to vector<16xi32>
        %eq3A_1472 = arith.cmpi eq, %and3A_1469, %eq3A_1471 : vector<16xi32>
        %ge3A_1473 = arith.constant 0 : i32
        %ge3A_1474 = vector.broadcast %ge3A_1473 : i32 to vector<16xi32>
        %ge3A_1475 = arith.cmpi sge, %sub3A_1458, %ge3A_1474 : vector<16xi32>
        %and3A_1476 = arith.andi %eq3A_1472, %ge3A_1475 : vector<16xi1>
        %ge3A_1477 = arith.constant 0 : i32
        %ge3A_1478 = vector.broadcast %ge3A_1477 : i32 to vector<16xi32>
        %ge3A_1479 = arith.cmpi sge, %sub3A_1461, %ge3A_1478 : vector<16xi32>
        %and3A_1480 = arith.andi %and3A_1476, %ge3A_1479 : vector<16xi1>
        %ge3A_1481 = arith.constant 0 : i32
        %ge3A_1482 = vector.broadcast %ge3A_1481 : i32 to vector<16xi32>
        %ge3A_1483 = arith.cmpi sge, %sub3A_1464, %ge3A_1482 : vector<16xi32>
        %and3A_1484 = arith.andi %and3A_1480, %ge3A_1483 : vector<16xi1>
        %lt3A_1485 = arith.constant 128 : i32
        %lt3A_1486 = vector.broadcast %lt3A_1485 : i32 to vector<16xi32>
        %lt3A_1487 = arith.cmpi slt, %sub3A_1458, %lt3A_1486 : vector<16xi32>
        %and3A_1488 = arith.andi %and3A_1484, %lt3A_1487 : vector<16xi1>
        %lt3A_1489 = arith.constant 128 : i32
        %lt3A_1490 = vector.broadcast %lt3A_1489 : i32 to vector<16xi32>
        %lt3A_1491 = arith.cmpi slt, %sub3A_1461, %lt3A_1490 : vector<16xi32>
        %and3A_1492 = arith.andi %and3A_1488, %lt3A_1491 : vector<16xi1>
        %lt3A_1493 = arith.constant 128 : i32
        %lt3A_1494 = vector.broadcast %lt3A_1493 : i32 to vector<16xi32>
        %lt3A_1495 = arith.cmpi slt, %sub3A_1464, %lt3A_1494 : vector<16xi32>
        %and3A_1496 = arith.andi %and3A_1492, %lt3A_1495 : vector<16xi1>
        %shift_right_arithmetic3A_1497 = arith.constant 1 : i32
        %shift_right_arithmetic3A_1498 = vector.broadcast %shift_right_arithmetic3A_1497 : i32 to vector<16xi32>
        %shift_right_arithmetic3A_1499 = arith.shrsi %sub3A_1458, %shift_right_arithmetic3A_1498 : vector<16xi32>
        %mul3A_1500 = arith.constant 64 : i32
        %mul3A_1501 = vector.broadcast %mul3A_1500 : i32 to vector<16xi32>
        %mul3A_1502 = arith.muli %shift_right_arithmetic3A_1499, %mul3A_1501 : vector<16xi32>
        %shift_right_arithmetic3A_1503 = arith.constant 1 : i32
        %shift_right_arithmetic3A_1504 = vector.broadcast %shift_right_arithmetic3A_1503 : i32 to vector<16xi32>
        %shift_right_arithmetic3A_1505 = arith.shrsi %sub3A_1461, %shift_right_arithmetic3A_1504 : vector<16xi32>
        %add3A_1506 = arith.addi %mul3A_1502, %shift_right_arithmetic3A_1505 : vector<16xi32>
        %mul3A_1507 = arith.constant 64 : i32
        %mul3A_1508 = vector.broadcast %mul3A_1507 : i32 to vector<16xi32>
        %mul3A_1509 = arith.muli %add3A_1506, %mul3A_1508 : vector<16xi32>
        %shift_right_arithmetic3A_1510 = arith.constant 1 : i32
        %shift_right_arithmetic3A_1511 = vector.broadcast %shift_right_arithmetic3A_1510 : i32 to vector<16xi32>
        %shift_right_arithmetic3A_1512 = arith.shrsi %sub3A_1464, %shift_right_arithmetic3A_1511 : vector<16xi32>
        %add3A_1513 = arith.addi %mul3A_1509, %shift_right_arithmetic3A_1512 : vector<16xi32>
        %jit3A_1514 = arith.constant 262144 : i32
        %broadcast_in_dim3A_1515 = vector.broadcast %jit3A_1514 : i32 to vector<16xi32>
        %select_n3A_1516 = arith.select %and3A_1496, %add3A_1513, %broadcast_in_dim3A_1515 : vector<16xi1>, vector<16xi32>
        %mul3A_1517 = arith.constant 16 : i32
        %mul3A_1518 = arith.muli %scan3A_71, %mul3A_1517 : i32
        %add3A_1519 = arith.constant 8960 : i32
        %add3A_1520 = arith.addi %add3A_1519, %mul3A_1518 : i32
        %swap3A_1521 = arith.index_cast %add3A_1520 : i32 to index
        %swap3A_1522 = tpu.vector_load %arg18[%swap3A_1521] {strides = array<i32>} : memref<12096xi32, #tpu.memory_space<vmem>>, vector<16xi32>,
        %swap3A_1523 = vector.shape_cast %swap3A_1522 : vector<16xi32> to vector<16xi32>
        %swap3A_1524 = vector.shape_cast %select_n3A_1516 : vector<16xi32> to vector<16xi32>
        tpu.vector_store %arg18[%swap3A_1521], %swap3A_1524 {strides = array<i32>} : memref<12096xi32, #tpu.memory_space<vmem>>, vector<16xi32>,
        %sub3A_1525 = arith.constant 1 : i32
        %sub3A_1526 = vector.broadcast %sub3A_1525 : i32 to vector<16xi32>
        %sub3A_1527 = arith.subi %get3A_76, %sub3A_1526 : vector<16xi32>
        %sub3A_1528 = arith.constant 0 : i32
        %sub3A_1529 = vector.broadcast %sub3A_1528 : i32 to vector<16xi32>
        %sub3A_1530 = arith.subi %get3A_81, %sub3A_1529 : vector<16xi32>
        %sub3A_1531 = arith.constant -1 : i32
        %sub3A_1532 = vector.broadcast %sub3A_1531 : i32 to vector<16xi32>
        %sub3A_1533 = arith.subi %get3A_86, %sub3A_1532 : vector<16xi32>
        %or3A_1534 = arith.ori %sub3A_1527, %sub3A_1530 : vector<16xi32>
        %or3A_1535 = arith.ori %or3A_1534, %sub3A_1533 : vector<16xi32>
        %and3A_1536 = arith.constant 1 : i32
        %and3A_1537 = vector.broadcast %and3A_1536 : i32 to vector<16xi32>
        %and3A_1538 = arith.andi %or3A_1535, %and3A_1537 : vector<16xi32>
        %eq3A_1539 = arith.constant 0 : i32
        %eq3A_1540 = vector.broadcast %eq3A_1539 : i32 to vector<16xi32>
        %eq3A_1541 = arith.cmpi eq, %and3A_1538, %eq3A_1540 : vector<16xi32>
        %ge3A_1542 = arith.constant 0 : i32
        %ge3A_1543 = vector.broadcast %ge3A_1542 : i32 to vector<16xi32>
        %ge3A_1544 = arith.cmpi sge, %sub3A_1527, %ge3A_1543 : vector<16xi32>
        %and3A_1545 = arith.andi %eq3A_1541, %ge3A_1544 : vector<16xi1>
        %ge3A_1546 = arith.constant 0 : i32
        %ge3A_1547 = vector.broadcast %ge3A_1546 : i32 to vector<16xi32>
        %ge3A_1548 = arith.cmpi sge, %sub3A_1530, %ge3A_1547 : vector<16xi32>
        %and3A_1549 = arith.andi %and3A_1545, %ge3A_1548 : vector<16xi1>
        %ge3A_1550 = arith.constant 0 : i32
        %ge3A_1551 = vector.broadcast %ge3A_1550 : i32 to vector<16xi32>
        %ge3A_1552 = arith.cmpi sge, %sub3A_1533, %ge3A_1551 : vector<16xi32>
        %and3A_1553 = arith.andi %and3A_1549, %ge3A_1552 : vector<16xi1>
        %lt3A_1554 = arith.constant 128 : i32
        %lt3A_1555 = vector.broadcast %lt3A_1554 : i32 to vector<16xi32>
        %lt3A_1556 = arith.cmpi slt, %sub3A_1527, %lt3A_1555 : vector<16xi32>
        %and3A_1557 = arith.andi %and3A_1553, %lt3A_1556 : vector<16xi1>
        %lt3A_1558 = arith.constant 128 : i32
        %lt3A_1559 = vector.broadcast %lt3A_1558 : i32 to vector<16xi32>
        %lt3A_1560 = arith.cmpi slt, %sub3A_1530, %lt3A_1559 : vector<16xi32>
        %and3A_1561 = arith.andi %and3A_1557, %lt3A_1560 : vector<16xi1>
        %lt3A_1562 = arith.constant 128 : i32
        %lt3A_1563 = vector.broadcast %lt3A_1562 : i32 to vector<16xi32>
        %lt3A_1564 = arith.cmpi slt, %sub3A_1533, %lt3A_1563 : vector<16xi32>
        %and3A_1565 = arith.andi %and3A_1561, %lt3A_1564 : vector<16xi1>
        %shift_right_arithmetic3A_1566 = arith.constant 1 : i32
        %shift_right_arithmetic3A_1567 = vector.broadcast %shift_right_arithmetic3A_1566 : i32 to vector<16xi32>
        %shift_right_arithmetic3A_1568 = arith.shrsi %sub3A_1527, %shift_right_arithmetic3A_1567 : vector<16xi32>
        %mul3A_1569 = arith.constant 64 : i32
        %mul3A_1570 = vector.broadcast %mul3A_1569 : i32 to vector<16xi32>
        %mul3A_1571 = arith.muli %shift_right_arithmetic3A_1568, %mul3A_1570 : vector<16xi32>
        %shift_right_arithmetic3A_1572 = arith.constant 1 : i32
        %shift_right_arithmetic3A_1573 = vector.broadcast %shift_right_arithmetic3A_1572 : i32 to vector<16xi32>
        %shift_right_arithmetic3A_1574 = arith.shrsi %sub3A_1530, %shift_right_arithmetic3A_1573 : vector<16xi32>
        %add3A_1575 = arith.addi %mul3A_1571, %shift_right_arithmetic3A_1574 : vector<16xi32>
        %mul3A_1576 = arith.constant 64 : i32
        %mul3A_1577 = vector.broadcast %mul3A_1576 : i32 to vector<16xi32>
        %mul3A_1578 = arith.muli %add3A_1575, %mul3A_1577 : vector<16xi32>
        %shift_right_arithmetic3A_1579 = arith.constant 1 : i32
        %shift_right_arithmetic3A_1580 = vector.broadcast %shift_right_arithmetic3A_1579 : i32 to vector<16xi32>
        %shift_right_arithmetic3A_1581 = arith.shrsi %sub3A_1533, %shift_right_arithmetic3A_1580 : vector<16xi32>
        %add3A_1582 = arith.addi %mul3A_1578, %shift_right_arithmetic3A_1581 : vector<16xi32>
        %jit3A_1583 = arith.constant 262144 : i32
        %broadcast_in_dim3A_1584 = vector.broadcast %jit3A_1583 : i32 to vector<16xi32>
        %select_n3A_1585 = arith.select %and3A_1565, %add3A_1582, %broadcast_in_dim3A_1584 : vector<16xi1>, vector<16xi32>
        %mul3A_1586 = arith.constant 16 : i32
        %mul3A_1587 = arith.muli %scan3A_71, %mul3A_1586 : i32
        %add3A_1588 = arith.constant 9408 : i32
        %add3A_1589 = arith.addi %add3A_1588, %mul3A_1587 : i32
        %swap3A_1590 = arith.index_cast %add3A_1589 : i32 to index
        %swap3A_1591 = tpu.vector_load %arg18[%swap3A_1590] {strides = array<i32>} : memref<12096xi32, #tpu.memory_space<vmem>>, vector<16xi32>,
        %swap3A_1592 = vector.shape_cast %swap3A_1591 : vector<16xi32> to vector<16xi32>
        %swap3A_1593 = vector.shape_cast %select_n3A_1585 : vector<16xi32> to vector<16xi32>
        tpu.vector_store %arg18[%swap3A_1590], %swap3A_1593 {strides = array<i32>} : memref<12096xi32, #tpu.memory_space<vmem>>, vector<16xi32>,
        %sub3A_1594 = arith.constant 1 : i32
        %sub3A_1595 = vector.broadcast %sub3A_1594 : i32 to vector<16xi32>
        %sub3A_1596 = arith.subi %get3A_76, %sub3A_1595 : vector<16xi32>
        %sub3A_1597 = arith.constant 0 : i32
        %sub3A_1598 = vector.broadcast %sub3A_1597 : i32 to vector<16xi32>
        %sub3A_1599 = arith.subi %get3A_81, %sub3A_1598 : vector<16xi32>
        %sub3A_1600 = arith.constant 0 : i32
        %sub3A_1601 = vector.broadcast %sub3A_1600 : i32 to vector<16xi32>
        %sub3A_1602 = arith.subi %get3A_86, %sub3A_1601 : vector<16xi32>
        %or3A_1603 = arith.ori %sub3A_1596, %sub3A_1599 : vector<16xi32>
        %or3A_1604 = arith.ori %or3A_1603, %sub3A_1602 : vector<16xi32>
        %and3A_1605 = arith.constant 1 : i32
        %and3A_1606 = vector.broadcast %and3A_1605 : i32 to vector<16xi32>
        %and3A_1607 = arith.andi %or3A_1604, %and3A_1606 : vector<16xi32>
        %eq3A_1608 = arith.constant 0 : i32
        %eq3A_1609 = vector.broadcast %eq3A_1608 : i32 to vector<16xi32>
        %eq3A_1610 = arith.cmpi eq, %and3A_1607, %eq3A_1609 : vector<16xi32>
        %ge3A_1611 = arith.constant 0 : i32
        %ge3A_1612 = vector.broadcast %ge3A_1611 : i32 to vector<16xi32>
        %ge3A_1613 = arith.cmpi sge, %sub3A_1596, %ge3A_1612 : vector<16xi32>
        %and3A_1614 = arith.andi %eq3A_1610, %ge3A_1613 : vector<16xi1>
        %ge3A_1615 = arith.constant 0 : i32
        %ge3A_1616 = vector.broadcast %ge3A_1615 : i32 to vector<16xi32>
        %ge3A_1617 = arith.cmpi sge, %sub3A_1599, %ge3A_1616 : vector<16xi32>
        %and3A_1618 = arith.andi %and3A_1614, %ge3A_1617 : vector<16xi1>
        %ge3A_1619 = arith.constant 0 : i32
        %ge3A_1620 = vector.broadcast %ge3A_1619 : i32 to vector<16xi32>
        %ge3A_1621 = arith.cmpi sge, %sub3A_1602, %ge3A_1620 : vector<16xi32>
        %and3A_1622 = arith.andi %and3A_1618, %ge3A_1621 : vector<16xi1>
        %lt3A_1623 = arith.constant 128 : i32
        %lt3A_1624 = vector.broadcast %lt3A_1623 : i32 to vector<16xi32>
        %lt3A_1625 = arith.cmpi slt, %sub3A_1596, %lt3A_1624 : vector<16xi32>
        %and3A_1626 = arith.andi %and3A_1622, %lt3A_1625 : vector<16xi1>
        %lt3A_1627 = arith.constant 128 : i32
        %lt3A_1628 = vector.broadcast %lt3A_1627 : i32 to vector<16xi32>
        %lt3A_1629 = arith.cmpi slt, %sub3A_1599, %lt3A_1628 : vector<16xi32>
        %and3A_1630 = arith.andi %and3A_1626, %lt3A_1629 : vector<16xi1>
        %lt3A_1631 = arith.constant 128 : i32
        %lt3A_1632 = vector.broadcast %lt3A_1631 : i32 to vector<16xi32>
        %lt3A_1633 = arith.cmpi slt, %sub3A_1602, %lt3A_1632 : vector<16xi32>
        %and3A_1634 = arith.andi %and3A_1630, %lt3A_1633 : vector<16xi1>
        %shift_right_arithmetic3A_1635 = arith.constant 1 : i32
        %shift_right_arithmetic3A_1636 = vector.broadcast %shift_right_arithmetic3A_1635 : i32 to vector<16xi32>
        %shift_right_arithmetic3A_1637 = arith.shrsi %sub3A_1596, %shift_right_arithmetic3A_1636 : vector<16xi32>
        %mul3A_1638 = arith.constant 64 : i32
        %mul3A_1639 = vector.broadcast %mul3A_1638 : i32 to vector<16xi32>
        %mul3A_1640 = arith.muli %shift_right_arithmetic3A_1637, %mul3A_1639 : vector<16xi32>
        %shift_right_arithmetic3A_1641 = arith.constant 1 : i32
        %shift_right_arithmetic3A_1642 = vector.broadcast %shift_right_arithmetic3A_1641 : i32 to vector<16xi32>
        %shift_right_arithmetic3A_1643 = arith.shrsi %sub3A_1599, %shift_right_arithmetic3A_1642 : vector<16xi32>
        %add3A_1644 = arith.addi %mul3A_1640, %shift_right_arithmetic3A_1643 : vector<16xi32>
        %mul3A_1645 = arith.constant 64 : i32
        %mul3A_1646 = vector.broadcast %mul3A_1645 : i32 to vector<16xi32>
        %mul3A_1647 = arith.muli %add3A_1644, %mul3A_1646 : vector<16xi32>
        %shift_right_arithmetic3A_1648 = arith.constant 1 : i32
        %shift_right_arithmetic3A_1649 = vector.broadcast %shift_right_arithmetic3A_1648 : i32 to vector<16xi32>
        %shift_right_arithmetic3A_1650 = arith.shrsi %sub3A_1602, %shift_right_arithmetic3A_1649 : vector<16xi32>
        %add3A_1651 = arith.addi %mul3A_1647, %shift_right_arithmetic3A_1650 : vector<16xi32>
        %jit3A_1652 = arith.constant 262144 : i32
        %broadcast_in_dim3A_1653 = vector.broadcast %jit3A_1652 : i32 to vector<16xi32>
        %select_n3A_1654 = arith.select %and3A_1634, %add3A_1651, %broadcast_in_dim3A_1653 : vector<16xi1>, vector<16xi32>
        %mul3A_1655 = arith.constant 16 : i32
        %mul3A_1656 = arith.muli %scan3A_71, %mul3A_1655 : i32
        %add3A_1657 = arith.constant 9856 : i32
        %add3A_1658 = arith.addi %add3A_1657, %mul3A_1656 : i32
        %swap3A_1659 = arith.index_cast %add3A_1658 : i32 to index
        %swap3A_1660 = tpu.vector_load %arg18[%swap3A_1659] {strides = array<i32>} : memref<12096xi32, #tpu.memory_space<vmem>>, vector<16xi32>,
        %swap3A_1661 = vector.shape_cast %swap3A_1660 : vector<16xi32> to vector<16xi32>
        %swap3A_1662 = vector.shape_cast %select_n3A_1654 : vector<16xi32> to vector<16xi32>
        tpu.vector_store %arg18[%swap3A_1659], %swap3A_1662 {strides = array<i32>} : memref<12096xi32, #tpu.memory_space<vmem>>, vector<16xi32>,
        %sub3A_1663 = arith.constant 1 : i32
        %sub3A_1664 = vector.broadcast %sub3A_1663 : i32 to vector<16xi32>
        %sub3A_1665 = arith.subi %get3A_76, %sub3A_1664 : vector<16xi32>
        %sub3A_1666 = arith.constant 0 : i32
        %sub3A_1667 = vector.broadcast %sub3A_1666 : i32 to vector<16xi32>
        %sub3A_1668 = arith.subi %get3A_81, %sub3A_1667 : vector<16xi32>
        %sub3A_1669 = arith.constant 1 : i32
        %sub3A_1670 = vector.broadcast %sub3A_1669 : i32 to vector<16xi32>
        %sub3A_1671 = arith.subi %get3A_86, %sub3A_1670 : vector<16xi32>
        %or3A_1672 = arith.ori %sub3A_1665, %sub3A_1668 : vector<16xi32>
        %or3A_1673 = arith.ori %or3A_1672, %sub3A_1671 : vector<16xi32>
        %and3A_1674 = arith.constant 1 : i32
        %and3A_1675 = vector.broadcast %and3A_1674 : i32 to vector<16xi32>
        %and3A_1676 = arith.andi %or3A_1673, %and3A_1675 : vector<16xi32>
        %eq3A_1677 = arith.constant 0 : i32
        %eq3A_1678 = vector.broadcast %eq3A_1677 : i32 to vector<16xi32>
        %eq3A_1679 = arith.cmpi eq, %and3A_1676, %eq3A_1678 : vector<16xi32>
        %ge3A_1680 = arith.constant 0 : i32
        %ge3A_1681 = vector.broadcast %ge3A_1680 : i32 to vector<16xi32>
        %ge3A_1682 = arith.cmpi sge, %sub3A_1665, %ge3A_1681 : vector<16xi32>
        %and3A_1683 = arith.andi %eq3A_1679, %ge3A_1682 : vector<16xi1>
        %ge3A_1684 = arith.constant 0 : i32
        %ge3A_1685 = vector.broadcast %ge3A_1684 : i32 to vector<16xi32>
        %ge3A_1686 = arith.cmpi sge, %sub3A_1668, %ge3A_1685 : vector<16xi32>
        %and3A_1687 = arith.andi %and3A_1683, %ge3A_1686 : vector<16xi1>
        %ge3A_1688 = arith.constant 0 : i32
        %ge3A_1689 = vector.broadcast %ge3A_1688 : i32 to vector<16xi32>
        %ge3A_1690 = arith.cmpi sge, %sub3A_1671, %ge3A_1689 : vector<16xi32>
        %and3A_1691 = arith.andi %and3A_1687, %ge3A_1690 : vector<16xi1>
        %lt3A_1692 = arith.constant 128 : i32
        %lt3A_1693 = vector.broadcast %lt3A_1692 : i32 to vector<16xi32>
        %lt3A_1694 = arith.cmpi slt, %sub3A_1665, %lt3A_1693 : vector<16xi32>
        %and3A_1695 = arith.andi %and3A_1691, %lt3A_1694 : vector<16xi1>
        %lt3A_1696 = arith.constant 128 : i32
        %lt3A_1697 = vector.broadcast %lt3A_1696 : i32 to vector<16xi32>
        %lt3A_1698 = arith.cmpi slt, %sub3A_1668, %lt3A_1697 : vector<16xi32>
        %and3A_1699 = arith.andi %and3A_1695, %lt3A_1698 : vector<16xi1>
        %lt3A_1700 = arith.constant 128 : i32
        %lt3A_1701 = vector.broadcast %lt3A_1700 : i32 to vector<16xi32>
        %lt3A_1702 = arith.cmpi slt, %sub3A_1671, %lt3A_1701 : vector<16xi32>
        %and3A_1703 = arith.andi %and3A_1699, %lt3A_1702 : vector<16xi1>
        %shift_right_arithmetic3A_1704 = arith.constant 1 : i32
        %shift_right_arithmetic3A_1705 = vector.broadcast %shift_right_arithmetic3A_1704 : i32 to vector<16xi32>
        %shift_right_arithmetic3A_1706 = arith.shrsi %sub3A_1665, %shift_right_arithmetic3A_1705 : vector<16xi32>
        %mul3A_1707 = arith.constant 64 : i32
        %mul3A_1708 = vector.broadcast %mul3A_1707 : i32 to vector<16xi32>
        %mul3A_1709 = arith.muli %shift_right_arithmetic3A_1706, %mul3A_1708 : vector<16xi32>
        %shift_right_arithmetic3A_1710 = arith.constant 1 : i32
        %shift_right_arithmetic3A_1711 = vector.broadcast %shift_right_arithmetic3A_1710 : i32 to vector<16xi32>
        %shift_right_arithmetic3A_1712 = arith.shrsi %sub3A_1668, %shift_right_arithmetic3A_1711 : vector<16xi32>
        %add3A_1713 = arith.addi %mul3A_1709, %shift_right_arithmetic3A_1712 : vector<16xi32>
        %mul3A_1714 = arith.constant 64 : i32
        %mul3A_1715 = vector.broadcast %mul3A_1714 : i32 to vector<16xi32>
        %mul3A_1716 = arith.muli %add3A_1713, %mul3A_1715 : vector<16xi32>
        %shift_right_arithmetic3A_1717 = arith.constant 1 : i32
        %shift_right_arithmetic3A_1718 = vector.broadcast %shift_right_arithmetic3A_1717 : i32 to vector<16xi32>
        %shift_right_arithmetic3A_1719 = arith.shrsi %sub3A_1671, %shift_right_arithmetic3A_1718 : vector<16xi32>
        %add3A_1720 = arith.addi %mul3A_1716, %shift_right_arithmetic3A_1719 : vector<16xi32>
        %jit3A_1721 = arith.constant 262144 : i32
        %broadcast_in_dim3A_1722 = vector.broadcast %jit3A_1721 : i32 to vector<16xi32>
        %select_n3A_1723 = arith.select %and3A_1703, %add3A_1720, %broadcast_in_dim3A_1722 : vector<16xi1>, vector<16xi32>
        %mul3A_1724 = arith.constant 16 : i32
        %mul3A_1725 = arith.muli %scan3A_71, %mul3A_1724 : i32
        %add3A_1726 = arith.constant 10304 : i32
        %add3A_1727 = arith.addi %add3A_1726, %mul3A_1725 : i32
        %swap3A_1728 = arith.index_cast %add3A_1727 : i32 to index
        %swap3A_1729 = tpu.vector_load %arg18[%swap3A_1728] {strides = array<i32>} : memref<12096xi32, #tpu.memory_space<vmem>>, vector<16xi32>,
        %swap3A_1730 = vector.shape_cast %swap3A_1729 : vector<16xi32> to vector<16xi32>
        %swap3A_1731 = vector.shape_cast %select_n3A_1723 : vector<16xi32> to vector<16xi32>
        tpu.vector_store %arg18[%swap3A_1728], %swap3A_1731 {strides = array<i32>} : memref<12096xi32, #tpu.memory_space<vmem>>, vector<16xi32>,
        %sub3A_1732 = arith.constant 1 : i32
        %sub3A_1733 = vector.broadcast %sub3A_1732 : i32 to vector<16xi32>
        %sub3A_1734 = arith.subi %get3A_76, %sub3A_1733 : vector<16xi32>
        %sub3A_1735 = arith.constant 1 : i32
        %sub3A_1736 = vector.broadcast %sub3A_1735 : i32 to vector<16xi32>
        %sub3A_1737 = arith.subi %get3A_81, %sub3A_1736 : vector<16xi32>
        %sub3A_1738 = arith.constant -1 : i32
        %sub3A_1739 = vector.broadcast %sub3A_1738 : i32 to vector<16xi32>
        %sub3A_1740 = arith.subi %get3A_86, %sub3A_1739 : vector<16xi32>
        %or3A_1741 = arith.ori %sub3A_1734, %sub3A_1737 : vector<16xi32>
        %or3A_1742 = arith.ori %or3A_1741, %sub3A_1740 : vector<16xi32>
        %and3A_1743 = arith.constant 1 : i32
        %and3A_1744 = vector.broadcast %and3A_1743 : i32 to vector<16xi32>
        %and3A_1745 = arith.andi %or3A_1742, %and3A_1744 : vector<16xi32>
        %eq3A_1746 = arith.constant 0 : i32
        %eq3A_1747 = vector.broadcast %eq3A_1746 : i32 to vector<16xi32>
        %eq3A_1748 = arith.cmpi eq, %and3A_1745, %eq3A_1747 : vector<16xi32>
        %ge3A_1749 = arith.constant 0 : i32
        %ge3A_1750 = vector.broadcast %ge3A_1749 : i32 to vector<16xi32>
        %ge3A_1751 = arith.cmpi sge, %sub3A_1734, %ge3A_1750 : vector<16xi32>
        %and3A_1752 = arith.andi %eq3A_1748, %ge3A_1751 : vector<16xi1>
        %ge3A_1753 = arith.constant 0 : i32
        %ge3A_1754 = vector.broadcast %ge3A_1753 : i32 to vector<16xi32>
        %ge3A_1755 = arith.cmpi sge, %sub3A_1737, %ge3A_1754 : vector<16xi32>
        %and3A_1756 = arith.andi %and3A_1752, %ge3A_1755 : vector<16xi1>
        %ge3A_1757 = arith.constant 0 : i32
        %ge3A_1758 = vector.broadcast %ge3A_1757 : i32 to vector<16xi32>
        %ge3A_1759 = arith.cmpi sge, %sub3A_1740, %ge3A_1758 : vector<16xi32>
        %and3A_1760 = arith.andi %and3A_1756, %ge3A_1759 : vector<16xi1>
        %lt3A_1761 = arith.constant 128 : i32
        %lt3A_1762 = vector.broadcast %lt3A_1761 : i32 to vector<16xi32>
        %lt3A_1763 = arith.cmpi slt, %sub3A_1734, %lt3A_1762 : vector<16xi32>
        %and3A_1764 = arith.andi %and3A_1760, %lt3A_1763 : vector<16xi1>
        %lt3A_1765 = arith.constant 128 : i32
        %lt3A_1766 = vector.broadcast %lt3A_1765 : i32 to vector<16xi32>
        %lt3A_1767 = arith.cmpi slt, %sub3A_1737, %lt3A_1766 : vector<16xi32>
        %and3A_1768 = arith.andi %and3A_1764, %lt3A_1767 : vector<16xi1>
        %lt3A_1769 = arith.constant 128 : i32
        %lt3A_1770 = vector.broadcast %lt3A_1769 : i32 to vector<16xi32>
        %lt3A_1771 = arith.cmpi slt, %sub3A_1740, %lt3A_1770 : vector<16xi32>
        %and3A_1772 = arith.andi %and3A_1768, %lt3A_1771 : vector<16xi1>
        %shift_right_arithmetic3A_1773 = arith.constant 1 : i32
        %shift_right_arithmetic3A_1774 = vector.broadcast %shift_right_arithmetic3A_1773 : i32 to vector<16xi32>
        %shift_right_arithmetic3A_1775 = arith.shrsi %sub3A_1734, %shift_right_arithmetic3A_1774 : vector<16xi32>
        %mul3A_1776 = arith.constant 64 : i32
        %mul3A_1777 = vector.broadcast %mul3A_1776 : i32 to vector<16xi32>
        %mul3A_1778 = arith.muli %shift_right_arithmetic3A_1775, %mul3A_1777 : vector<16xi32>
        %shift_right_arithmetic3A_1779 = arith.constant 1 : i32
        %shift_right_arithmetic3A_1780 = vector.broadcast %shift_right_arithmetic3A_1779 : i32 to vector<16xi32>
        %shift_right_arithmetic3A_1781 = arith.shrsi %sub3A_1737, %shift_right_arithmetic3A_1780 : vector<16xi32>
        %add3A_1782 = arith.addi %mul3A_1778, %shift_right_arithmetic3A_1781 : vector<16xi32>
        %mul3A_1783 = arith.constant 64 : i32
        %mul3A_1784 = vector.broadcast %mul3A_1783 : i32 to vector<16xi32>
        %mul3A_1785 = arith.muli %add3A_1782, %mul3A_1784 : vector<16xi32>
        %shift_right_arithmetic3A_1786 = arith.constant 1 : i32
        %shift_right_arithmetic3A_1787 = vector.broadcast %shift_right_arithmetic3A_1786 : i32 to vector<16xi32>
        %shift_right_arithmetic3A_1788 = arith.shrsi %sub3A_1740, %shift_right_arithmetic3A_1787 : vector<16xi32>
        %add3A_1789 = arith.addi %mul3A_1785, %shift_right_arithmetic3A_1788 : vector<16xi32>
        %jit3A_1790 = arith.constant 262144 : i32
        %broadcast_in_dim3A_1791 = vector.broadcast %jit3A_1790 : i32 to vector<16xi32>
        %select_n3A_1792 = arith.select %and3A_1772, %add3A_1789, %broadcast_in_dim3A_1791 : vector<16xi1>, vector<16xi32>
        %mul3A_1793 = arith.constant 16 : i32
        %mul3A_1794 = arith.muli %scan3A_71, %mul3A_1793 : i32
        %add3A_1795 = arith.constant 10752 : i32
        %add3A_1796 = arith.addi %add3A_1795, %mul3A_1794 : i32
        %swap3A_1797 = arith.index_cast %add3A_1796 : i32 to index
        %swap3A_1798 = tpu.vector_load %arg18[%swap3A_1797] {strides = array<i32>} : memref<12096xi32, #tpu.memory_space<vmem>>, vector<16xi32>,
        %swap3A_1799 = vector.shape_cast %swap3A_1798 : vector<16xi32> to vector<16xi32>
        %swap3A_1800 = vector.shape_cast %select_n3A_1792 : vector<16xi32> to vector<16xi32>
        tpu.vector_store %arg18[%swap3A_1797], %swap3A_1800 {strides = array<i32>} : memref<12096xi32, #tpu.memory_space<vmem>>, vector<16xi32>,
        %sub3A_1801 = arith.constant 1 : i32
        %sub3A_1802 = vector.broadcast %sub3A_1801 : i32 to vector<16xi32>
        %sub3A_1803 = arith.subi %get3A_76, %sub3A_1802 : vector<16xi32>
        %sub3A_1804 = arith.constant 1 : i32
        %sub3A_1805 = vector.broadcast %sub3A_1804 : i32 to vector<16xi32>
        %sub3A_1806 = arith.subi %get3A_81, %sub3A_1805 : vector<16xi32>
        %sub3A_1807 = arith.constant 0 : i32
        %sub3A_1808 = vector.broadcast %sub3A_1807 : i32 to vector<16xi32>
        %sub3A_1809 = arith.subi %get3A_86, %sub3A_1808 : vector<16xi32>
        %or3A_1810 = arith.ori %sub3A_1803, %sub3A_1806 : vector<16xi32>
        %or3A_1811 = arith.ori %or3A_1810, %sub3A_1809 : vector<16xi32>
        %and3A_1812 = arith.constant 1 : i32
        %and3A_1813 = vector.broadcast %and3A_1812 : i32 to vector<16xi32>
        %and3A_1814 = arith.andi %or3A_1811, %and3A_1813 : vector<16xi32>
        %eq3A_1815 = arith.constant 0 : i32
        %eq3A_1816 = vector.broadcast %eq3A_1815 : i32 to vector<16xi32>
        %eq3A_1817 = arith.cmpi eq, %and3A_1814, %eq3A_1816 : vector<16xi32>
        %ge3A_1818 = arith.constant 0 : i32
        %ge3A_1819 = vector.broadcast %ge3A_1818 : i32 to vector<16xi32>
        %ge3A_1820 = arith.cmpi sge, %sub3A_1803, %ge3A_1819 : vector<16xi32>
        %and3A_1821 = arith.andi %eq3A_1817, %ge3A_1820 : vector<16xi1>
        %ge3A_1822 = arith.constant 0 : i32
        %ge3A_1823 = vector.broadcast %ge3A_1822 : i32 to vector<16xi32>
        %ge3A_1824 = arith.cmpi sge, %sub3A_1806, %ge3A_1823 : vector<16xi32>
        %and3A_1825 = arith.andi %and3A_1821, %ge3A_1824 : vector<16xi1>
        %ge3A_1826 = arith.constant 0 : i32
        %ge3A_1827 = vector.broadcast %ge3A_1826 : i32 to vector<16xi32>
        %ge3A_1828 = arith.cmpi sge, %sub3A_1809, %ge3A_1827 : vector<16xi32>
        %and3A_1829 = arith.andi %and3A_1825, %ge3A_1828 : vector<16xi1>
        %lt3A_1830 = arith.constant 128 : i32
        %lt3A_1831 = vector.broadcast %lt3A_1830 : i32 to vector<16xi32>
        %lt3A_1832 = arith.cmpi slt, %sub3A_1803, %lt3A_1831 : vector<16xi32>
        %and3A_1833 = arith.andi %and3A_1829, %lt3A_1832 : vector<16xi1>
        %lt3A_1834 = arith.constant 128 : i32
        %lt3A_1835 = vector.broadcast %lt3A_1834 : i32 to vector<16xi32>
        %lt3A_1836 = arith.cmpi slt, %sub3A_1806, %lt3A_1835 : vector<16xi32>
        %and3A_1837 = arith.andi %and3A_1833, %lt3A_1836 : vector<16xi1>
        %lt3A_1838 = arith.constant 128 : i32
        %lt3A_1839 = vector.broadcast %lt3A_1838 : i32 to vector<16xi32>
        %lt3A_1840 = arith.cmpi slt, %sub3A_1809, %lt3A_1839 : vector<16xi32>
        %and3A_1841 = arith.andi %and3A_1837, %lt3A_1840 : vector<16xi1>
        %shift_right_arithmetic3A_1842 = arith.constant 1 : i32
        %shift_right_arithmetic3A_1843 = vector.broadcast %shift_right_arithmetic3A_1842 : i32 to vector<16xi32>
        %shift_right_arithmetic3A_1844 = arith.shrsi %sub3A_1803, %shift_right_arithmetic3A_1843 : vector<16xi32>
        %mul3A_1845 = arith.constant 64 : i32
        %mul3A_1846 = vector.broadcast %mul3A_1845 : i32 to vector<16xi32>
        %mul3A_1847 = arith.muli %shift_right_arithmetic3A_1844, %mul3A_1846 : vector<16xi32>
        %shift_right_arithmetic3A_1848 = arith.constant 1 : i32
        %shift_right_arithmetic3A_1849 = vector.broadcast %shift_right_arithmetic3A_1848 : i32 to vector<16xi32>
        %shift_right_arithmetic3A_1850 = arith.shrsi %sub3A_1806, %shift_right_arithmetic3A_1849 : vector<16xi32>
        %add3A_1851 = arith.addi %mul3A_1847, %shift_right_arithmetic3A_1850 : vector<16xi32>
        %mul3A_1852 = arith.constant 64 : i32
        %mul3A_1853 = vector.broadcast %mul3A_1852 : i32 to vector<16xi32>
        %mul3A_1854 = arith.muli %add3A_1851, %mul3A_1853 : vector<16xi32>
        %shift_right_arithmetic3A_1855 = arith.constant 1 : i32
        %shift_right_arithmetic3A_1856 = vector.broadcast %shift_right_arithmetic3A_1855 : i32 to vector<16xi32>
        %shift_right_arithmetic3A_1857 = arith.shrsi %sub3A_1809, %shift_right_arithmetic3A_1856 : vector<16xi32>
        %add3A_1858 = arith.addi %mul3A_1854, %shift_right_arithmetic3A_1857 : vector<16xi32>
        %jit3A_1859 = arith.constant 262144 : i32
        %broadcast_in_dim3A_1860 = vector.broadcast %jit3A_1859 : i32 to vector<16xi32>
        %select_n3A_1861 = arith.select %and3A_1841, %add3A_1858, %broadcast_in_dim3A_1860 : vector<16xi1>, vector<16xi32>
        %mul3A_1862 = arith.constant 16 : i32
        %mul3A_1863 = arith.muli %scan3A_71, %mul3A_1862 : i32
        %add3A_1864 = arith.constant 11200 : i32
        %add3A_1865 = arith.addi %add3A_1864, %mul3A_1863 : i32
        %swap3A_1866 = arith.index_cast %add3A_1865 : i32 to index
        %swap3A_1867 = tpu.vector_load %arg18[%swap3A_1866] {strides = array<i32>} : memref<12096xi32, #tpu.memory_space<vmem>>, vector<16xi32>,
        %swap3A_1868 = vector.shape_cast %swap3A_1867 : vector<16xi32> to vector<16xi32>
        %swap3A_1869 = vector.shape_cast %select_n3A_1861 : vector<16xi32> to vector<16xi32>
        tpu.vector_store %arg18[%swap3A_1866], %swap3A_1869 {strides = array<i32>} : memref<12096xi32, #tpu.memory_space<vmem>>, vector<16xi32>,
        %sub3A_1870 = arith.constant 1 : i32
        %sub3A_1871 = vector.broadcast %sub3A_1870 : i32 to vector<16xi32>
        %sub3A_1872 = arith.subi %get3A_76, %sub3A_1871 : vector<16xi32>
        %sub3A_1873 = arith.constant 1 : i32
        %sub3A_1874 = vector.broadcast %sub3A_1873 : i32 to vector<16xi32>
        %sub3A_1875 = arith.subi %get3A_81, %sub3A_1874 : vector<16xi32>
        %sub3A_1876 = arith.constant 1 : i32
        %sub3A_1877 = vector.broadcast %sub3A_1876 : i32 to vector<16xi32>
        %sub3A_1878 = arith.subi %get3A_86, %sub3A_1877 : vector<16xi32>
        %or3A_1879 = arith.ori %sub3A_1872, %sub3A_1875 : vector<16xi32>
        %or3A_1880 = arith.ori %or3A_1879, %sub3A_1878 : vector<16xi32>
        %and3A_1881 = arith.constant 1 : i32
        %and3A_1882 = vector.broadcast %and3A_1881 : i32 to vector<16xi32>
        %and3A_1883 = arith.andi %or3A_1880, %and3A_1882 : vector<16xi32>
        %eq3A_1884 = arith.constant 0 : i32
        %eq3A_1885 = vector.broadcast %eq3A_1884 : i32 to vector<16xi32>
        %eq3A_1886 = arith.cmpi eq, %and3A_1883, %eq3A_1885 : vector<16xi32>
        %ge3A_1887 = arith.constant 0 : i32
        %ge3A_1888 = vector.broadcast %ge3A_1887 : i32 to vector<16xi32>
        %ge3A_1889 = arith.cmpi sge, %sub3A_1872, %ge3A_1888 : vector<16xi32>
        %and3A_1890 = arith.andi %eq3A_1886, %ge3A_1889 : vector<16xi1>
        %ge3A_1891 = arith.constant 0 : i32
        %ge3A_1892 = vector.broadcast %ge3A_1891 : i32 to vector<16xi32>
        %ge3A_1893 = arith.cmpi sge, %sub3A_1875, %ge3A_1892 : vector<16xi32>
        %and3A_1894 = arith.andi %and3A_1890, %ge3A_1893 : vector<16xi1>
        %ge3A_1895 = arith.constant 0 : i32
        %ge3A_1896 = vector.broadcast %ge3A_1895 : i32 to vector<16xi32>
        %ge3A_1897 = arith.cmpi sge, %sub3A_1878, %ge3A_1896 : vector<16xi32>
        %and3A_1898 = arith.andi %and3A_1894, %ge3A_1897 : vector<16xi1>
        %lt3A_1899 = arith.constant 128 : i32
        %lt3A_1900 = vector.broadcast %lt3A_1899 : i32 to vector<16xi32>
        %lt3A_1901 = arith.cmpi slt, %sub3A_1872, %lt3A_1900 : vector<16xi32>
        %and3A_1902 = arith.andi %and3A_1898, %lt3A_1901 : vector<16xi1>
        %lt3A_1903 = arith.constant 128 : i32
        %lt3A_1904 = vector.broadcast %lt3A_1903 : i32 to vector<16xi32>
        %lt3A_1905 = arith.cmpi slt, %sub3A_1875, %lt3A_1904 : vector<16xi32>
        %and3A_1906 = arith.andi %and3A_1902, %lt3A_1905 : vector<16xi1>
        %lt3A_1907 = arith.constant 128 : i32
        %lt3A_1908 = vector.broadcast %lt3A_1907 : i32 to vector<16xi32>
        %lt3A_1909 = arith.cmpi slt, %sub3A_1878, %lt3A_1908 : vector<16xi32>
        %and3A_1910 = arith.andi %and3A_1906, %lt3A_1909 : vector<16xi1>
        %shift_right_arithmetic3A_1911 = arith.constant 1 : i32
        %shift_right_arithmetic3A_1912 = vector.broadcast %shift_right_arithmetic3A_1911 : i32 to vector<16xi32>
        %shift_right_arithmetic3A_1913 = arith.shrsi %sub3A_1872, %shift_right_arithmetic3A_1912 : vector<16xi32>
        %mul3A_1914 = arith.constant 64 : i32
        %mul3A_1915 = vector.broadcast %mul3A_1914 : i32 to vector<16xi32>
        %mul3A_1916 = arith.muli %shift_right_arithmetic3A_1913, %mul3A_1915 : vector<16xi32>
        %shift_right_arithmetic3A_1917 = arith.constant 1 : i32
        %shift_right_arithmetic3A_1918 = vector.broadcast %shift_right_arithmetic3A_1917 : i32 to vector<16xi32>
        %shift_right_arithmetic3A_1919 = arith.shrsi %sub3A_1875, %shift_right_arithmetic3A_1918 : vector<16xi32>
        %add3A_1920 = arith.addi %mul3A_1916, %shift_right_arithmetic3A_1919 : vector<16xi32>
        %mul3A_1921 = arith.constant 64 : i32
        %mul3A_1922 = vector.broadcast %mul3A_1921 : i32 to vector<16xi32>
        %mul3A_1923 = arith.muli %add3A_1920, %mul3A_1922 : vector<16xi32>
        %shift_right_arithmetic3A_1924 = arith.constant 1 : i32
        %shift_right_arithmetic3A_1925 = vector.broadcast %shift_right_arithmetic3A_1924 : i32 to vector<16xi32>
        %shift_right_arithmetic3A_1926 = arith.shrsi %sub3A_1878, %shift_right_arithmetic3A_1925 : vector<16xi32>
        %add3A_1927 = arith.addi %mul3A_1923, %shift_right_arithmetic3A_1926 : vector<16xi32>
        %jit3A_1928 = arith.constant 262144 : i32
        %broadcast_in_dim3A_1929 = vector.broadcast %jit3A_1928 : i32 to vector<16xi32>
        %select_n3A_1930 = arith.select %and3A_1910, %add3A_1927, %broadcast_in_dim3A_1929 : vector<16xi1>, vector<16xi32>
        %mul3A_1931 = arith.constant 16 : i32
        %mul3A_1932 = arith.muli %scan3A_71, %mul3A_1931 : i32
        %add3A_1933 = arith.constant 11648 : i32
        %add3A_1934 = arith.addi %add3A_1933, %mul3A_1932 : i32
        %swap3A_1935 = arith.index_cast %add3A_1934 : i32 to index
        %swap3A_1936 = tpu.vector_load %arg18[%swap3A_1935] {strides = array<i32>} : memref<12096xi32, #tpu.memory_space<vmem>>, vector<16xi32>,
        %swap3A_1937 = vector.shape_cast %swap3A_1936 : vector<16xi32> to vector<16xi32>
        %swap3A_1938 = vector.shape_cast %select_n3A_1930 : vector<16xi32> to vector<16xi32>
        tpu.vector_store %arg18[%swap3A_1935], %swap3A_1938 {strides = array<i32>} : memref<12096xi32, #tpu.memory_space<vmem>>, vector<16xi32>,
        %scan3A_1939 = arith.constant 0 : i32
        scf.yield %scan3A_1939 : i32
      }
      %scan3A_28 = arith.constant 28 : i32
      %dma_start3A_29 = arith.constant 0 : i32
      %dma_start3A_30 = tpu.memref_slice %arg6[%dma_start3A_29] : memref<262152xi32, #tpu.memory_space<hbm>> -> memref<262152xi32, #tpu.memory_space<hbm>>
      tpu.enqueue_indirect_dma source(%dma_start3A_30 : memref<262152xi32, #tpu.memory_space<hbm>>) target(%arg19 : memref<12096xi32, #tpu.memory_space<vmem>>) offsets(%arg18 : memref<12096xi32, #tpu.memory_space<vmem>>) semaphore(%arg25 : memref<!tpu.dma_semaphore, #tpu.memory_space<semaphore_mem>>)
      %dma_wait3A = arith.constant 0 : i32
      %dma_wait3A_31 = tpu.memref_slice %arg5[%dma_wait3A] : memref<2097184xi32, #tpu.memory_space<hbm>> -> memref<2097184xi32, #tpu.memory_space<hbm>>
      tpu.wait_indirect_dma semaphore(%arg24 : memref<!tpu.dma_semaphore, #tpu.memory_space<semaphore_mem>>) src(%dma_wait3A_31 : memref<2097184xi32, #tpu.memory_space<hbm>>) dst(%arg17 : memref<12096xi32, #tpu.memory_space<vmem>>)
      %scan3A_32 = arith.constant 0 : i32
      %scan3A_33 = arith.constant 0 : i32
      %scan3A_34 = arith.constant 756 : i32
      %scan3A_35 = arith.addi %scan3A_33, %scan3A_34 : i32
      %scan3A_36 = arith.constant 1 : i32
      %scan3A_37 = scf.for %scan3A_71 = %scan3A_33 to %scan3A_35 step %scan3A_36 iter_args(%scan3A_72 = %scan3A_32) -> (i32)  : i32 {
        %mul3A_73 = arith.constant 16 : i32
        %mul3A_74 = arith.muli %scan3A_71, %mul3A_73 : i32
        %get3A = arith.index_cast %mul3A_74 : i32 to index
        %get3A_75 = tpu.vector_load %arg17[%get3A] {strides = array<i32>} : memref<12096xi32, #tpu.memory_space<vmem>>, vector<16xi32>,
        %get3A_76 = vector.shape_cast %get3A_75 : vector<16xi32> to vector<16xi32>
        %max3A = arith.constant 0 : i32
        %max3A_77 = vector.broadcast %max3A : i32 to vector<16xi32>
        %max3A_78 = arith.maxsi %get3A_76, %max3A_77 : vector<16xi32>
        %mul3A_79 = arith.constant 16 : i32
        %mul3A_80 = arith.muli %scan3A_71, %mul3A_79 : i32
        %swap3A = arith.index_cast %mul3A_80 : i32 to index
        %swap3A_81 = tpu.vector_load %arg16[%swap3A] {strides = array<i32>} : memref<12096xi32, #tpu.memory_space<vmem>>, vector<16xi32>,
        %swap3A_82 = vector.shape_cast %swap3A_81 : vector<16xi32> to vector<16xi32>
        %swap3A_83 = vector.shape_cast %max3A_78 : vector<16xi32> to vector<16xi32>
        tpu.vector_store %arg16[%swap3A], %swap3A_83 {strides = array<i32>} : memref<12096xi32, #tpu.memory_space<vmem>>, vector<16xi32>,
        %scan3A_84 = arith.constant 0 : i32
        scf.yield %scan3A_84 : i32
      }
      %scan3A_38 = arith.constant 756 : i32
      %dma_start3A_39 = arith.constant 0 : i32
      %dma_start3A_40 = tpu.memref_slice %arg7[%dma_start3A_39] : memref<100008xf32, #tpu.memory_space<hbm>> -> memref<100008xf32, #tpu.memory_space<hbm>>
      tpu.enqueue_indirect_dma source(%dma_start3A_40 : memref<100008xf32, #tpu.memory_space<hbm>>) target(%arg20 : memref<12096xf32, #tpu.memory_space<vmem>>) offsets(%arg16 : memref<12096xi32, #tpu.memory_space<vmem>>) semaphore(%arg24 : memref<!tpu.dma_semaphore, #tpu.memory_space<semaphore_mem>>)
      %dma_start3A_41 = arith.constant 0 : i32
      %dma_start3A_42 = tpu.memref_slice %arg8[%dma_start3A_41] : memref<100008xf32, #tpu.memory_space<hbm>> -> memref<100008xf32, #tpu.memory_space<hbm>>
      tpu.enqueue_indirect_dma source(%dma_start3A_42 : memref<100008xf32, #tpu.memory_space<hbm>>) target(%arg21 : memref<12096xf32, #tpu.memory_space<vmem>>) offsets(%arg16 : memref<12096xi32, #tpu.memory_space<vmem>>) semaphore(%arg24 : memref<!tpu.dma_semaphore, #tpu.memory_space<semaphore_mem>>)
      %dma_start3A_43 = arith.constant 0 : i32
      %dma_start3A_44 = tpu.memref_slice %arg9[%dma_start3A_43] : memref<100008xf32, #tpu.memory_space<hbm>> -> memref<100008xf32, #tpu.memory_space<hbm>>
      tpu.enqueue_indirect_dma source(%dma_start3A_44 : memref<100008xf32, #tpu.memory_space<hbm>>) target(%arg22 : memref<12096xf32, #tpu.memory_space<vmem>>) offsets(%arg16 : memref<12096xi32, #tpu.memory_space<vmem>>) semaphore(%arg24 : memref<!tpu.dma_semaphore, #tpu.memory_space<semaphore_mem>>)
      %dma_start3A_45 = arith.constant 0 : i32
      %dma_start3A_46 = tpu.memref_slice %arg10[%dma_start3A_45] : memref<100008xf32, #tpu.memory_space<hbm>> -> memref<100008xf32, #tpu.memory_space<hbm>>
      tpu.enqueue_indirect_dma source(%dma_start3A_46 : memref<100008xf32, #tpu.memory_space<hbm>>) target(%arg23 : memref<12096xf32, #tpu.memory_space<vmem>>) offsets(%arg16 : memref<12096xi32, #tpu.memory_space<vmem>>) semaphore(%arg24 : memref<!tpu.dma_semaphore, #tpu.memory_space<semaphore_mem>>)
      %dma_wait3A_47 = arith.constant 0 : i32
      %dma_wait3A_48 = tpu.memref_slice %arg6[%dma_wait3A_47] : memref<262152xi32, #tpu.memory_space<hbm>> -> memref<262152xi32, #tpu.memory_space<hbm>>
      tpu.wait_indirect_dma semaphore(%arg25 : memref<!tpu.dma_semaphore, #tpu.memory_space<semaphore_mem>>) src(%dma_wait3A_48 : memref<262152xi32, #tpu.memory_space<hbm>>) dst(%arg19 : memref<12096xi32, #tpu.memory_space<vmem>>)
      %mul3A_49 = arith.constant 27 : i32
      %mul3A_50 = arith.muli %add3A_13, %mul3A_49 : i32
      "tpu.region"() ({
        %run_scoped3A_71 = tpu.sem_alloc : memref<!tpu.dma_semaphore, #tpu.memory_space<semaphore_mem>>
        %dma_start3A_72 = tpu.memref_slice %arg12[%mul3A_50] : memref<2709504xi32, #tpu.memory_space<hbm>> -> memref<12096xi32, #tpu.memory_space<hbm>>
        %dma_start3A_73 = tpu.memref_slice %arg12[%mul3A_50] : memref<2709504xi32, #tpu.memory_space<hbm>> -> memref<12096xi32, #tpu.memory_space<hbm>>
        tpu.enqueue_dma source(%arg19 : memref<12096xi32, #tpu.memory_space<vmem>>) target(%dma_start3A_73 : memref<12096xi32, #tpu.memory_space<hbm>>) target_semaphore(%run_scoped3A_71 : memref<!tpu.dma_semaphore, #tpu.memory_space<semaphore_mem>>)
        %dma_wait3A_74 = tpu.memref_slice %arg12[%mul3A_50] : memref<2709504xi32, #tpu.memory_space<hbm>> -> memref<12096xi32, #tpu.memory_space<hbm>>
        %dma_wait3A_75 = tpu.memref_slice %arg12[%mul3A_50] : memref<2709504xi32, #tpu.memory_space<hbm>> -> memref<12096xi32, #tpu.memory_space<hbm>>
        tpu.wait_dma2 semaphore(%run_scoped3A_71 : memref<!tpu.dma_semaphore, #tpu.memory_space<semaphore_mem>>) src(%arg19 : memref<12096xi32, #tpu.memory_space<vmem>>) dst(%dma_wait3A_75 : memref<12096xi32, #tpu.memory_space<hbm>>)
        tpu.yield
      }) : () -> ()
      %dma_wait3A_51 = arith.constant 0 : i32
      %dma_wait3A_52 = tpu.memref_slice %arg7[%dma_wait3A_51] : memref<100008xf32, #tpu.memory_space<hbm>> -> memref<100008xf32, #tpu.memory_space<hbm>>
      tpu.wait_indirect_dma semaphore(%arg24 : memref<!tpu.dma_semaphore, #tpu.memory_space<semaphore_mem>>) src(%dma_wait3A_52 : memref<100008xf32, #tpu.memory_space<hbm>>) dst(%arg20 : memref<12096xf32, #tpu.memory_space<vmem>>)
      %mul3A_53 = arith.constant 27 : i32
      %mul3A_54 = arith.muli %add3A_13, %mul3A_53 : i32
      %run_scoped3A = arith.constant 0 : i32
      "tpu.region"() ({
        %run_scoped3A_71 = tpu.sem_alloc : memref<!tpu.dma_semaphore, #tpu.memory_space<semaphore_mem>>
        %dma_start3A_72 = tpu.memref_slice %arg11[%run_scoped3A, %mul3A_54] : memref<4x2709504xf32, #tpu.memory_space<hbm>> -> memref<1x12096xf32, #tpu.memory_space<hbm>>
        %dma_start3A_73 = tpu.memref_squeeze %dma_start3A_72 : memref<1x12096xf32, #tpu.memory_space<hbm>> -> memref<12096xf32, #tpu.memory_space<hbm>>
        %dma_start3A_74 = tpu.memref_slice %arg11[%run_scoped3A, %mul3A_54] : memref<4x2709504xf32, #tpu.memory_space<hbm>> -> memref<1x12096xf32, #tpu.memory_space<hbm>>
        %dma_start3A_75 = tpu.memref_squeeze %dma_start3A_74 : memref<1x12096xf32, #tpu.memory_space<hbm>> -> memref<12096xf32, #tpu.memory_space<hbm>>
        tpu.enqueue_dma source(%arg20 : memref<12096xf32, #tpu.memory_space<vmem>>) target(%dma_start3A_75 : memref<12096xf32, #tpu.memory_space<hbm>>) target_semaphore(%run_scoped3A_71 : memref<!tpu.dma_semaphore, #tpu.memory_space<semaphore_mem>>)
        %dma_wait3A_76 = tpu.memref_slice %arg11[%run_scoped3A, %mul3A_54] : memref<4x2709504xf32, #tpu.memory_space<hbm>> -> memref<1x12096xf32, #tpu.memory_space<hbm>>
        %dma_wait3A_77 = tpu.memref_squeeze %dma_wait3A_76 : memref<1x12096xf32, #tpu.memory_space<hbm>> -> memref<12096xf32, #tpu.memory_space<hbm>>
        %dma_wait3A_78 = tpu.memref_slice %arg11[%run_scoped3A, %mul3A_54] : memref<4x2709504xf32, #tpu.memory_space<hbm>> -> memref<1x12096xf32, #tpu.memory_space<hbm>>
        %dma_wait3A_79 = tpu.memref_squeeze %dma_wait3A_78 : memref<1x12096xf32, #tpu.memory_space<hbm>> -> memref<12096xf32, #tpu.memory_space<hbm>>
        tpu.wait_dma2 semaphore(%run_scoped3A_71 : memref<!tpu.dma_semaphore, #tpu.memory_space<semaphore_mem>>) src(%arg20 : memref<12096xf32, #tpu.memory_space<vmem>>) dst(%dma_wait3A_79 : memref<12096xf32, #tpu.memory_space<hbm>>)
        tpu.yield
      }) : () -> ()
      %dma_wait3A_55 = arith.constant 0 : i32
      %dma_wait3A_56 = tpu.memref_slice %arg8[%dma_wait3A_55] : memref<100008xf32, #tpu.memory_space<hbm>> -> memref<100008xf32, #tpu.memory_space<hbm>>
      tpu.wait_indirect_dma semaphore(%arg24 : memref<!tpu.dma_semaphore, #tpu.memory_space<semaphore_mem>>) src(%dma_wait3A_56 : memref<100008xf32, #tpu.memory_space<hbm>>) dst(%arg21 : memref<12096xf32, #tpu.memory_space<vmem>>)
      %mul3A_57 = arith.constant 27 : i32
      %mul3A_58 = arith.muli %add3A_13, %mul3A_57 : i32
      %run_scoped3A_59 = arith.constant 1 : i32
      "tpu.region"() ({
        %run_scoped3A_71 = tpu.sem_alloc : memref<!tpu.dma_semaphore, #tpu.memory_space<semaphore_mem>>
        %dma_start3A_72 = tpu.memref_slice %arg11[%run_scoped3A_59, %mul3A_58] : memref<4x2709504xf32, #tpu.memory_space<hbm>> -> memref<1x12096xf32, #tpu.memory_space<hbm>>
        %dma_start3A_73 = tpu.memref_squeeze %dma_start3A_72 : memref<1x12096xf32, #tpu.memory_space<hbm>> -> memref<12096xf32, #tpu.memory_space<hbm>>
        %dma_start3A_74 = tpu.memref_slice %arg11[%run_scoped3A_59, %mul3A_58] : memref<4x2709504xf32, #tpu.memory_space<hbm>> -> memref<1x12096xf32, #tpu.memory_space<hbm>>
        %dma_start3A_75 = tpu.memref_squeeze %dma_start3A_74 : memref<1x12096xf32, #tpu.memory_space<hbm>> -> memref<12096xf32, #tpu.memory_space<hbm>>
        tpu.enqueue_dma source(%arg21 : memref<12096xf32, #tpu.memory_space<vmem>>) target(%dma_start3A_75 : memref<12096xf32, #tpu.memory_space<hbm>>) target_semaphore(%run_scoped3A_71 : memref<!tpu.dma_semaphore, #tpu.memory_space<semaphore_mem>>)
        %dma_wait3A_76 = tpu.memref_slice %arg11[%run_scoped3A_59, %mul3A_58] : memref<4x2709504xf32, #tpu.memory_space<hbm>> -> memref<1x12096xf32, #tpu.memory_space<hbm>>
        %dma_wait3A_77 = tpu.memref_squeeze %dma_wait3A_76 : memref<1x12096xf32, #tpu.memory_space<hbm>> -> memref<12096xf32, #tpu.memory_space<hbm>>
        %dma_wait3A_78 = tpu.memref_slice %arg11[%run_scoped3A_59, %mul3A_58] : memref<4x2709504xf32, #tpu.memory_space<hbm>> -> memref<1x12096xf32, #tpu.memory_space<hbm>>
        %dma_wait3A_79 = tpu.memref_squeeze %dma_wait3A_78 : memref<1x12096xf32, #tpu.memory_space<hbm>> -> memref<12096xf32, #tpu.memory_space<hbm>>
        tpu.wait_dma2 semaphore(%run_scoped3A_71 : memref<!tpu.dma_semaphore, #tpu.memory_space<semaphore_mem>>) src(%arg21 : memref<12096xf32, #tpu.memory_space<vmem>>) dst(%dma_wait3A_79 : memref<12096xf32, #tpu.memory_space<hbm>>)
        tpu.yield
      }) : () -> ()
      %dma_wait3A_60 = arith.constant 0 : i32
      %dma_wait3A_61 = tpu.memref_slice %arg9[%dma_wait3A_60] : memref<100008xf32, #tpu.memory_space<hbm>> -> memref<100008xf32, #tpu.memory_space<hbm>>
      tpu.wait_indirect_dma semaphore(%arg24 : memref<!tpu.dma_semaphore, #tpu.memory_space<semaphore_mem>>) src(%dma_wait3A_61 : memref<100008xf32, #tpu.memory_space<hbm>>) dst(%arg22 : memref<12096xf32, #tpu.memory_space<vmem>>)
      %mul3A_62 = arith.constant 27 : i32
      %mul3A_63 = arith.muli %add3A_13, %mul3A_62 : i32
      %run_scoped3A_64 = arith.constant 2 : i32
      "tpu.region"() ({
        %run_scoped3A_71 = tpu.sem_alloc : memref<!tpu.dma_semaphore, #tpu.memory_space<semaphore_mem>>
        %dma_start3A_72 = tpu.memref_slice %arg11[%run_scoped3A_64, %mul3A_63] : memref<4x2709504xf32, #tpu.memory_space<hbm>> -> memref<1x12096xf32, #tpu.memory_space<hbm>>
        %dma_start3A_73 = tpu.memref_squeeze %dma_start3A_72 : memref<1x12096xf32, #tpu.memory_space<hbm>> -> memref<12096xf32, #tpu.memory_space<hbm>>
        %dma_start3A_74 = tpu.memref_slice %arg11[%run_scoped3A_64, %mul3A_63] : memref<4x2709504xf32, #tpu.memory_space<hbm>> -> memref<1x12096xf32, #tpu.memory_space<hbm>>
        %dma_start3A_75 = tpu.memref_squeeze %dma_start3A_74 : memref<1x12096xf32, #tpu.memory_space<hbm>> -> memref<12096xf32, #tpu.memory_space<hbm>>
        tpu.enqueue_dma source(%arg22 : memref<12096xf32, #tpu.memory_space<vmem>>) target(%dma_start3A_75 : memref<12096xf32, #tpu.memory_space<hbm>>) target_semaphore(%run_scoped3A_71 : memref<!tpu.dma_semaphore, #tpu.memory_space<semaphore_mem>>)
        %dma_wait3A_76 = tpu.memref_slice %arg11[%run_scoped3A_64, %mul3A_63] : memref<4x2709504xf32, #tpu.memory_space<hbm>> -> memref<1x12096xf32, #tpu.memory_space<hbm>>
        %dma_wait3A_77 = tpu.memref_squeeze %dma_wait3A_76 : memref<1x12096xf32, #tpu.memory_space<hbm>> -> memref<12096xf32, #tpu.memory_space<hbm>>
        %dma_wait3A_78 = tpu.memref_slice %arg11[%run_scoped3A_64, %mul3A_63] : memref<4x2709504xf32, #tpu.memory_space<hbm>> -> memref<1x12096xf32, #tpu.memory_space<hbm>>
        %dma_wait3A_79 = tpu.memref_squeeze %dma_wait3A_78 : memref<1x12096xf32, #tpu.memory_space<hbm>> -> memref<12096xf32, #tpu.memory_space<hbm>>
        tpu.wait_dma2 semaphore(%run_scoped3A_71 : memref<!tpu.dma_semaphore, #tpu.memory_space<semaphore_mem>>) src(%arg22 : memref<12096xf32, #tpu.memory_space<vmem>>) dst(%dma_wait3A_79 : memref<12096xf32, #tpu.memory_space<hbm>>)
        tpu.yield
      }) : () -> ()
      %dma_wait3A_65 = arith.constant 0 : i32
      %dma_wait3A_66 = tpu.memref_slice %arg10[%dma_wait3A_65] : memref<100008xf32, #tpu.memory_space<hbm>> -> memref<100008xf32, #tpu.memory_space<hbm>>
      tpu.wait_indirect_dma semaphore(%arg24 : memref<!tpu.dma_semaphore, #tpu.memory_space<semaphore_mem>>) src(%dma_wait3A_66 : memref<100008xf32, #tpu.memory_space<hbm>>) dst(%arg23 : memref<12096xf32, #tpu.memory_space<vmem>>)
      %mul3A_67 = arith.constant 27 : i32
      %mul3A_68 = arith.muli %add3A_13, %mul3A_67 : i32
      %run_scoped3A_69 = arith.constant 3 : i32
      "tpu.region"() ({
        %run_scoped3A_71 = tpu.sem_alloc : memref<!tpu.dma_semaphore, #tpu.memory_space<semaphore_mem>>
        %dma_start3A_72 = tpu.memref_slice %arg11[%run_scoped3A_69, %mul3A_68] : memref<4x2709504xf32, #tpu.memory_space<hbm>> -> memref<1x12096xf32, #tpu.memory_space<hbm>>
        %dma_start3A_73 = tpu.memref_squeeze %dma_start3A_72 : memref<1x12096xf32, #tpu.memory_space<hbm>> -> memref<12096xf32, #tpu.memory_space<hbm>>
        %dma_start3A_74 = tpu.memref_slice %arg11[%run_scoped3A_69, %mul3A_68] : memref<4x2709504xf32, #tpu.memory_space<hbm>> -> memref<1x12096xf32, #tpu.memory_space<hbm>>
        %dma_start3A_75 = tpu.memref_squeeze %dma_start3A_74 : memref<1x12096xf32, #tpu.memory_space<hbm>> -> memref<12096xf32, #tpu.memory_space<hbm>>
        tpu.enqueue_dma source(%arg23 : memref<12096xf32, #tpu.memory_space<vmem>>) target(%dma_start3A_75 : memref<12096xf32, #tpu.memory_space<hbm>>) target_semaphore(%run_scoped3A_71 : memref<!tpu.dma_semaphore, #tpu.memory_space<semaphore_mem>>)
        %dma_wait3A_76 = tpu.memref_slice %arg11[%run_scoped3A_69, %mul3A_68] : memref<4x2709504xf32, #tpu.memory_space<hbm>> -> memref<1x12096xf32, #tpu.memory_space<hbm>>
        %dma_wait3A_77 = tpu.memref_squeeze %dma_wait3A_76 : memref<1x12096xf32, #tpu.memory_space<hbm>> -> memref<12096xf32, #tpu.memory_space<hbm>>
        %dma_wait3A_78 = tpu.memref_slice %arg11[%run_scoped3A_69, %mul3A_68] : memref<4x2709504xf32, #tpu.memory_space<hbm>> -> memref<1x12096xf32, #tpu.memory_space<hbm>>
        %dma_wait3A_79 = tpu.memref_squeeze %dma_wait3A_78 : memref<1x12096xf32, #tpu.memory_space<hbm>> -> memref<12096xf32, #tpu.memory_space<hbm>>
        tpu.wait_dma2 semaphore(%run_scoped3A_71 : memref<!tpu.dma_semaphore, #tpu.memory_space<semaphore_mem>>) src(%arg23 : memref<12096xf32, #tpu.memory_space<vmem>>) dst(%dma_wait3A_79 : memref<12096xf32, #tpu.memory_space<hbm>>)
        tpu.yield
      }) : () -> ()
      %scan3A_70 = arith.constant 0 : i32
      scf.yield %scan3A_70 : i32
    }
    %scan3A_8 = arith.constant 7 : i32
    return
  }
}

module attributes {stable_mosaic.version = 14 : i64} {
  func.func @_tc_bmask_body(%arg0: memref<64x64x64xi32, #tpu.memory_space<vmem>>, %arg1: memref<64x64x64xi32, #tpu.memory_space<vmem>>, %arg2: memref<1x1xi32, #tpu.memory_space<smem>>) attributes {dimension_semantics = [], scalar_prefetch = 0 : i64, scratch_operands = 0 : i64, tpu.core_type = #tpu.core_type<tc>} {
    %get3A = arith.constant 0 : index
    %get3A_0 = arith.constant 0 : index
    %get3A_1 = arith.constant 0 : index
    %get3A_2 = vector.load %arg0[%get3A, %get3A_0, %get3A_1] : memref<64x64x64xi32, #tpu.memory_space<vmem>>, vector<64x64x64xi32>
    %broadcast_in_dim3A = arith.constant 0 : i32
    %broadcast_in_dim3A_3 = vector.broadcast %broadcast_in_dim3A : i32 to vector<64x64x64xi32>
    %broadcast_in_dim3A_4 = arith.constant 0 : i32
    %broadcast_in_dim3A_5 = vector.broadcast %broadcast_in_dim3A_4 : i32 to vector<1x64x64xi32>
    %slice3A = vector.extract_strided_slice %get3A_2 {offsets = [1, 0, 0], sizes = [63, 64, 64], strides = [1, 1, 1]} : vector<64x64x64xi32> to vector<63x64x64xi32>
    %concatenate3A = tpu.concatenate %slice3A, %broadcast_in_dim3A_5 in 0 : vector<63x64x64xi32>, vector<1x64x64xi32> -> vector<64x64x64xi32>
    %broadcast_in_dim3A_6 = arith.constant 0 : i32
    %broadcast_in_dim3A_7 = vector.broadcast %broadcast_in_dim3A_6 : i32 to vector<1x64x64xi32>
    %slice3A_8 = vector.extract_strided_slice %get3A_2 {offsets = [0, 0, 0], sizes = [63, 64, 64], strides = [1, 1, 1]} : vector<64x64x64xi32> to vector<63x64x64xi32>
    %concatenate3A_9 = tpu.concatenate %broadcast_in_dim3A_7, %slice3A_8 in 0 : vector<1x64x64xi32>, vector<63x64x64xi32> -> vector<64x64x64xi32>
    %broadcast_in_dim3A_10 = arith.constant 0 : i32
    %broadcast_in_dim3A_11 = vector.broadcast %broadcast_in_dim3A_10 : i32 to vector<64x1x64xi32>
    %slice3A_12 = vector.extract_strided_slice %concatenate3A {offsets = [0, 1, 0], sizes = [64, 63, 64], strides = [1, 1, 1]} : vector<64x64x64xi32> to vector<64x63x64xi32>
    %concatenate3A_13 = tpu.concatenate %slice3A_12, %broadcast_in_dim3A_11 in 1 : vector<64x63x64xi32>, vector<64x1x64xi32> -> vector<64x64x64xi32>
    %broadcast_in_dim3A_14 = arith.constant 0 : i32
    %broadcast_in_dim3A_15 = vector.broadcast %broadcast_in_dim3A_14 : i32 to vector<64x1x64xi32>
    %slice3A_16 = vector.extract_strided_slice %concatenate3A {offsets = [0, 0, 0], sizes = [64, 63, 64], strides = [1, 1, 1]} : vector<64x64x64xi32> to vector<64x63x64xi32>
    %concatenate3A_17 = tpu.concatenate %broadcast_in_dim3A_15, %slice3A_16 in 1 : vector<64x1x64xi32>, vector<64x63x64xi32> -> vector<64x64x64xi32>
    %broadcast_in_dim3A_18 = arith.constant 0 : i32
    %broadcast_in_dim3A_19 = vector.broadcast %broadcast_in_dim3A_18 : i32 to vector<64x64x1xi32>
    %slice3A_20 = vector.extract_strided_slice %concatenate3A_13 {offsets = [0, 0, 1], sizes = [64, 64, 63], strides = [1, 1, 1]} : vector<64x64x64xi32> to vector<64x64x63xi32>
    %concatenate3A_21 = tpu.concatenate %slice3A_20, %broadcast_in_dim3A_19 in 2 : vector<64x64x63xi32>, vector<64x64x1xi32> -> vector<64x64x64xi32>
    %shift_left3A = arith.constant 0 : i32
    %shift_left3A_22 = vector.broadcast %shift_left3A : i32 to vector<64x64x64xi32>
    %shift_left3A_23 = arith.shli %concatenate3A_21, %shift_left3A_22 : vector<64x64x64xi32>
    %add3A = arith.addi %broadcast_in_dim3A_3, %shift_left3A_23 : vector<64x64x64xi32>
    %shift_left3A_24 = arith.constant 1 : i32
    %shift_left3A_25 = vector.broadcast %shift_left3A_24 : i32 to vector<64x64x64xi32>
    %shift_left3A_26 = arith.shli %concatenate3A_13, %shift_left3A_25 : vector<64x64x64xi32>
    %add3A_27 = arith.addi %add3A, %shift_left3A_26 : vector<64x64x64xi32>
    %broadcast_in_dim3A_28 = arith.constant 0 : i32
    %broadcast_in_dim3A_29 = vector.broadcast %broadcast_in_dim3A_28 : i32 to vector<64x64x1xi32>
    %slice3A_30 = vector.extract_strided_slice %concatenate3A_13 {offsets = [0, 0, 0], sizes = [64, 64, 63], strides = [1, 1, 1]} : vector<64x64x64xi32> to vector<64x64x63xi32>
    %concatenate3A_31 = tpu.concatenate %broadcast_in_dim3A_29, %slice3A_30 in 2 : vector<64x64x1xi32>, vector<64x64x63xi32> -> vector<64x64x64xi32>
    %shift_left3A_32 = arith.constant 2 : i32
    %shift_left3A_33 = vector.broadcast %shift_left3A_32 : i32 to vector<64x64x64xi32>
    %shift_left3A_34 = arith.shli %concatenate3A_31, %shift_left3A_33 : vector<64x64x64xi32>
    %add3A_35 = arith.addi %add3A_27, %shift_left3A_34 : vector<64x64x64xi32>
    %broadcast_in_dim3A_36 = arith.constant 0 : i32
    %broadcast_in_dim3A_37 = vector.broadcast %broadcast_in_dim3A_36 : i32 to vector<64x64x1xi32>
    %slice3A_38 = vector.extract_strided_slice %concatenate3A {offsets = [0, 0, 1], sizes = [64, 64, 63], strides = [1, 1, 1]} : vector<64x64x64xi32> to vector<64x64x63xi32>
    %concatenate3A_39 = tpu.concatenate %slice3A_38, %broadcast_in_dim3A_37 in 2 : vector<64x64x63xi32>, vector<64x64x1xi32> -> vector<64x64x64xi32>
    %shift_left3A_40 = arith.constant 3 : i32
    %shift_left3A_41 = vector.broadcast %shift_left3A_40 : i32 to vector<64x64x64xi32>
    %shift_left3A_42 = arith.shli %concatenate3A_39, %shift_left3A_41 : vector<64x64x64xi32>
    %add3A_43 = arith.addi %add3A_35, %shift_left3A_42 : vector<64x64x64xi32>
    %shift_left3A_44 = arith.constant 4 : i32
    %shift_left3A_45 = vector.broadcast %shift_left3A_44 : i32 to vector<64x64x64xi32>
    %shift_left3A_46 = arith.shli %concatenate3A, %shift_left3A_45 : vector<64x64x64xi32>
    %add3A_47 = arith.addi %add3A_43, %shift_left3A_46 : vector<64x64x64xi32>
    %broadcast_in_dim3A_48 = arith.constant 0 : i32
    %broadcast_in_dim3A_49 = vector.broadcast %broadcast_in_dim3A_48 : i32 to vector<64x64x1xi32>
    %slice3A_50 = vector.extract_strided_slice %concatenate3A {offsets = [0, 0, 0], sizes = [64, 64, 63], strides = [1, 1, 1]} : vector<64x64x64xi32> to vector<64x64x63xi32>
    %concatenate3A_51 = tpu.concatenate %broadcast_in_dim3A_49, %slice3A_50 in 2 : vector<64x64x1xi32>, vector<64x64x63xi32> -> vector<64x64x64xi32>
    %shift_left3A_52 = arith.constant 5 : i32
    %shift_left3A_53 = vector.broadcast %shift_left3A_52 : i32 to vector<64x64x64xi32>
    %shift_left3A_54 = arith.shli %concatenate3A_51, %shift_left3A_53 : vector<64x64x64xi32>
    %add3A_55 = arith.addi %add3A_47, %shift_left3A_54 : vector<64x64x64xi32>
    %broadcast_in_dim3A_56 = arith.constant 0 : i32
    %broadcast_in_dim3A_57 = vector.broadcast %broadcast_in_dim3A_56 : i32 to vector<64x64x1xi32>
    %slice3A_58 = vector.extract_strided_slice %concatenate3A_17 {offsets = [0, 0, 1], sizes = [64, 64, 63], strides = [1, 1, 1]} : vector<64x64x64xi32> to vector<64x64x63xi32>
    %concatenate3A_59 = tpu.concatenate %slice3A_58, %broadcast_in_dim3A_57 in 2 : vector<64x64x63xi32>, vector<64x64x1xi32> -> vector<64x64x64xi32>
    %shift_left3A_60 = arith.constant 6 : i32
    %shift_left3A_61 = vector.broadcast %shift_left3A_60 : i32 to vector<64x64x64xi32>
    %shift_left3A_62 = arith.shli %concatenate3A_59, %shift_left3A_61 : vector<64x64x64xi32>
    %add3A_63 = arith.addi %add3A_55, %shift_left3A_62 : vector<64x64x64xi32>
    %shift_left3A_64 = arith.constant 7 : i32
    %shift_left3A_65 = vector.broadcast %shift_left3A_64 : i32 to vector<64x64x64xi32>
    %shift_left3A_66 = arith.shli %concatenate3A_17, %shift_left3A_65 : vector<64x64x64xi32>
    %add3A_67 = arith.addi %add3A_63, %shift_left3A_66 : vector<64x64x64xi32>
    %broadcast_in_dim3A_68 = arith.constant 0 : i32
    %broadcast_in_dim3A_69 = vector.broadcast %broadcast_in_dim3A_68 : i32 to vector<64x64x1xi32>
    %slice3A_70 = vector.extract_strided_slice %concatenate3A_17 {offsets = [0, 0, 0], sizes = [64, 64, 63], strides = [1, 1, 1]} : vector<64x64x64xi32> to vector<64x64x63xi32>
    %concatenate3A_71 = tpu.concatenate %broadcast_in_dim3A_69, %slice3A_70 in 2 : vector<64x64x1xi32>, vector<64x64x63xi32> -> vector<64x64x64xi32>
    %shift_left3A_72 = arith.constant 8 : i32
    %shift_left3A_73 = vector.broadcast %shift_left3A_72 : i32 to vector<64x64x64xi32>
    %shift_left3A_74 = arith.shli %concatenate3A_71, %shift_left3A_73 : vector<64x64x64xi32>
    %add3A_75 = arith.addi %add3A_67, %shift_left3A_74 : vector<64x64x64xi32>
    %broadcast_in_dim3A_76 = arith.constant 0 : i32
    %broadcast_in_dim3A_77 = vector.broadcast %broadcast_in_dim3A_76 : i32 to vector<64x1x64xi32>
    %slice3A_78 = vector.extract_strided_slice %get3A_2 {offsets = [0, 1, 0], sizes = [64, 63, 64], strides = [1, 1, 1]} : vector<64x64x64xi32> to vector<64x63x64xi32>
    %concatenate3A_79 = tpu.concatenate %slice3A_78, %broadcast_in_dim3A_77 in 1 : vector<64x63x64xi32>, vector<64x1x64xi32> -> vector<64x64x64xi32>
    %broadcast_in_dim3A_80 = arith.constant 0 : i32
    %broadcast_in_dim3A_81 = vector.broadcast %broadcast_in_dim3A_80 : i32 to vector<64x1x64xi32>
    %slice3A_82 = vector.extract_strided_slice %get3A_2 {offsets = [0, 0, 0], sizes = [64, 63, 64], strides = [1, 1, 1]} : vector<64x64x64xi32> to vector<64x63x64xi32>
    %concatenate3A_83 = tpu.concatenate %broadcast_in_dim3A_81, %slice3A_82 in 1 : vector<64x1x64xi32>, vector<64x63x64xi32> -> vector<64x64x64xi32>
    %broadcast_in_dim3A_84 = arith.constant 0 : i32
    %broadcast_in_dim3A_85 = vector.broadcast %broadcast_in_dim3A_84 : i32 to vector<64x64x1xi32>
    %slice3A_86 = vector.extract_strided_slice %concatenate3A_79 {offsets = [0, 0, 1], sizes = [64, 64, 63], strides = [1, 1, 1]} : vector<64x64x64xi32> to vector<64x64x63xi32>
    %concatenate3A_87 = tpu.concatenate %slice3A_86, %broadcast_in_dim3A_85 in 2 : vector<64x64x63xi32>, vector<64x64x1xi32> -> vector<64x64x64xi32>
    %shift_left3A_88 = arith.constant 9 : i32
    %shift_left3A_89 = vector.broadcast %shift_left3A_88 : i32 to vector<64x64x64xi32>
    %shift_left3A_90 = arith.shli %concatenate3A_87, %shift_left3A_89 : vector<64x64x64xi32>
    %add3A_91 = arith.addi %add3A_75, %shift_left3A_90 : vector<64x64x64xi32>
    %shift_left3A_92 = arith.constant 10 : i32
    %shift_left3A_93 = vector.broadcast %shift_left3A_92 : i32 to vector<64x64x64xi32>
    %shift_left3A_94 = arith.shli %concatenate3A_79, %shift_left3A_93 : vector<64x64x64xi32>
    %add3A_95 = arith.addi %add3A_91, %shift_left3A_94 : vector<64x64x64xi32>
    %broadcast_in_dim3A_96 = arith.constant 0 : i32
    %broadcast_in_dim3A_97 = vector.broadcast %broadcast_in_dim3A_96 : i32 to vector<64x64x1xi32>
    %slice3A_98 = vector.extract_strided_slice %concatenate3A_79 {offsets = [0, 0, 0], sizes = [64, 64, 63], strides = [1, 1, 1]} : vector<64x64x64xi32> to vector<64x64x63xi32>
    %concatenate3A_99 = tpu.concatenate %broadcast_in_dim3A_97, %slice3A_98 in 2 : vector<64x64x1xi32>, vector<64x64x63xi32> -> vector<64x64x64xi32>
    %shift_left3A_100 = arith.constant 11 : i32
    %shift_left3A_101 = vector.broadcast %shift_left3A_100 : i32 to vector<64x64x64xi32>
    %shift_left3A_102 = arith.shli %concatenate3A_99, %shift_left3A_101 : vector<64x64x64xi32>
    %add3A_103 = arith.addi %add3A_95, %shift_left3A_102 : vector<64x64x64xi32>
    %broadcast_in_dim3A_104 = arith.constant 0 : i32
    %broadcast_in_dim3A_105 = vector.broadcast %broadcast_in_dim3A_104 : i32 to vector<64x64x1xi32>
    %slice3A_106 = vector.extract_strided_slice %get3A_2 {offsets = [0, 0, 1], sizes = [64, 64, 63], strides = [1, 1, 1]} : vector<64x64x64xi32> to vector<64x64x63xi32>
    %concatenate3A_107 = tpu.concatenate %slice3A_106, %broadcast_in_dim3A_105 in 2 : vector<64x64x63xi32>, vector<64x64x1xi32> -> vector<64x64x64xi32>
    %shift_left3A_108 = arith.constant 12 : i32
    %shift_left3A_109 = vector.broadcast %shift_left3A_108 : i32 to vector<64x64x64xi32>
    %shift_left3A_110 = arith.shli %concatenate3A_107, %shift_left3A_109 : vector<64x64x64xi32>
    %add3A_111 = arith.addi %add3A_103, %shift_left3A_110 : vector<64x64x64xi32>
    %shift_left3A_112 = arith.constant 13 : i32
    %shift_left3A_113 = vector.broadcast %shift_left3A_112 : i32 to vector<64x64x64xi32>
    %shift_left3A_114 = arith.shli %get3A_2, %shift_left3A_113 : vector<64x64x64xi32>
    %add3A_115 = arith.addi %add3A_111, %shift_left3A_114 : vector<64x64x64xi32>
    %broadcast_in_dim3A_116 = arith.constant 0 : i32
    %broadcast_in_dim3A_117 = vector.broadcast %broadcast_in_dim3A_116 : i32 to vector<64x64x1xi32>
    %slice3A_118 = vector.extract_strided_slice %get3A_2 {offsets = [0, 0, 0], sizes = [64, 64, 63], strides = [1, 1, 1]} : vector<64x64x64xi32> to vector<64x64x63xi32>
    %concatenate3A_119 = tpu.concatenate %broadcast_in_dim3A_117, %slice3A_118 in 2 : vector<64x64x1xi32>, vector<64x64x63xi32> -> vector<64x64x64xi32>
    %shift_left3A_120 = arith.constant 14 : i32
    %shift_left3A_121 = vector.broadcast %shift_left3A_120 : i32 to vector<64x64x64xi32>
    %shift_left3A_122 = arith.shli %concatenate3A_119, %shift_left3A_121 : vector<64x64x64xi32>
    %add3A_123 = arith.addi %add3A_115, %shift_left3A_122 : vector<64x64x64xi32>
    %broadcast_in_dim3A_124 = arith.constant 0 : i32
    %broadcast_in_dim3A_125 = vector.broadcast %broadcast_in_dim3A_124 : i32 to vector<64x64x1xi32>
    %slice3A_126 = vector.extract_strided_slice %concatenate3A_83 {offsets = [0, 0, 1], sizes = [64, 64, 63], strides = [1, 1, 1]} : vector<64x64x64xi32> to vector<64x64x63xi32>
    %concatenate3A_127 = tpu.concatenate %slice3A_126, %broadcast_in_dim3A_125 in 2 : vector<64x64x63xi32>, vector<64x64x1xi32> -> vector<64x64x64xi32>
    %shift_left3A_128 = arith.constant 15 : i32
    %shift_left3A_129 = vector.broadcast %shift_left3A_128 : i32 to vector<64x64x64xi32>
    %shift_left3A_130 = arith.shli %concatenate3A_127, %shift_left3A_129 : vector<64x64x64xi32>
    %add3A_131 = arith.addi %add3A_123, %shift_left3A_130 : vector<64x64x64xi32>
    %shift_left3A_132 = arith.constant 16 : i32
    %shift_left3A_133 = vector.broadcast %shift_left3A_132 : i32 to vector<64x64x64xi32>
    %shift_left3A_134 = arith.shli %concatenate3A_83, %shift_left3A_133 : vector<64x64x64xi32>
    %add3A_135 = arith.addi %add3A_131, %shift_left3A_134 : vector<64x64x64xi32>
    %broadcast_in_dim3A_136 = arith.constant 0 : i32
    %broadcast_in_dim3A_137 = vector.broadcast %broadcast_in_dim3A_136 : i32 to vector<64x64x1xi32>
    %slice3A_138 = vector.extract_strided_slice %concatenate3A_83 {offsets = [0, 0, 0], sizes = [64, 64, 63], strides = [1, 1, 1]} : vector<64x64x64xi32> to vector<64x64x63xi32>
    %concatenate3A_139 = tpu.concatenate %broadcast_in_dim3A_137, %slice3A_138 in 2 : vector<64x64x1xi32>, vector<64x64x63xi32> -> vector<64x64x64xi32>
    %shift_left3A_140 = arith.constant 17 : i32
    %shift_left3A_141 = vector.broadcast %shift_left3A_140 : i32 to vector<64x64x64xi32>
    %shift_left3A_142 = arith.shli %concatenate3A_139, %shift_left3A_141 : vector<64x64x64xi32>
    %add3A_143 = arith.addi %add3A_135, %shift_left3A_142 : vector<64x64x64xi32>
    %broadcast_in_dim3A_144 = arith.constant 0 : i32
    %broadcast_in_dim3A_145 = vector.broadcast %broadcast_in_dim3A_144 : i32 to vector<64x1x64xi32>
    %slice3A_146 = vector.extract_strided_slice %concatenate3A_9 {offsets = [0, 1, 0], sizes = [64, 63, 64], strides = [1, 1, 1]} : vector<64x64x64xi32> to vector<64x63x64xi32>
    %concatenate3A_147 = tpu.concatenate %slice3A_146, %broadcast_in_dim3A_145 in 1 : vector<64x63x64xi32>, vector<64x1x64xi32> -> vector<64x64x64xi32>
    %broadcast_in_dim3A_148 = arith.constant 0 : i32
    %broadcast_in_dim3A_149 = vector.broadcast %broadcast_in_dim3A_148 : i32 to vector<64x1x64xi32>
    %slice3A_150 = vector.extract_strided_slice %concatenate3A_9 {offsets = [0, 0, 0], sizes = [64, 63, 64], strides = [1, 1, 1]} : vector<64x64x64xi32> to vector<64x63x64xi32>
    %concatenate3A_151 = tpu.concatenate %broadcast_in_dim3A_149, %slice3A_150 in 1 : vector<64x1x64xi32>, vector<64x63x64xi32> -> vector<64x64x64xi32>
    %broadcast_in_dim3A_152 = arith.constant 0 : i32
    %broadcast_in_dim3A_153 = vector.broadcast %broadcast_in_dim3A_152 : i32 to vector<64x64x1xi32>
    %slice3A_154 = vector.extract_strided_slice %concatenate3A_147 {offsets = [0, 0, 1], sizes = [64, 64, 63], strides = [1, 1, 1]} : vector<64x64x64xi32> to vector<64x64x63xi32>
    %concatenate3A_155 = tpu.concatenate %slice3A_154, %broadcast_in_dim3A_153 in 2 : vector<64x64x63xi32>, vector<64x64x1xi32> -> vector<64x64x64xi32>
    %shift_left3A_156 = arith.constant 18 : i32
    %shift_left3A_157 = vector.broadcast %shift_left3A_156 : i32 to vector<64x64x64xi32>
    %shift_left3A_158 = arith.shli %concatenate3A_155, %shift_left3A_157 : vector<64x64x64xi32>
    %add3A_159 = arith.addi %add3A_143, %shift_left3A_158 : vector<64x64x64xi32>
    %shift_left3A_160 = arith.constant 19 : i32
    %shift_left3A_161 = vector.broadcast %shift_left3A_160 : i32 to vector<64x64x64xi32>
    %shift_left3A_162 = arith.shli %concatenate3A_147, %shift_left3A_161 : vector<64x64x64xi32>
    %add3A_163 = arith.addi %add3A_159, %shift_left3A_162 : vector<64x64x64xi32>
    %broadcast_in_dim3A_164 = arith.constant 0 : i32
    %broadcast_in_dim3A_165 = vector.broadcast %broadcast_in_dim3A_164 : i32 to vector<64x64x1xi32>
    %slice3A_166 = vector.extract_strided_slice %concatenate3A_147 {offsets = [0, 0, 0], sizes = [64, 64, 63], strides = [1, 1, 1]} : vector<64x64x64xi32> to vector<64x64x63xi32>
    %concatenate3A_167 = tpu.concatenate %broadcast_in_dim3A_165, %slice3A_166 in 2 : vector<64x64x1xi32>, vector<64x64x63xi32> -> vector<64x64x64xi32>
    %shift_left3A_168 = arith.constant 20 : i32
    %shift_left3A_169 = vector.broadcast %shift_left3A_168 : i32 to vector<64x64x64xi32>
    %shift_left3A_170 = arith.shli %concatenate3A_167, %shift_left3A_169 : vector<64x64x64xi32>
    %add3A_171 = arith.addi %add3A_163, %shift_left3A_170 : vector<64x64x64xi32>
    %broadcast_in_dim3A_172 = arith.constant 0 : i32
    %broadcast_in_dim3A_173 = vector.broadcast %broadcast_in_dim3A_172 : i32 to vector<64x64x1xi32>
    %slice3A_174 = vector.extract_strided_slice %concatenate3A_9 {offsets = [0, 0, 1], sizes = [64, 64, 63], strides = [1, 1, 1]} : vector<64x64x64xi32> to vector<64x64x63xi32>
    %concatenate3A_175 = tpu.concatenate %slice3A_174, %broadcast_in_dim3A_173 in 2 : vector<64x64x63xi32>, vector<64x64x1xi32> -> vector<64x64x64xi32>
    %shift_left3A_176 = arith.constant 21 : i32
    %shift_left3A_177 = vector.broadcast %shift_left3A_176 : i32 to vector<64x64x64xi32>
    %shift_left3A_178 = arith.shli %concatenate3A_175, %shift_left3A_177 : vector<64x64x64xi32>
    %add3A_179 = arith.addi %add3A_171, %shift_left3A_178 : vector<64x64x64xi32>
    %shift_left3A_180 = arith.constant 22 : i32
    %shift_left3A_181 = vector.broadcast %shift_left3A_180 : i32 to vector<64x64x64xi32>
    %shift_left3A_182 = arith.shli %concatenate3A_9, %shift_left3A_181 : vector<64x64x64xi32>
    %add3A_183 = arith.addi %add3A_179, %shift_left3A_182 : vector<64x64x64xi32>
    %broadcast_in_dim3A_184 = arith.constant 0 : i32
    %broadcast_in_dim3A_185 = vector.broadcast %broadcast_in_dim3A_184 : i32 to vector<64x64x1xi32>
    %slice3A_186 = vector.extract_strided_slice %concatenate3A_9 {offsets = [0, 0, 0], sizes = [64, 64, 63], strides = [1, 1, 1]} : vector<64x64x64xi32> to vector<64x64x63xi32>
    %concatenate3A_187 = tpu.concatenate %broadcast_in_dim3A_185, %slice3A_186 in 2 : vector<64x64x1xi32>, vector<64x64x63xi32> -> vector<64x64x64xi32>
    %shift_left3A_188 = arith.constant 23 : i32
    %shift_left3A_189 = vector.broadcast %shift_left3A_188 : i32 to vector<64x64x64xi32>
    %shift_left3A_190 = arith.shli %concatenate3A_187, %shift_left3A_189 : vector<64x64x64xi32>
    %add3A_191 = arith.addi %add3A_183, %shift_left3A_190 : vector<64x64x64xi32>
    %broadcast_in_dim3A_192 = arith.constant 0 : i32
    %broadcast_in_dim3A_193 = vector.broadcast %broadcast_in_dim3A_192 : i32 to vector<64x64x1xi32>
    %slice3A_194 = vector.extract_strided_slice %concatenate3A_151 {offsets = [0, 0, 1], sizes = [64, 64, 63], strides = [1, 1, 1]} : vector<64x64x64xi32> to vector<64x64x63xi32>
    %concatenate3A_195 = tpu.concatenate %slice3A_194, %broadcast_in_dim3A_193 in 2 : vector<64x64x63xi32>, vector<64x64x1xi32> -> vector<64x64x64xi32>
    %shift_left3A_196 = arith.constant 24 : i32
    %shift_left3A_197 = vector.broadcast %shift_left3A_196 : i32 to vector<64x64x64xi32>
    %shift_left3A_198 = arith.shli %concatenate3A_195, %shift_left3A_197 : vector<64x64x64xi32>
    %add3A_199 = arith.addi %add3A_191, %shift_left3A_198 : vector<64x64x64xi32>
    %shift_left3A_200 = arith.constant 25 : i32
    %shift_left3A_201 = vector.broadcast %shift_left3A_200 : i32 to vector<64x64x64xi32>
    %shift_left3A_202 = arith.shli %concatenate3A_151, %shift_left3A_201 : vector<64x64x64xi32>
    %add3A_203 = arith.addi %add3A_199, %shift_left3A_202 : vector<64x64x64xi32>
    %broadcast_in_dim3A_204 = arith.constant 0 : i32
    %broadcast_in_dim3A_205 = vector.broadcast %broadcast_in_dim3A_204 : i32 to vector<64x64x1xi32>
    %slice3A_206 = vector.extract_strided_slice %concatenate3A_151 {offsets = [0, 0, 0], sizes = [64, 64, 63], strides = [1, 1, 1]} : vector<64x64x64xi32> to vector<64x64x63xi32>
    %concatenate3A_207 = tpu.concatenate %broadcast_in_dim3A_205, %slice3A_206 in 2 : vector<64x64x1xi32>, vector<64x64x63xi32> -> vector<64x64x64xi32>
    %shift_left3A_208 = arith.constant 26 : i32
    %shift_left3A_209 = vector.broadcast %shift_left3A_208 : i32 to vector<64x64x64xi32>
    %shift_left3A_210 = arith.shli %concatenate3A_207, %shift_left3A_209 : vector<64x64x64xi32>
    %add3A_211 = arith.addi %add3A_203, %shift_left3A_210 : vector<64x64x64xi32>
    %mul3A = arith.muli %add3A_211, %get3A_2 : vector<64x64x64xi32>
    %swap3A = arith.constant 0 : index
    %swap3A_212 = arith.constant 0 : index
    %swap3A_213 = arith.constant 0 : index
    %swap3A_214 = vector.load %arg1[%swap3A, %swap3A_212, %swap3A_213] : memref<64x64x64xi32, #tpu.memory_space<vmem>>, vector<64x64x64xi32>
    tpu.vector_store %arg1[%swap3A, %swap3A_212, %swap3A_213], %mul3A {strides = array<i32>} : memref<64x64x64xi32, #tpu.memory_space<vmem>>, vector<64x64x64xi32>,
    %reduce_sum3A = vector.shape_cast %get3A_2 : vector<64x64x64xi32> to vector<1x64x64x64xi32>
    %reduce_sum3A_215 = arith.constant dense<0> : vector<1xi32>
    %reduce_sum3A_216 = vector.multi_reduction <add>, %reduce_sum3A, %reduce_sum3A_215 [1, 2, 3] : vector<1x64x64x64xi32> to vector<1xi32>
    %reduce_sum3A_217 = vector.shape_cast %reduce_sum3A_216 : vector<1xi32> to vector<1x1x1x1xi32>
    %reduce_sum3A_218 = vector.extract %reduce_sum3A_217[0, 0, 0, 0] : i32 from vector<1x1x1x1xi32>
    %swap3A_219 = arith.constant 0 : index
    %swap3A_220 = arith.constant 0 : index
    %swap3A_221 = memref.load %arg2[%swap3A_219, %swap3A_220] : memref<1x1xi32, #tpu.memory_space<smem>>
    memref.store %reduce_sum3A_218, %arg2[%swap3A_219, %swap3A_220] : memref<1x1xi32, #tpu.memory_space<smem>>
    return
  }
}

module attributes {stable_mosaic.version = 14 : i64} {
  func.func @_tc_contract_body(%arg0: i32, %arg1: memref<108x2048xf32, #tpu.memory_space<vmem>>, %arg2: memref<27x2048xi32, #tpu.memory_space<vmem>>, %arg3: memref<108x32xf32, #tpu.memory_space<vmem>>, %arg4: memref<864x32xf32, #tpu.memory_space<vmem>>, %arg5: memref<32x32x32xf32, #tpu.memory_space<vmem>>, %arg6: memref<1x1xi32, #tpu.memory_space<smem>>, %arg7: memref<1x32xf32, #tpu.memory_space<vmem>>, %arg8: memref<864x108xf32, #tpu.memory_space<vmem>>) attributes {dimension_semantics = [#tpu.dimension_semantics<arbitrary>], iteration_bounds = array<i64: 49>, scalar_prefetch = 0 : i64, scratch_operands = 1 : i64, tpu.core_type = #tpu.core_type<tc>, window_params = [{transform_indices = @transform_0, window_bounds = array<i64: 108, 2048>}, {transform_indices = @transform_1, window_bounds = array<i64: 27, 2048>}, {pipeline_mode = #tpu.pipeline_mode<synchronous>, transform_indices = @transform_2, window_bounds = array<i64: 108, 32>}, {pipeline_mode = #tpu.pipeline_mode<synchronous>, transform_indices = @transform_3, window_bounds = array<i64: 864, 32>}, {pipeline_mode = #tpu.pipeline_mode<synchronous>, transform_indices = @transform_4, window_bounds = array<i64: 32, 32, 32>}, {transform_indices = @transform_5, window_bounds = array<i64: 1, 1>}, {pipeline_mode = #tpu.pipeline_mode<synchronous>, transform_indices = @transform_6, window_bounds = array<i64: 1, 32>}]} {
    %eq3A = arith.constant 0 : i32
    %eq3A_0 = arith.cmpi eq, %arg0, %eq3A : i32
    %convert_element_type3A = arith.extui %eq3A_0 : i1 to i32
    %cond3A = arith.constant 0 : i32
    %cond3A_1 = arith.cmpi ne, %convert_element_type3A, %cond3A : i32
    scf.if %cond3A_1 {
      %broadcast_in_dim3A_204 = arith.constant 0.000000e+00 : f32
      %broadcast_in_dim3A_205 = vector.broadcast %broadcast_in_dim3A_204 : f32 to vector<864x108xf32>
      %swap3A_206 = arith.constant 0 : index
      %swap3A_207 = arith.constant 0 : index
      %swap3A_208 = vector.load %arg8[%swap3A_206, %swap3A_207] : memref<864x108xf32, #tpu.memory_space<vmem>>, vector<864x108xf32>
      tpu.vector_store %arg8[%swap3A_206, %swap3A_207], %broadcast_in_dim3A_205 {strides = array<i32>} : memref<864x108xf32, #tpu.memory_space<vmem>>, vector<864x108xf32>,
    } else {
    }
    %get3A = arith.constant 0 : index
    %get3A_2 = arith.constant 0 : index
    %get3A_3 = vector.load %arg2[%get3A, %get3A_2] : memref<27x2048xi32, #tpu.memory_space<vmem>>, vector<27x2048xi32>
    %iota3A = tpu.iota {dimensions = array<i32: 0>} : vector<32x2048xi32>
    %slice3A = vector.extract_strided_slice %get3A_3 {offsets = [0, 0], sizes = [1, 2048], strides = [1, 1]} : vector<27x2048xi32> to vector<1x2048xi32>
    %broadcast_in_dim3A = vector.shape_cast %slice3A : vector<1x2048xi32> to vector<1x2048xi32>
    %broadcast_in_dim3A_4 = vector.broadcast %broadcast_in_dim3A : vector<1x2048xi32> to vector<32x2048xi32>
    %shift_right_arithmetic3A = arith.shrsi %broadcast_in_dim3A_4, %iota3A : vector<32x2048xi32>
    %and3A = arith.constant 1 : i32
    %and3A_5 = vector.broadcast %and3A : i32 to vector<32x2048xi32>
    %and3A_6 = arith.andi %shift_right_arithmetic3A, %and3A_5 : vector<32x2048xi32>
    %slice3A_7 = vector.extract_strided_slice %get3A_3 {offsets = [1, 0], sizes = [1, 2048], strides = [1, 1]} : vector<27x2048xi32> to vector<1x2048xi32>
    %broadcast_in_dim3A_8 = vector.shape_cast %slice3A_7 : vector<1x2048xi32> to vector<1x2048xi32>
    %broadcast_in_dim3A_9 = vector.broadcast %broadcast_in_dim3A_8 : vector<1x2048xi32> to vector<32x2048xi32>
    %shift_right_arithmetic3A_10 = arith.shrsi %broadcast_in_dim3A_9, %iota3A : vector<32x2048xi32>
    %and3A_11 = arith.constant 1 : i32
    %and3A_12 = vector.broadcast %and3A_11 : i32 to vector<32x2048xi32>
    %and3A_13 = arith.andi %shift_right_arithmetic3A_10, %and3A_12 : vector<32x2048xi32>
    %slice3A_14 = vector.extract_strided_slice %get3A_3 {offsets = [2, 0], sizes = [1, 2048], strides = [1, 1]} : vector<27x2048xi32> to vector<1x2048xi32>
    %broadcast_in_dim3A_15 = vector.shape_cast %slice3A_14 : vector<1x2048xi32> to vector<1x2048xi32>
    %broadcast_in_dim3A_16 = vector.broadcast %broadcast_in_dim3A_15 : vector<1x2048xi32> to vector<32x2048xi32>
    %shift_right_arithmetic3A_17 = arith.shrsi %broadcast_in_dim3A_16, %iota3A : vector<32x2048xi32>
    %and3A_18 = arith.constant 1 : i32
    %and3A_19 = vector.broadcast %and3A_18 : i32 to vector<32x2048xi32>
    %and3A_20 = arith.andi %shift_right_arithmetic3A_17, %and3A_19 : vector<32x2048xi32>
    %slice3A_21 = vector.extract_strided_slice %get3A_3 {offsets = [3, 0], sizes = [1, 2048], strides = [1, 1]} : vector<27x2048xi32> to vector<1x2048xi32>
    %broadcast_in_dim3A_22 = vector.shape_cast %slice3A_21 : vector<1x2048xi32> to vector<1x2048xi32>
    %broadcast_in_dim3A_23 = vector.broadcast %broadcast_in_dim3A_22 : vector<1x2048xi32> to vector<32x2048xi32>
    %shift_right_arithmetic3A_24 = arith.shrsi %broadcast_in_dim3A_23, %iota3A : vector<32x2048xi32>
    %and3A_25 = arith.constant 1 : i32
    %and3A_26 = vector.broadcast %and3A_25 : i32 to vector<32x2048xi32>
    %and3A_27 = arith.andi %shift_right_arithmetic3A_24, %and3A_26 : vector<32x2048xi32>
    %slice3A_28 = vector.extract_strided_slice %get3A_3 {offsets = [4, 0], sizes = [1, 2048], strides = [1, 1]} : vector<27x2048xi32> to vector<1x2048xi32>
    %broadcast_in_dim3A_29 = vector.shape_cast %slice3A_28 : vector<1x2048xi32> to vector<1x2048xi32>
    %broadcast_in_dim3A_30 = vector.broadcast %broadcast_in_dim3A_29 : vector<1x2048xi32> to vector<32x2048xi32>
    %shift_right_arithmetic3A_31 = arith.shrsi %broadcast_in_dim3A_30, %iota3A : vector<32x2048xi32>
    %and3A_32 = arith.constant 1 : i32
    %and3A_33 = vector.broadcast %and3A_32 : i32 to vector<32x2048xi32>
    %and3A_34 = arith.andi %shift_right_arithmetic3A_31, %and3A_33 : vector<32x2048xi32>
    %slice3A_35 = vector.extract_strided_slice %get3A_3 {offsets = [5, 0], sizes = [1, 2048], strides = [1, 1]} : vector<27x2048xi32> to vector<1x2048xi32>
    %broadcast_in_dim3A_36 = vector.shape_cast %slice3A_35 : vector<1x2048xi32> to vector<1x2048xi32>
    %broadcast_in_dim3A_37 = vector.broadcast %broadcast_in_dim3A_36 : vector<1x2048xi32> to vector<32x2048xi32>
    %shift_right_arithmetic3A_38 = arith.shrsi %broadcast_in_dim3A_37, %iota3A : vector<32x2048xi32>
    %and3A_39 = arith.constant 1 : i32
    %and3A_40 = vector.broadcast %and3A_39 : i32 to vector<32x2048xi32>
    %and3A_41 = arith.andi %shift_right_arithmetic3A_38, %and3A_40 : vector<32x2048xi32>
    %slice3A_42 = vector.extract_strided_slice %get3A_3 {offsets = [6, 0], sizes = [1, 2048], strides = [1, 1]} : vector<27x2048xi32> to vector<1x2048xi32>
    %broadcast_in_dim3A_43 = vector.shape_cast %slice3A_42 : vector<1x2048xi32> to vector<1x2048xi32>
    %broadcast_in_dim3A_44 = vector.broadcast %broadcast_in_dim3A_43 : vector<1x2048xi32> to vector<32x2048xi32>
    %shift_right_arithmetic3A_45 = arith.shrsi %broadcast_in_dim3A_44, %iota3A : vector<32x2048xi32>
    %and3A_46 = arith.constant 1 : i32
    %and3A_47 = vector.broadcast %and3A_46 : i32 to vector<32x2048xi32>
    %and3A_48 = arith.andi %shift_right_arithmetic3A_45, %and3A_47 : vector<32x2048xi32>
    %slice3A_49 = vector.extract_strided_slice %get3A_3 {offsets = [7, 0], sizes = [1, 2048], strides = [1, 1]} : vector<27x2048xi32> to vector<1x2048xi32>
    %broadcast_in_dim3A_50 = vector.shape_cast %slice3A_49 : vector<1x2048xi32> to vector<1x2048xi32>
    %broadcast_in_dim3A_51 = vector.broadcast %broadcast_in_dim3A_50 : vector<1x2048xi32> to vector<32x2048xi32>
    %shift_right_arithmetic3A_52 = arith.shrsi %broadcast_in_dim3A_51, %iota3A : vector<32x2048xi32>
    %and3A_53 = arith.constant 1 : i32
    %and3A_54 = vector.broadcast %and3A_53 : i32 to vector<32x2048xi32>
    %and3A_55 = arith.andi %shift_right_arithmetic3A_52, %and3A_54 : vector<32x2048xi32>
    %slice3A_56 = vector.extract_strided_slice %get3A_3 {offsets = [8, 0], sizes = [1, 2048], strides = [1, 1]} : vector<27x2048xi32> to vector<1x2048xi32>
    %broadcast_in_dim3A_57 = vector.shape_cast %slice3A_56 : vector<1x2048xi32> to vector<1x2048xi32>
    %broadcast_in_dim3A_58 = vector.broadcast %broadcast_in_dim3A_57 : vector<1x2048xi32> to vector<32x2048xi32>
    %shift_right_arithmetic3A_59 = arith.shrsi %broadcast_in_dim3A_58, %iota3A : vector<32x2048xi32>
    %and3A_60 = arith.constant 1 : i32
    %and3A_61 = vector.broadcast %and3A_60 : i32 to vector<32x2048xi32>
    %and3A_62 = arith.andi %shift_right_arithmetic3A_59, %and3A_61 : vector<32x2048xi32>
    %slice3A_63 = vector.extract_strided_slice %get3A_3 {offsets = [9, 0], sizes = [1, 2048], strides = [1, 1]} : vector<27x2048xi32> to vector<1x2048xi32>
    %broadcast_in_dim3A_64 = vector.shape_cast %slice3A_63 : vector<1x2048xi32> to vector<1x2048xi32>
    %broadcast_in_dim3A_65 = vector.broadcast %broadcast_in_dim3A_64 : vector<1x2048xi32> to vector<32x2048xi32>
    %shift_right_arithmetic3A_66 = arith.shrsi %broadcast_in_dim3A_65, %iota3A : vector<32x2048xi32>
    %and3A_67 = arith.constant 1 : i32
    %and3A_68 = vector.broadcast %and3A_67 : i32 to vector<32x2048xi32>
    %and3A_69 = arith.andi %shift_right_arithmetic3A_66, %and3A_68 : vector<32x2048xi32>
    %slice3A_70 = vector.extract_strided_slice %get3A_3 {offsets = [10, 0], sizes = [1, 2048], strides = [1, 1]} : vector<27x2048xi32> to vector<1x2048xi32>
    %broadcast_in_dim3A_71 = vector.shape_cast %slice3A_70 : vector<1x2048xi32> to vector<1x2048xi32>
    %broadcast_in_dim3A_72 = vector.broadcast %broadcast_in_dim3A_71 : vector<1x2048xi32> to vector<32x2048xi32>
    %shift_right_arithmetic3A_73 = arith.shrsi %broadcast_in_dim3A_72, %iota3A : vector<32x2048xi32>
    %and3A_74 = arith.constant 1 : i32
    %and3A_75 = vector.broadcast %and3A_74 : i32 to vector<32x2048xi32>
    %and3A_76 = arith.andi %shift_right_arithmetic3A_73, %and3A_75 : vector<32x2048xi32>
    %slice3A_77 = vector.extract_strided_slice %get3A_3 {offsets = [11, 0], sizes = [1, 2048], strides = [1, 1]} : vector<27x2048xi32> to vector<1x2048xi32>
    %broadcast_in_dim3A_78 = vector.shape_cast %slice3A_77 : vector<1x2048xi32> to vector<1x2048xi32>
    %broadcast_in_dim3A_79 = vector.broadcast %broadcast_in_dim3A_78 : vector<1x2048xi32> to vector<32x2048xi32>
    %shift_right_arithmetic3A_80 = arith.shrsi %broadcast_in_dim3A_79, %iota3A : vector<32x2048xi32>
    %and3A_81 = arith.constant 1 : i32
    %and3A_82 = vector.broadcast %and3A_81 : i32 to vector<32x2048xi32>
    %and3A_83 = arith.andi %shift_right_arithmetic3A_80, %and3A_82 : vector<32x2048xi32>
    %slice3A_84 = vector.extract_strided_slice %get3A_3 {offsets = [12, 0], sizes = [1, 2048], strides = [1, 1]} : vector<27x2048xi32> to vector<1x2048xi32>
    %broadcast_in_dim3A_85 = vector.shape_cast %slice3A_84 : vector<1x2048xi32> to vector<1x2048xi32>
    %broadcast_in_dim3A_86 = vector.broadcast %broadcast_in_dim3A_85 : vector<1x2048xi32> to vector<32x2048xi32>
    %shift_right_arithmetic3A_87 = arith.shrsi %broadcast_in_dim3A_86, %iota3A : vector<32x2048xi32>
    %and3A_88 = arith.constant 1 : i32
    %and3A_89 = vector.broadcast %and3A_88 : i32 to vector<32x2048xi32>
    %and3A_90 = arith.andi %shift_right_arithmetic3A_87, %and3A_89 : vector<32x2048xi32>
    %slice3A_91 = vector.extract_strided_slice %get3A_3 {offsets = [13, 0], sizes = [1, 2048], strides = [1, 1]} : vector<27x2048xi32> to vector<1x2048xi32>
    %broadcast_in_dim3A_92 = vector.shape_cast %slice3A_91 : vector<1x2048xi32> to vector<1x2048xi32>
    %broadcast_in_dim3A_93 = vector.broadcast %broadcast_in_dim3A_92 : vector<1x2048xi32> to vector<32x2048xi32>
    %shift_right_arithmetic3A_94 = arith.shrsi %broadcast_in_dim3A_93, %iota3A : vector<32x2048xi32>
    %and3A_95 = arith.constant 1 : i32
    %and3A_96 = vector.broadcast %and3A_95 : i32 to vector<32x2048xi32>
    %and3A_97 = arith.andi %shift_right_arithmetic3A_94, %and3A_96 : vector<32x2048xi32>
    %slice3A_98 = vector.extract_strided_slice %get3A_3 {offsets = [14, 0], sizes = [1, 2048], strides = [1, 1]} : vector<27x2048xi32> to vector<1x2048xi32>
    %broadcast_in_dim3A_99 = vector.shape_cast %slice3A_98 : vector<1x2048xi32> to vector<1x2048xi32>
    %broadcast_in_dim3A_100 = vector.broadcast %broadcast_in_dim3A_99 : vector<1x2048xi32> to vector<32x2048xi32>
    %shift_right_arithmetic3A_101 = arith.shrsi %broadcast_in_dim3A_100, %iota3A : vector<32x2048xi32>
    %and3A_102 = arith.constant 1 : i32
    %and3A_103 = vector.broadcast %and3A_102 : i32 to vector<32x2048xi32>
    %and3A_104 = arith.andi %shift_right_arithmetic3A_101, %and3A_103 : vector<32x2048xi32>
    %slice3A_105 = vector.extract_strided_slice %get3A_3 {offsets = [15, 0], sizes = [1, 2048], strides = [1, 1]} : vector<27x2048xi32> to vector<1x2048xi32>
    %broadcast_in_dim3A_106 = vector.shape_cast %slice3A_105 : vector<1x2048xi32> to vector<1x2048xi32>
    %broadcast_in_dim3A_107 = vector.broadcast %broadcast_in_dim3A_106 : vector<1x2048xi32> to vector<32x2048xi32>
    %shift_right_arithmetic3A_108 = arith.shrsi %broadcast_in_dim3A_107, %iota3A : vector<32x2048xi32>
    %and3A_109 = arith.constant 1 : i32
    %and3A_110 = vector.broadcast %and3A_109 : i32 to vector<32x2048xi32>
    %and3A_111 = arith.andi %shift_right_arithmetic3A_108, %and3A_110 : vector<32x2048xi32>
    %slice3A_112 = vector.extract_strided_slice %get3A_3 {offsets = [16, 0], sizes = [1, 2048], strides = [1, 1]} : vector<27x2048xi32> to vector<1x2048xi32>
    %broadcast_in_dim3A_113 = vector.shape_cast %slice3A_112 : vector<1x2048xi32> to vector<1x2048xi32>
    %broadcast_in_dim3A_114 = vector.broadcast %broadcast_in_dim3A_113 : vector<1x2048xi32> to vector<32x2048xi32>
    %shift_right_arithmetic3A_115 = arith.shrsi %broadcast_in_dim3A_114, %iota3A : vector<32x2048xi32>
    %and3A_116 = arith.constant 1 : i32
    %and3A_117 = vector.broadcast %and3A_116 : i32 to vector<32x2048xi32>
    %and3A_118 = arith.andi %shift_right_arithmetic3A_115, %and3A_117 : vector<32x2048xi32>
    %slice3A_119 = vector.extract_strided_slice %get3A_3 {offsets = [17, 0], sizes = [1, 2048], strides = [1, 1]} : vector<27x2048xi32> to vector<1x2048xi32>
    %broadcast_in_dim3A_120 = vector.shape_cast %slice3A_119 : vector<1x2048xi32> to vector<1x2048xi32>
    %broadcast_in_dim3A_121 = vector.broadcast %broadcast_in_dim3A_120 : vector<1x2048xi32> to vector<32x2048xi32>
    %shift_right_arithmetic3A_122 = arith.shrsi %broadcast_in_dim3A_121, %iota3A : vector<32x2048xi32>
    %and3A_123 = arith.constant 1 : i32
    %and3A_124 = vector.broadcast %and3A_123 : i32 to vector<32x2048xi32>
    %and3A_125 = arith.andi %shift_right_arithmetic3A_122, %and3A_124 : vector<32x2048xi32>
    %slice3A_126 = vector.extract_strided_slice %get3A_3 {offsets = [18, 0], sizes = [1, 2048], strides = [1, 1]} : vector<27x2048xi32> to vector<1x2048xi32>
    %broadcast_in_dim3A_127 = vector.shape_cast %slice3A_126 : vector<1x2048xi32> to vector<1x2048xi32>
    %broadcast_in_dim3A_128 = vector.broadcast %broadcast_in_dim3A_127 : vector<1x2048xi32> to vector<32x2048xi32>
    %shift_right_arithmetic3A_129 = arith.shrsi %broadcast_in_dim3A_128, %iota3A : vector<32x2048xi32>
    %and3A_130 = arith.constant 1 : i32
    %and3A_131 = vector.broadcast %and3A_130 : i32 to vector<32x2048xi32>
    %and3A_132 = arith.andi %shift_right_arithmetic3A_129, %and3A_131 : vector<32x2048xi32>
    %slice3A_133 = vector.extract_strided_slice %get3A_3 {offsets = [19, 0], sizes = [1, 2048], strides = [1, 1]} : vector<27x2048xi32> to vector<1x2048xi32>
    %broadcast_in_dim3A_134 = vector.shape_cast %slice3A_133 : vector<1x2048xi32> to vector<1x2048xi32>
    %broadcast_in_dim3A_135 = vector.broadcast %broadcast_in_dim3A_134 : vector<1x2048xi32> to vector<32x2048xi32>
    %shift_right_arithmetic3A_136 = arith.shrsi %broadcast_in_dim3A_135, %iota3A : vector<32x2048xi32>
    %and3A_137 = arith.constant 1 : i32
    %and3A_138 = vector.broadcast %and3A_137 : i32 to vector<32x2048xi32>
    %and3A_139 = arith.andi %shift_right_arithmetic3A_136, %and3A_138 : vector<32x2048xi32>
    %slice3A_140 = vector.extract_strided_slice %get3A_3 {offsets = [20, 0], sizes = [1, 2048], strides = [1, 1]} : vector<27x2048xi32> to vector<1x2048xi32>
    %broadcast_in_dim3A_141 = vector.shape_cast %slice3A_140 : vector<1x2048xi32> to vector<1x2048xi32>
    %broadcast_in_dim3A_142 = vector.broadcast %broadcast_in_dim3A_141 : vector<1x2048xi32> to vector<32x2048xi32>
    %shift_right_arithmetic3A_143 = arith.shrsi %broadcast_in_dim3A_142, %iota3A : vector<32x2048xi32>
    %and3A_144 = arith.constant 1 : i32
    %and3A_145 = vector.broadcast %and3A_144 : i32 to vector<32x2048xi32>
    %and3A_146 = arith.andi %shift_right_arithmetic3A_143, %and3A_145 : vector<32x2048xi32>
    %slice3A_147 = vector.extract_strided_slice %get3A_3 {offsets = [21, 0], sizes = [1, 2048], strides = [1, 1]} : vector<27x2048xi32> to vector<1x2048xi32>
    %broadcast_in_dim3A_148 = vector.shape_cast %slice3A_147 : vector<1x2048xi32> to vector<1x2048xi32>
    %broadcast_in_dim3A_149 = vector.broadcast %broadcast_in_dim3A_148 : vector<1x2048xi32> to vector<32x2048xi32>
    %shift_right_arithmetic3A_150 = arith.shrsi %broadcast_in_dim3A_149, %iota3A : vector<32x2048xi32>
    %and3A_151 = arith.constant 1 : i32
    %and3A_152 = vector.broadcast %and3A_151 : i32 to vector<32x2048xi32>
    %and3A_153 = arith.andi %shift_right_arithmetic3A_150, %and3A_152 : vector<32x2048xi32>
    %slice3A_154 = vector.extract_strided_slice %get3A_3 {offsets = [22, 0], sizes = [1, 2048], strides = [1, 1]} : vector<27x2048xi32> to vector<1x2048xi32>
    %broadcast_in_dim3A_155 = vector.shape_cast %slice3A_154 : vector<1x2048xi32> to vector<1x2048xi32>
    %broadcast_in_dim3A_156 = vector.broadcast %broadcast_in_dim3A_155 : vector<1x2048xi32> to vector<32x2048xi32>
    %shift_right_arithmetic3A_157 = arith.shrsi %broadcast_in_dim3A_156, %iota3A : vector<32x2048xi32>
    %and3A_158 = arith.constant 1 : i32
    %and3A_159 = vector.broadcast %and3A_158 : i32 to vector<32x2048xi32>
    %and3A_160 = arith.andi %shift_right_arithmetic3A_157, %and3A_159 : vector<32x2048xi32>
    %slice3A_161 = vector.extract_strided_slice %get3A_3 {offsets = [23, 0], sizes = [1, 2048], strides = [1, 1]} : vector<27x2048xi32> to vector<1x2048xi32>
    %broadcast_in_dim3A_162 = vector.shape_cast %slice3A_161 : vector<1x2048xi32> to vector<1x2048xi32>
    %broadcast_in_dim3A_163 = vector.broadcast %broadcast_in_dim3A_162 : vector<1x2048xi32> to vector<32x2048xi32>
    %shift_right_arithmetic3A_164 = arith.shrsi %broadcast_in_dim3A_163, %iota3A : vector<32x2048xi32>
    %and3A_165 = arith.constant 1 : i32
    %and3A_166 = vector.broadcast %and3A_165 : i32 to vector<32x2048xi32>
    %and3A_167 = arith.andi %shift_right_arithmetic3A_164, %and3A_166 : vector<32x2048xi32>
    %slice3A_168 = vector.extract_strided_slice %get3A_3 {offsets = [24, 0], sizes = [1, 2048], strides = [1, 1]} : vector<27x2048xi32> to vector<1x2048xi32>
    %broadcast_in_dim3A_169 = vector.shape_cast %slice3A_168 : vector<1x2048xi32> to vector<1x2048xi32>
    %broadcast_in_dim3A_170 = vector.broadcast %broadcast_in_dim3A_169 : vector<1x2048xi32> to vector<32x2048xi32>
    %shift_right_arithmetic3A_171 = arith.shrsi %broadcast_in_dim3A_170, %iota3A : vector<32x2048xi32>
    %and3A_172 = arith.constant 1 : i32
    %and3A_173 = vector.broadcast %and3A_172 : i32 to vector<32x2048xi32>
    %and3A_174 = arith.andi %shift_right_arithmetic3A_171, %and3A_173 : vector<32x2048xi32>
    %slice3A_175 = vector.extract_strided_slice %get3A_3 {offsets = [25, 0], sizes = [1, 2048], strides = [1, 1]} : vector<27x2048xi32> to vector<1x2048xi32>
    %broadcast_in_dim3A_176 = vector.shape_cast %slice3A_175 : vector<1x2048xi32> to vector<1x2048xi32>
    %broadcast_in_dim3A_177 = vector.broadcast %broadcast_in_dim3A_176 : vector<1x2048xi32> to vector<32x2048xi32>
    %shift_right_arithmetic3A_178 = arith.shrsi %broadcast_in_dim3A_177, %iota3A : vector<32x2048xi32>
    %and3A_179 = arith.constant 1 : i32
    %and3A_180 = vector.broadcast %and3A_179 : i32 to vector<32x2048xi32>
    %and3A_181 = arith.andi %shift_right_arithmetic3A_178, %and3A_180 : vector<32x2048xi32>
    %slice3A_182 = vector.extract_strided_slice %get3A_3 {offsets = [26, 0], sizes = [1, 2048], strides = [1, 1]} : vector<27x2048xi32> to vector<1x2048xi32>
    %broadcast_in_dim3A_183 = vector.shape_cast %slice3A_182 : vector<1x2048xi32> to vector<1x2048xi32>
    %broadcast_in_dim3A_184 = vector.broadcast %broadcast_in_dim3A_183 : vector<1x2048xi32> to vector<32x2048xi32>
    %shift_right_arithmetic3A_185 = arith.shrsi %broadcast_in_dim3A_184, %iota3A : vector<32x2048xi32>
    %and3A_186 = arith.constant 1 : i32
    %and3A_187 = vector.broadcast %and3A_186 : i32 to vector<32x2048xi32>
    %and3A_188 = arith.andi %shift_right_arithmetic3A_185, %and3A_187 : vector<32x2048xi32>
    %concatenate3A = tpu.concatenate %and3A_6, %and3A_13, %and3A_20, %and3A_27, %and3A_34, %and3A_41, %and3A_48, %and3A_55, %and3A_62, %and3A_69, %and3A_76, %and3A_83, %and3A_90, %and3A_97, %and3A_104, %and3A_111, %and3A_118, %and3A_125, %and3A_132, %and3A_139, %and3A_146, %and3A_153, %and3A_160, %and3A_167, %and3A_174, %and3A_181, %and3A_188 in 0 : vector<32x2048xi32>, vector<32x2048xi32>, vector<32x2048xi32>, vector<32x2048xi32>, vector<32x2048xi32>, vector<32x2048xi32>, vector<32x2048xi32>, vector<32x2048xi32>, vector<32x2048xi32>, vector<32x2048xi32>, vector<32x2048xi32>, vector<32x2048xi32>, vector<32x2048xi32>, vector<32x2048xi32>, vector<32x2048xi32>, vector<32x2048xi32>, vector<32x2048xi32>, vector<32x2048xi32>, vector<32x2048xi32>, vector<32x2048xi32>, vector<32x2048xi32>, vector<32x2048xi32>, vector<32x2048xi32>, vector<32x2048xi32>, vector<32x2048xi32>, vector<32x2048xi32>, vector<32x2048xi32> -> vector<864x2048xi32>
    %convert_element_type3A_189 = arith.sitofp %concatenate3A : vector<864x2048xi32> to vector<864x2048xf32>
    %get3A_190 = arith.constant 0 : index
    %get3A_191 = arith.constant 0 : index
    %get3A_192 = vector.load %arg8[%get3A_190, %get3A_191] : memref<864x108xf32, #tpu.memory_space<vmem>>, vector<864x108xf32>
    %get3A_193 = arith.constant 0 : index
    %get3A_194 = arith.constant 0 : index
    %get3A_195 = vector.load %arg1[%get3A_193, %get3A_194] : memref<108x2048xf32, #tpu.memory_space<vmem>>, vector<108x2048xf32>
    %dot_general3A = arith.constant dense<0.000000e+00> : vector<864x108xf32>
    %dot_general3A_196 = tpu.matmul %convert_element_type3A_189, %get3A_195, %dot_general3A {dimension_numbers = #tpu.dot_dimension_numbers<[1], [1], [0], [0], [0, 0, 1, 0], [], []>, transpose_lhs_hint = false} : vector<864x2048xf32>, vector<108x2048xf32>, vector<864x108xf32> -> vector<864x108xf32>
    %add3A = arith.addf %get3A_192, %dot_general3A_196 : vector<864x108xf32>
    %swap3A = arith.constant 0 : index
    %swap3A_197 = arith.constant 0 : index
    %swap3A_198 = vector.load %arg8[%swap3A, %swap3A_197] : memref<864x108xf32, #tpu.memory_space<vmem>>, vector<864x108xf32>
    tpu.vector_store %arg8[%swap3A, %swap3A_197], %add3A {strides = array<i32>} : memref<864x108xf32, #tpu.memory_space<vmem>>, vector<864x108xf32>,
    %eq3A_199 = arith.constant 48 : i32
    %eq3A_200 = arith.cmpi eq, %arg0, %eq3A_199 : i32
    %convert_element_type3A_201 = arith.extui %eq3A_200 : i1 to i32
    %cond3A_202 = arith.constant 0 : i32
    %cond3A_203 = arith.cmpi ne, %convert_element_type3A_201, %cond3A_202 : i32
    scf.if %cond3A_203 {
      %get3A_204 = arith.constant 0 : index
      %get3A_205 = arith.constant 0 : index
      %get3A_206 = vector.load %arg8[%get3A_204, %get3A_205] : memref<864x108xf32, #tpu.memory_space<vmem>>, vector<864x108xf32>
      %get3A_207 = arith.constant 0 : index
      %get3A_208 = arith.constant 0 : index
      %get3A_209 = vector.load %arg3[%get3A_207, %get3A_208] : memref<108x32xf32, #tpu.memory_space<vmem>>, vector<108x32xf32>
      %dot_general3A_210 = arith.constant dense<0.000000e+00> : vector<864x32xf32>
      %dot_general3A_211 = tpu.matmul %get3A_206, %get3A_209, %dot_general3A_210 {dimension_numbers = #tpu.dot_dimension_numbers<[1], [0], [0], [1], [0, 0, 1, 1], [], []>, transpose_lhs_hint = false} : vector<864x108xf32>, vector<108x32xf32>, vector<864x32xf32> -> vector<864x32xf32>
      %broadcast_in_dim3A_212 = arith.constant 0.000000e+00 : f32
      %broadcast_in_dim3A_213 = vector.broadcast %broadcast_in_dim3A_212 : f32 to vector<32x32xf32>
      %slice3A_214 = vector.extract_strided_slice %dot_general3A_211 {offsets = [0, 0], sizes = [32, 32], strides = [1, 1]} : vector<864x32xf32> to vector<32x32xf32>
      %get3A_215 = arith.constant 0 : index
      %get3A_216 = arith.constant 0 : index
      %get3A_217 = vector.load %arg4[%get3A_215, %get3A_216] : memref<864x32xf32, #tpu.memory_space<vmem>>, vector<32x32xf32>
      %dot_general3A_218 = arith.constant dense<0.000000e+00> : vector<32x32xf32>
      %dot_general3A_219 = tpu.matmul %slice3A_214, %get3A_217, %dot_general3A_218 {dimension_numbers = #tpu.dot_dimension_numbers<[1], [0], [0], [1], [0, 0, 1, 1], [], []>, transpose_lhs_hint = false} : vector<32x32xf32>, vector<32x32xf32>, vector<32x32xf32> -> vector<32x32xf32>
      %add3A_220 = arith.addf %broadcast_in_dim3A_213, %dot_general3A_219 : vector<32x32xf32>
      %slice3A_221 = vector.extract_strided_slice %dot_general3A_211 {offsets = [32, 0], sizes = [32, 32], strides = [1, 1]} : vector<864x32xf32> to vector<32x32xf32>
      %get3A_222 = arith.constant 32 : index
      %get3A_223 = arith.constant 0 : index
      %get3A_224 = vector.load %arg4[%get3A_222, %get3A_223] : memref<864x32xf32, #tpu.memory_space<vmem>>, vector<32x32xf32>
      %dot_general3A_225 = arith.constant dense<0.000000e+00> : vector<32x32xf32>
      %dot_general3A_226 = tpu.matmul %slice3A_221, %get3A_224, %dot_general3A_225 {dimension_numbers = #tpu.dot_dimension_numbers<[1], [0], [0], [1], [0, 0, 1, 1], [], []>, transpose_lhs_hint = false} : vector<32x32xf32>, vector<32x32xf32>, vector<32x32xf32> -> vector<32x32xf32>
      %add3A_227 = arith.addf %add3A_220, %dot_general3A_226 : vector<32x32xf32>
      %slice3A_228 = vector.extract_strided_slice %dot_general3A_211 {offsets = [64, 0], sizes = [32, 32], strides = [1, 1]} : vector<864x32xf32> to vector<32x32xf32>
      %get3A_229 = arith.constant 64 : index
      %get3A_230 = arith.constant 0 : index
      %get3A_231 = vector.load %arg4[%get3A_229, %get3A_230] : memref<864x32xf32, #tpu.memory_space<vmem>>, vector<32x32xf32>
      %dot_general3A_232 = arith.constant dense<0.000000e+00> : vector<32x32xf32>
      %dot_general3A_233 = tpu.matmul %slice3A_228, %get3A_231, %dot_general3A_232 {dimension_numbers = #tpu.dot_dimension_numbers<[1], [0], [0], [1], [0, 0, 1, 1], [], []>, transpose_lhs_hint = false} : vector<32x32xf32>, vector<32x32xf32>, vector<32x32xf32> -> vector<32x32xf32>
      %add3A_234 = arith.addf %add3A_227, %dot_general3A_233 : vector<32x32xf32>
      %slice3A_235 = vector.extract_strided_slice %dot_general3A_211 {offsets = [96, 0], sizes = [32, 32], strides = [1, 1]} : vector<864x32xf32> to vector<32x32xf32>
      %get3A_236 = arith.constant 96 : index
      %get3A_237 = arith.constant 0 : index
      %get3A_238 = vector.load %arg4[%get3A_236, %get3A_237] : memref<864x32xf32, #tpu.memory_space<vmem>>, vector<32x32xf32>
      %dot_general3A_239 = arith.constant dense<0.000000e+00> : vector<32x32xf32>
      %dot_general3A_240 = tpu.matmul %slice3A_235, %get3A_238, %dot_general3A_239 {dimension_numbers = #tpu.dot_dimension_numbers<[1], [0], [0], [1], [0, 0, 1, 1], [], []>, transpose_lhs_hint = false} : vector<32x32xf32>, vector<32x32xf32>, vector<32x32xf32> -> vector<32x32xf32>
      %add3A_241 = arith.addf %add3A_234, %dot_general3A_240 : vector<32x32xf32>
      %slice3A_242 = vector.extract_strided_slice %dot_general3A_211 {offsets = [128, 0], sizes = [32, 32], strides = [1, 1]} : vector<864x32xf32> to vector<32x32xf32>
      %get3A_243 = arith.constant 128 : index
      %get3A_244 = arith.constant 0 : index
      %get3A_245 = vector.load %arg4[%get3A_243, %get3A_244] : memref<864x32xf32, #tpu.memory_space<vmem>>, vector<32x32xf32>
      %dot_general3A_246 = arith.constant dense<0.000000e+00> : vector<32x32xf32>
      %dot_general3A_247 = tpu.matmul %slice3A_242, %get3A_245, %dot_general3A_246 {dimension_numbers = #tpu.dot_dimension_numbers<[1], [0], [0], [1], [0, 0, 1, 1], [], []>, transpose_lhs_hint = false} : vector<32x32xf32>, vector<32x32xf32>, vector<32x32xf32> -> vector<32x32xf32>
      %add3A_248 = arith.addf %add3A_241, %dot_general3A_247 : vector<32x32xf32>
      %slice3A_249 = vector.extract_strided_slice %dot_general3A_211 {offsets = [160, 0], sizes = [32, 32], strides = [1, 1]} : vector<864x32xf32> to vector<32x32xf32>
      %get3A_250 = arith.constant 160 : index
      %get3A_251 = arith.constant 0 : index
      %get3A_252 = vector.load %arg4[%get3A_250, %get3A_251] : memref<864x32xf32, #tpu.memory_space<vmem>>, vector<32x32xf32>
      %dot_general3A_253 = arith.constant dense<0.000000e+00> : vector<32x32xf32>
      %dot_general3A_254 = tpu.matmul %slice3A_249, %get3A_252, %dot_general3A_253 {dimension_numbers = #tpu.dot_dimension_numbers<[1], [0], [0], [1], [0, 0, 1, 1], [], []>, transpose_lhs_hint = false} : vector<32x32xf32>, vector<32x32xf32>, vector<32x32xf32> -> vector<32x32xf32>
      %add3A_255 = arith.addf %add3A_248, %dot_general3A_254 : vector<32x32xf32>
      %slice3A_256 = vector.extract_strided_slice %dot_general3A_211 {offsets = [192, 0], sizes = [32, 32], strides = [1, 1]} : vector<864x32xf32> to vector<32x32xf32>
      %get3A_257 = arith.constant 192 : index
      %get3A_258 = arith.constant 0 : index
      %get3A_259 = vector.load %arg4[%get3A_257, %get3A_258] : memref<864x32xf32, #tpu.memory_space<vmem>>, vector<32x32xf32>
      %dot_general3A_260 = arith.constant dense<0.000000e+00> : vector<32x32xf32>
      %dot_general3A_261 = tpu.matmul %slice3A_256, %get3A_259, %dot_general3A_260 {dimension_numbers = #tpu.dot_dimension_numbers<[1], [0], [0], [1], [0, 0, 1, 1], [], []>, transpose_lhs_hint = false} : vector<32x32xf32>, vector<32x32xf32>, vector<32x32xf32> -> vector<32x32xf32>
      %add3A_262 = arith.addf %add3A_255, %dot_general3A_261 : vector<32x32xf32>
      %slice3A_263 = vector.extract_strided_slice %dot_general3A_211 {offsets = [224, 0], sizes = [32, 32], strides = [1, 1]} : vector<864x32xf32> to vector<32x32xf32>
      %get3A_264 = arith.constant 224 : index
      %get3A_265 = arith.constant 0 : index
      %get3A_266 = vector.load %arg4[%get3A_264, %get3A_265] : memref<864x32xf32, #tpu.memory_space<vmem>>, vector<32x32xf32>
      %dot_general3A_267 = arith.constant dense<0.000000e+00> : vector<32x32xf32>
      %dot_general3A_268 = tpu.matmul %slice3A_263, %get3A_266, %dot_general3A_267 {dimension_numbers = #tpu.dot_dimension_numbers<[1], [0], [0], [1], [0, 0, 1, 1], [], []>, transpose_lhs_hint = false} : vector<32x32xf32>, vector<32x32xf32>, vector<32x32xf32> -> vector<32x32xf32>
      %add3A_269 = arith.addf %add3A_262, %dot_general3A_268 : vector<32x32xf32>
      %slice3A_270 = vector.extract_strided_slice %dot_general3A_211 {offsets = [256, 0], sizes = [32, 32], strides = [1, 1]} : vector<864x32xf32> to vector<32x32xf32>
      %get3A_271 = arith.constant 256 : index
      %get3A_272 = arith.constant 0 : index
      %get3A_273 = vector.load %arg4[%get3A_271, %get3A_272] : memref<864x32xf32, #tpu.memory_space<vmem>>, vector<32x32xf32>
      %dot_general3A_274 = arith.constant dense<0.000000e+00> : vector<32x32xf32>
      %dot_general3A_275 = tpu.matmul %slice3A_270, %get3A_273, %dot_general3A_274 {dimension_numbers = #tpu.dot_dimension_numbers<[1], [0], [0], [1], [0, 0, 1, 1], [], []>, transpose_lhs_hint = false} : vector<32x32xf32>, vector<32x32xf32>, vector<32x32xf32> -> vector<32x32xf32>
      %add3A_276 = arith.addf %add3A_269, %dot_general3A_275 : vector<32x32xf32>
      %slice3A_277 = vector.extract_strided_slice %dot_general3A_211 {offsets = [288, 0], sizes = [32, 32], strides = [1, 1]} : vector<864x32xf32> to vector<32x32xf32>
      %get3A_278 = arith.constant 288 : index
      %get3A_279 = arith.constant 0 : index
      %get3A_280 = vector.load %arg4[%get3A_278, %get3A_279] : memref<864x32xf32, #tpu.memory_space<vmem>>, vector<32x32xf32>
      %dot_general3A_281 = arith.constant dense<0.000000e+00> : vector<32x32xf32>
      %dot_general3A_282 = tpu.matmul %slice3A_277, %get3A_280, %dot_general3A_281 {dimension_numbers = #tpu.dot_dimension_numbers<[1], [0], [0], [1], [0, 0, 1, 1], [], []>, transpose_lhs_hint = false} : vector<32x32xf32>, vector<32x32xf32>, vector<32x32xf32> -> vector<32x32xf32>
      %add3A_283 = arith.addf %add3A_276, %dot_general3A_282 : vector<32x32xf32>
      %slice3A_284 = vector.extract_strided_slice %dot_general3A_211 {offsets = [320, 0], sizes = [32, 32], strides = [1, 1]} : vector<864x32xf32> to vector<32x32xf32>
      %get3A_285 = arith.constant 320 : index
      %get3A_286 = arith.constant 0 : index
      %get3A_287 = vector.load %arg4[%get3A_285, %get3A_286] : memref<864x32xf32, #tpu.memory_space<vmem>>, vector<32x32xf32>
      %dot_general3A_288 = arith.constant dense<0.000000e+00> : vector<32x32xf32>
      %dot_general3A_289 = tpu.matmul %slice3A_284, %get3A_287, %dot_general3A_288 {dimension_numbers = #tpu.dot_dimension_numbers<[1], [0], [0], [1], [0, 0, 1, 1], [], []>, transpose_lhs_hint = false} : vector<32x32xf32>, vector<32x32xf32>, vector<32x32xf32> -> vector<32x32xf32>
      %add3A_290 = arith.addf %add3A_283, %dot_general3A_289 : vector<32x32xf32>
      %slice3A_291 = vector.extract_strided_slice %dot_general3A_211 {offsets = [352, 0], sizes = [32, 32], strides = [1, 1]} : vector<864x32xf32> to vector<32x32xf32>
      %get3A_292 = arith.constant 352 : index
      %get3A_293 = arith.constant 0 : index
      %get3A_294 = vector.load %arg4[%get3A_292, %get3A_293] : memref<864x32xf32, #tpu.memory_space<vmem>>, vector<32x32xf32>
      %dot_general3A_295 = arith.constant dense<0.000000e+00> : vector<32x32xf32>
      %dot_general3A_296 = tpu.matmul %slice3A_291, %get3A_294, %dot_general3A_295 {dimension_numbers = #tpu.dot_dimension_numbers<[1], [0], [0], [1], [0, 0, 1, 1], [], []>, transpose_lhs_hint = false} : vector<32x32xf32>, vector<32x32xf32>, vector<32x32xf32> -> vector<32x32xf32>
      %add3A_297 = arith.addf %add3A_290, %dot_general3A_296 : vector<32x32xf32>
      %slice3A_298 = vector.extract_strided_slice %dot_general3A_211 {offsets = [384, 0], sizes = [32, 32], strides = [1, 1]} : vector<864x32xf32> to vector<32x32xf32>
      %get3A_299 = arith.constant 384 : index
      %get3A_300 = arith.constant 0 : index
      %get3A_301 = vector.load %arg4[%get3A_299, %get3A_300] : memref<864x32xf32, #tpu.memory_space<vmem>>, vector<32x32xf32>
      %dot_general3A_302 = arith.constant dense<0.000000e+00> : vector<32x32xf32>
      %dot_general3A_303 = tpu.matmul %slice3A_298, %get3A_301, %dot_general3A_302 {dimension_numbers = #tpu.dot_dimension_numbers<[1], [0], [0], [1], [0, 0, 1, 1], [], []>, transpose_lhs_hint = false} : vector<32x32xf32>, vector<32x32xf32>, vector<32x32xf32> -> vector<32x32xf32>
      %add3A_304 = arith.addf %add3A_297, %dot_general3A_303 : vector<32x32xf32>
      %slice3A_305 = vector.extract_strided_slice %dot_general3A_211 {offsets = [416, 0], sizes = [32, 32], strides = [1, 1]} : vector<864x32xf32> to vector<32x32xf32>
      %get3A_306 = arith.constant 416 : index
      %get3A_307 = arith.constant 0 : index
      %get3A_308 = vector.load %arg4[%get3A_306, %get3A_307] : memref<864x32xf32, #tpu.memory_space<vmem>>, vector<32x32xf32>
      %dot_general3A_309 = arith.constant dense<0.000000e+00> : vector<32x32xf32>
      %dot_general3A_310 = tpu.matmul %slice3A_305, %get3A_308, %dot_general3A_309 {dimension_numbers = #tpu.dot_dimension_numbers<[1], [0], [0], [1], [0, 0, 1, 1], [], []>, transpose_lhs_hint = false} : vector<32x32xf32>, vector<32x32xf32>, vector<32x32xf32> -> vector<32x32xf32>
      %add3A_311 = arith.addf %add3A_304, %dot_general3A_310 : vector<32x32xf32>
      %slice3A_312 = vector.extract_strided_slice %dot_general3A_211 {offsets = [448, 0], sizes = [32, 32], strides = [1, 1]} : vector<864x32xf32> to vector<32x32xf32>
      %get3A_313 = arith.constant 448 : index
      %get3A_314 = arith.constant 0 : index
      %get3A_315 = vector.load %arg4[%get3A_313, %get3A_314] : memref<864x32xf32, #tpu.memory_space<vmem>>, vector<32x32xf32>
      %dot_general3A_316 = arith.constant dense<0.000000e+00> : vector<32x32xf32>
      %dot_general3A_317 = tpu.matmul %slice3A_312, %get3A_315, %dot_general3A_316 {dimension_numbers = #tpu.dot_dimension_numbers<[1], [0], [0], [1], [0, 0, 1, 1], [], []>, transpose_lhs_hint = false} : vector<32x32xf32>, vector<32x32xf32>, vector<32x32xf32> -> vector<32x32xf32>
      %add3A_318 = arith.addf %add3A_311, %dot_general3A_317 : vector<32x32xf32>
      %slice3A_319 = vector.extract_strided_slice %dot_general3A_211 {offsets = [480, 0], sizes = [32, 32], strides = [1, 1]} : vector<864x32xf32> to vector<32x32xf32>
      %get3A_320 = arith.constant 480 : index
      %get3A_321 = arith.constant 0 : index
      %get3A_322 = vector.load %arg4[%get3A_320, %get3A_321] : memref<864x32xf32, #tpu.memory_space<vmem>>, vector<32x32xf32>
      %dot_general3A_323 = arith.constant dense<0.000000e+00> : vector<32x32xf32>
      %dot_general3A_324 = tpu.matmul %slice3A_319, %get3A_322, %dot_general3A_323 {dimension_numbers = #tpu.dot_dimension_numbers<[1], [0], [0], [1], [0, 0, 1, 1], [], []>, transpose_lhs_hint = false} : vector<32x32xf32>, vector<32x32xf32>, vector<32x32xf32> -> vector<32x32xf32>
      %add3A_325 = arith.addf %add3A_318, %dot_general3A_324 : vector<32x32xf32>
      %slice3A_326 = vector.extract_strided_slice %dot_general3A_211 {offsets = [512, 0], sizes = [32, 32], strides = [1, 1]} : vector<864x32xf32> to vector<32x32xf32>
      %get3A_327 = arith.constant 512 : index
      %get3A_328 = arith.constant 0 : index
      %get3A_329 = vector.load %arg4[%get3A_327, %get3A_328] : memref<864x32xf32, #tpu.memory_space<vmem>>, vector<32x32xf32>
      %dot_general3A_330 = arith.constant dense<0.000000e+00> : vector<32x32xf32>
      %dot_general3A_331 = tpu.matmul %slice3A_326, %get3A_329, %dot_general3A_330 {dimension_numbers = #tpu.dot_dimension_numbers<[1], [0], [0], [1], [0, 0, 1, 1], [], []>, transpose_lhs_hint = false} : vector<32x32xf32>, vector<32x32xf32>, vector<32x32xf32> -> vector<32x32xf32>
      %add3A_332 = arith.addf %add3A_325, %dot_general3A_331 : vector<32x32xf32>
      %slice3A_333 = vector.extract_strided_slice %dot_general3A_211 {offsets = [544, 0], sizes = [32, 32], strides = [1, 1]} : vector<864x32xf32> to vector<32x32xf32>
      %get3A_334 = arith.constant 544 : index
      %get3A_335 = arith.constant 0 : index
      %get3A_336 = vector.load %arg4[%get3A_334, %get3A_335] : memref<864x32xf32, #tpu.memory_space<vmem>>, vector<32x32xf32>
      %dot_general3A_337 = arith.constant dense<0.000000e+00> : vector<32x32xf32>
      %dot_general3A_338 = tpu.matmul %slice3A_333, %get3A_336, %dot_general3A_337 {dimension_numbers = #tpu.dot_dimension_numbers<[1], [0], [0], [1], [0, 0, 1, 1], [], []>, transpose_lhs_hint = false} : vector<32x32xf32>, vector<32x32xf32>, vector<32x32xf32> -> vector<32x32xf32>
      %add3A_339 = arith.addf %add3A_332, %dot_general3A_338 : vector<32x32xf32>
      %slice3A_340 = vector.extract_strided_slice %dot_general3A_211 {offsets = [576, 0], sizes = [32, 32], strides = [1, 1]} : vector<864x32xf32> to vector<32x32xf32>
      %get3A_341 = arith.constant 576 : index
      %get3A_342 = arith.constant 0 : index
      %get3A_343 = vector.load %arg4[%get3A_341, %get3A_342] : memref<864x32xf32, #tpu.memory_space<vmem>>, vector<32x32xf32>
      %dot_general3A_344 = arith.constant dense<0.000000e+00> : vector<32x32xf32>
      %dot_general3A_345 = tpu.matmul %slice3A_340, %get3A_343, %dot_general3A_344 {dimension_numbers = #tpu.dot_dimension_numbers<[1], [0], [0], [1], [0, 0, 1, 1], [], []>, transpose_lhs_hint = false} : vector<32x32xf32>, vector<32x32xf32>, vector<32x32xf32> -> vector<32x32xf32>
      %add3A_346 = arith.addf %add3A_339, %dot_general3A_345 : vector<32x32xf32>
      %slice3A_347 = vector.extract_strided_slice %dot_general3A_211 {offsets = [608, 0], sizes = [32, 32], strides = [1, 1]} : vector<864x32xf32> to vector<32x32xf32>
      %get3A_348 = arith.constant 608 : index
      %get3A_349 = arith.constant 0 : index
      %get3A_350 = vector.load %arg4[%get3A_348, %get3A_349] : memref<864x32xf32, #tpu.memory_space<vmem>>, vector<32x32xf32>
      %dot_general3A_351 = arith.constant dense<0.000000e+00> : vector<32x32xf32>
      %dot_general3A_352 = tpu.matmul %slice3A_347, %get3A_350, %dot_general3A_351 {dimension_numbers = #tpu.dot_dimension_numbers<[1], [0], [0], [1], [0, 0, 1, 1], [], []>, transpose_lhs_hint = false} : vector<32x32xf32>, vector<32x32xf32>, vector<32x32xf32> -> vector<32x32xf32>
      %add3A_353 = arith.addf %add3A_346, %dot_general3A_352 : vector<32x32xf32>
      %slice3A_354 = vector.extract_strided_slice %dot_general3A_211 {offsets = [640, 0], sizes = [32, 32], strides = [1, 1]} : vector<864x32xf32> to vector<32x32xf32>
      %get3A_355 = arith.constant 640 : index
      %get3A_356 = arith.constant 0 : index
      %get3A_357 = vector.load %arg4[%get3A_355, %get3A_356] : memref<864x32xf32, #tpu.memory_space<vmem>>, vector<32x32xf32>
      %dot_general3A_358 = arith.constant dense<0.000000e+00> : vector<32x32xf32>
      %dot_general3A_359 = tpu.matmul %slice3A_354, %get3A_357, %dot_general3A_358 {dimension_numbers = #tpu.dot_dimension_numbers<[1], [0], [0], [1], [0, 0, 1, 1], [], []>, transpose_lhs_hint = false} : vector<32x32xf32>, vector<32x32xf32>, vector<32x32xf32> -> vector<32x32xf32>
      %add3A_360 = arith.addf %add3A_353, %dot_general3A_359 : vector<32x32xf32>
      %slice3A_361 = vector.extract_strided_slice %dot_general3A_211 {offsets = [672, 0], sizes = [32, 32], strides = [1, 1]} : vector<864x32xf32> to vector<32x32xf32>
      %get3A_362 = arith.constant 672 : index
      %get3A_363 = arith.constant 0 : index
      %get3A_364 = vector.load %arg4[%get3A_362, %get3A_363] : memref<864x32xf32, #tpu.memory_space<vmem>>, vector<32x32xf32>
      %dot_general3A_365 = arith.constant dense<0.000000e+00> : vector<32x32xf32>
      %dot_general3A_366 = tpu.matmul %slice3A_361, %get3A_364, %dot_general3A_365 {dimension_numbers = #tpu.dot_dimension_numbers<[1], [0], [0], [1], [0, 0, 1, 1], [], []>, transpose_lhs_hint = false} : vector<32x32xf32>, vector<32x32xf32>, vector<32x32xf32> -> vector<32x32xf32>
      %add3A_367 = arith.addf %add3A_360, %dot_general3A_366 : vector<32x32xf32>
      %slice3A_368 = vector.extract_strided_slice %dot_general3A_211 {offsets = [704, 0], sizes = [32, 32], strides = [1, 1]} : vector<864x32xf32> to vector<32x32xf32>
      %get3A_369 = arith.constant 704 : index
      %get3A_370 = arith.constant 0 : index
      %get3A_371 = vector.load %arg4[%get3A_369, %get3A_370] : memref<864x32xf32, #tpu.memory_space<vmem>>, vector<32x32xf32>
      %dot_general3A_372 = arith.constant dense<0.000000e+00> : vector<32x32xf32>
      %dot_general3A_373 = tpu.matmul %slice3A_368, %get3A_371, %dot_general3A_372 {dimension_numbers = #tpu.dot_dimension_numbers<[1], [0], [0], [1], [0, 0, 1, 1], [], []>, transpose_lhs_hint = false} : vector<32x32xf32>, vector<32x32xf32>, vector<32x32xf32> -> vector<32x32xf32>
      %add3A_374 = arith.addf %add3A_367, %dot_general3A_373 : vector<32x32xf32>
      %slice3A_375 = vector.extract_strided_slice %dot_general3A_211 {offsets = [736, 0], sizes = [32, 32], strides = [1, 1]} : vector<864x32xf32> to vector<32x32xf32>
      %get3A_376 = arith.constant 736 : index
      %get3A_377 = arith.constant 0 : index
      %get3A_378 = vector.load %arg4[%get3A_376, %get3A_377] : memref<864x32xf32, #tpu.memory_space<vmem>>, vector<32x32xf32>
      %dot_general3A_379 = arith.constant dense<0.000000e+00> : vector<32x32xf32>
      %dot_general3A_380 = tpu.matmul %slice3A_375, %get3A_378, %dot_general3A_379 {dimension_numbers = #tpu.dot_dimension_numbers<[1], [0], [0], [1], [0, 0, 1, 1], [], []>, transpose_lhs_hint = false} : vector<32x32xf32>, vector<32x32xf32>, vector<32x32xf32> -> vector<32x32xf32>
      %add3A_381 = arith.addf %add3A_374, %dot_general3A_380 : vector<32x32xf32>
      %slice3A_382 = vector.extract_strided_slice %dot_general3A_211 {offsets = [768, 0], sizes = [32, 32], strides = [1, 1]} : vector<864x32xf32> to vector<32x32xf32>
      %get3A_383 = arith.constant 768 : index
      %get3A_384 = arith.constant 0 : index
      %get3A_385 = vector.load %arg4[%get3A_383, %get3A_384] : memref<864x32xf32, #tpu.memory_space<vmem>>, vector<32x32xf32>
      %dot_general3A_386 = arith.constant dense<0.000000e+00> : vector<32x32xf32>
      %dot_general3A_387 = tpu.matmul %slice3A_382, %get3A_385, %dot_general3A_386 {dimension_numbers = #tpu.dot_dimension_numbers<[1], [0], [0], [1], [0, 0, 1, 1], [], []>, transpose_lhs_hint = false} : vector<32x32xf32>, vector<32x32xf32>, vector<32x32xf32> -> vector<32x32xf32>
      %add3A_388 = arith.addf %add3A_381, %dot_general3A_387 : vector<32x32xf32>
      %slice3A_389 = vector.extract_strided_slice %dot_general3A_211 {offsets = [800, 0], sizes = [32, 32], strides = [1, 1]} : vector<864x32xf32> to vector<32x32xf32>
      %get3A_390 = arith.constant 800 : index
      %get3A_391 = arith.constant 0 : index
      %get3A_392 = vector.load %arg4[%get3A_390, %get3A_391] : memref<864x32xf32, #tpu.memory_space<vmem>>, vector<32x32xf32>
      %dot_general3A_393 = arith.constant dense<0.000000e+00> : vector<32x32xf32>
      %dot_general3A_394 = tpu.matmul %slice3A_389, %get3A_392, %dot_general3A_393 {dimension_numbers = #tpu.dot_dimension_numbers<[1], [0], [0], [1], [0, 0, 1, 1], [], []>, transpose_lhs_hint = false} : vector<32x32xf32>, vector<32x32xf32>, vector<32x32xf32> -> vector<32x32xf32>
      %add3A_395 = arith.addf %add3A_388, %dot_general3A_394 : vector<32x32xf32>
      %slice3A_396 = vector.extract_strided_slice %dot_general3A_211 {offsets = [832, 0], sizes = [32, 32], strides = [1, 1]} : vector<864x32xf32> to vector<32x32xf32>
      %get3A_397 = arith.constant 832 : index
      %get3A_398 = arith.constant 0 : index
      %get3A_399 = vector.load %arg4[%get3A_397, %get3A_398] : memref<864x32xf32, #tpu.memory_space<vmem>>, vector<32x32xf32>
      %dot_general3A_400 = arith.constant dense<0.000000e+00> : vector<32x32xf32>
      %dot_general3A_401 = tpu.matmul %slice3A_396, %get3A_399, %dot_general3A_400 {dimension_numbers = #tpu.dot_dimension_numbers<[1], [0], [0], [1], [0, 0, 1, 1], [], []>, transpose_lhs_hint = false} : vector<32x32xf32>, vector<32x32xf32>, vector<32x32xf32> -> vector<32x32xf32>
      %add3A_402 = arith.addf %add3A_395, %dot_general3A_401 : vector<32x32xf32>
      %broadcast_in_dim3A_403 = vector.shape_cast %add3A_402 : vector<32x32xf32> to vector<32x32x1xf32>
      %get3A_404 = arith.constant 0 : index
      %get3A_405 = arith.constant 0 : index
      %get3A_406 = arith.constant 0 : index
      %get3A_407 = vector.load %arg5[%get3A_404, %get3A_405, %get3A_406] : memref<32x32x32xf32, #tpu.memory_space<vmem>>, vector<32x32x32xf32>
      %mul3A = vector.broadcast %broadcast_in_dim3A_403 : vector<32x32x1xf32> to vector<32x32x32xf32>
      %mul3A_408 = arith.mulf %mul3A, %get3A_407 : vector<32x32x32xf32>
      %reduce_sum3A = arith.constant dense<0.000000e+00> : vector<32x32xf32>
      %reduce_sum3A_409 = vector.multi_reduction <add>, %mul3A_408, %reduce_sum3A [0] : vector<32x32x32xf32> to vector<32x32xf32>
      %reduce_sum3A_410 = arith.constant dense<0.000000e+00> : vector<32xf32>
      %reduce_sum3A_411 = vector.multi_reduction <add>, %reduce_sum3A_409, %reduce_sum3A_410 [0] : vector<32x32xf32> to vector<32xf32>
      %get3A_412 = arith.constant 0 : index
      %get3A_413 = arith.constant 0 : index
      %get3A_414 = memref.load %arg6[%get3A_412, %get3A_413] : memref<1x1xi32, #tpu.memory_space<smem>>
      %convert_element_type3A_415 = arith.sitofp %get3A_414 : i32 to f32
      %div3A = vector.broadcast %convert_element_type3A_415 : f32 to vector<32xf32>
      %div3A_416 = arith.divf %reduce_sum3A_411, %div3A : vector<32xf32>
      %broadcast_in_dim3A_417 = vector.shape_cast %div3A_416 : vector<32xf32> to vector<1x32xf32>
      %swap3A_418 = arith.constant 0 : index
      %swap3A_419 = arith.constant 0 : index
      %swap3A_420 = vector.load %arg7[%swap3A_418, %swap3A_419] : memref<1x32xf32, #tpu.memory_space<vmem>>, vector<1x32xf32>
      tpu.vector_store %arg7[%swap3A_418, %swap3A_419], %broadcast_in_dim3A_417 {strides = array<i32>} : memref<1x32xf32, #tpu.memory_space<vmem>>, vector<1x32xf32>,
    } else {
    }
    return
  }
  func.func @transform_0(%arg0: i32) -> (i32, i32) {
    %c0_i32 = arith.constant 0 : i32
    %c0_i32_0 = arith.constant 0 : i32
    return %c0_i32, %arg0 : i32, i32
  }
  func.func @transform_1(%arg0: i32) -> (i32, i32) {
    %c0_i32 = arith.constant 0 : i32
    %c0_i32_0 = arith.constant 0 : i32
    return %c0_i32, %arg0 : i32, i32
  }
  func.func @transform_2(%arg0: i32) -> (i32, i32) {
    %c0_i32 = arith.constant 0 : i32
    %c0_i32_0 = arith.constant 0 : i32
    %c0_i32_1 = arith.constant 0 : i32
    return %c0_i32, %c0_i32_0 : i32, i32
  }
  func.func @transform_3(%arg0: i32) -> (i32, i32) {
    %c0_i32 = arith.constant 0 : i32
    %c0_i32_0 = arith.constant 0 : i32
    %c0_i32_1 = arith.constant 0 : i32
    return %c0_i32, %c0_i32_0 : i32, i32
  }
  func.func @transform_4(%arg0: i32) -> (i32, i32, i32) {
    %c0_i32 = arith.constant 0 : i32
    %c0_i32_0 = arith.constant 0 : i32
    %c0_i32_1 = arith.constant 0 : i32
    %c0_i32_2 = arith.constant 0 : i32
    return %c0_i32, %c0_i32_0, %c0_i32_1 : i32, i32, i32
  }
  func.func @transform_5(%arg0: i32) -> (i32, i32) {
    %c0_i32 = arith.constant 0 : i32
    %c0_i32_0 = arith.constant 0 : i32
    %c0_i32_1 = arith.constant 0 : i32
    return %c0_i32, %c0_i32_0 : i32, i32
  }
  func.func @transform_6(%arg0: i32) -> (i32, i32) {
    %c0_i32 = arith.constant 0 : i32
    %c0_i32_0 = arith.constant 0 : i32
    %c0_i32_1 = arith.constant 0 : i32
    return %c0_i32, %c0_i32_0 : i32, i32
  }
}

</mosaic_0001>

<sc_bundles>
// kernel: kernel.6.cloned.1.call-start
scs
__scs_entry_jumppad:
0x0: {  	(pc) =	sbr.rel $0x88, $3  }
0x1: {  	(tag) =	ssettag $0x0;
	lr =	simm.s32 $0x1  }
0x2: {  	[smem:$0x3F9C] =	sst lr;
	_ =	strace $0xD0000000  }
0x3: {  	_ = 	snop  }
0x4: {  	_ = 	snop  }
0x5: {  	_ = 	snop  }
0x6: {  	_ = 	snop  }
0x7: {  	_ = 	snop  }
__scs_overlays_trampoline_lowered:
0x8: {  	[smem:$0x3FAB] =	sst s0  }
0x9: {  	[smem:$0x3FAC] =	sst s1  }
0xa: {  	[smem:$0x3FAD] =	sst s2  }
0xb: {  	[smem:$0x3FAE] =	sst s3  }
0xc: {  	[smem:$0x3FAF] =	sst s4  }
0xd: {  	[smem:$0x3FB0] =	sst s5  }
0xe: {  	[smem:$0x3FB1] =	sst s6  }
0xf: {  	[smem:$0x3FB2] =	sst s7  }
0x10: {  	[smem:$0x3FB3] =	sst s8  }
0x11: {  	[smem:$0x3FB4] =	sst s9;
	s0 =	simm.s32 @!p0 $0x0  }
0x12: {  	s1 =	sld [smem:$0x3F9A];
	s0 =	simm.s32 @p0 $0x1  }
0x13: {  	[smem:$0x3FB5] =	sst s0;
	s0 =	simm.s32 @!p1 $0x0  }
0x14: {  	s2 =	sld [smem:$0x3F99];
	s0 =	simm.s32 @p1 $0x1  }
0x15: {  	[smem:$0x3FB6] =	sst s0;
	s0 =	simm.s32 @!p2 $0x0  }
0x16: {  	s3 =	sld [smem:$0x3FDB];
	s0 =	simm.s32 @p2 $0x1  }
0x17: {  	s4 =	simm.s32 $0x1BF5;
	[smem:$0x3FB8] =	sst s0  }
0x18: {  	s0 =	sld [smem:$0x3F9B];
	_ =	swait.ge [sflag:s4], $0x0  }
0x19: {  	s7 =	sld [smem:$0x3F9C]  }
0x1a: {  	s8 =	sadd.s32 $0xFFFFE003, lr  }
0x1b: {  	s9 =	sadd.s32 $0xFFFFFEF7, lr;
	s5 =	simm.s32 $0xFFFFFFFF;
	p2 =	slt.u32 s8, $0xFFFFF086  }
0x1c: {  	p1 =	slt.u32 s9, $0xF7A;
	s5 =	simm.s32 @!p2 $0x0  }
0x1d: {  	s5 =	simm.s32 @p1 $0x1;
	p0 =	seq.s32 s7, s2  }
0x1e: {  	s7 =	smul.u32 @!p0 $0xF7A, s2;
	p2 =	seq.s32 @!p0 s5, $0x0  }
0x1f: {  	s9 =	smul.u32 $0xF7A, s1;
	s8 =	simm.s32 @!p0 $0x1BF5;
	p2 =	por !p2, p0  }
0x20: {  	[sflag:s8] =	ssyncset.s32 @!p0 $0xFFFFF086;
	s6 =	sadd.s32 @!p0 s3, s7;
	s7 =	simm.s32 @!p0 $0x108  }
0x21: {  	s3 =	sadd.s32 s3, s9;
	s6 =	sadd.s32 @!p0 $0x88, s6;
	s7 =	simm.s32 @p2 $0x1082  }
0x22: {  	[simem:s7], [sflag:s8] =	dma.local @!p0 [hbm:s6], $0xF7A  }
0x23: {  	s9 =	sor.u32 $0xD0000000, s2;
	s6 =	simm.s32 $0x108;
	_ =	swait.ge @!p0 [sflag:s8], $0x0  }
0x24: {  	s3 =	sadd.s32 $0x88, s3;
	s6 =	simm.s32 @!p1 $0x1082;
	[sflag:s4] =	ssyncset.s32 $0xFFFFF086  }
0x25: {  	[simem:s6], [sflag:s4] =	dma.local [hbm:s3], $0xF7A  }
0x26: {  	[smem:$0x3F9C] =	sst s1;
	(tag) =	ssettag s2;
	_ =	strace s9  }
0x27: {  	s1 =	sld [smem:$0x3FAC]  }
0x28: {  	s2 =	sld [smem:$0x3FAD]  }
0x29: {  	s4 =	sld [smem:$0x3FAF]  }
0x2a: {  	p0 =	seq.s32 s5, $0x0;
	s5 =	sld [smem:$0x3FB0]  }
0x2b: {  	s6 =	sld [smem:$0x3FB1]  }
0x2c: {  	s7 =	sld [smem:$0x3FB2]  }
0x2d: {  	s3 =	simm.s32 $0x108;
	s8 =	sld [smem:$0x3FB3]  }
0x2e: {  	s3 =	simm.s32 @!p0 $0x1082;
	s9 =	sld [smem:$0x3FB4]  }
0x2f: {  	lr =	sadd.s32 s0, s3;
	s0 =	sld [smem:$0x3FAB]  }
0x30: {  	s3 =	sld [smem:$0x3FAE]  }
0x31: {  	[smem:$0x3FB7] =	sst s10  }
0x32: {  	s10 =	sld [smem:$0x3FB5];
	_ =	sdelay $0x3  }
0x33: {  	p0 =	seq.s32 s10, $0x1;
	s10 =	sld [smem:$0x3FB7];
	_ =	sdelay $0x3  }
0x34: {  	[smem:$0x3FB7] =	sst s10  }
0x35: {  	s10 =	sld [smem:$0x3FB6];
	_ =	sdelay $0x3  }
0x36: {  	p1 =	seq.s32 s10, $0x1;
	s10 =	sld [smem:$0x3FB7];
	_ =	sdelay $0x3  }
0x37: {  	[smem:$0x3FB7] =	sst s10  }
0x38: {  	s10 =	sld [smem:$0x3FB8]  }
0x39: {  	_ = 	snop;
	(pc) =	sbr.ind lr, $3  }
0x3a: {  	_ = 	snop  }
0x3b: {  	_ = 	snop  }
0x3c: {  	p2 =	seq.s32 s10, $0x1;
	s10 =	sld [smem:$0x3FB7]  }
0x3d: {  	_ =	shalt  }
0x3e: {  	_ =	shalt  }
0x3f: {  	_ =	shalt  }
0x40: {  	_ =	shalt  }
0x41: {  	_ =	shalt  }
0x42: {  	_ =	shalt  }
0x43: {  	_ =	shalt  }
0x44: {  	_ =	shalt  }
0x45: {  	_ =	shalt  }
0x46: {  	_ =	shalt  }
0x47: {  	_ =	shalt  }
0x48: {  	_ =	shalt  }
0x49: {  	_ =	shalt  }
0x4a: {  	_ =	shalt  }
0x4b: {  	_ =	shalt  }
0x4c: {  	_ =	shalt  }
0x4d: {  	_ =	shalt  }
0x4e: {  	_ =	shalt  }
0x4f: {  	_ =	shalt  }
0x50: {  	_ =	shalt  }
0x51: {  	_ =	shalt  }
0x52: {  	_ =	shalt  }
0x53: {  	_ =	shalt  }
0x54: {  	_ =	shalt  }
0x55: {  	_ =	shalt  }
0x56: {  	_ =	shalt  }
0x57: {  	_ =	shalt  }
0x58: {  	_ =	shalt  }
0x59: {  	_ =	shalt  }
0x5a: {  	_ =	shalt  }
0x5b: {  	_ =	shalt  }
0x5c: {  	_ =	shalt  }
0x5d: {  	_ =	shalt  }
0x5e: {  	_ =	shalt  }
0x5f: {  	_ =	shalt  }
0x60: {  	_ =	shalt  }
0x61: {  	_ =	shalt  }
0x62: {  	_ =	shalt  }
0x63: {  	_ =	shalt  }
0x64: {  	_ =	shalt  }
0x65: {  	_ =	shalt  }
0x66: {  	_ =	shalt  }
0x67: {  	_ =	shalt  }
0x68: {  	_ =	shalt  }
0x69: {  	_ =	shalt  }
0x6a: {  	_ =	shalt  }
0x6b: {  	_ =	shalt  }
0x6c: {  	_ =	shalt  }
0x6d: {  	_ =	shalt  }
0x6e: {  	_ =	shalt  }
0x6f: {  	_ =	shalt  }
0x70: {  	_ =	shalt  }
0x71: {  	_ =	shalt  }
0x72: {  	_ =	shalt  }
0x73: {  	_ =	shalt  }
0x74: {  	_ =	shalt  }
0x75: {  	_ =	shalt  }
0x76: {  	_ =	shalt  }
0x77: {  	_ =	shalt  }
0x78: {  	_ =	shalt  }
0x79: {  	_ =	shalt  }
0x7a: {  	_ =	shalt  }
0x7b: {  	_ =	shalt  }
0x7c: {  	_ =	shalt  }
0x7d: {  	_ =	shalt  }
0x7e: {  	_ =	shalt  }
0x7f: {  	_ =	shalt  }
0x80: {  	_ =	shalt  }
0x81: {  	_ =	shalt  }
0x82: {  	_ =	shalt  }
0x83: {  	_ =	shalt  }
0x84: {  	_ =	shalt  }
0x85: {  	_ =	shalt  }
0x86: {  	_ =	shalt  }
0x87: {  	_ =	shalt  }
.Lfunc_end0:
.L_simem_size_0:
called_computation.1_lowered:
.L_overlay_start_0:
0x88: {  	s2 =	sld [smem:$0x3FD9]  }
0x89: {  	s3 =	sld [smem:$0x3FFE];
	_ =	sdelay $0x1  }
0x8a: {  	s1 =	srdreg.scid  }
0x8b: {  	s0 =	sand.u32 $0x1, s1  }
0x8c: {  	s16 =	sshll.u32 s0, $0xA;
	s2 =	sadd.s32 s3, s2  }
0x8d: {  	s2 =	sadd.s32 s2, s16  }
0x8e: {  	[smem:$0x3FC3] =	sst s2  }
0x8f: {  	_ = 	snop  }
0x90: {  	(tm) =	ssettm $0x1  }
0x91: {  	s17 =	sld [smem:$0x3FFB];
	_ =	sdelay $0x3  }
0x92: {  	_ =	strace s17  }
0x93: {  	s2 =	sld [smem:$0x3FFC];
	_ =	sdelay $0x3  }
0x94: {  	_ =	strace s2  }
0x95: {  	s2 =	sld [smem:$0x3FFD];
	_ =	sdelay $0x3  }
0x96: {  	_ =	strace s2  }
0x97: {  	_ =	strace $0x8FFFFFFF  }
0x98: {  	s18 =	sld [smem:$0x3FDB];
	_ =	sdelay $0x1  }
0x99: {  	s19 =	simm.s32 $_scs_section_size  }
0x9a: {  	s4 =	simm.s32 $_size__tile_overlayer_lowered;
	s5 =	simm.s32 $_tile_overlayer_lowered  }
0x9b: {  	s22 =	simm.s32 $0x1BFF;
	s21 =	sshll.u32 s5, $0x1;
	s2 =	sadd.s32 s19, s18  }
0x9c: {  	s6 =	simm.s32 $0x0;
	s20 =	sshll.u32 s4, $0x1;
	s4 =	sadd.s32 s21, s2  }
0x9d: {  	[timem:s6], [sflag:s22] =	dma.local [hbm:s4], s20  }
0x9e: {  	_ =	swait.ge [sflag:s22], s20  }
0x9f: {  	s3 =	ssub.s32 $0x0, s20;
	[sflag:s22] =	ssyncset.done $0x0  }
0xa0: {  	[sflag:s22] =	ssyncadd.s32 s3;
	_ =	sdelay $0x1  }
0xa1: {  	s23 =	simm.s32 $0x1B8B  }
0xa2: {  	_ =	swait.ge [sflag:s23], $0x1  }
0xa3: {  	[sflag:s23] =	ssyncset.done $0x0  }
0xa4: {  	s25 =	simm.s32 $0x1B8E;
	s24 =	sld [smem:$0x3FFE];
	[sflag:s23] =	ssyncadd.s32 $0xFFFFFFFF  }
0xa5: {  	s26 =	simm.s32 $execute0_lowered;
	[smem:$0x3FD2] =	sst s25  }
0xa6: {  	s4 =	sshll.u32 s26, $0x1;
	_ =	strace $0x80000046;
	[dreg:$0x1] =	wrdreg $0xFFFFFFFF  }
0xa7: {  	s28 =	simm.s32 $_size_execute0_lowered;
	s2 =	sadd.s32 s2, s4;
	[dreg:$0x0] =	wrdreg $0x0  }
0xa8: {  	s4 =	sshll.u32 s28, $0x1;
	[dreg:$0x2] =	wrdreg s2  }
0xa9: {  	[dreg:$0x3] =	wrdreg s4  }
0xaa: {  	[dreg:$0x4] =	wrdreg $0xC0  }
0xab: {  	_ =	task [dreg:s6], $0x5FFFF  }
0xac: {  	[dreg:$0x1] =	wrdreg $0xFFFFFFFF  }
0xad: {  	[dreg:$0x0] =	wrdreg $0x60  }
0xae: {  	[dreg:$0x2] =	wrdreg s24  }
0xaf: {  	[dreg:$0x3] =	wrdreg $0x9  }
0xb0: {  	_ =	task.clear_ibuf [dreg:s6], $0x4FFFF;
	_ =	strace $0x90000046  }
0xb1: {  	s29 =	simm.s32 $0x9;
	_ =	strace $0x80000048  }
0xb2: {  	_ =	swait.ge [sflag:s29], $0x1  }
0xb3: {  	[sflag:s29] =	ssyncadd.s32 $0xFFFFFFFF  }
0xb4: {  	_ =	strace $0x90000048  }
0xb5: {  	_ =	sfence  }
0xb6: {  	s30 =	sld [smem:$0x0];
	_ =	sdelay $0x2  }
0xb7: {  	s31 =	sshll.u32 s1, $0xD;
	s1 =	sshrl.u32 s1, $0x2  }
0xb8: {  	s3 =	sand.u32 $0x4000, s31;
	s1 =	sadd.s32 s1, s30  }
0xb9: {  	s0 =	sor.u32 s3, s0;
	s1 =	sshll.u32 s1, $0x11  }
0xba: {  	s0 =	sor.u32 s1, s0  }
0xbb: {  	s0 =	sadd.s32 $0x8F2B, s0  }
0xbc: {  	[sflag:s0] =	ssyncadd.remote.s32 $0x1  }
0xbd: {  	_ =	sfence.sel $0xFFFF  }
0xbe: {  	[dreg:$0x0] =	wrdreg $0xFFFFFFFF;
	(pc) =	sbr.abs _section_cstart, $3  }
0xbf: {  	[dreg:$0x1] =	wrdreg $0xFFFFFFFF  }
0xc0: {  	_ =	task.clear_ibuf [dreg:s6], $0x2FFFF;
	_ =	strace $0x9FFFFFFF  }
0xc1: {  	(tm) =	ssettm $0x7FFFFFFF  }
tec
execute0_lowered:
.L_overlay_start_1:
0x0: {  	(tag) =	ssettag $0x1  }
0x1: {  	s3 =	rddreg [dreg:$0x0];
	s16 =	stileid.u32  }
0x2: {  	s2 =	srdreg.scid;
	s0 =	rddreg [dreg:$0x1]  }
0x3: {  	s1 =	simm.s32 $0x0;
	s24 =	simm.s32 $0xA200;
	s25 =	simm.s32 $0x0  }
0x4: {  	s15 =	smul.u32 $0x1880, s16;
	s14 =	sand.u32 $0x1, s2;
	[smem:$0x7FF] =	sst s1  }
0x5: {  	s2 =	sadd.s32 $0x12600, s3;
	p0 =	sne.s32 s16, $0x0;
	s17 =	sshll.u32 s14, $0x4  }
0x6: {  	_ =	strace $0x80000047;
	s5 =	ssub.s32 $0x2, s14;
	s10 =	sshll.u32 s14, $0x1  }
0x7: {  	s19 =	sshll.u32 s14, $0x14;
	s20 =	sshll.u32 s14, $0x11;
	s30 =	sshrl.u32 s15, $0x3  }
0x8: {  	s9 =	sor.u32 s16, s17;
	s6 =	sshrl.u32 s5, $0x1;
	s8 =	sadd.s32 s10, s2  }
0x9: {  	s21 =	sor.u32 $0x200000, s17;
	s22 =	sor.u32 $0x40000, s17;
	s31 =	sadd.s32 $0x100000, s19  }
0xa: {  	s23 =	sadd.s32 $0x20000, s20;
	s15 =	sor.u32 $0x1, s15;
	s16 =	simm.s32 $0x2  }
0xb: {  	v0 =	vmov s19;
	v3 =	vmov s20;
	s17 =	simm.s32 $0x4000;
	s19 =	simm.s32 $0x7100;
	s20 =	simm.s32 $0x1880  }
0xc: {  	s13 =	sadd.s32 s30, s3;
	s4 =	sshll.u32 s9, $0xD;
	s3 =	sadd.s32 $0xA400, s3  }
0xd: {  	s18 =	ssub.s32 s5, s6;
	s8 =	sadd.s32 $0x40000, s8;
	s9 =	sshll.u32 s9, $0xA  }
0xe: {  	v2 =	vmov s21;
	v4 =	vmov s23;
	v5 =	vmov s22;
	s21 =	simm.s32 $0x8980;
	s22 =	simm.s32 $0xBA80;
	s23 =	simm.s32 $0x1  }
0xf: {  	s4 =	sadd.s32 s2, s4;
	s10 =	sadd.s32 s10, s3;
	s9 =	sadd.s32 s3, s9  }
0x10: {  	s11 =	sadd.s32 $0x7200, s13;
	s12 =	sadd.s32 $0x4000, s13;
	s13 =	sadd.s32 $0xE00, s13  }
0x11: {  	v6 =	vimm.s32 $0xFFFFFFFF;
	v7 =	vimm.s32 $0x0;
	s14 =	smax.u32 s18, $0x1;
	s18 =	simm.s32 $0x5880;
	s5 =	sadd.s32 $0x800, s4  }
0x12: {  	v8 =	vlaneseq.u32;
	v9 =	vimm.s32 $0x1;
	v1 =	vmov s31;
	s6 =	sadd.s32 $0x1000, s4;
	s7 =	sadd.s32 $0x1800, s4;
	s10 =	sadd.s32 $0x8000, s10  }
.LBB2_1:
0x13: {  	s26 =	simm.s32 $0x40;
	s28 =	simm.s32 $0x0  }
.LBB2_2:
0x14: {  	p1 =	sne.s32 s26, $0xFFC0;
	[tilespmem:s28+$0x0] =	vst v6;
	s28 =	smov.u32 s26;
	s26 =	sadd.s32 $0x40, s26  }
.Ltmp0:
0x15: {  	(pc) =	sbr.rel @p1 .LBB2_2-.Ltmp0, $2  }
0x16: {  	_ =	sdelay $0x2  }
0x17: {  	s28 =	sshra.s32 s28, $0x2  }
0x18: {  	[tilespmem:s28+$0x0] =	vst v6  }
0x19: {  	[hbm4b:s4+s1] =	stream.linear.scatter [tilespmem:s1], [sflag:$0x2], $0x4000, $0x38;
	[tilespmem:$0xD300] =	vst v63  }
0x1a: {  	_ =	swait.ge [sflag:s16], $0x4000  }
0x1b: {  	[sflag:s16] =	ssyncset.done $0x0  }
0x1c: {  	[sflag:s16] =	ssyncadd.s32 $0xFFFFC000  }
0x1d: {  	[hbm4b:s5+s1] =	stream.linear.scatter [tilespmem:s1], [sflag:$0x2], $0x4000, $0x38;
	[tilespmem:$0xD300] =	vst v63  }
0x1e: {  	_ =	swait.ge [sflag:s16], $0x4000  }
0x1f: {  	[sflag:s16] =	ssyncset.done $0x0  }
0x20: {  	[sflag:s16] =	ssyncadd.s32 $0xFFFFC000  }
0x21: {  	[hbm4b:s6+s1] =	stream.linear.scatter [tilespmem:s1], [sflag:$0x2], $0x4000, $0x38;
	[tilespmem:$0xD300] =	vst v63  }
0x22: {  	_ =	swait.ge [sflag:s16], $0x4000  }
0x23: {  	[sflag:s16] =	ssyncset.done $0x0  }
0x24: {  	[sflag:s16] =	ssyncadd.s32 $0xFFFFC000  }
0x25: {  	[hbm4b:s7+s1] =	stream.linear.scatter [tilespmem:s1], [sflag:$0x2], $0x4000, $0x38;
	[tilespmem:$0xD300] =	vst v63  }
0x26: {  	_ =	swait.ge [sflag:s16], $0x4000  }
0x27: {  	[sflag:s16] =	ssyncset.done $0x0  }
0x28: {  	s26 =	simm.s32 @!p0 $0x0;
	[sflag:s16] =	ssyncadd.s32 $0xFFFFC000  }
0x29: {  	[hbm4b:s8+s26] =	stream.linear.scatter @!p0 [tilespmem:s26], [sflag:$0x2], $0x10, $0x38;
	[tilespmem:$0xD300] =	vst v63  }
0x2a: {  	s26 =	simm.s32 @!p0 $0x2  }
0x2b: {  	_ =	swait.ge @!p0 [sflag:s26], $0x10  }
0x2c: {  	[sflag:s26] =	ssyncset.done @!p0 $0x0  }
0x2d: {  	s28 =	simm.s32 $0x0;
	[sflag:s26] =	ssyncadd.s32 @!p0 $0xFFFFFFF0;
	s26 =	simm.s32 $0x40  }
.LBB2_4:
0x2e: {  	p1 =	sne.s32 s26, $0xFFC0;
	[tilespmem:s28+$0x0] =	vst v7;
	s28 =	smov.u32 s26;
	s26 =	sadd.s32 $0x40, s26  }
.Ltmp1:
0x2f: {  	(pc) =	sbr.rel @p1 .LBB2_4-.Ltmp1, $2  }
0x30: {  	_ =	sdelay $0x2  }
0x31: {  	s28 =	sshra.s32 s28, $0x2  }
0x32: {  	[tilespmem:s28+$0x0] =	vst v7  }
0x33: {  	[hbm4b:s9+s1] =	stream.linear.scatter [tilespmem:s1], [sflag:$0x2], $0x2000, $0x38;
	[tilespmem:$0xD300] =	vst v63  }
0x34: {  	_ =	swait.ge [sflag:s16], $0x2000  }
0x35: {  	[sflag:s16] =	ssyncset.done $0x0  }
0x36: {  	s26 =	simm.s32 @!p0 $0x0;
	[sflag:s16] =	ssyncadd.s32 $0xFFFFE000  }
0x37: {  	[hbm4b:s10+s26] =	stream.linear.scatter @!p0 [tilespmem:s26], [sflag:$0x2], $0x10, $0x38;
	[tilespmem:$0xD300] =	vst v63  }
0x38: {  	s26 =	simm.s32 @!p0 $0x2  }
0x39: {  	_ =	swait.ge @!p0 [sflag:s26], $0x10  }
0x3a: {  	[sflag:s26] =	ssyncset.done @!p0 $0x0  }
0x3b: {  	[sflag:s26] =	ssyncadd.s32 @!p0 $0xFFFFFFF0  }
0x3c: {  	s31 =	simm.s32 $0x0;
	[bflag:$0x0] =	sbarrier.arrive $0xFFFF  }
0x3d: {  	[tilespmem:s17], [sflag:$0x2] =	stream.linear.gather [hbm4b:s11+s31], $0x1880, $0x38;
	[tilespmem:$0xD300] =	vst v63  }
0x3e: {  	_ =	swait.ge [sflag:s16], $0x1880  }
0x3f: {  	[sflag:s16] =	ssyncset.done $0x0  }
0x40: {  	[sflag:s16] =	ssyncadd.s32 $0xFFFFE780  }
0x41: {  	[tilespmem:s18], [sflag:$0x2] =	stream.linear.gather [hbm4b:s12+s31], $0x1880, $0x38;
	[tilespmem:$0xD300] =	vst v63  }
0x42: {  	_ =	swait.ge [sflag:s16], $0x1880  }
0x43: {  	[sflag:s16] =	ssyncset.done $0x0  }
0x44: {  	[sflag:s16] =	ssyncadd.s32 $0xFFFFE780  }
0x45: {  	[tilespmem:s19], [sflag:$0x2] =	stream.linear.gather [hbm4b:s13+s31], $0x1880, $0x38;
	[tilespmem:$0xD300] =	vst v63  }
0x46: {  	_ =	swait.ge [sflag:s16], $0x1880  }
0x47: {  	[sflag:s16] =	ssyncset.done $0x0  }
0x48: {  	s26 =	simm.s32 $0x0;
	[sflag:s16] =	ssyncadd.s32 $0xFFFFE780  }
0x49: {  	v13 =	vld [tilespmem:s26+$0x4000]  }
0x4a: {  	v15 =	vld [tilespmem:s26+$0x5880]  }
0x4b: {  	v10 =	vadd.s32 s15, v8  }
0x4c: {  	[tilespmem:s26+$0xBA80] =	vst v10;
	v10 =	vld [tilespmem:s26+$0x7100]  }
0x4d: {  	s29 =	sadd.s32 $0x10, s15  }
0x4e: {  	v11 =	vadd.s32 s29, v8;
	v12 =	vshll.u32 v13, $0xE;
	v14 =	vshll.u32 v13, $0x5  }
0x4f: {  	s28 =	simm.s32 $0x10;
	s30 =	simm.s32 $0x80;
	v13 =	vshll.u32 v15, $0x7;
	v15 =	vshrl.u32 v15, $0x1;
	v14 =	vand.u32 $0x3FFFFC0, v14  }
.LBB2_6:
0x50: {  	p1 =	sne.s32 s30, $0x61C0;
	v16 =	vld [tilespmem:s28+$0x4000];
	[tilespmem:s28+$0xBA80] =	vst v11;
	v11 =	vadd.s32 v12, v13;
	v12 =	vadd.s32 v15, v14  }
0x51: {  	v15 =	vld [tilespmem:s28+$0x5880];
	v13 =	vadd.s32 v10, v11;
	v11 =	vshll.u32 v12, $0x6;
	v10 =	vshra.s32 v10, $0x1  }
.Ltmp2:
0x52: {  	vm0 =	vge.s32 v13, v0;
	vm1 =	vlt.s32 v13, v1;
	v14 =	vadd.s32 v10, v11;
	(pc) =	sbr.rel @p1 .LBB2_6-.Ltmp2, $4  }
0x53: {  	s29 =	sadd.s32 $0x10, s29;
	v10 =	vld [tilespmem:s28+$0x7100];
	vm0 =	vmand vm0, vm1;
	vm1 =	vge.s32 v14, v3;
	vm2 =	vlt.s32 v14, v4  }
0x54: {  	v11 =	vadd.s32 s29, v8;
	v13 =	vsel vm0, v13, v2;
	vm0 =	vmand vm1, vm2  }
0x55: {  	v12 =	vshll.u32 v16, $0xE;
	v16 =	vshll.u32 v16, $0x5;
	[tilespmem:s26+$0x8980] =	vst v13;
	v17 =	vsel vm0, v14, v5  }
0x56: {  	v13 =	vshll.u32 v15, $0x7;
	v14 =	vand.u32 $0x3FFFFC0, v16;
	v15 =	vshrl.u32 v15, $0x1;
	[tilespmem:s26+$0xA200] =	vst v17;
	s26 =	smov.u32 s28;
	s28 =	sshra.s32 s30, $0x2;
	s30 =	sadd.s32 $0x40, s30  }
0x57: {  	v16 =	vld [tilespmem:s28+$0x4000];
	[tilespmem:s28+$0xBA80] =	vst v11;
	v11 =	vadd.s32 v12, v13;
	v58 =	vadd.s32 v15, v14  }
0x58: {  	v59 =	vld [tilespmem:s28+$0x5880];
	v11 =	vadd.s32 v10, v11;
	v12 =	vshll.u32 v58, $0x6  }
0x59: {  	v10 =	vshra.s32 v10, $0x1;
	vm0 =	vge.s32 v11, v0;
	vm1 =	vlt.s32 v11, v1  }
0x5a: {  	v60 =	vld [tilespmem:s28+$0x7100];
	v10 =	vadd.s32 v10, v12;
	vm0 =	vmand vm0, vm1  }
0x5b: {  	vm9 =	vge.s32 v10, v3;
	vm2 =	vlt.s32 v10, v4;
	v11 =	vsel vm0, v11, v2  }
0x5c: {  	vm10 =	vmand vm9, vm2;
	v61 =	vshll.u32 v16, $0xE;
	v62 =	vshll.u32 v16, $0x5  }
0x5d: {  	v63 =	vshll.u32 v59, $0x7;
	v13 =	vshrl.u32 v59, $0x1;
	v15 =	vand.u32 $0x3FFFFC0, v62  }
0x5e: {  	v10 =	vsel vm10, v10, v5;
	v14 =	vadd.s32 v61, v63;
	v13 =	vadd.s32 v13, v15  }
0x5f: {  	v12 =	vshra.s32 v60, $0x1;
	v14 =	vadd.s32 v60, v14;
	v13 =	vshll.u32 v13, $0x6  }
0x60: {  	vm11 =	vge.s32 v14, v0;
	vm12 =	vlt.s32 v14, v1;
	v12 =	vadd.s32 v12, v13  }
0x61: {  	[tilespmem:s26+$0x8980] =	vst v11;
	vm0 =	vmand vm11, vm12;
	vm13 =	vge.s32 v12, v3;
	vm14 =	vlt.s32 v12, v4  }
0x62: {  	[tilespmem:s26+$0xA200] =	vst v10;
	v10 =	vsel vm0, v14, v2;
	vm15 =	vmand vm13, vm14  }
0x63: {  	[tilespmem:s28+$0x8980] =	vst v10;
	v10 =	vsel vm15, v12, v5  }
0x64: {  	[tilespmem:s28+$0xA200] =	vst v10  }
0x65: {  	[hbm4b:s2+s20] =	stream.indirect.scatter [tilespmem:s22], [sflag:$0x1], $0x1, s21, s20, $0xb8;
	[tilespmem:$0xD300] =	vst v63  }
0x66: {  	_ =	swait.ge [sflag:s23], $0x1880  }
0x67: {  	[sflag:s23] =	ssyncset.done $0x0  }
0x68: {  	s26 =	simm.s32 $0x40;
	s28 =	simm.s32 $0x0;
	[sflag:s23] =	ssyncadd.s32 $0xFFFFE780  }
.LBB2_8:
0x69: {  	p1 =	sne.s32 s26, $0x61C0;
	[tilespmem:s28+$0xBA80] =	vst v9;
	s28 =	smov.u32 s26;
	s26 =	sadd.s32 $0x40, s26  }
.Ltmp3:
0x6a: {  	(pc) =	sbr.rel @p1 .LBB2_8-.Ltmp3, $2  }
0x6b: {  	_ =	sdelay $0x2  }
0x6c: {  	s28 =	sshra.s32 s28, $0x2  }
0x6d: {  	s25 =	sadd.s32 $0x1, s25  }
0x6e: {  	p1 =	sne.s32 s25, s14  }
.Ltmp4:
0x6f: {  	[tilespmem:s28+$0xBA80] =	vst v9;
	(pc) =	sbr.rel @p1 .LBB2_1-.Ltmp4, $4  }
0x70: {  	[hbm4b:s3+s20] =	stream.indirect.scatter [tilespmem:s22], [sflag:$0x1], $0x1, s24, s20, $0xb8;
	[tilespmem:$0xD300] =	vst v63  }
0x71: {  	_ =	swait.ge [sflag:s23], $0x1880  }
0x72: {  	[sflag:s23] =	ssyncset.done $0x0  }
0x73: {  	[sflag:s23] =	ssyncadd.s32 $0xFFFFE780  }
0x74: {  	_ =	sfence.sel $0x180000  }
0x75: {  	[bflag:$0x0] =	sbarrier.arrive $0xFFFF  }
0x76: {  	_ =	strace $0x90000047  }
0x77: {  	s0 =	sadd.s32 @!p0 $0x100000, s0;
	[bflag:$0x2] =	sbarrier.arrive $0xFFFF  }
0x78: {  	[sflag:s0] =	ssyncadd.tile.s32 @!p0 $0x1;
	_ =	shalt  }
.Lfunc_end2:
_tile_overlayer_lowered:
.L_overlay_start_2:
0x79: {  	(tag) =	ssettag $0x2  }
0x7a: {  	s0 =	rddreg [dreg:$0x0];
	s2 =	stileid.u32  }
0x7b: {  	s1 =	rddreg [dreg:$0x1];
	p0 =	sne.s32 s2, $0x0  }
0x7c: {  	s3 =	rddreg [dreg:$0x2];
	[bflag:$0x3] =	sbarrier.arrive $0xFFFF;
	s2 =	simm.s32 @!p0 $0x1C02  }
0x7d: {  	[timem:s3], [sflag:s2] =	dma.local @!p0 [hbm:s0], s1  }
0x7e: {  	s0 =	simm.s32 @!p0 $0x2  }
0x7f: {  	_ =	swait.ge @!p0 [sflag:s0], s1  }
0x80: {  	s1 =	ssub.s32 @!p0 $0x0, s1;
	[sflag:s0] =	ssyncset.done @!p0 $0x0  }
0x81: {  	[sflag:s0] =	ssyncadd.s32 @!p0 s1  }
0x82: {  	[bflag:$0x3] =	sbarrier.arrive $0xFFFF  }
0x83: {  	_ =	shalt  }

// kernel: kernel.9.cloned.1.call-start
scs
__scs_entry_jumppad:
0x0: {  	(pc) =	sbr.rel $0x88, $3  }
0x1: {  	(tag) =	ssettag $0x0;
	lr =	simm.s32 $0x1  }
0x2: {  	[smem:$0x3F9C] =	sst lr;
	_ =	strace $0xD0000000  }
0x3: {  	_ = 	snop  }
0x4: {  	_ = 	snop  }
0x5: {  	_ = 	snop  }
0x6: {  	_ = 	snop  }
0x7: {  	_ = 	snop  }
__scs_overlays_trampoline_lowered:
0x8: {  	[smem:$0x3FAB] =	sst s0  }
0x9: {  	[smem:$0x3FAC] =	sst s1  }
0xa: {  	[smem:$0x3FAD] =	sst s2  }
0xb: {  	[smem:$0x3FAE] =	sst s3  }
0xc: {  	[smem:$0x3FAF] =	sst s4  }
0xd: {  	[smem:$0x3FB0] =	sst s5  }
0xe: {  	[smem:$0x3FB1] =	sst s6  }
0xf: {  	[smem:$0x3FB2] =	sst s7  }
0x10: {  	[smem:$0x3FB3] =	sst s8  }
0x11: {  	[smem:$0x3FB4] =	sst s9;
	s0 =	simm.s32 @!p0 $0x0  }
0x12: {  	s1 =	sld [smem:$0x3F9A];
	s0 =	simm.s32 @p0 $0x1  }
0x13: {  	[smem:$0x3FB5] =	sst s0;
	s0 =	simm.s32 @!p1 $0x0  }
0x14: {  	s2 =	sld [smem:$0x3F99];
	s0 =	simm.s32 @p1 $0x1  }
0x15: {  	[smem:$0x3FB6] =	sst s0;
	s0 =	simm.s32 @!p2 $0x0  }
0x16: {  	s3 =	sld [smem:$0x3FDB];
	s0 =	simm.s32 @p2 $0x1  }
0x17: {  	s4 =	simm.s32 $0x1BF5;
	[smem:$0x3FB8] =	sst s0  }
0x18: {  	s0 =	sld [smem:$0x3F9B];
	_ =	swait.ge [sflag:s4], $0x0  }
0x19: {  	s7 =	sld [smem:$0x3F9C]  }
0x1a: {  	s8 =	sadd.s32 $0xFFFFE003, lr  }
0x1b: {  	s9 =	sadd.s32 $0xFFFFFEF7, lr;
	s5 =	simm.s32 $0xFFFFFFFF;
	p2 =	slt.u32 s8, $0xFFFFF086  }
0x1c: {  	p1 =	slt.u32 s9, $0xF7A;
	s5 =	simm.s32 @!p2 $0x0  }
0x1d: {  	s5 =	simm.s32 @p1 $0x1;
	p0 =	seq.s32 s7, s2  }
0x1e: {  	s7 =	smul.u32 @!p0 $0xF7A, s2;
	p2 =	seq.s32 @!p0 s5, $0x0  }
0x1f: {  	s9 =	smul.u32 $0xF7A, s1;
	s8 =	simm.s32 @!p0 $0x1BF5;
	p2 =	por !p2, p0  }
0x20: {  	[sflag:s8] =	ssyncset.s32 @!p0 $0xFFFFF086;
	s6 =	sadd.s32 @!p0 s3, s7;
	s7 =	simm.s32 @!p0 $0x108  }
0x21: {  	s3 =	sadd.s32 s3, s9;
	s6 =	sadd.s32 @!p0 $0x88, s6;
	s7 =	simm.s32 @p2 $0x1082  }
0x22: {  	[simem:s7], [sflag:s8] =	dma.local @!p0 [hbm:s6], $0xF7A  }
0x23: {  	s9 =	sor.u32 $0xD0000000, s2;
	s6 =	simm.s32 $0x108;
	_ =	swait.ge @!p0 [sflag:s8], $0x0  }
0x24: {  	s3 =	sadd.s32 $0x88, s3;
	s6 =	simm.s32 @!p1 $0x1082;
	[sflag:s4] =	ssyncset.s32 $0xFFFFF086  }
0x25: {  	[simem:s6], [sflag:s4] =	dma.local [hbm:s3], $0xF7A  }
0x26: {  	[smem:$0x3F9C] =	sst s1;
	(tag) =	ssettag s2;
	_ =	strace s9  }
0x27: {  	s1 =	sld [smem:$0x3FAC]  }
0x28: {  	s2 =	sld [smem:$0x3FAD]  }
0x29: {  	s4 =	sld [smem:$0x3FAF]  }
0x2a: {  	p0 =	seq.s32 s5, $0x0;
	s5 =	sld [smem:$0x3FB0]  }
0x2b: {  	s6 =	sld [smem:$0x3FB1]  }
0x2c: {  	s7 =	sld [smem:$0x3FB2]  }
0x2d: {  	s3 =	simm.s32 $0x108;
	s8 =	sld [smem:$0x3FB3]  }
0x2e: {  	s3 =	simm.s32 @!p0 $0x1082;
	s9 =	sld [smem:$0x3FB4]  }
0x2f: {  	lr =	sadd.s32 s0, s3;
	s0 =	sld [smem:$0x3FAB]  }
0x30: {  	s3 =	sld [smem:$0x3FAE]  }
0x31: {  	[smem:$0x3FB7] =	sst s10  }
0x32: {  	s10 =	sld [smem:$0x3FB5];
	_ =	sdelay $0x3  }
0x33: {  	p0 =	seq.s32 s10, $0x1;
	s10 =	sld [smem:$0x3FB7];
	_ =	sdelay $0x3  }
0x34: {  	[smem:$0x3FB7] =	sst s10  }
0x35: {  	s10 =	sld [smem:$0x3FB6];
	_ =	sdelay $0x3  }
0x36: {  	p1 =	seq.s32 s10, $0x1;
	s10 =	sld [smem:$0x3FB7];
	_ =	sdelay $0x3  }
0x37: {  	[smem:$0x3FB7] =	sst s10  }
0x38: {  	s10 =	sld [smem:$0x3FB8]  }
0x39: {  	_ = 	snop;
	(pc) =	sbr.ind lr, $3  }
0x3a: {  	_ = 	snop  }
0x3b: {  	_ = 	snop  }
0x3c: {  	p2 =	seq.s32 s10, $0x1;
	s10 =	sld [smem:$0x3FB7]  }
0x3d: {  	_ =	shalt  }
0x3e: {  	_ =	shalt  }
0x3f: {  	_ =	shalt  }
0x40: {  	_ =	shalt  }
0x41: {  	_ =	shalt  }
0x42: {  	_ =	shalt  }
0x43: {  	_ =	shalt  }
0x44: {  	_ =	shalt  }
0x45: {  	_ =	shalt  }
0x46: {  	_ =	shalt  }
0x47: {  	_ =	shalt  }
0x48: {  	_ =	shalt  }
0x49: {  	_ =	shalt  }
0x4a: {  	_ =	shalt  }
0x4b: {  	_ =	shalt  }
0x4c: {  	_ =	shalt  }
0x4d: {  	_ =	shalt  }
0x4e: {  	_ =	shalt  }
0x4f: {  	_ =	shalt  }
0x50: {  	_ =	shalt  }
0x51: {  	_ =	shalt  }
0x52: {  	_ =	shalt  }
0x53: {  	_ =	shalt  }
0x54: {  	_ =	shalt  }
0x55: {  	_ =	shalt  }
0x56: {  	_ =	shalt  }
0x57: {  	_ =	shalt  }
0x58: {  	_ =	shalt  }
0x59: {  	_ =	shalt  }
0x5a: {  	_ =	shalt  }
0x5b: {  	_ =	shalt  }
0x5c: {  	_ =	shalt  }
0x5d: {  	_ =	shalt  }
0x5e: {  	_ =	shalt  }
0x5f: {  	_ =	shalt  }
0x60: {  	_ =	shalt  }
0x61: {  	_ =	shalt  }
0x62: {  	_ =	shalt  }
0x63: {  	_ =	shalt  }
0x64: {  	_ =	shalt  }
0x65: {  	_ =	shalt  }
0x66: {  	_ =	shalt  }
0x67: {  	_ =	shalt  }
0x68: {  	_ =	shalt  }
0x69: {  	_ =	shalt  }
0x6a: {  	_ =	shalt  }
0x6b: {  	_ =	shalt  }
0x6c: {  	_ =	shalt  }
0x6d: {  	_ =	shalt  }
0x6e: {  	_ =	shalt  }
0x6f: {  	_ =	shalt  }
0x70: {  	_ =	shalt  }
0x71: {  	_ =	shalt  }
0x72: {  	_ =	shalt  }
0x73: {  	_ =	shalt  }
0x74: {  	_ =	shalt  }
0x75: {  	_ =	shalt  }
0x76: {  	_ =	shalt  }
0x77: {  	_ =	shalt  }
0x78: {  	_ =	shalt  }
0x79: {  	_ =	shalt  }
0x7a: {  	_ =	shalt  }
0x7b: {  	_ =	shalt  }
0x7c: {  	_ =	shalt  }
0x7d: {  	_ =	shalt  }
0x7e: {  	_ =	shalt  }
0x7f: {  	_ =	shalt  }
0x80: {  	_ =	shalt  }
0x81: {  	_ =	shalt  }
0x82: {  	_ =	shalt  }
0x83: {  	_ =	shalt  }
0x84: {  	_ =	shalt  }
0x85: {  	_ =	shalt  }
0x86: {  	_ =	shalt  }
0x87: {  	_ =	shalt  }
.Lfunc_end0:
.L_simem_size_0:
called_computation.2_lowered:
.L_overlay_start_0:
0x88: {  	s2 =	sld [smem:$0x3FD9]  }
0x89: {  	s3 =	sld [smem:$0x3FFE];
	_ =	sdelay $0x1  }
0x8a: {  	s1 =	srdreg.scid  }
0x8b: {  	s0 =	sand.u32 $0x1, s1  }
0x8c: {  	s16 =	sshll.u32 s0, $0xA;
	s2 =	sadd.s32 s3, s2  }
0x8d: {  	s2 =	sadd.s32 s2, s16  }
0x8e: {  	[smem:$0x3FC3] =	sst s2  }
0x8f: {  	_ = 	snop  }
0x90: {  	(tm) =	ssettm $0x1  }
0x91: {  	s17 =	sld [smem:$0x3FFB];
	_ =	sdelay $0x3  }
0x92: {  	_ =	strace s17  }
0x93: {  	s2 =	sld [smem:$0x3FFC];
	_ =	sdelay $0x3  }
0x94: {  	_ =	strace s2  }
0x95: {  	s2 =	sld [smem:$0x3FFD];
	_ =	sdelay $0x3  }
0x96: {  	_ =	strace s2  }
0x97: {  	_ =	strace $0x8FFFFFFF  }
0x98: {  	s18 =	sld [smem:$0x3FDB];
	_ =	sdelay $0x1  }
0x99: {  	s19 =	simm.s32 $_scs_section_size  }
0x9a: {  	s4 =	simm.s32 $_size__tile_overlayer_lowered;
	s5 =	simm.s32 $_tile_overlayer_lowered  }
0x9b: {  	s22 =	simm.s32 $0x1BFF;
	s21 =	sshll.u32 s5, $0x1;
	s2 =	sadd.s32 s19, s18  }
0x9c: {  	s6 =	simm.s32 $0x0;
	s20 =	sshll.u32 s4, $0x1;
	s4 =	sadd.s32 s21, s2  }
0x9d: {  	[timem:s6], [sflag:s22] =	dma.local [hbm:s4], s20  }
0x9e: {  	_ =	swait.ge [sflag:s22], s20  }
0x9f: {  	s3 =	ssub.s32 $0x0, s20;
	[sflag:s22] =	ssyncset.done $0x0  }
0xa0: {  	[sflag:s22] =	ssyncadd.s32 s3;
	_ =	sdelay $0x1  }
0xa1: {  	s23 =	simm.s32 $0x1B8B  }
0xa2: {  	_ =	swait.ge [sflag:s23], $0x1  }
0xa3: {  	[sflag:s23] =	ssyncset.done $0x0  }
0xa4: {  	s25 =	simm.s32 $0x1B8E;
	s24 =	sld [smem:$0x3FFE];
	[sflag:s23] =	ssyncadd.s32 $0xFFFFFFFF  }
0xa5: {  	s26 =	simm.s32 $execute0_lowered;
	[smem:$0x3FD2] =	sst s25  }
0xa6: {  	s4 =	sshll.u32 s26, $0x1;
	_ =	strace $0x80000049;
	[dreg:$0x1] =	wrdreg $0xFFFFFFFF  }
0xa7: {  	s28 =	simm.s32 $_size_execute0_lowered;
	s2 =	sadd.s32 s2, s4;
	[dreg:$0x0] =	wrdreg $0x0  }
0xa8: {  	s4 =	sshll.u32 s28, $0x1;
	[dreg:$0x2] =	wrdreg s2  }
0xa9: {  	[dreg:$0x3] =	wrdreg s4  }
0xaa: {  	[dreg:$0x4] =	wrdreg $0xC0  }
0xab: {  	_ =	task [dreg:s6], $0x5FFFF  }
0xac: {  	[dreg:$0x1] =	wrdreg $0xFFFFFFFF  }
0xad: {  	[dreg:$0x0] =	wrdreg $0x60  }
0xae: {  	[dreg:$0x2] =	wrdreg s24  }
0xaf: {  	[dreg:$0x3] =	wrdreg $0x9  }
0xb0: {  	_ =	task.clear_ibuf [dreg:s6], $0x4FFFF;
	_ =	strace $0x90000049  }
0xb1: {  	s29 =	simm.s32 $0x9;
	_ =	strace $0x8000004B  }
0xb2: {  	_ =	swait.ge [sflag:s29], $0x1  }
0xb3: {  	[sflag:s29] =	ssyncadd.s32 $0xFFFFFFFF  }
0xb4: {  	_ =	strace $0x9000004B  }
0xb5: {  	_ =	sfence  }
0xb6: {  	s30 =	sld [smem:$0x0];
	_ =	sdelay $0x2  }
0xb7: {  	s31 =	sshll.u32 s1, $0xD;
	s1 =	sshrl.u32 s1, $0x2  }
0xb8: {  	s3 =	sand.u32 $0x4000, s31;
	s1 =	sadd.s32 s1, s30  }
0xb9: {  	s0 =	sor.u32 s3, s0;
	s1 =	sshll.u32 s1, $0x11  }
0xba: {  	s0 =	sor.u32 s1, s0  }
0xbb: {  	s0 =	sadd.s32 $0x8F2B, s0  }
0xbc: {  	[sflag:s0] =	ssyncadd.remote.s32 $0x1  }
0xbd: {  	_ =	sfence.sel $0xFFFF  }
0xbe: {  	[dreg:$0x0] =	wrdreg $0xFFFFFFFF;
	(pc) =	sbr.abs _section_cstart, $3  }
0xbf: {  	[dreg:$0x1] =	wrdreg $0xFFFFFFFF  }
0xc0: {  	_ =	task.clear_ibuf [dreg:s6], $0x2FFFF;
	_ =	strace $0x9FFFFFFF  }
0xc1: {  	(tm) =	ssettm $0x7FFFFFFF  }
tec
execute0_lowered:
.L_overlay_start_1:
0x0: {  	(tag) =	ssettag $0x1  }
0x1: {  	s0 =	rddreg [dreg:$0x0]  }
0x2: {  	s1 =	simm.s32 $0x0;
	s9 =	srdreg.scid;
	s16 =	stileid.u32  }
0x3: {  	s19 =	simm.s32 $0x2F40;
	s20 =	simm.s32 $0x540;
	s21 =	simm.s32 $0x3480  }
0x4: {  	s22 =	simm.s32 $0x63C0;
	s23 =	simm.s32 $0x9300;
	s24 =	simm.s32 $0x1  }
0x5: {  	s25 =	simm.s32 $0xC240;
	s26 =	simm.s32 $0xF180;
	s28 =	simm.s32 $0x120C0  }
0x6: {  	s29 =	simm.s32 $0x15000;
	s30 =	simm.s32 $0x2;
	s18 =	simm.s32 $0x1C0  }
0x7: {  	[smem:$0x7FF] =	sst s1;
	s2 =	sadd.s32 $0x7200, s0;
	s3 =	sadd.s32 $0x4000, s0  }
0x8: {  	s4 =	sadd.s32 $0xE00, s0;
	s5 =	sadd.s32 $0x12600, s0;
	s6 =	sadd.s32 $0x5F000, s0  }
0x9: {  	s7 =	sadd.s32 $0x5BE00, s0;
	s8 =	sadd.s32 $0x58C00, s0;
	s9 =	sand.u32 $0x1, s9  }
0xa: {  	s10 =	sadd.s32 $0x55A00, s0;
	s11 =	sadd.s32 $0x52800, s0;
	s13 =	ssub.s32 $0x2, s9  }
0xb: {  	s12 =	sadd.s32 $0x67200, s0;
	s9 =	sshll.u32 s9, $0x4;
	s14 =	sshrl.u32 s13, $0x1  }
0xc: {  	_ =	strace $0x8000004A;
	s9 =	sor.u32 s16, s9;
	s15 =	ssub.s32 s13, s14  }
0xd: {  	s16 =	simm.s32 $0x3;
	s13 =	sadd.s32 $0x1B1E00, s0;
	s31 =	smax.u32 s15, $0x1  }
0xe: {  	s14 =	smul.u32 $0xC40, s9;
	s9 =	simm.s32 $0x0;
	[dreg:$0x2] =	wrdreg s31  }
.LBB2_1:
0xf: {  	[dreg:$0x3] =	wrdreg s9;
	s0 =	simm.s32 $0x0  }
.LBB2_2:
0x10: {  	s9 =	smul.u32 $0x1C0, s0;
	_ =	sdelay $0x1  }
0x11: {  	s9 =	sadd.s32 s14, s9  }
0x12: {  	s15 =	sshrl.u32 s9, $0x3  }
0x13: {  	s31 =	simm.s32 $0x0;
	s17 =	sadd.s32 s2, s15  }
0x14: {  	[tilespmem:s31], [sflag:$0x3] =	stream.linear.gather [hbm4b:s17+s31], $0x1C0, $0x38;
	[tilespmem:$0x17F40] =	vst v63  }
0x15: {  	_ =	swait.ge [sflag:s16], $0x1C0  }
0x16: {  	[sflag:s16] =	ssyncset.done $0x0  }
0x17: {  	s17 =	sadd.s32 s3, s15;
	[sflag:s16] =	ssyncadd.s32 $0xFFFFFE40  }
0x18: {  	[tilespmem:s18], [sflag:$0x3] =	stream.linear.gather [hbm4b:s17+s31], $0x1C0, $0x38;
	[tilespmem:$0x17F40] =	vst v63  }
0x19: {  	_ =	swait.ge [sflag:s16], $0x1C0  }
0x1a: {  	[sflag:s16] =	ssyncset.done $0x0  }
0x1b: {  	s15 =	sadd.s32 s4, s15;
	s17 =	simm.s32 $0x380;
	[sflag:s16] =	ssyncadd.s32 $0xFFFFFE40  }
0x1c: {  	[tilespmem:s17], [sflag:$0x3] =	stream.linear.gather [hbm4b:s15+s31], $0x1C0, $0x38;
	[tilespmem:$0x17F40] =	vst v63  }
0x1d: {  	_ =	swait.ge [sflag:s16], $0x1C0  }
0x1e: {  	[sflag:s16] =	ssyncset.done $0x0  }
0x1f: {  	s15 =	simm.s32 $0x0;
	[sflag:s16] =	ssyncadd.s32 $0xFFFFFE40  }
0x20: {  	v0 =	vld [tilespmem:s15+$0x0]  }
0x21: {  	v1 =	vld [tilespmem:s15+$0x1C0]  }
0x22: {  	v2 =	vld [tilespmem:s15+$0x380];
	_ =	sdelay $0x2  }
0x23: {  	v3 =	vadd.s32 $0xFFFFFFFF, v0  }
0x24: {  	v4 =	vshll.u32 v0, $0x7;
	v5 =	vadd.s32 $0x1, v1;
	v6 =	vadd.s32 $0x1, v0  }
0x25: {  	v17 =	vadd.s32 $0x1, v2;
	v12 =	vadd.s32 $0xFFFFFFFF, v1;
	v23 =	vadd.s32 $0xFFFFFFFF, v2  }
0x26: {  	v7 =	vadd.s32 $0x80, v4;
	v8 =	vor.u32 v6, v5;
	v10 =	vadd.s32 $0xFFFFFF80, v4  }
0x27: {  	v15 =	vor.u32 v3, v12;
	v16 =	vor.u32 v1, v3;
	v3 =	vor.u32 v3, v5  }
0x28: {  	v19 =	vor.u32 v0, v12;
	v20 =	vadd.s32 v4, v12;
	v21 =	vadd.s32 v1, v4  }
0x29: {  	v22 =	vor.u32 v0, v5;
	v4 =	vadd.s32 v4, v5;
	v0 =	vor.u32 v0, v1  }
0x2a: {  	v9 =	vadd.s32 v5, v7;
	v11 =	vor.u32 v17, v8;
	v13 =	vadd.s32 v1, v10  }
0x2b: {  	v14 =	vadd.s32 v12, v7;
	v7 =	vadd.s32 v1, v7;
	v1 =	vor.u32 v1, v6  }
0x2c: {  	v24 =	vor.u32 v2, v15;
	v25 =	vor.u32 v16, v23;
	v26 =	vor.u32 v2, v16  }
0x2d: {  	v27 =	vor.u32 v16, v17;
	v28 =	vor.u32 v23, v3;
	v29 =	vor.u32 v2, v3  }
0x2e: {  	v30 =	vor.u32 v17, v3;
	v31 =	vor.u32 v23, v19;
	v16 =	vshll.u32 v20, $0x7  }
0x2f: {  	v20 =	vor.u32 v2, v19;
	v19 =	vor.u32 v17, v19;
	v21 =	vshll.u32 v21, $0x7  }
0x30: {  	v32 =	vor.u32 v23, v22;
	v33 =	vshll.u32 v4, $0x7;
	v34 =	vor.u32 v2, v22  }
0x31: {  	v22 =	vor.u32 v17, v22;
	v41 =	vor.u32 v23, v8;
	v42 =	vor.u32 v0, v23  }
0x32: {  	v43 =	vor.u32 v2, v0;
	v44 =	vor.u32 v2, v8;
	v47 =	vor.u32 v0, v17  }
0x33: {  	v9 =	vshll.u32 v9, $0x7;
	vm0 =	vlt.u32 v11, $0x80;
	v11 =	vadd.s32 v12, v10  }
0x34: {  	v10 =	vadd.s32 v5, v10;
	v5 =	vor.u32 v6, v12;
	v12 =	vor.u32 v23, v15  }
0x35: {  	v15 =	vor.u32 v17, v15;
	v38 =	vor.u32 v1, v23;
	v39 =	vor.u32 v2, v1  }
0x36: {  	v40 =	vor.u32 v1, v17;
	vm12 =	vlt.u32 v24, $0x80;
	vm9 =	vlt.u32 v25, $0x80  }
0x37: {  	vm11 =	vlt.u32 v27, $0x80;
	vm15 =	vlt.u32 v28, $0x80;
	vm8 =	vlt.u32 v29, $0x80  }
0x38: {  	vm1 =	vlt.u32 v30, $0x80;
	vm4 =	vlt.u32 v31, $0x80;
	vm5 =	vlt.u32 v20, $0x80  }
0x39: {  	vm3 =	vlt.u32 v19, $0x80;
	vm2 =	vlt.u32 v34, $0x80;
	vm7 =	vlt.u32 v22, $0x80  }
0x3a: {  	v18 =	vadd.s32 v17, v9;
	v6 =	vshll.u32 v11, $0x7;
	v11 =	vshll.u32 v13, $0x7  }
0x3b: {  	v10 =	vshll.u32 v10, $0x7;
	v13 =	vshll.u32 v14, $0x7;
	v14 =	vshll.u32 v7, $0x7  }
0x3c: {  	v35 =	vor.u32 v23, v5;
	v36 =	vor.u32 v2, v5;
	v37 =	vor.u32 v17, v5  }
0x3d: {  	v5 =	vadd.s32 v23, v9;
	v1 =	vadd.s32 v2, v9;
	vm6 =	vlt.u32 v12, $0x80  }
0x3e: {  	vm13 =	vlt.u32 v15, $0x80;
	v15 =	vadd.s32 v2, v16;
	v12 =	vadd.s32 v23, v21  }
0x3f: {  	v9 =	vadd.s32 v17, v21;
	vm14 =	vlt.u32 v38, $0x80;
	v45 =	vadd.s32 v23, v6  }
0x40: {  	v46 =	vadd.s32 v2, v6;
	v0 =	vadd.s32 v17, v6;
	v48 =	vadd.s32 v23, v11  }
0x41: {  	v49 =	vadd.s32 v2, v11;
	v50 =	vadd.s32 v17, v11;
	v51 =	vadd.s32 v23, v10  }
0x42: {  	v52 =	vadd.s32 v2, v10;
	v53 =	vadd.s32 v17, v10;
	v54 =	vadd.s32 v23, v13  }
0x43: {  	v6 =	vadd.s32 v2, v13;
	v7 =	vadd.s32 v17, v13;
	v8 =	vadd.s32 v23, v14  }
0x44: {  	v3 =	vadd.s32 v2, v14;
	v4 =	vadd.s32 v17, v14;
	v11 =	vadd.s32 v23, v16  }
0x45: {  	v10 =	vadd.s32 v17, v16;
	v13 =	vadd.s32 v2, v21;
	v16 =	vadd.s32 v2, v33  }
0x46: {  	v2 =	vadd.s32 v17, v33;
	v17 =	vnsel vm0, $0x200008, v18;
	v18 =	vimm.s32 $0x0  }
0x47: {  	v14 =	vadd.s32 v23, v33;
	vm0 =	vlt.u32 v26, $0x80;
	v18 =	vsel vm1, $0xFFFFFFFF, v18  }
0x48: {  	vm10 =	vlt.u32 v36, $0x80;
	vm1 =	vlt.u32 v32, $0x80;
	v23 =	vnsel vm12, $0x200008, v46;
	[tilespmem:$0x1FFF0] =	vst v18  }
0x49: {  	vm12 =	vlt.u32 v37, $0x80;
	v63 =	vnsel vm13, $0x200008, v0;
	v22 =	vnsel vm9, $0x200008, v48;
	[tilespmem:s15+$0x32C0] =	vst v17;
	v17 =	vld [tilespmem:$0x1FFF0]  }
0x4a: {  	vm9 =	vlt.u32 v39, $0x80;
	v0 =	vnsel vm0, $0x200008, v49;
	vm13 =	vlt.u32 v40, $0x80  }
0x4b: {  	v21 =	vnsel vm11, $0x200008, v50;
	v20 =	vnsel vm15, $0x200008, v51;
	vm15 =	vlt.u32 v41, $0x80  }
0x4c: {  	v19 =	vnsel vm8, $0x200008, v52;
	vm11 =	vlt.u32 v44, $0x80;
	v18 =	vimm.s32 $0x0;
	[tilespmem:s15+$0x700] =	vst v23  }
0x4d: {  	vm8 =	vlt.u32 v43, $0x80;
	[tilespmem:s15+$0x8C0] =	vst v63;
	v18 =	vsel vm7, $0xFFFFFFFF, v18;
	vm7 =	vlt.u32 v35, $0x80  }
0x4e: {  	[tilespmem:$0x1FFE0] =	vst v18;
	v18 =	vnsel vm6, $0x200008, v45;
	vm6 =	vlt.u32 v42, $0x80;
	vm0 =	vnez.u8 v17  }
0x4f: {  	s17 =	simm.s32 $0x10;
	s31 =	simm.s32 $0x80;
	[tilespmem:s15+$0x540] =	vst v18;
	v17 =	vnsel vm7, $0x200008, v54;
	vm7 =	vlt.u32 v47, $0x80;
	v18 =	vnsel vm0, $0x200008, v53  }
.LBB2_3:
0x50: {  	v23 =	vld [tilespmem:s17+$0x0];
	[tilespmem:s15+$0xA80] =	vst v22  }
0x51: {  	v6 =	vnsel vm10, $0x200008, v6;
	v7 =	vnsel vm12, $0x200008, v7;
	v22 =	vld [tilespmem:s17+$0x1C0];
	[tilespmem:s15+$0xC40] =	vst v0  }
0x52: {  	v8 =	vnsel vm14, $0x200008, v8;
	v3 =	vnsel vm9, $0x200008, v3;
	v4 =	vnsel vm13, $0x200008, v4;
	v0 =	vld [tilespmem:s17+$0x380]  }
0x53: {  	v5 =	vnsel vm15, $0x200008, v5;
	v11 =	vnsel vm4, $0x200008, v11;
	v15 =	vnsel vm5, $0x200008, v15;
	[tilespmem:s15+$0x1340] =	vst v18;
	v18 =	vld [tilespmem:$0x1FFE0]  }
0x54: {  	v1 =	vnsel vm11, $0x200008, v1;
	v10 =	vnsel vm3, $0x200008, v10;
	v12 =	vnsel vm6, $0x200008, v12;
	[tilespmem:s15+$0xE00] =	vst v21  }
0x55: {  	v13 =	vnsel vm8, $0x200008, v13;
	v9 =	vnsel vm7, $0x200008, v9;
	v14 =	vnsel vm1, $0x200008, v14;
	[tilespmem:s15+$0xFC0] =	vst v20  }
0x56: {  	v16 =	vnsel vm2, $0x200008, v16;
	[tilespmem:s15+$0x1180] =	vst v19;
	v19 =	vadd.s32 $0xFFFFFFFF, v23;
	v20 =	vshll.u32 v23, $0x7  }
0x57: {  	[tilespmem:s15+$0x24C0] =	vst v17;
	v24 =	vadd.s32 $0x1, v23;
	v21 =	vadd.s32 $0x1, v22;
	v25 =	vadd.s32 $0x80, v20  }
0x58: {  	[tilespmem:s15+$0x2680] =	vst v6;
	v6 =	vadd.s32 $0xFFFFFF80, v20;
	vm0 =	vnez.u8 v18;
	v17 =	vor.u32 v24, v21  }
0x59: {  	v26 =	vadd.s32 v21, v25;
	v18 =	vnsel vm0, $0x200008, v2;
	v2 =	vadd.s32 $0x1, v0  }
0x5a: {  	[tilespmem:s15+$0x2840] =	vst v7;
	v7 =	vadd.s32 $0xFFFFFFFF, v22;
	v26 =	vshll.u32 v26, $0x7;
	v27 =	vor.u32 v2, v17  }
0x5b: {  	[tilespmem:s15+$0x2A00] =	vst v8;
	v29 =	vor.u32 v22, v19;
	v55 =	vadd.s32 v2, v26;
	vm0 =	vlt.u32 v27, $0x80  }
0x5c: {  	[tilespmem:s15+$0x2BC0] =	vst v3;
	v31 =	vadd.s32 v22, v20;
	v8 =	vadd.s32 v7, v6;
	v27 =	vnsel vm0, $0x200008, v55  }
0x5d: {  	v28 =	vadd.s32 v22, v6;
	v3 =	vadd.s32 v21, v6;
	v6 =	vadd.s32 v7, v25;
	[tilespmem:s17+$0x32C0] =	vst v27  }
0x5e: {  	v25 =	vadd.s32 v22, v25;
	v56 =	vor.u32 v19, v7;
	v19 =	vor.u32 v19, v21;
	[tilespmem:s15+$0x2D80] =	vst v4  }
0x5f: {  	v30 =	vadd.s32 v20, v7;
	v20 =	vadd.s32 v20, v21;
	v8 =	vshll.u32 v8, $0x7;
	[tilespmem:s15+$0x2F40] =	vst v5  }
0x60: {  	v3 =	vshll.u32 v3, $0x7;
	v57 =	vshll.u32 v25, $0x7;
	v20 =	vshll.u32 v20, $0x7;
	[tilespmem:s15+$0x3100] =	vst v1  }
0x61: {  	v58 =	vor.u32 v2, v56;
	v60 =	vor.u32 v29, v2;
	v43 =	vadd.s32 v0, v8;
	[tilespmem:s15+$0x1500] =	vst v11  }
0x62: {  	v50 =	vadd.s32 v0, v3;
	v51 =	vadd.s32 v2, v3;
	v4 =	vor.u32 v23, v7;
	[tilespmem:s15+$0x1880] =	vst v10  }
0x63: {  	v5 =	vor.u32 v23, v21;
	v7 =	vor.u32 v24, v7;
	v21 =	vadd.s32 $0xFFFFFFFF, v0;
	[tilespmem:s15+$0x1A40] =	vst v12  }
0x64: {  	v1 =	vor.u32 v23, v22;
	v22 =	vor.u32 v22, v24;
	v11 =	vshll.u32 v28, $0x7;
	[tilespmem:s15+$0x1C00] =	vst v13  }
0x65: {  	v23 =	vshll.u32 v6, $0x7;
	v10 =	vor.u32 v0, v56;
	v12 =	vor.u32 v0, v29;
	[tilespmem:s15+$0x1DC0] =	vst v9  }
0x66: {  	v13 =	vor.u32 v0, v19;
	v9 =	vshll.u32 v30, $0x7;
	[tilespmem:s15+$0x1F80] =	vst v14;
	v14 =	vshll.u32 v31, $0x7  }
0x67: {  	[tilespmem:s15+$0x16C0] =	vst v15;
	v15 =	vor.u32 v21, v56;
	vm0 =	vlt.u32 v10, $0x80;
	v10 =	vimm.s32 $0x0  }
0x68: {  	v59 =	vor.u32 v29, v21;
	v61 =	vor.u32 v21, v19;
	v10 =	vsel vm0, $0xFFFFFFFF, v10  }
0x69: {  	v19 =	vor.u32 v2, v19;
	vm0 =	vlt.u32 v58, $0x80;
	[tilespmem:$0x1FF50] =	vst v10;
	v10 =	vimm.s32 $0x0  }
0x6a: {  	[tilespmem:s15+$0x2140] =	vst v16;
	v32 =	vor.u32 v21, v4;
	v62 =	vor.u32 v0, v4;
	v10 =	vsel vm0, $0xFFFFFFFF, v10  }
0x6b: {  	v16 =	vor.u32 v0, v5;
	vm0 =	vlt.u32 v59, $0x80;
	[tilespmem:$0x1FF60] =	vst v10;
	v10 =	vimm.s32 $0x0  }
0x6c: {  	[tilespmem:s15+$0x2300] =	vst v18;
	v34 =	vor.u32 v2, v5;
	v18 =	vor.u32 v0, v7;
	v10 =	vsel vm0, $0xFFFFFFFF, v10  }
0x6d: {  	v38 =	vor.u32 v0, v22;
	vm0 =	vlt.u32 v60, $0x80;
	[tilespmem:$0x1FF70] =	vst v10;
	v10 =	vimm.s32 $0x0  }
0x6e: {  	v39 =	vor.u32 v21, v17;
	v40 =	vor.u32 v1, v21;
	v10 =	vsel vm0, $0xFFFFFFFF, v10  }
0x6f: {  	v41 =	vor.u32 v0, v1;
	vm0 =	vlt.u32 v61, $0x80;
	[tilespmem:$0x1FF80] =	vst v10;
	v10 =	vimm.s32 $0x0  }
0x70: {  	v17 =	vor.u32 v0, v17;
	v44 =	vor.u32 v1, v2;
	v10 =	vsel vm0, $0xFFFFFFFF, v10  }
0x71: {  	v47 =	vadd.s32 v0, v11;
	vm0 =	vlt.u32 v13, $0x80;
	[tilespmem:$0x1FF90] =	vst v10;
	v10 =	vimm.s32 $0x0  }
0x72: {  	v49 =	vadd.s32 v21, v3;
	v6 =	vadd.s32 v0, v23;
	v10 =	vsel vm0, $0xFFFFFFFF, v10  }
0x73: {  	v3 =	vadd.s32 v0, v57;
	vm0 =	vlt.u32 v19, $0x80;
	[tilespmem:$0x1FFA0] =	vst v10;
	v10 =	vimm.s32 $0x0  }
0x74: {  	v1 =	vadd.s32 v0, v26;
	vm7 =	vlt.u32 v15, $0x80;
	v10 =	vsel vm0, $0xFFFFFFFF, v10  }
0x75: {  	v15 =	vadd.s32 v0, v9;
	vm0 =	vlt.u32 v32, $0x80;
	[tilespmem:$0x1FFC0] =	vst v10;
	v10 =	vimm.s32 $0x0  }
0x76: {  	vm2 =	vlt.u32 v16, $0x80;
	v16 =	vadd.s32 v0, v20;
	v10 =	vsel vm0, $0xFFFFFFFF, v10  }
0x77: {  	v13 =	vadd.s32 v0, v14;
	vm0 =	vlt.u32 v62, $0x80;
	[tilespmem:$0x1FFB0] =	vst v10;
	v10 =	vimm.s32 $0x0  }
0x78: {  	v0 =	vimm.s32 $0x0;
	v10 =	vsel vm0, $0xFFFFFFFF, v10;
	vm0 =	vlt.u32 v34, $0x80  }
0x79: {  	v42 =	vadd.s32 v21, v8;
	v0 =	vsel vm0, $0xFFFFFFFF, v0  }
0x7a: {  	s15 =	smov.u32 s17;
	[tilespmem:$0x1FFE0] =	vst v0;
	v0 =	vnsel vm7, $0x200008, v42  }
0x7b: {  	[tilespmem:s15+$0x540] =	vst v0;
	v0 =	vld [tilespmem:$0x1FF50]  }
0x7c: {  	vm11 =	vlt.u32 v17, $0x80;
	v17 =	vld [tilespmem:$0x1FF60]  }
0x7d: {  	vm10 =	vlt.u32 v18, $0x80;
	v18 =	vld [tilespmem:$0x1FF70];
	_ =	sdelay $0x2  }
0x7e: {  	vm5 =	vnez.u8 v0  }
0x7f: {  	v45 =	vadd.s32 v2, v8;
	v0 =	vnsel vm5, $0x200008, v43;
	vm5 =	vnez.u8 v17  }
0x80: {  	v17 =	vnsel vm5, $0x200008, v45;
	vm5 =	vnez.u8 v18;
	v18 =	vld [tilespmem:$0x1FF80];
	_ =	sdelay $0x2  }
0x81: {  	v33 =	vor.u32 v2, v4;
	v63 =	vor.u32 v21, v5  }
0x82: {  	v35 =	vor.u32 v21, v7;
	v36 =	vor.u32 v2, v7;
	vm1 =	vlt.u32 v12, $0x80  }
0x83: {  	v37 =	vor.u32 v22, v21;
	[tilespmem:s15+$0x700] =	vst v0;
	v0 =	vnsel vm1, $0x200008, v47;
	vm1 =	vnez.u8 v18;
	v18 =	vld [tilespmem:$0x1FF90]  }
0x84: {  	v22 =	vor.u32 v22, v2;
	v46 =	vadd.s32 v21, v11;
	v48 =	vadd.s32 v2, v11;
	[tilespmem:s15+$0x8C0] =	vst v17;
	v17 =	vld [tilespmem:$0x1FFA0]  }
0x85: {  	v52 =	vadd.s32 v21, v23;
	v7 =	vadd.s32 v2, v23;
	v8 =	vadd.s32 v21, v57  }
0x86: {  	v4 =	vadd.s32 v2, v57;
	v5 =	vadd.s32 v21, v26;
	v11 =	vadd.s32 v21, v9  }
0x87: {  	v12 =	vadd.s32 v21, v14;
	[tilespmem:$0x1FFD0] =	vst v10;
	v10 =	vadd.s32 v2, v9;
	v9 =	vadd.s32 v2, v14  }
0x88: {  	v14 =	vadd.s32 v21, v20;
	v21 =	vnsel vm1, $0x200008, v48;
	vm1 =	vnez.u8 v18  }
0x89: {  	v2 =	vadd.s32 v2, v20;
	v20 =	vnsel vm1, $0x200008, v49;
	vm1 =	vnez.u8 v17;
	v17 =	vld [tilespmem:$0x1FFB0];
	_ =	sdelay $0x3  }
0x8a: {  	vm4 =	vlt.u32 v33, $0x80;
	vm3 =	vlt.u32 v63, $0x80;
	v19 =	vnsel vm1, $0x200008, v50  }
0x8b: {  	vm1 =	vmmov vm3;
	vm3 =	vmmov vm4;
	vm4 =	vnez.u8 v17;
	v17 =	vld [tilespmem:$0x1FFC0];
	_ =	sdelay $0x4  }
0x8c: {  	p0 =	sne.s32 s31, $0x6C0;
	vm13 =	vlt.u32 v22, $0x80;
	v22 =	vnsel vm5, $0x200008, v46;
	vm5 =	vnez.u8 v17;
	v17 =	vld [tilespmem:$0x1FFD0]  }
.Ltmp0:
0x8d: {  	_ = 	snop;
	(pc) =	sbr.rel @p0 .LBB2_3-.Ltmp0, $4  }
0x8e: {  	vm12 =	vlt.u32 v36, $0x80;
	vm14 =	vlt.u32 v37, $0x80  }
0x8f: {  	vm9 =	vlt.u32 v38, $0x80;
	vm6 =	vlt.u32 v40, $0x80;
	vm15 =	vlt.u32 v39, $0x80  }
0x90: {  	vm8 =	vlt.u32 v41, $0x80;
	vm0 =	vlt.u32 v35, $0x80;
	vm7 =	vlt.u32 v44, $0x80  }
0x91: {  	s17 =	sshra.s32 s31, $0x2;
	s31 =	sadd.s32 $0x40, s31;
	v18 =	vnsel vm5, $0x200008, v51;
	vm5 =	vnez.u8 v17;
	v17 =	vnsel vm0, $0x200008, v52  }
0x92: {  	v23 =	vld [tilespmem:s17+$0x0];
	v6 =	vnsel vm10, $0x200008, v6  }
0x93: {  	[tilespmem:s15+$0xA80] =	vst v22;
	v7 =	vnsel vm12, $0x200008, v7;
	v8 =	vnsel vm14, $0x200008, v8;
	v25 =	vnsel vm11, $0x200008, v1;
	v1 =	vld [tilespmem:$0x1FFE0]  }
0x94: {  	v24 =	vnsel vm9, $0x200008, v3;
	v4 =	vnsel vm13, $0x200008, v4;
	v5 =	vnsel vm15, $0x200008, v5;
	v22 =	vld [tilespmem:s17+$0x1C0]  }
0x95: {  	v11 =	vnsel vm4, $0x200008, v11;
	v15 =	vnsel vm5, $0x200008, v15;
	v10 =	vnsel vm3, $0x200008, v10;
	[tilespmem:s15+$0xC40] =	vst v0  }
0x96: {  	v12 =	vnsel vm6, $0x200008, v12;
	v13 =	vnsel vm8, $0x200008, v13;
	v9 =	vnsel vm7, $0x200008, v9;
	v0 =	vld [tilespmem:s17+$0x380]  }
0x97: {  	v14 =	vnsel vm1, $0x200008, v14;
	v16 =	vnsel vm2, $0x200008, v16;
	v26 =	vadd.s32 $0xFFFFFFFF, v23  }
0x98: {  	[tilespmem:s15+$0xE00] =	vst v21;
	v27 =	vshll.u32 v23, $0x7;
	vm0 =	vnez.u8 v1;
	v29 =	vadd.s32 $0x1, v23  }
0x99: {  	[tilespmem:s15+$0xFC0] =	vst v20;
	v28 =	vnsel vm0, $0x200008, v2;
	v2 =	vadd.s32 $0x1, v22;
	v30 =	vadd.s32 $0x80, v27  }
0x9a: {  	[tilespmem:s15+$0x1180] =	vst v19;
	v20 =	vadd.s32 $0xFFFFFF80, v27;
	v19 =	vadd.s32 $0xFFFFFFFF, v22;
	v33 =	vor.u32 v22, v26  }
0x9b: {  	[tilespmem:s15+$0x1340] =	vst v18;
	v35 =	vadd.s32 v22, v27;
	v1 =	vadd.s32 $0x1, v0;
	v21 =	vor.u32 v29, v2  }
0x9c: {  	[tilespmem:s15+$0x24C0] =	vst v17;
	v3 =	vadd.s32 v2, v30;
	v18 =	vadd.s32 v19, v20;
	v32 =	vadd.s32 v22, v20  }
0x9d: {  	[tilespmem:s15+$0x2680] =	vst v6;
	v17 =	vadd.s32 v2, v20;
	v20 =	vadd.s32 v19, v30;
	v30 =	vadd.s32 v22, v30  }
0x9e: {  	[tilespmem:s15+$0x2840] =	vst v7;
	v6 =	vor.u32 v26, v19;
	v26 =	vor.u32 v26, v2;
	v7 =	vor.u32 v23, v19  }
0x9f: {  	[tilespmem:s15+$0x2A00] =	vst v8;
	v34 =	vadd.s32 v27, v19;
	v8 =	vor.u32 v23, v2;
	v27 =	vadd.s32 v27, v2  }
0xa0: {  	v19 =	vor.u32 v29, v19;
	v3 =	vshll.u32 v3, $0x7;
	v31 =	vor.u32 v1, v21  }
0xa1: {  	v2 =	vadd.s32 $0xFFFFFFFF, v0;
	vm0 =	vlt.u32 v31, $0x80;
	v31 =	vadd.s32 v1, v3  }
0xa2: {  	[tilespmem:s15+$0x2BC0] =	vst v24;
	v23 =	vor.u32 v23, v22;
	v22 =	vor.u32 v22, v29;
	v31 =	vnsel vm0, $0x200008, v31  }
0xa3: {  	v57 =	vor.u32 v0, v33;
	v18 =	vshll.u32 v18, $0x7;
	v56 =	vshll.u32 v32, $0x7;
	[tilespmem:s17+$0x32C0] =	vst v31  }
0xa4: {  	v17 =	vshll.u32 v17, $0x7;
	v20 =	vshll.u32 v20, $0x7;
	v29 =	vshll.u32 v30, $0x7;
	[tilespmem:s15+$0x2D80] =	vst v4  }
0xa5: {  	v30 =	vor.u32 v33, v2;
	v58 =	vor.u32 v2, v26;
	v59 =	vor.u32 v2, v7;
	[tilespmem:s15+$0x2F40] =	vst v5  }
0xa6: {  	v60 =	vor.u32 v0, v7;
	v7 =	vor.u32 v1, v7;
	v61 =	vor.u32 v2, v8;
	[tilespmem:s15+$0x3100] =	vst v25  }
0xa7: {  	v27 =	vshll.u32 v27, $0x7;
	v36 =	vor.u32 v2, v19;
	v37 =	vor.u32 v22, v2;
	[tilespmem:s15+$0x1500] =	vst v11  }
0xa8: {  	v38 =	vor.u32 v2, v21;
	v39 =	vor.u32 v0, v23;
	v21 =	vor.u32 v0, v21;
	[tilespmem:s15+$0x16C0] =	vst v15  }
0xa9: {  	v40 =	vadd.s32 v0, v18;
	v31 =	vor.u32 v33, v1;
	v4 =	vor.u32 v2, v6;
	[tilespmem:s15+$0x1880] =	vst v10  }
0xaa: {  	v5 =	vor.u32 v0, v6;
	v6 =	vor.u32 v1, v6;
	v11 =	vor.u32 v0, v26;
	[tilespmem:s15+$0x1A40] =	vst v12  }
0xab: {  	v26 =	vor.u32 v1, v26;
	v15 =	vshll.u32 v34, $0x7;
	v10 =	vshll.u32 v35, $0x7;
	[tilespmem:s15+$0x1C00] =	vst v13  }
0xac: {  	v12 =	vor.u32 v0, v8;
	v8 =	vor.u32 v1, v8;
	v13 =	vor.u32 v0, v19;
	[tilespmem:s15+$0x1DC0] =	vst v9  }
0xad: {  	v19 =	vor.u32 v1, v19;
	v9 =	vor.u32 v0, v22;
	v22 =	vor.u32 v22, v1;
	[tilespmem:s15+$0x1F80] =	vst v14  }
0xae: {  	v14 =	vor.u32 v23, v2;
	[tilespmem:s15+$0x2140] =	vst v16;
	v16 =	vadd.s32 v2, v18;
	vm0 =	vlt.u32 v4, $0x80  }
0xaf: {  	[tilespmem:s15+$0x2300] =	vst v28;
	v4 =	vor.u32 v23, v1;
	vm1 =	vlt.u32 v5, $0x80;
	v5 =	vnsel vm0, $0x200008, v16  }
0xb0: {  	v16 =	vadd.s32 v1, v18;
	vm0 =	vlt.u32 v6, $0x80;
	[tilespmem:s17+$0x540] =	vst v5;
	v5 =	vnsel vm1, $0x200008, v40  }
0xb1: {  	v6 =	vadd.s32 v2, v56;
	vm1 =	vlt.u32 v30, $0x80;
	v16 =	vnsel vm0, $0x200008, v16;
	[tilespmem:s17+$0x700] =	vst v5  }
0xb2: {  	vm0 =	vlt.u32 v57, $0x80;
	v5 =	vadd.s32 v0, v56;
	v6 =	vnsel vm1, $0x200008, v6;
	[tilespmem:s17+$0x8C0] =	vst v16  }
0xb3: {  	v16 =	vadd.s32 v1, v56;
	vm1 =	vlt.u32 v31, $0x80;
	v5 =	vnsel vm0, $0x200008, v5;
	[tilespmem:s17+$0xA80] =	vst v6  }
0xb4: {  	v6 =	vadd.s32 v2, v17;
	vm0 =	vlt.u32 v58, $0x80;
	v16 =	vnsel vm1, $0x200008, v16;
	[tilespmem:s17+$0xC40] =	vst v5  }
0xb5: {  	vm1 =	vlt.u32 v11, $0x80;
	v5 =	vadd.s32 v0, v17;
	v6 =	vnsel vm0, $0x200008, v6;
	[tilespmem:s17+$0xE00] =	vst v16  }
0xb6: {  	v11 =	vadd.s32 v1, v17;
	vm0 =	vlt.u32 v26, $0x80;
	v5 =	vnsel vm1, $0x200008, v5;
	[tilespmem:s17+$0xFC0] =	vst v6  }
0xb7: {  	v6 =	vadd.s32 v2, v20;
	vm1 =	vlt.u32 v36, $0x80;
	v11 =	vnsel vm0, $0x200008, v11;
	[tilespmem:s17+$0x1180] =	vst v5  }
0xb8: {  	vm0 =	vlt.u32 v13, $0x80;
	v5 =	vadd.s32 v0, v20;
	v6 =	vnsel vm1, $0x200008, v6;
	[tilespmem:s17+$0x1340] =	vst v11  }
0xb9: {  	v11 =	vadd.s32 v1, v20;
	vm1 =	vlt.u32 v19, $0x80;
	v5 =	vnsel vm0, $0x200008, v5;
	[tilespmem:s17+$0x24C0] =	vst v6  }
0xba: {  	v6 =	vadd.s32 v2, v29;
	vm0 =	vlt.u32 v37, $0x80;
	v11 =	vnsel vm1, $0x200008, v11;
	[tilespmem:s17+$0x2680] =	vst v5  }
0xbb: {  	vm1 =	vlt.u32 v9, $0x80;
	v5 =	vadd.s32 v0, v29;
	v6 =	vnsel vm0, $0x200008, v6;
	[tilespmem:s17+$0x2840] =	vst v11  }
0xbc: {  	v9 =	vadd.s32 v1, v29;
	vm0 =	vlt.u32 v22, $0x80;
	v5 =	vnsel vm1, $0x200008, v5;
	[tilespmem:s17+$0x2A00] =	vst v6  }
0xbd: {  	v6 =	vadd.s32 v2, v3;
	vm1 =	vlt.u32 v38, $0x80;
	v9 =	vnsel vm0, $0x200008, v9;
	[tilespmem:s17+$0x2BC0] =	vst v5  }
0xbe: {  	v3 =	vadd.s32 v0, v3;
	vm0 =	vlt.u32 v21, $0x80;
	v5 =	vnsel vm1, $0x200008, v6;
	[tilespmem:s17+$0x2D80] =	vst v9  }
0xbf: {  	vm1 =	vlt.u32 v59, $0x80;
	v6 =	vadd.s32 v2, v15;
	v3 =	vnsel vm0, $0x200008, v3;
	[tilespmem:s17+$0x2F40] =	vst v5  }
0xc0: {  	vm0 =	vlt.u32 v60, $0x80;
	v5 =	vadd.s32 v0, v15;
	v6 =	vnsel vm1, $0x200008, v6;
	[tilespmem:s17+$0x3100] =	vst v3  }
0xc1: {  	vm1 =	vlt.u32 v7, $0x80;
	v3 =	vadd.s32 v1, v15;
	v5 =	vnsel vm0, $0x200008, v5;
	[tilespmem:s17+$0x1500] =	vst v6  }
0xc2: {  	v6 =	vadd.s32 v2, v10;
	vm0 =	vlt.u32 v14, $0x80;
	v3 =	vnsel vm1, $0x200008, v3;
	[tilespmem:s17+$0x16C0] =	vst v5  }
0xc3: {  	vm1 =	vlt.u32 v39, $0x80;
	v5 =	vadd.s32 v0, v10;
	v6 =	vnsel vm0, $0x200008, v6;
	[tilespmem:s17+$0x1880] =	vst v3  }
0xc4: {  	v3 =	vadd.s32 v1, v10;
	vm0 =	vlt.u32 v4, $0x80;
	v4 =	vnsel vm1, $0x200008, v5;
	[tilespmem:s17+$0x1A40] =	vst v6  }
0xc5: {  	v2 =	vadd.s32 v2, v27;
	vm1 =	vlt.u32 v61, $0x80;
	v3 =	vnsel vm0, $0x200008, v3;
	[tilespmem:s17+$0x1C00] =	vst v4  }
0xc6: {  	v0 =	vadd.s32 v0, v27;
	vm0 =	vlt.u32 v12, $0x80;
	v2 =	vnsel vm1, $0x200008, v2;
	[tilespmem:s17+$0x1DC0] =	vst v3  }
0xc7: {  	v1 =	vadd.s32 v1, v27;
	vm1 =	vlt.u32 v8, $0x80;
	v0 =	vnsel vm0, $0x200008, v0;
	[tilespmem:s17+$0x1F80] =	vst v2  }
0xc8: {  	v1 =	vnsel vm1, $0x200008, v1;
	[tilespmem:s17+$0x2140] =	vst v0  }
0xc9: {  	s15 =	simm.s32 $0x0;
	[tilespmem:s17+$0x2300] =	vst v1  }
0xca: {  	[tilespmem:s21], [sflag:$0x1] =	stream.indirect.gather [hbm4b:s5+s19], $0x1, s20, s19, $0xb8;
	[tilespmem:$0x17F40] =	vst v63  }
0xcb: {  	v6 =	vld [tilespmem:s15+$0x380]  }
0xcc: {  	v4 =	vld [tilespmem:s15+$0x0]  }
0xcd: {  	v7 =	vld [tilespmem:s15+$0x1C0];
	_ =	sdelay $0x3  }
0xce: {  	v2 =	vimm.s32 $0x0;
	v8 =	vadd.s32 $0x1, v6;
	v9 =	vadd.s32 $0x1, v4  }
0xcf: {  	vm8 =	vlt.s32 v4, $0x80;
	v11 =	vadd.s32 $0xFFFFFFFF, v6;
	v12 =	vadd.s32 $0xFFFFFFFF, v7  }
0xd0: {  	v13 =	vadd.s32 $0xFFFFFFFF, v4;
	v10 =	vadd.s32 $0x1, v7;
	vm7 =	vlt.s32 v7, $0x80  }
0xd1: {  	vm5 =	vlt.s32 v11, $0x80;
	vm2 =	vlt.s32 v12, $0x80;
	v14 =	vor.u32 v13, v12  }
0xd2: {  	v3 =	vshra.s32 v12, $0x1;
	v0 =	vshll.u32 v13, $0x5;
	vm4 =	vlt.s32 v13, $0x80  }
0xd3: {  	v15 =	vor.u32 v9, v10;
	v16 =	vor.u32 v7, v9;
	v17 =	vor.u32 v9, v12  }
0xd4: {  	vm6 =	vlt.s32 v10, $0x80;
	v1 =	vor.u32 v11, v14;
	v0 =	vand.u32 $0xFFFFFFC0, v0  }
0xd5: {  	vm0 =	vmand vm4, vm2;
	v19 =	vor.u32 v8, v15;
	v20 =	vor.u32 v6, v15  }
0xd6: {  	v15 =	vor.u32 v11, v15;
	v21 =	vor.u32 v16, v8;
	v22 =	vor.u32 v6, v16  }
0xd7: {  	v16 =	vor.u32 v16, v11;
	v1 =	vand.u32 $0x80000001, v1;
	v2 =	vsel vm0, $0xFFFFFFFF, v2  }
0xd8: {  	v19 =	vand.u32 $0x80000001, v19;
	[tilespmem:$0x1FD80] =	vst v2;
	v2 =	vadd.s32 v3, v0;
	vm3 =	veq.s32 v1, $0x0  }
0xd9: {  	v1 =	vshra.s32 v11, $0x1;
	v2 =	vshll.u32 v2, $0x6;
	vm3 =	vmand vm0, vm3  }
0xda: {  	v15 =	vand.u32 $0x80000001, v15;
	vm3 =	vmand vm5, vm3;
	v5 =	vadd.s32 v1, v2  }
0xdb: {  	vm11 =	veq.s32 v15, $0x0;
	v5 =	vnsel vm3, $0x40000, v5;
	vm3 =	vlt.s32 v9, $0x80  }
0xdc: {  	v15 =	vimm.s32 $0x0;
	vm14 =	vmand vm3, vm6;
	vm15 =	vmand vm3, vm7  }
0xdd: {  	vm0 =	vmand vm3, vm2;
	vm3 =	vmand vm8, vm2;
	vm2 =	vmand vm8, vm7  }
0xde: {  	v23 =	vor.u32 v8, v17;
	vm9 =	veq.s32 v19, $0x0;
	v15 =	vsel vm2, $0xFFFFFFFF, v15  }
0xdf: {  	v20 =	vand.u32 $0x80000001, v20;
	vm2 =	vmand vm14, vm9;
	[tilespmem:$0x1FD90] =	vst v15;
	v15 =	vimm.s32 $0x0  }
0xe0: {  	v62 =	vor.u32 v6, v17;
	vm10 =	veq.s32 v20, $0x0;
	v15 =	vsel vm2, $0xFFFFFFFF, v15  }
0xe1: {  	v17 =	vor.u32 v11, v17;
	vm2 =	vmand vm14, vm10;
	[tilespmem:$0x1FDA0] =	vst v15;
	v15 =	vimm.s32 $0x0  }
0xe2: {  	vm1 =	vmand vm8, vm6;
	v21 =	vand.u32 $0x80000001, v21;
	v15 =	vsel vm2, $0xFFFFFFFF, v15  }
0xe3: {  	v22 =	vand.u32 $0x80000001, v22;
	vm2 =	vmand vm14, vm11;
	[tilespmem:$0x1FDD0] =	vst v15;
	v15 =	vimm.s32 $0x0  }
0xe4: {  	v16 =	vand.u32 $0x80000001, v16;
	vm12 =	veq.s32 v21, $0x0;
	v15 =	vsel vm2, $0xFFFFFFFF, v15  }
0xe5: {  	v23 =	vand.u32 $0x80000001, v23;
	vm2 =	vmand vm15, vm12;
	[tilespmem:$0x1FE30] =	vst v15;
	v15 =	vimm.s32 $0x0  }
0xe6: {  	v24 =	vand.u32 $0x80000001, v62;
	vm13 =	veq.s32 v22, $0x0;
	v15 =	vsel vm2, $0xFFFFFFFF, v15  }
0xe7: {  	vm8 =	vmand vm4, vm6;
	vm2 =	vmand vm15, vm13;
	[tilespmem:$0x1FDB0] =	vst v15;
	v15 =	vimm.s32 $0x0  }
0xe8: {  	vm7 =	vmand vm4, vm7;
	vm6 =	veq.s32 v23, $0x0;
	v15 =	vsel vm2, $0xFFFFFFFF, v15  }
0xe9: {  	vm4 =	veq.s32 v16, $0x0;
	vm2 =	vmand vm0, vm6;
	[tilespmem:$0x1FDE0] =	vst v15;
	v15 =	vimm.s32 $0x0  }
0xea: {  	vm13 =	vmand vm15, vm4;
	vm4 =	veq.s32 v24, $0x0;
	v15 =	vsel vm2, $0xFFFFFFFF, v15  }
0xeb: {  	v17 =	vand.u32 $0x80000001, v17;
	vm2 =	vmand vm0, vm4;
	[tilespmem:$0x1FDC0] =	vst v15;
	v15 =	vimm.s32 $0x0  }
0xec: {  	vm4 =	veq.s32 v17, $0x0;
	v15 =	vsel vm2, $0xFFFFFFFF, v15  }
0xed: {  	vm0 =	vmand vm0, vm4;
	[tilespmem:$0x1FDF0] =	vst v15;
	v15 =	vimm.s32 $0x0  }
0xee: {  	v18 =	vor.u32 v4, v10;
	v15 =	vsel vm0, $0xFFFFFFFF, v15  }
0xef: {  	[tilespmem:$0x1FE40] =	vst v15;
	v15 =	vor.u32 v8, v18  }
0xf0: {  	v16 =	vor.u32 v6, v18;
	v15 =	vand.u32 $0x80000001, v15  }
0xf1: {  	v16 =	vand.u32 $0x80000001, v16;
	vm0 =	veq.s32 v15, $0x0  }
0xf2: {  	v17 =	vor.u32 v11, v18;
	vm14 =	vmand vm1, vm0;
	vm0 =	veq.s32 v16, $0x0  }
0xf3: {  	v17 =	vand.u32 $0x80000001, v17;
	v15 =	vimm.s32 $0x0;
	vm0 =	vmand vm1, vm0  }
0xf4: {  	vm4 =	veq.s32 v17, $0x0;
	v15 =	vsel vm0, $0xFFFFFFFF, v15  }
0xf5: {  	vm0 =	vmand vm1, vm4;
	[tilespmem:$0x1FE00] =	vst v15;
	v15 =	vimm.s32 $0x0  }
0xf6: {  	v12 =	vor.u32 v4, v12;
	v15 =	vsel vm0, $0xFFFFFFFF, v15  }
0xf7: {  	[tilespmem:$0x1FE50] =	vst v15;
	v15 =	vor.u32 v8, v12  }
0xf8: {  	v16 =	vor.u32 v6, v12;
	v15 =	vand.u32 $0x80000001, v15  }
0xf9: {  	v16 =	vand.u32 $0x80000001, v16;
	v12 =	vor.u32 v11, v12;
	vm0 =	veq.s32 v15, $0x0  }
0xfa: {  	v12 =	vand.u32 $0x80000001, v12;
	vm6 =	vmand vm3, vm0;
	vm0 =	veq.s32 v16, $0x0  }
0xfb: {  	vm1 =	veq.s32 v12, $0x0;
	v12 =	vimm.s32 $0x0;
	vm0 =	vmand vm3, vm0  }
0xfc: {  	v12 =	vsel vm0, $0xFFFFFFFF, v12  }
0xfd: {  	vm0 =	vmand vm3, vm1;
	[tilespmem:$0x1FE10] =	vst v12;
	v12 =	vimm.s32 $0x0  }
0xfe: {  	v12 =	vsel vm0, $0xFFFFFFFF, v12  }
0xff: {  	[tilespmem:$0x1FE60] =	vst v12;
	v12 =	vor.u32 v13, v10  }
0x100: {  	v15 =	vor.u32 v8, v12;
	v16 =	vor.u32 v6, v12;
	v12 =	vor.u32 v11, v12  }
0x101: {  	v15 =	vand.u32 $0x80000001, v15;
	v16 =	vand.u32 $0x80000001, v16;
	v12 =	vand.u32 $0x80000001, v12  }
0x102: {  	vm0 =	veq.s32 v15, $0x0;
	vm1 =	veq.s32 v16, $0x0;
	v15 =	vimm.s32 $0x0  }
0x103: {  	vm9 =	vmand vm8, vm0;
	vm0 =	vmand vm8, vm1;
	vm1 =	veq.s32 v12, $0x0  }
0x104: {  	v12 =	vimm.s32 $0x0;
	v15 =	vsel vm0, $0xFFFFFFFF, v15;
	vm0 =	vmand vm8, vm1  }
0x105: {  	v13 =	vor.u32 v7, v13;
	v12 =	vsel vm0, $0xFFFFFFFF, v12  }
0x106: {  	[tilespmem:$0x1FE70] =	vst v12;
	v12 =	vor.u32 v13, v8  }
0x107: {  	[tilespmem:$0x1FE20] =	vst v15;
	v15 =	vor.u32 v6, v13;
	v13 =	vor.u32 v13, v11;
	v12 =	vand.u32 $0x80000001, v12  }
0x108: {  	v13 =	vand.u32 $0x80000001, v13;
	vm1 =	veq.s32 v12, $0x0  }
0x109: {  	vm15 =	vmand vm7, vm1;
	vm1 =	veq.s32 v13, $0x0  }
0x10a: {  	v12 =	vimm.s32 $0x0;
	vm0 =	vmand vm7, vm1  }
0x10b: {  	v12 =	vsel vm0, $0xFFFFFFFF, v12  }
0x10c: {  	[tilespmem:$0x1FE80] =	vst v12;
	v12 =	vor.u32 v8, v14  }
0x10d: {  	v12 =	vand.u32 $0x80000001, v12  }
0x10e: {  	vm1 =	veq.s32 v12, $0x0;
	v12 =	vld [tilespmem:$0x1FD80]  }
0x10f: {  	v15 =	vand.u32 $0x80000001, v15  }
0x110: {  	vm3 =	veq.s32 v15, $0x0;
	v13 =	vor.u32 v6, v14  }
0x111: {  	vm11 =	vmand vm7, vm3;
	v13 =	vand.u32 $0x80000001, v13;
	v14 =	vor.u32 v4, v7  }
0x112: {  	vm3 =	veq.s32 v13, $0x0;
	v15 =	vor.u32 v14, v8;
	v13 =	vor.u32 v6, v14  }
0x113: {  	v11 =	vor.u32 v14, v11;
	vm0 =	vnez.u8 v12;
	v12 =	vand.u32 $0x80000001, v15  }
0x114: {  	vm7 =	vmand vm0, vm1;
	vm1 =	veq.s32 v12, $0x0;
	v12 =	vand.u32 $0x80000001, v13;
	v13 =	vld [tilespmem:$0x1FD90]  }
0x115: {  	v11 =	vand.u32 $0x80000001, v11  }
0x116: {  	vm8 =	veq.s32 v11, $0x0;
	v11 =	vld [tilespmem:$0x1FDA0];
	_ =	sdelay $0x2  }
0x117: {  	vm4 =	vmand vm0, vm3;
	vm3 =	vnez.u8 v13  }
0x118: {  	vm2 =	vmand vm3, vm1;
	vm1 =	veq.s32 v12, $0x0  }
0x119: {  	vm10 =	vmand vm3, vm8;
	vm1 =	vmand vm3, vm1;
	vm3 =	vnez.u8 v11;
	v11 =	vld [tilespmem:$0x1FDB0];
	_ =	sdelay $0x3  }
0x11a: {  	vm0 =	vlt.s32 v8, $0x80  }
0x11b: {  	vm12 =	vmand vm0, vm3;
	vm3 =	vnez.u8 v11  }
0x11c: {  	v11 =	vimm.s32 $0x0;
	vm3 =	vmand vm0, vm3  }
0x11d: {  	v11 =	vsel vm3, $0xFFFFFFFF, v11  }
0x11e: {  	[tilespmem:$0x1FE90] =	vst v11;
	v11 =	vld [tilespmem:$0x1FDC0];
	_ =	sdelay $0x4  }
0x11f: {  	vm3 =	vnez.u8 v11  }
0x120: {  	v11 =	vimm.s32 $0x0;
	vm3 =	vmand vm0, vm3  }
0x121: {  	v11 =	vsel vm3, $0xFFFFFFFF, v11  }
0x122: {  	vm3 =	vmand vm0, vm14;
	[tilespmem:$0x1FEB0] =	vst v11;
	v11 =	vimm.s32 $0x0  }
0x123: {  	v11 =	vsel vm3, $0xFFFFFFFF, v11  }
0x124: {  	vm3 =	vmand vm0, vm6;
	[tilespmem:$0x1FED0] =	vst v11;
	v11 =	vimm.s32 $0x0  }
0x125: {  	v12 =	vld [tilespmem:$0x1FDD0];
	v11 =	vsel vm3, $0xFFFFFFFF, v11  }
0x126: {  	vm3 =	vmand vm0, vm9;
	[tilespmem:$0x1FF00] =	vst v11;
	v11 =	vimm.s32 $0x0  }
0x127: {  	v11 =	vsel vm3, $0xFFFFFFFF, v11  }
0x128: {  	vm3 =	vmand vm0, vm15;
	[tilespmem:$0x1FF30] =	vst v11;
	v11 =	vimm.s32 $0x0  }
0x129: {  	v11 =	vsel vm3, $0xFFFFFFFF, v11  }
0x12a: {  	vm3 =	vmand vm0, vm7;
	vm0 =	vmand vm0, vm2;
	vm2 =	vnez.u8 v12;
	v12 =	vld [tilespmem:$0x1FDE0];
	_ =	sdelay $0x4  }
0x12b: {  	vm6 =	vnez.u8 v12;
	v12 =	vld [tilespmem:$0x1FDF0];
	_ =	sdelay $0x2  }
0x12c: {  	[tilespmem:$0x1FEA0] =	vst v11;
	v11 =	vimm.s32 $0x0  }
0x12d: {  	v11 =	vsel vm0, $0xFFFFFFFF, v11;
	vm0 =	vlt.s32 v6, $0x80  }
0x12e: {  	vm9 =	vmand vm0, vm6;
	vm6 =	vnez.u8 v12;
	v12 =	vld [tilespmem:$0x1FE00];
	_ =	sdelay $0x4  }
0x12f: {  	vm14 =	vmand vm0, vm6;
	vm6 =	vnez.u8 v12  }
0x130: {  	v12 =	vimm.s32 $0x0;
	vm6 =	vmand vm0, vm6  }
0x131: {  	v12 =	vsel vm6, $0xFFFFFFFF, v12  }
0x132: {  	[tilespmem:$0x1FEE0] =	vst v12;
	v12 =	vld [tilespmem:$0x1FE10];
	_ =	sdelay $0x4  }
0x133: {  	vm6 =	vnez.u8 v12  }
0x134: {  	v12 =	vimm.s32 $0x0;
	vm6 =	vmand vm0, vm6  }
0x135: {  	v12 =	vsel vm6, $0xFFFFFFFF, v12  }
0x136: {  	[tilespmem:$0x1FF10] =	vst v12;
	v12 =	vld [tilespmem:$0x1FE20];
	_ =	sdelay $0x2  }
0x137: {  	v18 =	vshra.s32 v8, $0x1;
	v8 =	vld [tilespmem:$0x1FE30];
	_ =	sdelay $0x1  }
0x138: {  	vm6 =	vnez.u8 v12  }
0x139: {  	v12 =	vimm.s32 $0x0;
	vm6 =	vmand vm0, vm6  }
0x13a: {  	vm2 =	vmand vm0, vm2;
	vm7 =	vmand vm0, vm1;
	v12 =	vsel vm6, $0xFFFFFFFF, v12  }
0x13b: {  	vm6 =	vmand vm0, vm11;
	vm11 =	vmand vm0, vm4;
	vm0 =	vnez.u8 v8;
	v8 =	vld [tilespmem:$0x1FE40];
	_ =	sdelay $0x4  }
0x13c: {  	vm1 =	vmand vm5, vm0;
	vm0 =	vnez.u8 v8;
	v8 =	vld [tilespmem:$0x1FE50];
	_ =	sdelay $0x4  }
0x13d: {  	vm8 =	vmand vm5, vm0;
	vm0 =	vnez.u8 v8;
	v8 =	vld [tilespmem:$0x1FE60];
	_ =	sdelay $0x2  }
0x13e: {  	[tilespmem:$0x1FF40] =	vst v12;
	v12 =	vimm.s32 $0x0  }
0x13f: {  	v12 =	vsel vm6, $0xFFFFFFFF, v12  }
0x140: {  	vm6 =	vmand vm5, vm13;
	vm13 =	vmand vm5, vm0;
	vm0 =	vnez.u8 v8  }
0x141: {  	v8 =	vimm.s32 $0x0;
	vm0 =	vmand vm5, vm0  }
0x142: {  	v8 =	vsel vm0, $0xFFFFFFFF, v8  }
0x143: {  	[tilespmem:$0x1FF20] =	vst v8;
	v8 =	vld [tilespmem:$0x1FE70];
	_ =	sdelay $0x3  }
0x144: {  	v9 =	vshll.u32 v9, $0x5  }
0x145: {  	v9 =	vand.u32 $0xFFFFFFC0, v9;
	v10 =	vshra.s32 v10, $0x1;
	vm0 =	vnez.u8 v8;
	v8 =	vld [tilespmem:$0x1FE80]  }
0x146: {  	v21 =	vshra.s32 v6, $0x1;
	v6 =	vshra.s32 v7, $0x1;
	[tilespmem:$0x1FEC0] =	vst v11;
	v11 =	vadd.s32 v10, v9  }
0x147: {  	v7 =	vadd.s32 v6, v9;
	v11 =	vshll.u32 v11, $0x6  }
0x148: {  	v7 =	vshll.u32 v7, $0x6;
	[tilespmem:$0x1FEF0] =	vst v12;
	v12 =	vadd.s32 v21, v11  }
0x149: {  	v19 =	vnsel vm2, $0x40000, v12;
	v12 =	vadd.s32 v21, v7;
	vm15 =	vmand vm5, vm0  }
0x14a: {  	vm0 =	vnez.u8 v8;
	v8 =	vadd.s32 v18, v11;
	v11 =	vadd.s32 v1, v11  }
0x14b: {  	v20 =	vnsel vm1, $0x40000, v11;
	v11 =	vadd.s32 v18, v7;
	v7 =	vadd.s32 v1, v7  }
0x14c: {  	v17 =	vnsel vm6, $0x40000, v7;
	v7 =	vld [tilespmem:$0x1FEA0];
	_ =	sdelay $0x3  }
0x14d: {  	v13 =	vld [tilespmem:$0x1FE90]  }
0x14e: {  	vm6 =	vnez.u8 v7;
	v7 =	vld [tilespmem:$0x1FEB0];
	_ =	sdelay $0x2  }
0x14f: {  	v9 =	vadd.s32 v3, v9  }
0x150: {  	v9 =	vshll.u32 v9, $0x6;
	v63 =	vnsel vm9, $0x40000, v12;
	vm1 =	vnez.u8 v13  }
0x151: {  	v22 =	vnsel vm1, $0x40000, v11;
	v11 =	vadd.s32 v18, v9;
	vm1 =	vnez.u8 v7  }
0x152: {  	v12 =	vld [tilespmem:$0x1FED0];
	v16 =	vnsel vm1, $0x40000, v11;
	v11 =	vadd.s32 v21, v9;
	v9 =	vadd.s32 v1, v9  }
0x153: {  	v14 =	vnsel vm8, $0x40000, v9;
	v9 =	vld [tilespmem:$0x1FEC0]  }
0x154: {  	v4 =	vshll.u32 v4, $0x5  }
0x155: {  	v4 =	vand.u32 $0xFFFFFFC0, v4  }
0x156: {  	v7 =	vadd.s32 v4, v10  }
0x157: {  	v7 =	vshll.u32 v7, $0x6  }
0x158: {  	vm1 =	vnez.u8 v12;
	vm8 =	vnez.u8 v9;
	v9 =	vadd.s32 v18, v7  }
0x159: {  	v13 =	vnsel vm1, $0x40000, v9;
	v9 =	vld [tilespmem:$0x1FEE0];
	_ =	sdelay $0x3  }
0x15a: {  	v15 =	vnsel vm14, $0x40000, v11  }
0x15b: {  	v11 =	vadd.s32 v21, v7;
	v7 =	vadd.s32 v1, v7;
	vm1 =	vnez.u8 v9  }
0x15c: {  	v12 =	vnsel vm1, $0x40000, v11;
	v11 =	vnsel vm13, $0x40000, v7;
	v7 =	vld [tilespmem:$0x1FEF0];
	_ =	sdelay $0x4  }
0x15d: {  	v8 =	vnsel vm12, $0x40000, v8;
	vm13 =	vnez.u8 v7;
	v7 =	vld [tilespmem:$0x1FF00]  }
0x15e: {  	[tilespmem:s15+$0x63C0] =	vst v8;
	v8 =	vld [tilespmem:$0x1FF10];
	_ =	sdelay $0x1  }
0x15f: {  	v3 =	vadd.s32 v4, v3  }
0x160: {  	v3 =	vshll.u32 v3, $0x6  }
0x161: {  	v10 =	vadd.s32 v10, v0;
	v9 =	vadd.s32 v18, v3;
	vm1 =	vnez.u8 v7  }
0x162: {  	v7 =	vadd.s32 v21, v3;
	v9 =	vnsel vm1, $0x40000, v9;
	vm1 =	vnez.u8 v8  }
0x163: {  	v23 =	vshll.u32 v10, $0x6;
	v10 =	vnsel vm1, $0x40000, v7;
	v7 =	vld [tilespmem:$0x1FF20];
	_ =	sdelay $0x4  }
0x164: {  	v3 =	vadd.s32 v1, v3;
	vm1 =	vnez.u8 v7  }
0x165: {  	v8 =	vnsel vm1, $0x40000, v3;
	v3 =	vld [tilespmem:$0x1FF30];
	_ =	sdelay $0x4  }
0x166: {  	[tilespmem:s15+$0x9140] =	vst v5;
	v5 =	vadd.s32 v18, v23;
	vm1 =	vnez.u8 v3  }
0x167: {  	v7 =	vnsel vm1, $0x40000, v5;
	v5 =	vld [tilespmem:$0x1FF40];
	_ =	sdelay $0x1  }
0x168: {  	vm4 =	vmand vm5, vm0  }
0x169: {  	vm0 =	vmand vm5, vm10;
	vm5 =	vmmov vm3;
	v3 =	vadd.s32 v6, v4  }
0x16a: {  	v0 =	vadd.s32 v6, v0;
	v4 =	vadd.s32 v21, v23;
	v3 =	vshll.u32 v3, $0x6  }
0x16b: {  	[tilespmem:s15+$0x6580] =	vst v19;
	v6 =	vadd.s32 v1, v23;
	v28 =	vadd.s32 v18, v3;
	vm1 =	vnez.u8 v5  }
0x16c: {  	s31 =	simm.s32 $0x10;
	[tilespmem:s15+$0x6740] =	vst v20;
	v29 =	vadd.s32 v21, v3;
	v5 =	vnsel vm1, $0x40000, v4;
	v4 =	vshll.u32 v0, $0x6  }
0x16d: {  	v30 =	vadd.s32 v1, v3;
	v0 =	vld [tilespmem:s31+$0x380];
	[tilespmem:s15+$0x6900] =	vst v22;
	v22 =	vadd.s32 v18, v2;
	v19 =	vadd.s32 v18, v4  }
0x16e: {  	s17 =	simm.s32 $0x80;
	v23 =	vadd.s32 v21, v4;
	v20 =	vadd.s32 v1, v4;
	v4 =	vadd.s32 v21, v2;
	v2 =	vld [tilespmem:s31+$0x0];
	[tilespmem:s15+$0x6AC0] =	vst v63  }
.LBB2_5:
0x16f: {  	v18 =	vld [tilespmem:s31+$0x1C0];
	[tilespmem:s15+$0x6C80] =	vst v17  }
0x170: {  	v17 =	vnsel vm15, $0x40000, v6;
	[tilespmem:s15+$0x6E40] =	vst v16  }
0x171: {  	v19 =	vnsel vm6, $0x40000, v19;
	v21 =	vnsel vm13, $0x40000, v23;
	v16 =	vnsel vm4, $0x40000, v20;
	[tilespmem:s15+$0x7000] =	vst v15  }
0x172: {  	v20 =	vnsel vm5, $0x40000, v22;
	v22 =	vnsel vm11, $0x40000, v4;
	v23 =	vnsel vm8, $0x40000, v28;
	[tilespmem:s15+$0x71C0] =	vst v14  }
0x173: {  	v24 =	vnsel vm7, $0x40000, v29;
	v25 =	vnsel vm0, $0x40000, v30;
	v6 =	vadd.s32 $0x1, v0;
	[tilespmem:s15+$0x7380] =	vst v13  }
0x174: {  	vm10 =	vlt.s32 v0, $0x80;
	v1 =	vshra.s32 v0, $0x1;
	v13 =	vadd.s32 $0xFFFFFFFF, v0;
	[tilespmem:s15+$0x7540] =	vst v12  }
0x175: {  	[tilespmem:s15+$0x7E00] =	vst v9;
	v9 =	vimm.s32 $0x0;
	vm9 =	vlt.s32 v13, $0x80;
	v15 =	vadd.s32 $0x1, v2  }
0x176: {  	[tilespmem:s15+$0x7700] =	vst v11;
	vm5 =	vlt.s32 v2, $0x80;
	v14 =	vshll.u32 v2, $0x5;
	v27 =	vadd.s32 $0xFFFFFFFF, v2  }
0x177: {  	[tilespmem:s15+$0x7FC0] =	vst v10;
	v26 =	vadd.s32 $0xFFFFFFFF, v18;
	v3 =	vshll.u32 v27, $0x5;
	vm0 =	vlt.s32 v27, $0x80  }
0x178: {  	[tilespmem:s15+$0x8340] =	vst v7;
	v7 =	vadd.s32 $0x1, v18;
	v10 =	vor.u32 v18, v15;
	vm6 =	vlt.s32 v26, $0x80  }
0x179: {  	[tilespmem:s15+$0x8500] =	vst v5;
	v12 =	vor.u32 v27, v26;
	v11 =	vshra.s32 v26, $0x1;
	v9 =	vsel vm0, $0xFFFFFFFF, v9  }
0x17a: {  	v5 =	vor.u32 v15, v7;
	v4 =	vor.u32 v13, v12;
	[tilespmem:$0x1FA50] =	vst v9;
	v9 =	vand.u32 $0xFFFFFFC0, v3  }
0x17b: {  	vm1 =	vmand vm0, vm6;
	v3 =	vand.u32 $0x80000001, v4;
	v4 =	vimm.s32 $0x0  }
0x17c: {  	[tilespmem:s15+$0x86C0] =	vst v17;
	v17 =	vor.u32 v15, v26;
	v28 =	vor.u32 v2, v7;
	v4 =	vsel vm1, $0xFFFFFFFF, v4  }
0x17d: {  	v26 =	vor.u32 v2, v26;
	vm0 =	veq.s32 v3, $0x0;
	[tilespmem:$0x1FB60] =	vst v4;
	v4 =	vadd.s32 v11, v9  }
0x17e: {  	v3 =	vshra.s32 v13, $0x1;
	vm0 =	vmand vm1, vm0;
	v4 =	vshll.u32 v4, $0x6  }
0x17f: {  	[tilespmem:s15+$0x8180] =	vst v8;
	v2 =	vor.u32 v2, v18;
	vm0 =	vmand vm9, vm0;
	v8 =	vadd.s32 v3, v4  }
0x180: {  	v30 =	vor.u32 v0, v10;
	v29 =	vor.u32 v0, v5;
	v8 =	vnsel vm0, $0x40000, v8  }
0x181: {  	v31 =	vor.u32 v0, v17;
	v32 =	vor.u32 v0, v28;
	v33 =	vor.u32 v0, v26;
	[tilespmem:s31+$0x9140] =	vst v8  }
0x182: {  	v36 =	vor.u32 v6, v12;
	v12 =	vor.u32 v0, v12;
	v37 =	vor.u32 v2, v6;
	[tilespmem:s15+$0x8880] =	vst v19  }
0x183: {  	v8 =	vor.u32 v27, v7;
	v27 =	vor.u32 v18, v27;
	v19 =	vor.u32 v6, v5;
	[tilespmem:s15+$0x8A40] =	vst v21  }
0x184: {  	v5 =	vor.u32 v13, v5;
	v21 =	vor.u32 v10, v6;
	v10 =	vor.u32 v10, v13;
	[tilespmem:s15+$0x8C00] =	vst v16  }
0x185: {  	v16 =	vor.u32 v6, v17;
	v17 =	vor.u32 v13, v17;
	[tilespmem:s15+$0x8DC0] =	vst v20;
	v20 =	vor.u32 v6, v28  }
0x186: {  	v28 =	vor.u32 v13, v28;
	[tilespmem:s15+$0x8F80] =	vst v22;
	v22 =	vor.u32 v6, v26;
	v26 =	vor.u32 v13, v26  }
0x187: {  	[tilespmem:s15+$0x78C0] =	vst v23;
	v23 =	vor.u32 v6, v8;
	v34 =	vor.u32 v0, v8;
	v8 =	vor.u32 v13, v8  }
0x188: {  	v54 =	vor.u32 v27, v6;
	v35 =	vor.u32 v0, v27;
	v27 =	vor.u32 v27, v13  }
0x189: {  	v0 =	vor.u32 v0, v2;
	v2 =	vor.u32 v2, v13;
	v13 =	vand.u32 $0x80000001, v19  }
0x18a: {  	vm1 =	veq.s32 v13, $0x0;
	v13 =	vimm.s32 $0x0  }
0x18b: {  	v19 =	vand.u32 $0x80000001, v29;
	v13 =	vsel vm1, $0xFFFFFFFF, v13  }
0x18c: {  	v5 =	vand.u32 $0x80000001, v5;
	vm1 =	veq.s32 v19, $0x0;
	[tilespmem:$0x1FA60] =	vst v13;
	v13 =	vimm.s32 $0x0  }
0x18d: {  	v13 =	vsel vm1, $0xFFFFFFFF, v13;
	vm1 =	veq.s32 v5, $0x0;
	v5 =	vimm.s32 $0x0  }
0x18e: {  	v17 =	vand.u32 $0x80000001, v17;
	v5 =	vsel vm1, $0xFFFFFFFF, v5  }
0x18f: {  	vm1 =	veq.s32 v17, $0x0;
	[tilespmem:$0x1FA80] =	vst v5;
	v5 =	vimm.s32 $0x0  }
0x190: {  	v20 =	vand.u32 $0x80000001, v20;
	v5 =	vsel vm1, $0xFFFFFFFF, v5  }
0x191: {  	v29 =	vand.u32 $0x80000001, v30;
	vm1 =	veq.s32 v20, $0x0;
	[tilespmem:$0x1FA90] =	vst v5;
	v5 =	vimm.s32 $0x0  }
0x192: {  	v30 =	vand.u32 $0x80000001, v31;
	v31 =	vand.u32 $0x80000001, v32;
	v5 =	vsel vm1, $0xFFFFFFFF, v5  }
0x193: {  	vm1 =	veq.s32 v31, $0x0;
	[tilespmem:$0x1FAA0] =	vst v5;
	v5 =	vimm.s32 $0x0  }
0x194: {  	v28 =	vand.u32 $0x80000001, v28;
	v5 =	vsel vm1, $0xFFFFFFFF, v5  }
0x195: {  	vm1 =	veq.s32 v28, $0x0;
	[tilespmem:$0x1FAB0] =	vst v5;
	v5 =	vimm.s32 $0x0  }
0x196: {  	v22 =	vand.u32 $0x80000001, v22;
	v5 =	vsel vm1, $0xFFFFFFFF, v5  }
0x197: {  	vm1 =	veq.s32 v22, $0x0;
	[tilespmem:$0x1FAC0] =	vst v5;
	v5 =	vimm.s32 $0x0  }
0x198: {  	v56 =	vand.u32 $0x80000001, v33;
	v5 =	vsel vm1, $0xFFFFFFFF, v5  }
0x199: {  	vm1 =	veq.s32 v56, $0x0;
	[tilespmem:$0x1FAD0] =	vst v5;
	v5 =	vimm.s32 $0x0  }
0x19a: {  	v26 =	vand.u32 $0x80000001, v26;
	v5 =	vsel vm1, $0xFFFFFFFF, v5  }
0x19b: {  	vm1 =	veq.s32 v26, $0x0;
	[tilespmem:$0x1FAE0] =	vst v5;
	v5 =	vimm.s32 $0x0  }
0x19c: {  	v23 =	vand.u32 $0x80000001, v23;
	v5 =	vsel vm1, $0xFFFFFFFF, v5  }
0x19d: {  	vm1 =	veq.s32 v23, $0x0;
	[tilespmem:$0x1FAF0] =	vst v5;
	v5 =	vimm.s32 $0x0  }
0x19e: {  	v57 =	vand.u32 $0x80000001, v34;
	v5 =	vsel vm1, $0xFFFFFFFF, v5  }
0x19f: {  	vm1 =	veq.s32 v57, $0x0;
	[tilespmem:$0x1FB00] =	vst v5;
	v5 =	vimm.s32 $0x0  }
0x1a0: {  	v8 =	vand.u32 $0x80000001, v8;
	v5 =	vsel vm1, $0xFFFFFFFF, v5  }
0x1a1: {  	vm1 =	veq.s32 v8, $0x0;
	[tilespmem:$0x1FB10] =	vst v5;
	v5 =	vimm.s32 $0x0  }
0x1a2: {  	[tilespmem:s15+$0x7A80] =	vst v24;
	v24 =	vand.u32 $0x80000001, v54;
	v5 =	vsel vm1, $0xFFFFFFFF, v5  }
0x1a3: {  	vm1 =	veq.s32 v24, $0x0;
	[tilespmem:$0x1FB20] =	vst v5;
	v5 =	vimm.s32 $0x0  }
0x1a4: {  	v58 =	vand.u32 $0x80000001, v35;
	v5 =	vsel vm1, $0xFFFFFFFF, v5  }
0x1a5: {  	vm1 =	veq.s32 v58, $0x0;
	[tilespmem:$0x1FB30] =	vst v5;
	v5 =	vimm.s32 $0x0  }
0x1a6: {  	v27 =	vand.u32 $0x80000001, v27;
	v5 =	vsel vm1, $0xFFFFFFFF, v5  }
0x1a7: {  	v59 =	vand.u32 $0x80000001, v36;
	vm1 =	veq.s32 v27, $0x0;
	[tilespmem:$0x1FB40] =	vst v5;
	v5 =	vimm.s32 $0x0  }
0x1a8: {  	v8 =	vimm.s32 $0x0;
	v5 =	vsel vm1, $0xFFFFFFFF, v5;
	vm1 =	veq.s32 v59, $0x0  }
0x1a9: {  	v12 =	vand.u32 $0x80000001, v12;
	v8 =	vsel vm1, $0xFFFFFFFF, v8  }
0x1aa: {  	v60 =	vand.u32 $0x80000001, v37;
	vm1 =	veq.s32 v12, $0x0;
	[tilespmem:$0x1FB70] =	vst v8;
	v8 =	vimm.s32 $0x0  }
0x1ab: {  	v12 =	vimm.s32 $0x0;
	v8 =	vsel vm1, $0xFFFFFFFF, v8;
	vm1 =	veq.s32 v60, $0x0  }
0x1ac: {  	v12 =	vsel vm1, $0xFFFFFFFF, v12  }
0x1ad: {  	vm7 =	vlt.s32 v18, $0x80;
	vm2 =	vlt.s32 v7, $0x80;
	v0 =	vand.u32 $0x80000001, v0;
	[tilespmem:$0x1FB90] =	vst v12;
	v12 =	vld [tilespmem:$0x1FA50]  }
0x1ae: {  	vm0 =	vlt.s32 v15, $0x80;
	vm1 =	veq.s32 v0, $0x0;
	v0 =	vimm.s32 $0x0  }
0x1af: {  	vm3 =	vmand vm0, vm2;
	v2 =	vand.u32 $0x80000001, v2;
	v0 =	vsel vm1, $0xFFFFFFFF, v0  }
0x1b0: {  	vm4 =	vmand vm0, vm7;
	vm1 =	veq.s32 v2, $0x0;
	[tilespmem:$0x1FBA0] =	vst v0;
	v0 =	vimm.s32 $0x0  }
0x1b1: {  	vm8 =	vmand vm0, vm6;
	vm0 =	vmand vm5, vm2;
	v0 =	vsel vm1, $0xFFFFFFFF, v0  }
0x1b2: {  	vm1 =	vmand vm5, vm6;
	vm6 =	vmand vm5, vm7;
	vm5 =	vnez.u8 v12;
	v12 =	vld [tilespmem:$0x1FA60];
	_ =	sdelay $0x4  }
0x1b3: {  	vm2 =	vmand vm5, vm2;
	vm5 =	vmand vm5, vm7;
	vm7 =	vnez.u8 v12  }
0x1b4: {  	v12 =	vimm.s32 $0x0;
	vm7 =	vmand vm3, vm7  }
0x1b5: {  	[tilespmem:$0x1FA70] =	vst v13;
	v12 =	vsel vm7, $0xFFFFFFFF, v12  }
0x1b6: {  	[tilespmem:$0x1FBC0] =	vst v12;
	v12 =	vld [tilespmem:$0x1FA70];
	_ =	sdelay $0x4  }
0x1b7: {  	vm7 =	vnez.u8 v12  }
0x1b8: {  	v12 =	vimm.s32 $0x0;
	vm7 =	vmand vm3, vm7  }
0x1b9: {  	v12 =	vsel vm7, $0xFFFFFFFF, v12  }
0x1ba: {  	[tilespmem:$0x1FBD0] =	vst v12;
	v12 =	vld [tilespmem:$0x1FA80];
	_ =	sdelay $0x4  }
0x1bb: {  	vm7 =	vnez.u8 v12  }
0x1bc: {  	v16 =	vand.u32 $0x80000001, v16;
	v12 =	vimm.s32 $0x0;
	vm3 =	vmand vm3, vm7  }
0x1bd: {  	vm14 =	veq.s32 v16, $0x0;
	v12 =	vsel vm3, $0xFFFFFFFF, v12  }
0x1be: {  	vm7 =	vmand vm8, vm14;
	[tilespmem:$0x1FBE0] =	vst v12;
	v12 =	vimm.s32 $0x0  }
0x1bf: {  	vm15 =	veq.s32 v30, $0x0;
	v12 =	vsel vm7, $0xFFFFFFFF, v12  }
0x1c0: {  	vm7 =	vmand vm8, vm15;
	[tilespmem:$0x1FBF0] =	vst v12;
	v12 =	vimm.s32 $0x0  }
0x1c1: {  	v12 =	vsel vm7, $0xFFFFFFFF, v12  }
0x1c2: {  	[tilespmem:$0x1FC00] =	vst v12;
	v12 =	vld [tilespmem:$0x1FA90];
	_ =	sdelay $0x4  }
0x1c3: {  	vm7 =	vnez.u8 v12;
	v12 =	vld [tilespmem:$0x1FAA0];
	_ =	sdelay $0x4  }
0x1c4: {  	vm7 =	vmand vm8, vm7;
	vm8 =	vnez.u8 v12;
	v12 =	vld [tilespmem:$0x1FAB0];
	_ =	sdelay $0x2  }
0x1c5: {  	v21 =	vand.u32 $0x80000001, v21  }
0x1c6: {  	vm11 =	veq.s32 v21, $0x0  }
0x1c7: {  	vm3 =	vmand vm4, vm11;
	vm11 =	vnez.u8 v12;
	v12 =	vld [tilespmem:$0x1FAC0];
	_ =	sdelay $0x2  }
0x1c8: {  	v10 =	vand.u32 $0x80000001, v10  }
0x1c9: {  	vm12 =	veq.s32 v29, $0x0;
	vm13 =	veq.s32 v10, $0x0  }
0x1ca: {  	vm12 =	vmand vm4, vm12;
	vm4 =	vmand vm4, vm13;
	vm13 =	vnez.u8 v12;
	v12 =	vld [tilespmem:$0x1FAD0];
	_ =	sdelay $0x3  }
0x1cb: {  	vm8 =	vmand vm0, vm8  }
0x1cc: {  	vm11 =	vmand vm0, vm11;
	vm13 =	vmand vm0, vm13;
	vm0 =	vnez.u8 v12;
	v12 =	vld [tilespmem:$0x1FAE0];
	_ =	sdelay $0x4  }
0x1cd: {  	vm14 =	vmand vm1, vm0;
	vm0 =	vnez.u8 v12;
	v12 =	vld [tilespmem:$0x1FAF0];
	_ =	sdelay $0x4  }
0x1ce: {  	vm15 =	vmand vm1, vm0;
	vm0 =	vnez.u8 v12  }
0x1cf: {  	v12 =	vimm.s32 $0x0;
	vm0 =	vmand vm1, vm0  }
0x1d0: {  	v12 =	vsel vm0, $0xFFFFFFFF, v12  }
0x1d1: {  	[tilespmem:$0x1FC10] =	vst v12;
	v12 =	vld [tilespmem:$0x1FB00];
	_ =	sdelay $0x4  }
0x1d2: {  	vm0 =	vnez.u8 v12  }
0x1d3: {  	v12 =	vimm.s32 $0x0;
	vm0 =	vmand vm2, vm0  }
0x1d4: {  	v12 =	vsel vm0, $0xFFFFFFFF, v12  }
0x1d5: {  	[tilespmem:$0x1FC20] =	vst v12;
	v12 =	vld [tilespmem:$0x1FB10];
	_ =	sdelay $0x4  }
0x1d6: {  	vm0 =	vnez.u8 v12  }
0x1d7: {  	v12 =	vimm.s32 $0x0;
	vm0 =	vmand vm2, vm0  }
0x1d8: {  	v12 =	vsel vm0, $0xFFFFFFFF, v12  }
0x1d9: {  	[tilespmem:$0x1FC30] =	vst v12;
	v12 =	vld [tilespmem:$0x1FB20];
	_ =	sdelay $0x4  }
0x1da: {  	vm0 =	vnez.u8 v12  }
0x1db: {  	v12 =	vimm.s32 $0x0;
	vm0 =	vmand vm2, vm0  }
0x1dc: {  	v12 =	vsel vm0, $0xFFFFFFFF, v12  }
0x1dd: {  	[tilespmem:$0x1FC40] =	vst v12;
	v12 =	vld [tilespmem:$0x1FB30];
	_ =	sdelay $0x4  }
0x1de: {  	vm0 =	vnez.u8 v12  }
0x1df: {  	v12 =	vimm.s32 $0x0;
	vm0 =	vmand vm5, vm0  }
0x1e0: {  	v12 =	vsel vm0, $0xFFFFFFFF, v12  }
0x1e1: {  	[tilespmem:$0x1FC50] =	vst v12;
	v12 =	vld [tilespmem:$0x1FB40];
	_ =	sdelay $0x4  }
0x1e2: {  	vm0 =	vnez.u8 v12  }
0x1e3: {  	v12 =	vimm.s32 $0x0;
	vm0 =	vmand vm5, vm0  }
0x1e4: {  	[tilespmem:$0x1FB50] =	vst v5;
	v12 =	vsel vm0, $0xFFFFFFFF, v12  }
0x1e5: {  	[tilespmem:$0x1FC60] =	vst v12;
	v12 =	vld [tilespmem:$0x1FB50];
	_ =	sdelay $0x4  }
0x1e6: {  	vm0 =	vnez.u8 v12;
	v12 =	vld [tilespmem:$0x1FB60];
	_ =	sdelay $0x4  }
0x1e7: {  	vm5 =	vmand vm5, vm0;
	vm0 =	vnez.u8 v12;
	v12 =	vld [tilespmem:$0x1FB70];
	_ =	sdelay $0x4  }
0x1e8: {  	vm1 =	vnez.u8 v12  }
0x1e9: {  	v12 =	vimm.s32 $0x0;
	vm1 =	vmand vm0, vm1  }
0x1ea: {  	[tilespmem:$0x1FB80] =	vst v8;
	v12 =	vsel vm1, $0xFFFFFFFF, v12  }
0x1eb: {  	[tilespmem:$0x1FC70] =	vst v12;
	v12 =	vld [tilespmem:$0x1FB80];
	_ =	sdelay $0x4  }
0x1ec: {  	vm1 =	vnez.u8 v12  }
0x1ed: {  	v12 =	vimm.s32 $0x0;
	vm0 =	vmand vm0, vm1  }
0x1ee: {  	v12 =	vsel vm0, $0xFFFFFFFF, v12  }
0x1ef: {  	[tilespmem:$0x1FC80] =	vst v12;
	v12 =	vld [tilespmem:$0x1FB90];
	_ =	sdelay $0x4  }
0x1f0: {  	vm0 =	vnez.u8 v12  }
0x1f1: {  	v12 =	vimm.s32 $0x0;
	vm0 =	vmand vm6, vm0  }
0x1f2: {  	v12 =	vsel vm0, $0xFFFFFFFF, v12  }
0x1f3: {  	[tilespmem:$0x1FC90] =	vst v12;
	v12 =	vld [tilespmem:$0x1FBA0];
	_ =	sdelay $0x4  }
0x1f4: {  	vm0 =	vnez.u8 v12  }
0x1f5: {  	v12 =	vimm.s32 $0x0;
	vm0 =	vmand vm6, vm0  }
0x1f6: {  	[tilespmem:$0x1FBB0] =	vst v0;
	v12 =	vsel vm0, $0xFFFFFFFF, v12  }
0x1f7: {  	[tilespmem:$0x1FCA0] =	vst v12;
	v12 =	vld [tilespmem:$0x1FBB0];
	_ =	sdelay $0x4  }
0x1f8: {  	vm0 =	vnez.u8 v12  }
0x1f9: {  	v12 =	vimm.s32 $0x0;
	vm0 =	vmand vm6, vm0  }
0x1fa: {  	v12 =	vsel vm0, $0xFFFFFFFF, v12  }
0x1fb: {  	vm0 =	vlt.s32 v6, $0x80;
	[tilespmem:$0x1FCB0] =	vst v12;
	v12 =	vshra.s32 v6, $0x1;
	v6 =	vld [tilespmem:$0x1FBC0];
	_ =	sdelay $0x4  }
0x1fc: {  	vm1 =	vnez.u8 v6  }
0x1fd: {  	v6 =	vimm.s32 $0x0;
	vm1 =	vmand vm0, vm1  }
0x1fe: {  	v6 =	vsel vm1, $0xFFFFFFFF, v6  }
0x1ff: {  	[tilespmem:$0x1FCC0] =	vst v6;
	v6 =	vld [tilespmem:$0x1FBD0];
	_ =	sdelay $0x4  }
0x200: {  	vm1 =	vnez.u8 v6  }
0x201: {  	v6 =	vimm.s32 $0x0;
	vm1 =	vmand vm10, vm1  }
0x202: {  	v6 =	vsel vm1, $0xFFFFFFFF, v6  }
0x203: {  	[tilespmem:$0x1FCD0] =	vst v6;
	v6 =	vld [tilespmem:$0x1FBE0];
	_ =	sdelay $0x4  }
0x204: {  	vm1 =	vnez.u8 v6  }
0x205: {  	v6 =	vimm.s32 $0x0;
	vm1 =	vmand vm9, vm1  }
0x206: {  	v6 =	vsel vm1, $0xFFFFFFFF, v6  }
0x207: {  	vm1 =	vmand vm9, vm4;
	[tilespmem:$0x1FCE0] =	vst v6;
	v6 =	vimm.s32 $0x0  }
0x208: {  	v6 =	vsel vm1, $0xFFFFFFFF, v6  }
0x209: {  	[tilespmem:$0x1FCF0] =	vst v6;
	v6 =	vld [tilespmem:$0x1FBF0];
	_ =	sdelay $0x4  }
0x20a: {  	vm1 =	vnez.u8 v6;
	v6 =	vld [tilespmem:$0x1FC00];
	_ =	sdelay $0x3  }
0x20b: {  	vm2 =	vmand vm10, vm12;
	vm4 =	vmand vm9, vm7  }
0x20c: {  	vm12 =	vmand vm0, vm1;
	vm1 =	vnez.u8 v6;
	v6 =	vimm.s32 $0x0  }
0x20d: {  	v6 =	vsel vm4, $0xFFFFFFFF, v6  }
0x20e: {  	vm4 =	vmand vm0, vm8;
	[tilespmem:$0x1FD00] =	vst v6;
	v6 =	vimm.s32 $0x0  }
0x20f: {  	v6 =	vsel vm4, $0xFFFFFFFF, v6  }
0x210: {  	vm4 =	vmand vm10, vm11;
	[tilespmem:$0x1FD10] =	vst v6;
	v6 =	vimm.s32 $0x0  }
0x211: {  	v6 =	vsel vm4, $0xFFFFFFFF, v6  }
0x212: {  	vm4 =	vmand vm9, vm13;
	[tilespmem:$0x1FD20] =	vst v6;
	v6 =	vimm.s32 $0x0  }
0x213: {  	v6 =	vsel vm4, $0xFFFFFFFF, v6  }
0x214: {  	vm4 =	vmand vm0, vm14;
	[tilespmem:$0x1FD30] =	vst v6;
	v6 =	vimm.s32 $0x0  }
0x215: {  	v6 =	vsel vm4, $0xFFFFFFFF, v6  }
0x216: {  	vm4 =	vmand vm10, vm15;
	[tilespmem:$0x1FD40] =	vst v6;
	v6 =	vimm.s32 $0x0  }
0x217: {  	v6 =	vsel vm4, $0xFFFFFFFF, v6  }
0x218: {  	[tilespmem:$0x1FD50] =	vst v6;
	v6 =	vld [tilespmem:$0x1FC10];
	_ =	sdelay $0x4  }
0x219: {  	vm4 =	vnez.u8 v6;
	v6 =	vld [tilespmem:$0x1FC20];
	_ =	sdelay $0x4  }
0x21a: {  	vm14 =	vmand vm9, vm4;
	vm4 =	vnez.u8 v6  }
0x21b: {  	v6 =	vimm.s32 $0x0;
	vm4 =	vmand vm0, vm4  }
0x21c: {  	v6 =	vsel vm4, $0xFFFFFFFF, v6  }
0x21d: {  	[tilespmem:$0x1FD60] =	vst v6;
	v6 =	vld [tilespmem:$0x1FC30];
	_ =	sdelay $0x4  }
0x21e: {  	vm4 =	vnez.u8 v6  }
0x21f: {  	v6 =	vimm.s32 $0x0;
	vm4 =	vmand vm10, vm4  }
0x220: {  	v6 =	vsel vm4, $0xFFFFFFFF, v6  }
0x221: {  	[tilespmem:$0x1FD70] =	vst v6;
	v6 =	vld [tilespmem:$0x1FC40];
	_ =	sdelay $0x4  }
0x222: {  	vm4 =	vnez.u8 v6;
	v6 =	vld [tilespmem:$0x1FC50];
	_ =	sdelay $0x4  }
0x223: {  	vm15 =	vmand vm9, vm4;
	vm4 =	vnez.u8 v6;
	v6 =	vld [tilespmem:$0x1FC60];
	_ =	sdelay $0x4  }
0x224: {  	vm6 =	vmand vm0, vm4;
	vm4 =	vnez.u8 v6;
	v6 =	vld [tilespmem:$0x1FC70];
	_ =	sdelay $0x4  }
0x225: {  	vm13 =	vmand vm10, vm4;
	vm4 =	vmand vm9, vm5;
	vm5 =	vnez.u8 v6;
	v6 =	vld [tilespmem:$0x1FC80];
	_ =	sdelay $0x4  }
0x226: {  	vm7 =	vnez.u8 v6;
	v6 =	vld [tilespmem:$0x1FC90]  }
0x227: {  	v55 =	vshll.u32 v15, $0x5  }
0x228: {  	v14 =	vand.u32 $0xFFFFFFC0, v14;
	[tilespmem:s15+$0x7C40] =	vst v25;
	v25 =	vand.u32 $0xFFFFFFC0, v55  }
0x229: {  	v15 =	vshra.s32 v18, $0x1;
	v10 =	vadd.s32 v11, v25;
	v11 =	vadd.s32 v14, v11  }
0x22a: {  	v7 =	vshra.s32 v7, $0x1;
	v10 =	vshll.u32 v10, $0x6;
	v11 =	vshll.u32 v11, $0x6  }
0x22b: {  	v5 =	vadd.s32 v7, v25;
	vm11 =	vmand vm10, vm7;
	vm7 =	vnez.u8 v6;
	v6 =	vld [tilespmem:$0x1FCA0]  }
0x22c: {  	v5 =	vshll.u32 v5, $0x6;
	v8 =	vadd.s32 v15, v25;
	v2 =	vadd.s32 v15, v9  }
0x22d: {  	v8 =	vshll.u32 v8, $0x6;
	v2 =	vshll.u32 v2, $0x6;
	v0 =	vadd.s32 v7, v9  }
0x22e: {  	v7 =	vadd.s32 v14, v7;
	v9 =	vadd.s32 v15, v14;
	v0 =	vshll.u32 v0, $0x6  }
0x22f: {  	v7 =	vshll.u32 v7, $0x6;
	v9 =	vshll.u32 v9, $0x6;
	vm3 =	vmand vm0, vm3  }
0x230: {  	vm5 =	vmand vm0, vm5;
	vm8 =	vmand vm0, vm7;
	vm0 =	vnez.u8 v6;
	v6 =	vld [tilespmem:$0x1FCB0]  }
0x231: {  	v62 =	vadd.s32 v1, v0;
	v29 =	vadd.s32 v1, v9;
	v30 =	vadd.s32 v3, v9  }
0x232: {  	v13 =	vadd.s32 v12, v5;
	v15 =	vadd.s32 v12, v8;
	v18 =	vadd.s32 v12, v10  }
0x233: {  	v61 =	vadd.s32 v12, v0;
	v19 =	vadd.s32 v12, v2;
	v22 =	vadd.s32 v12, v4  }
0x234: {  	v28 =	vadd.s32 v12, v9;
	v9 =	vadd.s32 v12, v11;
	vm7 =	vmand vm10, vm0  }
0x235: {  	vm0 =	vnez.u8 v6;
	v6 =	vadd.s32 v3, v0;
	v0 =	vadd.s32 v12, v7;
	v12 =	vld [tilespmem:$0x1FCC0];
	_ =	sdelay $0x1  }
0x236: {  	v21 =	vadd.s32 v1, v10  }
0x237: {  	v16 =	vadd.s32 v1, v8;
	v23 =	vadd.s32 v1, v2;
	v20 =	vadd.s32 v3, v2  }
0x238: {  	v14 =	vadd.s32 v1, v5;
	v5 =	vadd.s32 v3, v5;
	v8 =	vadd.s32 v3, v8  }
0x239: {  	v10 =	vadd.s32 v3, v10;
	vm0 =	vmand vm9, vm0;
	vm9 =	vnez.u8 v12  }
0x23a: {  	v2 =	vadd.s32 v1, v7;
	v4 =	vadd.s32 v1, v4;
	v12 =	vnsel vm9, $0x40000, v13;
	v13 =	vld [tilespmem:$0x1FCD0]  }
0x23b: {  	v1 =	vadd.s32 v1, v11;
	v7 =	vadd.s32 v3, v7;
	v3 =	vadd.s32 v3, v11;
	v11 =	vld [tilespmem:$0x1FCE0];
	_ =	sdelay $0x3  }
0x23c: {  	vm9 =	vnez.u8 v13  }
0x23d: {  	v13 =	vnsel vm9, $0x40000, v14;
	vm9 =	vnez.u8 v11  }
0x23e: {  	s15 =	smov.u32 s31;
	v5 =	vnsel vm9, $0x40000, v5  }
0x23f: {  	[tilespmem:s15+$0x6740] =	vst v5;
	v5 =	vld [tilespmem:$0x1FD00];
	_ =	sdelay $0x3  }
0x240: {  	vm1 =	vmand vm10, vm1  }
0x241: {  	v11 =	vnsel vm3, $0x40000, v15;
	v15 =	vnsel vm1, $0x40000, v21;
	vm1 =	vnez.u8 v5;
	v5 =	vld [tilespmem:$0x1FD10];
	_ =	sdelay $0x4  }
0x242: {  	v14 =	vnsel vm1, $0x40000, v10;
	vm1 =	vnez.u8 v5  }
0x243: {  	[tilespmem:s15+$0x6580] =	vst v13;
	v13 =	vnsel vm1, $0x40000, v0;
	v0 =	vld [tilespmem:$0x1FD20]  }
0x244: {  	[tilespmem:s15+$0x63C0] =	vst v12;
	v12 =	vld [tilespmem:$0x1FCF0];
	_ =	sdelay $0x3  }
0x245: {  	vm1 =	vnez.u8 v0  }
0x246: {  	v63 =	vnsel vm2, $0x40000, v16;
	vm2 =	vnez.u8 v12;
	v12 =	vnsel vm1, $0x40000, v2;
	v2 =	vld [tilespmem:$0x1FD30];
	_ =	sdelay $0x4  }
0x247: {  	vm1 =	vnez.u8 v2;
	v2 =	vld [tilespmem:$0x1FD40];
	_ =	sdelay $0x2  }
0x248: {  	s31 =	sshra.s32 s17, $0x2  }
0x249: {  	v0 =	vld [tilespmem:s31+$0x380]  }
0x24a: {  	[tilespmem:s15+$0x6900] =	vst v11;
	v11 =	vnsel vm1, $0x40000, v7;
	vm1 =	vnez.u8 v2;
	v2 =	vld [tilespmem:$0x1FD50];
	_ =	sdelay $0x4  }
0x24b: {  	v9 =	vnsel vm1, $0x40000, v9;
	vm1 =	vnez.u8 v2  }
0x24c: {  	v10 =	vnsel vm1, $0x40000, v1;
	v1 =	vld [tilespmem:$0x1FD60];
	_ =	sdelay $0x4  }
0x24d: {  	vm1 =	vnez.u8 v1;
	v1 =	vld [tilespmem:$0x1FD70]  }
0x24e: {  	p0 =	sne.s32 s17, $0x6C0  }
.Ltmp1:
0x24f: {  	_ = 	snop;
	(pc) =	sbr.rel @p0 .LBB2_5-.Ltmp1, $3  }
0x250: {  	_ =	sdelay $0x1  }
0x251: {  	v16 =	vnsel vm12, $0x40000, v18;
	v7 =	vnsel vm1, $0x40000, v61;
	vm1 =	vnez.u8 v1  }
0x252: {  	s17 =	sadd.s32 $0x40, s17;
	v17 =	vnsel vm2, $0x40000, v8;
	v8 =	vnsel vm14, $0x40000, v3;
	v2 =	vld [tilespmem:s31+$0x0];
	[tilespmem:s15+$0x6AC0] =	vst v63;
	v5 =	vnsel vm1, $0x40000, v62  }
0x253: {  	v27 =	vnsel vm15, $0x40000, v6;
	v26 =	vnsel vm6, $0x40000, v19;
	v25 =	vnsel vm13, $0x40000, v23  }
0x254: {  	v24 =	vnsel vm4, $0x40000, v20;
	v23 =	vnsel vm5, $0x40000, v22;
	v22 =	vnsel vm11, $0x40000, v4  }
0x255: {  	v20 =	vnsel vm8, $0x40000, v28;
	v19 =	vnsel vm7, $0x40000, v29;
	v18 =	vnsel vm0, $0x40000, v30  }
0x256: {  	v21 =	vld [tilespmem:s31+$0x1C0];
	v28 =	vadd.s32 $0x1, v0;
	v29 =	vadd.s32 $0xFFFFFFFF, v0;
	v1 =	vimm.s32 $0x0  }
0x257: {  	v53 =	vimm.s32 $0x0;
	v54 =	vimm.s32 $0x0;
	v57 =	vimm.s32 $0x0  }
0x258: {  	v58 =	vimm.s32 $0x0;
	v59 =	vimm.s32 $0x0;
	v63 =	vimm.s32 $0x0  }
0x259: {  	v40 =	vimm.s32 $0x0;
	v41 =	vimm.s32 $0x0;
	vm12 =	vlt.s32 v29, $0x80  }
0x25a: {  	v45 =	vimm.s32 $0x0;
	v1 =	vsel vm12, $0xFFFFFFFF, v1;
	v30 =	vadd.s32 $0x1, v2  }
0x25b: {  	vm9 =	vlt.s32 v2, $0x80;
	v33 =	vadd.s32 $0xFFFFFFFF, v2;
	v32 =	vadd.s32 $0xFFFFFFFF, v21  }
0x25c: {  	[tilespmem:$0x1F960] =	vst v1;
	v1 =	vshll.u32 v33, $0x5;
	vm4 =	vlt.s32 v33, $0x80;
	v31 =	vadd.s32 $0x1, v21  }
0x25d: {  	v46 =	vor.u32 v21, v30;
	vm6 =	vlt.s32 v30, $0x80;
	vm15 =	vlt.s32 v21, $0x80  }
0x25e: {  	v42 =	vor.u32 v21, v33;
	vm3 =	vlt.s32 v32, $0x80;
	v34 =	vor.u32 v33, v32  }
0x25f: {  	v6 =	vshra.s32 v32, $0x1;
	v4 =	vand.u32 $0xFFFFFFC0, v1;
	v35 =	vor.u32 v30, v31  }
0x260: {  	v47 =	vor.u32 v46, v28;
	v48 =	vor.u32 v0, v46;
	v49 =	vor.u32 v30, v32  }
0x261: {  	vm8 =	vlt.s32 v31, $0x80;
	v52 =	vor.u32 v2, v31;
	v32 =	vor.u32 v2, v32  }
0x262: {  	v60 =	vor.u32 v33, v31;
	v3 =	vor.u32 v29, v34;
	vm1 =	vmand vm4, vm3  }
0x263: {  	v36 =	vor.u32 v28, v35;
	v38 =	vor.u32 v0, v35;
	v35 =	vor.u32 v29, v35  }
0x264: {  	v50 =	vor.u32 v28, v49;
	vm0 =	vmand vm6, vm8;
	vm2 =	vmand vm6, vm3  }
0x265: {  	v51 =	vor.u32 v0, v49;
	v55 =	vor.u32 v28, v52;
	v56 =	vor.u32 v0, v52  }
0x266: {  	v61 =	vor.u32 v28, v32;
	v62 =	vor.u32 v0, v32;
	v32 =	vor.u32 v29, v32  }
0x267: {  	v43 =	vor.u32 v28, v60;
	v44 =	vor.u32 v0, v60;
	v1 =	vand.u32 $0x80000001, v3  }
0x268: {  	v3 =	vimm.s32 $0x0;
	v36 =	vand.u32 $0x80000001, v36;
	v38 =	vand.u32 $0x80000001, v38  }
0x269: {  	v35 =	vand.u32 $0x80000001, v35;
	v32 =	vand.u32 $0x80000001, v32;
	v33 =	vand.u32 $0x80000001, v43  }
0x26a: {  	v3 =	vsel vm1, $0xFFFFFFFF, v3;
	vm13 =	veq.s32 v1, $0x0;
	v1 =	vshra.s32 v29, $0x1  }
0x26b: {  	vm7 =	veq.s32 v38, $0x0;
	vm10 =	veq.s32 v35, $0x0;
	v38 =	vand.u32 $0x80000001, v47  }
0x26c: {  	v35 =	vand.u32 $0x80000001, v48;
	v47 =	vimm.s32 $0x0;
	v48 =	vor.u32 v42, v28  }
0x26d: {  	[tilespmem:$0x1F950] =	vst v3;
	v3 =	vadd.s32 v6, v4;
	vm5 =	vmand vm1, vm13;
	vm11 =	veq.s32 v38, $0x0  }
0x26e: {  	vm1 =	vmand vm6, vm15;
	vm13 =	vmand vm9, vm8;
	v38 =	vor.u32 v29, v49  }
0x26f: {  	[tilespmem:s15+$0x6C80] =	vst v17;
	vm6 =	vmand vm0, vm10;
	v49 =	vor.u32 v0, v42;
	v17 =	vand.u32 $0x80000001, v48  }
0x270: {  	v3 =	vshll.u32 v3, $0x6;
	vm14 =	vmand vm12, vm5;
	vm5 =	veq.s32 v36, $0x0  }
0x271: {  	v36 =	vor.u32 v46, v29;
	vm12 =	vmand vm9, vm3;
	vm3 =	vmand vm9, vm15  }
0x272: {  	vm9 =	vmand vm4, vm8;
	vm8 =	vmand vm4, vm15;
	v38 =	vand.u32 $0x80000001, v38  }
0x273: {  	[tilespmem:s15+$0x6E40] =	vst v16;
	v46 =	vimm.s32 $0x0;
	v16 =	vand.u32 $0x80000001, v49;
	v37 =	vadd.s32 v1, v3  }
0x274: {  	v36 =	vand.u32 $0x80000001, v36;
	vm4 =	vmand vm0, vm5;
	vm5 =	vmand vm0, vm7  }
0x275: {  	vm7 =	vmand vm1, vm11;
	v37 =	vnsel vm14, $0x40000, v37;
	vm14 =	veq.s32 v35, $0x0  }
0x276: {  	vm15 =	veq.s32 v36, $0x0;
	v35 =	vand.u32 $0x80000001, v50;
	v36 =	vand.u32 $0x80000001, v51  }
0x277: {  	v50 =	vor.u32 v28, v34;
	v51 =	vor.u32 v0, v34;
	v34 =	vshra.s32 v21, $0x1  }
0x278: {  	vm10 =	vmand vm1, vm14;
	vm14 =	vmand vm1, vm15;
	vm1 =	veq.s32 v36, $0x0  }
0x279: {  	vm0 =	veq.s32 v35, $0x0;
	vm15 =	veq.s32 v38, $0x0;
	vm1 =	vmand vm2, vm1  }
0x27a: {  	vm11 =	vmand vm2, vm0;
	vm0 =	vmand vm2, vm15;
	v36 =	vsel vm1, $0xFFFFFFFF, v53  }
0x27b: {  	v35 =	vor.u32 v29, v52;
	v38 =	vand.u32 $0x80000001, v56;
	[tilespmem:$0x1F970] =	vst v36;
	v36 =	vsel vm0, $0xFFFFFFFF, v54  }
0x27c: {  	v35 =	vand.u32 $0x80000001, v35;
	v53 =	vand.u32 $0x80000001, v50;
	[tilespmem:$0x1F980] =	vst v36;
	v36 =	vand.u32 $0x80000001, v55  }
0x27d: {  	[tilespmem:s15+$0x7000] =	vst v15;
	vm1 =	vlt.s32 v28, $0x80;
	v54 =	vand.u32 $0x80000001, v51;
	vm15 =	veq.s32 v36, $0x0  }
0x27e: {  	[tilespmem:s15+$0x71C0] =	vst v14;
	vm2 =	vmand vm1, vm4;
	v55 =	vimm.s32 $0x0;
	vm0 =	vmand vm13, vm15  }
0x27f: {  	[tilespmem:s15+$0x7380] =	vst v13;
	vm15 =	veq.s32 v35, $0x0;
	v36 =	vsel vm0, $0xFFFFFFFF, v57;
	vm0 =	veq.s32 v38, $0x0  }
0x280: {  	[tilespmem:s15+$0x7540] =	vst v12;
	vm15 =	vmand vm13, vm15;
	v38 =	vand.u32 $0x80000001, v62;
	vm0 =	vmand vm13, vm0  }
0x281: {  	v57 =	vimm.s32 $0x0;
	[tilespmem:$0x1F990] =	vst v36;
	v36 =	vand.u32 $0x80000001, v61;
	v35 =	vsel vm0, $0xFFFFFFFF, v58  }
0x282: {  	vm13 =	veq.s32 v36, $0x0;
	v58 =	vimm.s32 $0x0;
	[tilespmem:$0x1F9A0] =	vst v35;
	v35 =	vsel vm15, $0xFFFFFFFF, v59  }
0x283: {  	[tilespmem:s15+$0x7700] =	vst v11;
	vm15 =	veq.s32 v38, $0x0;
	vm0 =	vmand vm12, vm13;
	v59 =	vor.u32 v2, v21  }
0x284: {  	[tilespmem:s15+$0x7E00] =	vst v9;
	v2 =	vshll.u32 v2, $0x5;
	v36 =	vsel vm0, $0xFFFFFFFF, v63;
	vm13 =	vmand vm12, vm15  }
0x285: {  	[tilespmem:$0x1F9B0] =	vst v35;
	vm15 =	veq.s32 v32, $0x0;
	v35 =	vor.u32 v29, v60;
	v60 =	vshll.u32 v30, $0x5  }
0x286: {  	[tilespmem:s15+$0x7FC0] =	vst v10;
	v61 =	vor.u32 v59, v28;
	v62 =	vor.u32 v0, v59;
	v9 =	vor.u32 v59, v29  }
0x287: {  	v2 =	vand.u32 $0xFFFFFFC0, v2;
	[tilespmem:$0x1F9C0] =	vst v36;
	v36 =	vsel vm13, $0xFFFFFFFF, v40;
	vm0 =	vmand vm12, vm15  }
0x288: {  	[tilespmem:s15+$0x8180] =	vst v8;
	v35 =	vand.u32 $0x80000001, v35;
	vm12 =	veq.s32 v33, $0x0;
	v63 =	vand.u32 $0xFFFFFFC0, v60  }
0x289: {  	v10 =	vand.u32 $0x80000001, v61;
	[tilespmem:$0x1F9D0] =	vst v36;
	v32 =	vsel vm0, $0xFFFFFFFF, v41;
	v36 =	vand.u32 $0x80000001, v44  }
0x28a: {  	[tilespmem:s15+$0x8340] =	vst v7;
	vm0 =	vmand vm9, vm12;
	vm15 =	veq.s32 v35, $0x0;
	vm12 =	veq.s32 v17, $0x0  }
0x28b: {  	[tilespmem:s15+$0x8500] =	vst v5;
	v17 =	vand.u32 $0x80000001, v9;
	v35 =	vadd.s32 v34, v63;
	v8 =	vadd.s32 v6, v63  }
0x28c: {  	[tilespmem:$0x1F9E0] =	vst v32;
	v33 =	vsel vm0, $0xFFFFFFFF, v45;
	vm13 =	veq.s32 v36, $0x0;
	v32 =	vor.u32 v42, v29  }
0x28d: {  	[tilespmem:s15+$0x86C0] =	vst v27;
	v29 =	vshra.s32 v31, $0x1;
	v31 =	vshra.s32 v0, $0x1;
	v13 =	vshll.u32 v35, $0x6  }
0x28e: {  	v56 =	vld [tilespmem:$0x1F950];
	[tilespmem:s31+$0x9140] =	vst v37;
	v8 =	vshll.u32 v8, $0x6;
	vm0 =	vmand vm9, vm13;
	vm9 =	vmand vm9, vm15  }
0x28f: {  	[tilespmem:s15+$0x8880] =	vst v26;
	v52 =	vand.u32 $0x80000001, v32;
	vm15 =	vmand vm8, vm12;
	vm13 =	veq.s32 v16, $0x0  }
0x290: {  	[tilespmem:s15+$0x8A40] =	vst v25;
	vm12 =	veq.s32 v53, $0x0;
	v16 =	vand.u32 $0x80000001, v62;
	v30 =	vadd.s32 v29, v63  }
0x291: {  	[tilespmem:$0x1F9F0] =	vst v33;
	v32 =	vshra.s32 v28, $0x1;
	v38 =	vadd.s32 v31, v13;
	v33 =	vsel vm0, $0xFFFFFFFF, v46  }
0x292: {  	v41 =	vadd.s32 v2, v29;
	[tilespmem:$0x1FA00] =	vst v33;
	v33 =	vsel vm9, $0xFFFFFFFF, v47;
	vm9 =	veq.s32 v52, $0x0  }
0x293: {  	[tilespmem:s15+$0x8C00] =	vst v24;
	vm13 =	vmand vm8, vm13;
	vm0 =	vmand vm8, vm9;
	vm8 =	vnez.u8 v56  }
0x294: {  	[tilespmem:s15+$0x8DC0] =	vst v23;
	v36 =	vld [tilespmem:$0x1F960];
	v5 =	vshll.u32 v30, $0x6;
	v37 =	vadd.s32 v32, v13;
	vm9 =	vmand vm8, vm12  }
0x295: {  	[tilespmem:s15+$0x8F80] =	vst v22;
	v12 =	vsel vm0, $0xFFFFFFFF, v55;
	vm12 =	veq.s32 v54, $0x0;
	v11 =	vsel vm9, $0xFFFFFFFF, v57  }
0x296: {  	[tilespmem:s15+$0x78C0] =	vst v20;
	vm0 =	vmand vm8, vm12;
	vm8 =	veq.s32 v10, $0x0;
	vm9 =	veq.s32 v16, $0x0  }
0x297: {  	vm12 =	veq.s32 v17, $0x0;
	[tilespmem:$0x1FA30] =	vst v11;
	v11 =	vsel vm0, $0xFFFFFFFF, v58;
	vm8 =	vmand vm3, vm8  }
0x298: {  	[tilespmem:s15+$0x7A80] =	vst v19;
	vm9 =	vmand vm3, vm9;
	vm12 =	vmand vm3, vm12;
	vm0 =	vlt.s32 v0, $0x80  }
0x299: {  	[tilespmem:s15+$0x7C40] =	vst v18;
	v42 =	vld [tilespmem:$0x1F970];
	v0 =	vadd.s32 v32, v5;
	vm3 =	vmand vm0, vm5;
	vm5 =	vnez.u8 v36  }
0x29a: {  	v45 =	vld [tilespmem:$0x1F980];
	v13 =	vadd.s32 v1, v13;
	[tilespmem:$0x1FA10] =	vst v33;
	v0 =	vnsel vm2, $0x40000, v0;
	vm4 =	vmand vm5, vm6  }
0x29b: {  	v48 =	vld [tilespmem:$0x1F9A0];
	[tilespmem:$0x1FA40] =	vst v11;
	vm6 =	vmand vm1, vm7;
	vm7 =	vmand vm0, vm10;
	vm10 =	vmand vm5, vm14  }
0x29c: {  	v43 =	vadd.s32 v31, v8;
	v33 =	vadd.s32 v31, v5;
	[tilespmem:s31+$0x63C0] =	vst v0;
	v0 =	vnsel vm10, $0x40000, v13  }
0x29d: {  	v39 =	vadd.s32 v32, v8;
	v8 =	vadd.s32 v1, v8;
	v11 =	vnsel vm3, $0x40000, v33;
	[tilespmem:s31+$0x6C80] =	vst v0;
	v0 =	vld [tilespmem:$0x1F9B0]  }
0x29e: {  	vm14 =	vmand vm1, vm11;
	v14 =	vnsel vm6, $0x40000, v37;
	vm6 =	vnez.u8 v42  }
0x29f: {  	v15 =	vnsel vm7, $0x40000, v38;
	vm7 =	vnez.u8 v45;
	vm2 =	vmand vm0, vm6  }
0x2a0: {  	vm11 =	vnez.u8 v48;
	v44 =	vnsel vm2, $0x40000, v43;
	vm2 =	vmand vm5, vm7  }
0x2a1: {  	v40 =	vnsel vm14, $0x40000, v39;
	[tilespmem:s31+$0x6580] =	vst v11;
	v11 =	vshll.u32 v41, $0x6;
	v8 =	vnsel vm2, $0x40000, v8  }
0x2a2: {  	vm2 =	vmand vm0, vm11;
	vm14 =	vnez.u8 v0;
	v0 =	vadd.s32 v31, v11  }
0x2a3: {  	v46 =	vld [tilespmem:$0x1F990];
	v0 =	vnsel vm2, $0x40000, v0  }
0x2a4: {  	[tilespmem:s31+$0x7540] =	vst v0;
	v0 =	vld [tilespmem:$0x1F9E0];
	_ =	sdelay $0x1  }
0x2a5: {  	v6 =	vadd.s32 v2, v6  }
0x2a6: {  	v50 =	vld [tilespmem:$0x1F9C0];
	v6 =	vshll.u32 v6, $0x6;
	v49 =	vadd.s32 v29, v4;
	v5 =	vadd.s32 v1, v5  }
0x2a7: {  	v51 =	vld [tilespmem:$0x1F9D0];
	v53 =	vadd.s32 v31, v6;
	[tilespmem:$0x1FA20] =	vst v12;
	v5 =	vnsel vm4, $0x40000, v5;
	vm10 =	vnez.u8 v46  }
0x2a8: {  	v4 =	vadd.s32 v34, v4;
	[tilespmem:s31+$0x6740] =	vst v5;
	vm3 =	vmand vm1, vm10;
	vm10 =	vnez.u8 v0;
	v0 =	vld [tilespmem:$0x1F9F0]  }
0x2a9: {  	v2 =	vadd.s32 v34, v2;
	v4 =	vshll.u32 v4, $0x6;
	v60 =	vadd.s32 v32, v3;
	[tilespmem:s31+$0x6900] =	vst v14  }
0x2aa: {  	v2 =	vshll.u32 v2, $0x6;
	v52 =	vadd.s32 v32, v6;
	v6 =	vadd.s32 v1, v6;
	v56 =	vld [tilespmem:$0x1FA10];
	[tilespmem:s31+$0x6AC0] =	vst v15  }
0x2ab: {  	v57 =	vadd.s32 v31, v4;
	v47 =	vadd.s32 v32, v11;
	[tilespmem:s31+$0x6E40] =	vst v40;
	vm6 =	vnez.u8 v50  }
0x2ac: {  	v5 =	vshll.u32 v49, $0x6;
	v14 =	vnsel vm3, $0x40000, v47;
	vm7 =	vnez.u8 v51;
	[tilespmem:s31+$0x7000] =	vst v44  }
0x2ad: {  	[tilespmem:s31+$0x7380] =	vst v14;
	v11 =	vadd.s32 v1, v11;
	vm3 =	vmand vm5, vm14;
	vm11 =	vnez.u8 v0;
	v0 =	vld [tilespmem:$0x1FA00]  }
0x2ae: {  	v54 =	vadd.s32 v31, v5;
	[tilespmem:s31+$0x71C0] =	vst v8;
	vm2 =	vmand vm1, vm6;
	v11 =	vnsel vm3, $0x40000, v11  }
0x2af: {  	v59 =	vld [tilespmem:$0x1FA30];
	vm6 =	vnez.u8 v56;
	v8 =	vnsel vm2, $0x40000, v52;
	[tilespmem:s31+$0x7700] =	vst v11;
	vm2 =	vmand vm5, vm10  }
0x2b0: {  	vm3 =	vmand vm0, vm7;
	[tilespmem:s31+$0x7E00] =	vst v8;
	vm10 =	vmand vm0, vm13;
	v6 =	vnsel vm2, $0x40000, v6  }
0x2b1: {  	v58 =	vld [tilespmem:$0x1FA20];
	vm7 =	vmand vm1, vm15;
	v9 =	vnsel vm3, $0x40000, v53;
	[tilespmem:s31+$0x8180] =	vst v6;
	v6 =	vnsel vm10, $0x40000, v57  }
0x2b2: {  	[tilespmem:s31+$0x7FC0] =	vst v9;
	vm3 =	vmand vm1, vm11;
	vm14 =	vnez.u8 v0;
	v0 =	vadd.s32 v32, v5  }
0x2b3: {  	v62 =	vld [tilespmem:$0x1FA40];
	vm2 =	vmand vm5, vm6;
	[tilespmem:s31+$0x8A40] =	vst v6;
	v5 =	vadd.s32 v1, v5;
	v0 =	vnsel vm3, $0x40000, v0  }
0x2b4: {  	vm13 =	vnez.u8 v59;
	vm4 =	vmand vm0, vm14;
	v5 =	vnsel vm2, $0x40000, v5;
	[tilespmem:s31+$0x8340] =	vst v0  }
0x2b5: {  	vm15 =	vmand vm5, vm12;
	vm3 =	vmand vm1, vm13;
	v55 =	vnsel vm4, $0x40000, v54;
	[tilespmem:s31+$0x86C0] =	vst v5  }
0x2b6: {  	vm11 =	vnez.u8 v58;
	v0 =	vadd.s32 v32, v4;
	v61 =	vnsel vm3, $0x40000, v60;
	[tilespmem:s31+$0x8500] =	vst v55  }
0x2b7: {  	v4 =	vadd.s32 v1, v4;
	v1 =	vadd.s32 v1, v2;
	v0 =	vnsel vm7, $0x40000, v0;
	[tilespmem:s31+$0x8DC0] =	vst v61  }
0x2b8: {  	vm2 =	vmand vm5, vm11;
	vm14 =	vnez.u8 v62;
	v1 =	vnsel vm15, $0x40000, v1;
	[tilespmem:s31+$0x8880] =	vst v0  }
0x2b9: {  	v3 =	vadd.s32 v31, v3;
	v0 =	vnsel vm2, $0x40000, v4;
	vm2 =	vmand vm0, vm14;
	[tilespmem:s31+$0x7C40] =	vst v1  }
0x2ba: {  	vm1 =	vmand vm1, vm8;
	[tilespmem:s31+$0x8C00] =	vst v0;
	v0 =	vnsel vm2, $0x40000, v3;
	v3 =	vadd.s32 v32, v2  }
0x2bb: {  	v63 =	vadd.s32 v31, v2;
	vm0 =	vmand vm0, vm9;
	v3 =	vnsel vm1, $0x40000, v3;
	[tilespmem:s31+$0x8F80] =	vst v0  }
0x2bc: {  	v0 =	vnsel vm0, $0x40000, v63;
	[tilespmem:s31+$0x78C0] =	vst v3  }
0x2bd: {  	[tilespmem:s31+$0x7A80] =	vst v0  }
0x2be: {  	[tilespmem:s23], [sflag:$0x2] =	stream.indirect.gather [hbm4b:s6+s19], $0x1, s22, s19, $0xb8;
	[tilespmem:$0x17F40] =	vst v63  }
0x2bf: {  	_ =	swait.ge [sflag:s24], $0x2F40  }
0x2c0: {  	[sflag:s24] =	ssyncset.done $0x0  }
0x2c1: {  	s15 =	simm.s32 $0x0;
	[sflag:s24] =	ssyncadd.s32 $0xFFFFD0C0  }
0x2c2: {  	v0 =	vld [tilespmem:s15+$0x3480]  }
0x2c3: {  	s17 =	simm.s32 $0x40  }
.LBB2_7:
0x2c4: {  	p0 =	sne.s32 s17, $0xBCC0  }
.Ltmp2:
0x2c5: {  	_ = 	snop;
	(pc) =	sbr.rel @p0 .LBB2_7-.Ltmp2, $4  }
0x2c6: {  	_ = 	snop  }
0x2c7: {  	s31 =	sshra.s32 s17, $0x2;
	s17 =	sadd.s32 $0x40, s17;
	vm0 =	vgt.s32 v0, $0x0  }
0x2c8: {  	v1 =	vnsel vm0, $0x0, v0;
	v0 =	vld [tilespmem:s31+$0x3480]  }
0x2c9: {  	[tilespmem:s15+$0x540] =	vst v1;
	s15 =	smov.u32 s31  }
0x2ca: {  	_ =	sdelay $0x2  }
0x2cb: {  	vm0 =	vgt.s32 v0, $0x0  }
0x2cc: {  	v0 =	vnsel vm0, $0x0, v0  }
0x2cd: {  	[tilespmem:s15+$0x540] =	vst v0  }
0x2ce: {  	[tilespmem:s25], [sflag:$0x1] =	stream.indirect.gather [hbm4b:s7+s19], $0x1, s20, s19, $0xb8;
	[tilespmem:$0x17F40] =	vst v63  }
0x2cf: {  	_ = 	snop  }
0x2d0: {  	[tilespmem:s26], [sflag:$0x1] =	stream.indirect.gather [hbm4b:s8+s19], $0x1, s20, s19, $0xb8;
	[tilespmem:$0x17F40] =	vst v63  }
0x2d1: {  	_ = 	snop  }
0x2d2: {  	[tilespmem:s28], [sflag:$0x1] =	stream.indirect.gather [hbm4b:s10+s19], $0x1, s20, s19, $0xb8;
	[tilespmem:$0x17F40] =	vst v63  }
0x2d3: {  	s9 =	smul.u32 $0x1B, s9  }
0x2d4: {  	[tilespmem:s29], [sflag:$0x1] =	stream.indirect.gather [hbm4b:s11+s19], $0x1, s20, s19, $0xb8;
	[tilespmem:$0x17F40] =	vst v63  }
0x2d5: {  	_ =	swait.ge [sflag:s30], $0x2F40  }
0x2d6: {  	s9 =	sshrl.u32 s9, $0x3;
	[sflag:s30] =	ssyncset.done $0x0  }
0x2d7: {  	s31 =	sadd.s32 s13, s9;
	[sflag:s30] =	ssyncadd.s32 $0xFFFFD0C0  }
0x2d8: {  	[hbm4b:s31+s1] =	stream.linear.scatter [tilespmem:s23], [sflag:$0x3], $0x2F40, $0x38;
	[tilespmem:$0x17F40] =	vst v63  }
0x2d9: {  	_ =	swait.ge [sflag:s16], $0x2F40  }
0x2da: {  	[sflag:s16] =	ssyncset.done $0x0  }
0x2db: {  	[sflag:s16] =	ssyncadd.s32 $0xFFFFD0C0  }
0x2dc: {  	_ =	swait.ge [sflag:s24], $0x2F40  }
0x2dd: {  	[sflag:s24] =	ssyncset.done $0x0  }
0x2de: {  	s9 =	sadd.s32 s12, s9;
	[sflag:s24] =	ssyncadd.s32 $0xFFFFD0C0  }
0x2df: {  	[hbm4b:s9+s1] =	stream.linear.scatter [tilespmem:s25], [sflag:$0x3], $0x2F40, $0x38;
	[tilespmem:$0x17F40] =	vst v63  }
0x2e0: {  	_ =	swait.ge [sflag:s16], $0x2F40  }
0x2e1: {  	[sflag:s16] =	ssyncset.done $0x0  }
0x2e2: {  	[sflag:s16] =	ssyncadd.s32 $0xFFFFD0C0  }
0x2e3: {  	_ =	swait.ge [sflag:s24], $0x2F40  }
0x2e4: {  	[sflag:s24] =	ssyncset.done $0x0  }
0x2e5: {  	s17 =	sadd.s32 $0x52B00, s9;
	[sflag:s24] =	ssyncadd.s32 $0xFFFFD0C0  }
0x2e6: {  	[hbm4b:s17+s1] =	stream.linear.scatter [tilespmem:s26], [sflag:$0x3], $0x2F40, $0x38;
	[tilespmem:$0x17F40] =	vst v63  }
0x2e7: {  	_ =	swait.ge [sflag:s16], $0x2F40  }
0x2e8: {  	[sflag:s16] =	ssyncset.done $0x0  }
0x2e9: {  	[sflag:s16] =	ssyncadd.s32 $0xFFFFD0C0  }
0x2ea: {  	_ =	swait.ge [sflag:s24], $0x2F40  }
0x2eb: {  	[sflag:s24] =	ssyncset.done $0x0  }
0x2ec: {  	s31 =	sadd.s32 $0xA5600, s9;
	[sflag:s24] =	ssyncadd.s32 $0xFFFFD0C0  }
0x2ed: {  	[hbm4b:s31+s1] =	stream.linear.scatter [tilespmem:s28], [sflag:$0x3], $0x2F40, $0x38;
	[tilespmem:$0x17F40] =	vst v63  }
0x2ee: {  	_ =	swait.ge [sflag:s16], $0x2F40  }
0x2ef: {  	[sflag:s16] =	ssyncset.done $0x0  }
0x2f0: {  	[sflag:s16] =	ssyncadd.s32 $0xFFFFD0C0  }
0x2f1: {  	s0 =	sadd.s32 $0x1, s0;
	_ =	swait.ge [sflag:s24], $0x2F40  }
0x2f2: {  	p0 =	sne.s32 s0, $0x7;
	[sflag:s24] =	ssyncset.done $0x0  }
.Ltmp3:
0x2f3: {  	s9 =	sadd.s32 $0xF8100, s9;
	[sflag:s24] =	ssyncadd.s32 $0xFFFFD0C0;
	(pc) =	sbr.rel @p0 .LBB2_2-.Ltmp3, $4  }
0x2f4: {  	[hbm4b:s9+s1] =	stream.linear.scatter [tilespmem:s29], [sflag:$0x3], $0x2F40, $0x38;
	[tilespmem:$0x17F40] =	vst v63  }
0x2f5: {  	_ =	swait.ge [sflag:s16], $0x2F40  }
0x2f6: {  	[sflag:s16] =	ssyncset.done $0x0  }
0x2f7: {  	[sflag:s16] =	ssyncadd.s32 $0xFFFFD0C0  }
0x2f8: {  	s9 =	rddreg [dreg:$0x3]  }
0x2f9: {  	s0 =	rddreg [dreg:$0x2];
	s9 =	sadd.s32 $0x1, s9  }
0x2fa: {  	p0 =	sne.s32 s9, s0  }
.Ltmp4:
0x2fb: {  	_ = 	snop;
	(pc) =	sbr.rel @p0 .LBB2_1-.Ltmp4, $1  }
0x2fc: {  	_ =	sdelay $0x3  }
0x2fd: {  	_ =	sfence.sel $0x180000  }
0x2fe: {  	[bflag:$0x0] =	sbarrier.arrive $0xFFFF  }
0x2ff: {  	_ =	strace $0x9000004A  }
0x300: {  	s0 =	stileid.u32;
	[bflag:$0x2] =	sbarrier.arrive $0xFFFF  }
0x301: {  	p0 =	sne.s32 s0, $0x0;
	s0 =	rddreg [dreg:$0x1]  }
0x302: {  	s0 =	sadd.s32 @!p0 $0x100000, s0  }
0x303: {  	[sflag:s0] =	ssyncadd.tile.s32 @!p0 $0x1;
	_ =	shalt  }
.Lfunc_end2:
_tile_overlayer_lowered:
.L_overlay_start_2:
0x304: {  	(tag) =	ssettag $0x2  }
0x305: {  	s0 =	rddreg [dreg:$0x0];
	s2 =	stileid.u32  }
0x306: {  	s1 =	rddreg [dreg:$0x1];
	p0 =	sne.s32 s2, $0x0  }
0x307: {  	s3 =	rddreg [dreg:$0x2];
	[bflag:$0x3] =	sbarrier.arrive $0xFFFF;
	s2 =	simm.s32 @!p0 $0x1C03  }
0x308: {  	[timem:s3], [sflag:s2] =	dma.local @!p0 [hbm:s0], s1  }
0x309: {  	s0 =	simm.s32 @!p0 $0x3  }
0x30a: {  	_ =	swait.ge @!p0 [sflag:s0], s1  }
0x30b: {  	s1 =	ssub.s32 @!p0 $0x0, s1;
	[sflag:s0] =	ssyncset.done @!p0 $0x0  }
0x30c: {  	[sflag:s0] =	ssyncadd.s32 @!p0 s1  }
0x30d: {  	[bflag:$0x3] =	sbarrier.arrive $0xFFFF  }
0x30e: {  	_ =	shalt  }

// kernel: sparse-core-data-format-call.cloned.1.call-start
scs
called_computation_lowered:
.L_overlay_start_0:
0x0: {  	s1 =	sld [smem:$0x3FD9]  }
0x1: {  	s2 =	sld [smem:$0x3FFE];
	_ =	sdelay $0x1  }
0x2: {  	s3 =	srdreg.scid  }
0x3: {  	s0 =	sand.u32 $0x1, s3  }
0x4: {  	s17 =	sshll.u32 s0, $0xA;
	s1 =	sadd.s32 s2, s1  }
0x5: {  	s1 =	sadd.s32 s1, s17  }
0x6: {  	[smem:$0x3FC3] =	sst s1  }
0x7: {  	_ = 	snop  }
0x8: {  	(tm) =	ssettm $0x1  }
0x9: {  	s18 =	sld [smem:$0x3FFB];
	_ =	sdelay $0x3  }
0xa: {  	_ =	strace s18  }
0xb: {  	s1 =	sld [smem:$0x3FFC];
	_ =	sdelay $0x3  }
0xc: {  	_ =	strace s1  }
0xd: {  	s1 =	sld [smem:$0x3FFD];
	_ =	sdelay $0x3  }
0xe: {  	_ =	strace s1  }
0xf: {  	_ =	strace $0x8FFFFFFF  }
0x10: {  	s19 =	sld [smem:$0x3FDB];
	_ =	sdelay $0x1  }
0x11: {  	s20 =	simm.s32 $_scs_section_size  }
0x12: {  	s4 =	simm.s32 $_size__tile_overlayer_lowered;
	s5 =	simm.s32 $_tile_overlayer_lowered  }
0x13: {  	s23 =	simm.s32 $0x1BFF;
	s22 =	sshll.u32 s5, $0x1;
	s1 =	sadd.s32 s20, s19  }
0x14: {  	s6 =	simm.s32 $0x0;
	s21 =	sshll.u32 s4, $0x1;
	s4 =	sadd.s32 s22, s1  }
0x15: {  	[timem:s6], [sflag:s23] =	dma.local [hbm:s4], s21  }
0x16: {  	_ =	swait.ge [sflag:s23], s21  }
0x17: {  	s2 =	ssub.s32 $0x0, s21;
	[sflag:s23] =	ssyncset.done $0x0  }
0x18: {  	[sflag:s23] =	ssyncadd.s32 s2;
	_ =	sdelay $0x1  }
0x19: {  	s24 =	simm.s32 $0x1B8B  }
0x1a: {  	_ =	swait.ge [sflag:s24], $0x1  }
0x1b: {  	[sflag:s24] =	ssyncset.done $0x0  }
0x1c: {  	s26 =	simm.s32 $0x1B8E;
	s25 =	sld [smem:$0x3FFE];
	[sflag:s24] =	ssyncadd.s32 $0xFFFFFFFF  }
0x1d: {  	s27 =	simm.s32 $execute0_lowered;
	[smem:$0x3FD2] =	sst s26  }
0x1e: {  	s4 =	sshll.u32 s27, $0x1;
	_ =	strace $0x8000004C;
	[dreg:$0x1] =	wrdreg $0xFFFFFFFF  }
0x1f: {  	s28 =	simm.s32 $_size_execute0_lowered;
	s1 =	sadd.s32 s1, s4;
	[dreg:$0x0] =	wrdreg $0x0  }
0x20: {  	s4 =	sshll.u32 s28, $0x1;
	[dreg:$0x2] =	wrdreg s1  }
0x21: {  	[dreg:$0x3] =	wrdreg s4  }
0x22: {  	[dreg:$0x4] =	wrdreg $0xC0  }
0x23: {  	_ =	task [dreg:s6], $0x5FFFF  }
0x24: {  	[dreg:$0x1] =	wrdreg $0xFFFFFFFF  }
0x25: {  	[dreg:$0x0] =	wrdreg $0x60  }
0x26: {  	[dreg:$0x2] =	wrdreg s25  }
0x27: {  	[dreg:$0x3] =	wrdreg $0x9  }
0x28: {  	_ =	task.clear_ibuf [dreg:s6], $0x4FFFF;
	_ =	strace $0x9000004C  }
0x29: {  	s29 =	simm.s32 $0x9;
	_ =	strace $0x8000004E  }
0x2a: {  	_ =	swait.ge [sflag:s29], $0x1  }
0x2b: {  	[sflag:s29] =	ssyncadd.s32 $0xFFFFFFFF  }
0x2c: {  	_ =	strace $0x9000004E  }
0x2d: {  	_ =	sfence  }
0x2e: {  	s30 =	sld [smem:$0x0];
	_ =	sdelay $0x2  }
0x2f: {  	s31 =	sshll.u32 s3, $0xD;
	s3 =	sshrl.u32 s3, $0x2  }
0x30: {  	s2 =	sand.u32 $0x4000, s31;
	s1 =	sadd.s32 s3, s30  }
0x31: {  	s0 =	sor.u32 s2, s0;
	s1 =	sshll.u32 s1, $0x11  }
0x32: {  	s0 =	sor.u32 s1, s0  }
0x33: {  	s0 =	sadd.s32 $0x8F2B, s0  }
0x34: {  	[sflag:s0] =	ssyncadd.remote.s32 $0x1  }
0x35: {  	_ =	sfence.sel $0xFFFF  }
0x36: {  	[dreg:$0x0] =	wrdreg $0xFFFFFFFF;
	(pc) =	sbr.abs _section_cstart, $3  }
0x37: {  	[dreg:$0x1] =	wrdreg $0xFFFFFFFF  }
0x38: {  	_ =	task.clear_ibuf [dreg:s6], $0x2FFFF;
	_ =	strace $0x9FFFFFFF  }
0x39: {  	(tm) =	ssettm $0x7FFFFFFF  }
tec
execute0_lowered:
.L_overlay_start_1:
0x0: {  	(tag) =	ssettag $0x1  }
0x1: {  	s0 =	rddreg [dreg:$0x0];
	s1 =	srdreg.scid  }
0x2: {  	_ =	strace $0x8000004D;
	s2 =	stileid.u32;
	s29 =	simm.s32 $0x1  }
0x3: {  	s31 =	simm.s32 $0x2;
	s19 =	simm.s32 $0x0;
	s18 =	simm.s32 $0x0  }
0x4: {  	s20 =	simm.s32 $0x0;
	s21 =	simm.s32 $0x0;
	s11 =	simm.s32 $0x0  }
0x5: {  	s13 =	simm.s32 $0x0;
	s14 =	simm.s32 $0x0;
	s15 =	simm.s32 $0x0  }
0x6: {  	s12 =	simm.s32 $0x0;
	s1 =	sshll.u32 s1, $0x4;
	s6 =	sadd.s32 $0x204A00, s0  }
0x7: {  	s0 =	sadd.s32 $0xA600, s0;
	s28 =	sshll.u32 s2, $0x5;
	s7 =	sand.u32 $0x3, s2  }
0x8: {  	[sflag:s29] =	ssyncpa.u1 $0x0;
	s1 =	sand.u32 $0x10, s1;
	[dreg:$0x3] =	wrdreg s0  }
.Ltmp0:
0x9: {  	[dreg:$0x2] =	wrdreg s6;
	s27 =	sor.u32 s2, s1;
	(pc) =	sbr.rel .LBB1_1-.Ltmp0, $4  }
0xa: {  	s8 =	sand.u32 $0x80, s28;
	[dreg:$0x4] =	wrdreg s7;
	s30 =	sshll.u32 s27, $0x4  }
0xb: {  	[dreg:$0x5] =	wrdreg s8;
	s0 =	sshll.u32 s27, $0x7;
	s9 =	sand.u32 $0x180, s30  }
0xc: {  	[sflag:s31] =	ssyncpa.u1 $0x0;
	s10 =	sand.u32 $0xC00, s0;
	[dreg:$0x6] =	wrdreg s9  }
0xd: {  	s17 =	smov.u32 s7;
	s16 =	smov.u32 s8;
	[dreg:$0x7] =	wrdreg s10  }
.LBB1_16:
0xe: {  	s0 =	sshll.u32 s13, $0x9;
	s1 =	rddreg [dreg:$0xa]  }
0xf: {  	s2 =	sshll.u32 s13, $0x7;
	p0 =	sgt.s32 s11, $0x1A;
	s3 =	rddreg [dreg:$0xb]  }
0x10: {  	s14 =	rddreg [dreg:$0x8];
	s0 =	sand.u32 $0xFFFFF000, s0;
	s1 =	sshll.u32 s1, $0x3  }
0x11: {  	s27 =	smul.u32 $0x3800, s11;
	s22 =	sand.u32 $0x200, s2;
	s0 =	sor.u32 s0, s1  }
0x12: {  	s4 =	sshll.u32 s13, $0x4;
	s5 =	rddreg [dreg:$0x3];
	s0 =	sor.u32 s22, s0  }
0x13: {  	s28 =	rddreg [dreg:$0xc];
	s29 =	sor.u32 $0x8000, s24;
	s0 =	sshrl.u32 s0, $0x9  }
0x14: {  	s30 =	simm.s32 $0x400;
	s2 =	smov.u32 s11;
	s23 =	smulhi.u32 $0x124924A, s0  }
0x15: {  	s31 =	simm.s32 $0x1000;
	s6 =	rddreg [dreg:$0x2];
	s2 =	simm.s32 @!p0 $0x1A  }
0x16: {  	s7 =	rddreg [dreg:$0x4];
	s2 =	sadd.s32 s3, s2;
	s1 =	smul.u32 $0xE0, s23  }
0x17: {  	s8 =	rddreg [dreg:$0x5];
	s26 =	smul.u32 $0x5E800, s14;
	s25 =	sadd.s32 $0xFFFFFFE6, s2  }
0x18: {  	p0 =	sgt.s32 s25, $0x0;
	s0 =	ssub.s32 s0, s1;
	s1 =	ssub.s32 $0x1B, s2  }
0x19: {  	s9 =	rddreg [dreg:$0x6];
	s3 =	sadd.s32 s5, s26;
	s1 =	simm.s32 @p0 $0x0  }
0x1a: {  	s4 =	sand.u32 $0x30, s4;
	s2 =	sadd.s32 s27, s3;
	s1 =	smul.u32 s1, s28  }
0x1b: {  	s10 =	rddreg [dreg:$0x7];
	s0 =	sshll.u32 s0, $0x6;
	s2 =	sadd.s32 s4, s2  }
0x1c: {  	s18 =	rddreg [dreg:$0x9];
	s0 =	sadd.s32 s0, s2;
	s1 =	sand.u32 $0x3FFFFF80, s1  }
0x1d: {  	[hbm4b:s0+s30] =	stream.strided.scatter [tilespmem:s29], [sflag:$0x2], s1, s31, s30, $0x38;
	[tilespmem:$0x10000] =	vst v63  }
.LBB1_17:
0x1e: {  	p0 =	slt.u32 s12, $0x2;
	s0 =	smov.u32 s20  }
0x1f: {  	s2 =	smov.u32 s19;
	s3 =	smov.u32 s18;
	p1 =	sgt.s32 @!p0 s20, $0x3  }
0x20: {  	s1 =	sshra.s32 @!p0 s20, $0x1F;
	p2 =	sgt.s32 @!p0 s18, $0x60;
	s4 =	sshra.s32 @!p0 s18, $0x1F  }
0x21: {  	p1 =	por !p1, p0;
	s1 =	sand.u32 @!p0 s1, s20;
	p2 =	por !p2, p0  }
0x22: {  	s4 =	sand.u32 @!p0 s4, s18;
	s0 =	simm.s32 @p1 $0x3;
	p1 =	sgt.s32 @!p0 s19, $0x1A  }
0x23: {  	s0 =	ssub.s32 @!p0 s0, s1;
	p1 =	por !p1, p0;
	s1 =	sshra.s32 @!p0 s19, $0x1F  }
0x24: {  	s3 =	simm.s32 @p2 $0x60;
	s1 =	sand.u32 @!p0 s1, s19;
	s2 =	simm.s32 @p1 $0x1A  }
0x25: {  	s0 =	sadd.s32 @!p0 $0xFFFFFFFD, s0;
	s1 =	ssub.s32 @!p0 s2, s1;
	s2 =	ssub.s32 @!p0 s3, s4  }
0x26: {  	p1 =	sgt.s32 @!p0 s0, $0x0;
	s0 =	sshll.u32 @!p0 s0, $0x7;
	s4 =	sadd.s32 @!p0 $0xFFFFFFA0, s2  }
0x27: {  	s3 =	sadd.s32 @!p0 $0xFFFFFFE6, s1;
	s2 =	ssub.s32 @!p0 $0xE0, s2;
	p2 =	sgt.s32 @!p0 s4, $0x7F  }
0x28: {  	s0 =	ssub.s32 @!p0 $0x80, s0;
	p1 =	por !p1, p0;
	p2 =	por !p2, p0  }
0x29: {  	s0 =	simm.s32 @!p1 $0x0;
	s2 =	simm.s32 @!p2 $0x0;
	p2 =	sgt.s32 @!p0 s3, $0x0  }
0x2a: {  	s1 =	ssub.s32 @!p0 $0x1B, s1;
	p1 =	por !p2, p0;
	s0 =	smul.u32 @!p0 s2, s0  }
0x2b: {  	s1 =	simm.s32 @!p1 $0x0  }
0x2c: {  	s0 =	smul.u32 @!p0 s1, s0;
	s1 =	sadd.s32 $0x1, s15  }
0x2d: {  	s3 =	smov.u32 s16;
	s2 =	sadd.s32 $0x100, s16;
	p1 =	sgt.s32 s1, $0x1A  }
0x2e: {  	s3 =	smov.u32 @p1 s2  }
0x2f: {  	s5 =	smov.u32 s17;
	s2 =	sadd.s32 $0x4, s17;
	p2 =	sgt.s32 s3, $0xDF  }
0x30: {  	s12 =	sadd.s32 $0x1, s12;
	s21 =	smov.u32 s9;
	s5 =	smov.u32 @p2 s2  }
0x31: {  	s18 =	smov.u32 s13;
	s1 =	simm.s32 @p1 $0x0;
	p1 =	sgt.s32 s5, $0x3  }
0x32: {  	s20 =	smov.u32 s14;
	s5 =	smov.u32 @p1 s7;
	p1 =	sne.s32 s12, $0x1D  }
.Ltmp1:
0x33: {  	s13 =	smov.u32 s16;
	s14 =	smov.u32 s17;
	(pc) =	sbr.rel @!p1 .LBB1_18-.Ltmp1, $4  }
0x34: {  	s19 =	smov.u32 s11;
	s4 =	simm.s32 @!p0 $0x2;
	s0 =	sand.u32 @!p0 $0x3FFFFF80, s0  }
0x35: {  	s11 =	smov.u32 s15;
	_ =	swait.ge @!p0 [sflag:s4], s0;
	s0 =	ssub.s32 @!p0 $0x0, s0  }
0x36: {  	s15 =	smov.u32 s1;
	[sflag:s4] =	ssyncset.done @!p0 $0x0;
	s3 =	smov.u32 @p2 s8  }
0x37: {  	[sflag:s4] =	ssyncadd.s32 @!p0 s0;
	s16 =	smov.u32 s3;
	s17 =	smov.u32 s5  }
.LBB1_1:
0x38: {  	p0 =	sgt.u32 s12, $0x1A  }
0x39: {  	s2 =	smov.u32 s17;
	s4 =	smov.u32 s16;
	s0 =	sshll.u32 @!p0 s15, $0x9  }
0x3a: {  	p1 =	sgt.s32 @!p0 s17, $0x3;
	s1 =	sxor.u32 @!p0 $0xFFFFFFFF, s12;
	s3 =	sshra.s32 @!p0 s17, $0x1F  }
0x3b: {  	s5 =	sshra.s32 @!p0 s16, $0x1F;
	p2 =	sgt.s32 @!p0 s15, $0x1F;
	s0 =	sand.u32 @!p0 $0x3000, s0  }
0x3c: {  	p1 =	por !p1, p0;
	s3 =	sand.u32 @!p0 s3, s17;
	p2 =	por !p2, p0  }
0x3d: {  	s1 =	sshll.u32 @!p0 s1, $0xE;
	s2 =	simm.s32 @p1 $0x3;
	p1 =	sgt.s32 @!p0 s16, $0x60  }
0x3e: {  	s0 =	sor.u32 @!p0 s10, s0;
	p1 =	por !p1, p0;
	s2 =	ssub.s32 @!p0 s2, s3  }
0x3f: {  	s3 =	sand.u32 @!p0 s5, s16;
	s5 =	smov.u32 s15;
	s4 =	simm.s32 @p1 $0x60  }
0x40: {  	s2 =	sadd.s32 @!p0 $0xFFFFFFFD, s2;
	s5 =	simm.s32 @p2 $0x1F;
	s3 =	ssub.s32 @!p0 s4, s3  }
0x41: {  	p1 =	sgt.s32 @!p0 s2, $0x0;
	s2 =	sshll.u32 @!p0 s2, $0x7;
	s4 =	sadd.s32 @!p0 $0xFFFFFFA0, s3  }
0x42: {  	s3 =	ssub.s32 @!p0 $0xE0, s3;
	p2 =	sgt.s32 @!p0 s4, $0x7F;
	s4 =	sshra.s32 @!p0 s15, $0x1F  }
0x43: {  	s2 =	ssub.s32 @!p0 $0x80, s2;
	p1 =	por !p1, p0;
	s4 =	sand.u32 @!p0 s4, s15  }
0x44: {  	s2 =	simm.s32 @!p1 $0x0;
	p2 =	por !p2, p0;
	s4 =	ssub.s32 @!p0 s5, s4  }
0x45: {  	s3 =	simm.s32 @!p2 $0x0;
	s5 =	sadd.s32 @!p0 $0xFFFFFFE1, s4;
	s4 =	ssub.s32 @!p0 $0x20, s4  }
0x46: {  	s2 =	smul.u32 @!p0 s3, s2;
	p2 =	sgt.s32 @!p0 s5, $0x0;
	s5 =	sshll.u32 @!p0 s15, $0x7  }
0x47: {  	p1 =	por !p2, p0;
	s3 =	sand.u32 @!p0 $0x200, s5;
	s5 =	smul.u32 @!p0 $0x70000, s17  }
0x48: {  	s4 =	simm.s32 @!p1 $0x0;
	s0 =	sor.u32 @!p0 s3, s0;
	s3 =	sshll.u32 @!p0 s16, $0xB  }
0x49: {  	s2 =	smul.u32 @!p0 s4, s2;
	s4 =	sshll.u32 @!p0 s15, $0x4;
	s5 =	sadd.s32 @!p0 s6, s5  }
0x4a: {  	s1 =	sand.u32 @!p0 $0x4000, s1;
	s4 =	sand.u32 @!p0 $0x30, s4;
	s3 =	sadd.s32 @!p0 s3, s5  }
0x4b: {  	s0 =	sshrl.u32 @!p0 s0, $0x3;
	s2 =	sand.u32 @!p0 $0x3FFFFF80, s2;
	s3 =	sadd.s32 @!p0 s4, s3  }
0x4c: {  	s4 =	simm.s32 @!p0 $0x4000;
	s0 =	sadd.s32 @!p0 s0, s3;
	s3 =	simm.s32 @!p0 $0x80  }
0x4d: {  	[tilespmem:s1], [sflag:$0x1] =	stream.strided.gather @!p0 [hbm4b:s0+s3], s2, s4, s3, $0x38;
	[tilespmem:$0x10000] =	vst v63  }
0x4e: {  	p0 =	seq.s32 s12, $0x0  }
0x4f: {  	p1 =	seq.s32 @!p0 s12, $0x1C  }
0x50: {  	p0 =	por p0, p1  }
.Ltmp2:
0x51: {  	_ = 	snop;
	(pc) =	sbr.rel @p0 .LBB1_17-.Ltmp2, $1  }
0x52: {  	_ =	sdelay $0x3  }
0x53: {  	p0 =	sgt.s32 s14, $0x3;
	s0 =	smov.u32 s14  }
0x54: {  	s1 =	sshra.s32 s14, $0x1F;
	s2 =	sshra.s32 s13, $0x1F;
	s24 =	ssub.s32 $0x0, s11  }
0x55: {  	s25 =	sshra.s32 s11, $0x1F;
	p1 =	sgt.s32 s11, $0x1F;
	s4 =	smov.u32 s11  }
0x56: {  	s0 =	simm.s32 @!p0 $0x3;
	s1 =	sand.u32 s1, s14;
	p0 =	sgt.s32 s13, $0x60  }
0x57: {  	s2 =	sand.u32 s2, s13;
	s0 =	ssub.s32 s0, s1;
	s1 =	smov.u32 s13  }
0x58: {  	s4 =	simm.s32 @!p1 $0x1F;
	s3 =	sadd.s32 $0xFFFFFFFD, s0;
	s1 =	simm.s32 @!p0 $0x60  }
0x59: {  	s0 =	ssub.s32 $0x4, s0;
	p0 =	sgt.s32 s3, $0x0;
	s1 =	ssub.s32 s1, s2  }
0x5a: {  	s2 =	sand.u32 s24, s25;
	s5 =	sadd.s32 $0xFFFFFFA0, s1;
	s1 =	ssub.s32 $0xE0, s1  }
0x5b: {  	[dreg:$0xb] =	wrdreg s2;
	s2 =	sadd.s32 s2, s4;
	p1 =	sgt.s32 s5, $0x7F  }
0x5c: {  	s0 =	simm.s32 @p0 $0x0;
	s26 =	sadd.s32 $0xFFFFFFE1, s2;
	s1 =	simm.s32 @p1 $0x0  }
0x5d: {  	p0 =	sgt.s32 s26, $0x0;
	s0 =	smul.u32 s0, s1;
	s1 =	ssub.s32 $0x20, s2  }
0x5e: {  	s2 =	sadd.s32 $0x1, s14;
	s1 =	simm.s32 @p0 $0x0  }
0x5f: {  	p0 =	slt.s32 s2, $0x4;
	s28 =	sshll.u32 s0, $0x7;
	s0 =	sadd.s32 $0x80, s13  }
0x60: {  	s2 =	simm.s32 @!p0 $0x4;
	p0 =	slt.s32 s0, $0xE0  }
0x61: {  	s25 =	ssub.s32 s2, s14;
	s2 =	sadd.s32 $0x1, s11;
	s0 =	simm.s32 @!p0 $0xE0  }
0x62: {  	p1 =	slt.s32 s2, $0x1B;
	p0 =	slt.s32 s25, $0x1;
	s26 =	ssub.s32 s0, s13  }
0x63: {  	s2 =	simm.s32 @!p1 $0x1B;
	p1 =	slt.s32 @!p0 s26, $0x1  }
0x64: {  	s27 =	ssub.s32 s2, s11;
	p1 =	por p0, p1  }
0x65: {  	[dreg:$0xa] =	wrdreg s21;
	p2 =	slt.s32 @!p1 s27, $0x1  }
0x66: {  	[dreg:$0x9] =	wrdreg s18;
	s1 =	smul.u32 s1, s28;
	p1 =	por p1, p2  }
.Ltmp3:
0x67: {  	[dreg:$0x8] =	wrdreg s14;
	(pc) =	sbr.rel @p1 .LBB1_16-.Ltmp3, $4  }
0x68: {  	s30 =	simm.s32 $0x1;
	[dreg:$0xc] =	wrdreg s28;
	s29 =	sand.u32 $0x3FFFFF80, s1  }
0x69: {  	_ =	swait.ge [sflag:s30], s29  }
0x6a: {  	s31 =	sshll.u32 s12, $0xE;
	s1 =	ssub.s32 $0x0, s29;
	[sflag:s30] =	ssyncset.done $0x0  }
0x6b: {  	s24 =	sand.u32 $0x4000, s31;
	[sflag:s30] =	ssyncadd.s32 s1  }
0x6c: {  	s1 =	rddreg [dreg:$0xa]  }
0x6d: {  	p1 =	slt.s32 s1, $0x140;
	s0 =	smov.u32 s1  }
.Ltmp4:
0x6e: {  	s0 =	simm.s32 @!p1 $0x140;
	(pc) =	sbr.rel .LBB1_4-.Ltmp4, $4  }
0x6f: {  	s1 =	ssub.s32 s0, s1  }
0x70: {  	s30 =	sor.u32 @!p0 $0x8000, s24;
	s28 =	sadd.s32 $0x80, s1  }
0x71: {  	s0 =	simm.s32 $0x0;
	s23 =	sshll.u32 s28, $0x3;
	s29 =	sand.u32 @!p0 $0xFFFFFF00, s28  }
0x72: {  	p0 =	slt.s32 s1, $0x80;
	s31 =	sand.u32 $0xFFFFF800, s23;
	p1 =	seq.s32 s29, s28  }
.LBB1_15:
0x73: {  	s0 =	sadd.s32 $0x1, s0  }
0x74: {  	p2 =	sne.s32 s0, s25  }
.Ltmp5:
0x75: {  	_ = 	snop;
	(pc) =	sbr.rel @!p2 .LBB1_16-.Ltmp5, $1  }
0x76: {  	_ =	sdelay $0x3  }
.LBB1_4:
.Ltmp6:
0x77: {  	(pc) =	sbr.rel .LBB1_5-.Ltmp6, $4  }
0x78: {  	_ = 	snop  }
0x79: {  	s1 =	sshll.u32 s0, $0x10  }
0x7a: {  	s1 =	sshra.s32 s1, $0x2  }
0x7b: {  	s18 =	simm.s32 $0x400;
	s10 =	simm.s32 $0x0;
	s1 =	sadd.s32 s1, s24  }
.LBB1_14:
0x7c: {  	s10 =	sadd.s32 $0x1, s10  }
0x7d: {  	p2 =	sne.s32 s10, s26  }
.Ltmp7:
0x7e: {  	_ = 	snop;
	(pc) =	sbr.rel @!p2 .LBB1_15-.Ltmp7, $2  }
0x7f: {  	_ =	sdelay $0x2  }
0x80: {  	s18 =	sadd.s32 $0x80, s18  }
.LBB1_5:
.Ltmp8:
0x81: {  	(pc) =	sbr.rel .LBB1_6-.Ltmp8, $4  }
0x82: {  	_ = 	snop  }
0x83: {  	s3 =	sshll.u32 s10, $0x7;
	s2 =	sshll.u32 s10, $0x9  }
0x84: {  	s7 =	simm.s32 $0x0;
	s4 =	sand.u32 $0x380, s3;
	s2 =	sshra.s32 s2, $0x2  }
0x85: {  	s6 =	sadd.s32 s3, s1;
	s2 =	sadd.s32 s2, s1;
	s8 =	sadd.s32 s4, s30  }
.LBB1_13:
0x86: {  	s7 =	sadd.s32 $0x1, s7  }
0x87: {  	p2 =	sne.s32 s7, s27  }
.Ltmp9:
0x88: {  	_ = 	snop;
	(pc) =	sbr.rel @!p2 .LBB1_14-.Ltmp9, $1  }
0x89: {  	_ =	sdelay $0x3  }
.LBB1_6:
.Ltmp10:
0x8a: {  	(pc) =	sbr.rel @p0 .LBB1_10-.Ltmp10, $2  }
0x8b: {  	_ =	sdelay $0x2  }
0x8c: {  	s4 =	sshll.u32 s7, $0x7;
	s5 =	sadd.s32 s0, s7  }
0x8d: {  	s9 =	sshll.u32 s5, $0x10  }
0x8e: {  	s21 =	sand.u32 $0x380, s4;
	s9 =	sshra.s32 s9, $0x2  }
0x8f: {  	s22 =	sadd.s32 s21, s6;
	s9 =	sadd.s32 s9, s8  }
0x90: {  	v6 =	vld [tilespmem:s22+$0x70];
	v0 =	vmov s9  }
0x91: {  	v7 =	vld [tilespmem:s22+$0x0]  }
0x92: {  	v8 =	vld [tilespmem:s22+$0x10]  }
0x93: {  	v1 =	vld [tilespmem:s22+$0x20]  }
0x94: {  	s23 =	sand.u32 $0x3C00, s18;
	s21 =	sadd.s32 $0xFFFFFC00, s18;
	v2 =	vld [tilespmem:s22+$0x30]  }
0x95: {  	v3 =	vld [tilespmem:s22+$0x40];
	s9 =	sand.u32 $0x3C00, s21;
	[tilespmem:v0+s23+$0x70 ss:$0x1] =	vst.idx.msk $0xffff, v6  }
0x96: {  	v5 =	vld [tilespmem:s22+$0x50];
	[tilespmem:v0+s9+$0x0 ss:$0x1] =	vst.idx.msk $0xffff, v7  }
0x97: {  	v4 =	vld [tilespmem:s22+$0x60];
	[tilespmem:v0+s9+$0x10 ss:$0x1] =	vst.idx.msk $0xffff, v8  }
0x98: {  	[tilespmem:v0+s9+$0x20 ss:$0x1] =	vst.idx.msk $0xffff, v1  }
0x99: {  	[tilespmem:v0+s9+$0x30 ss:$0x1] =	vst.idx.msk $0xffff, v2  }
0x9a: {  	p2 =	sgt.s32 s29, $0x100;
	[tilespmem:v0+s9+$0x40 ss:$0x1] =	vst.idx.msk $0xffff, v3  }
.Ltmp11:
0x9b: {  	[tilespmem:v0+s9+$0x50 ss:$0x1] =	vst.idx.msk $0xffff, v5;
	(pc) =	sbr.rel @!p2 .LBB1_9-.Ltmp11, $4  }
0x9c: {  	[tilespmem:v0+s9+$0x60 ss:$0x1] =	vst.idx.msk $0xffff, v4  }
0x9d: {  	[tilespmem:v0+s9+$0x70 ss:$0x1] =	vst.idx.msk $0xffff, v6  }
0x9e: {  	[tilespmem:v0+s23+$0x0 ss:$0x1] =	vst.idx.msk $0xffff, v7  }
0x9f: {  	s21 =	simm.s32 $0x100;
	[tilespmem:v0+s23+$0x10 ss:$0x1] =	vst.idx.msk $0xffff, v8;
	s9 =	smov.u32 s18  }
.LBB1_8:
0xa0: {  	v6 =	vld [tilespmem:s22+$0x70];
	s21 =	sadd.s32 $0x100, s21;
	[tilespmem:v0+s23+$0x20 ss:$0x1] =	vst.idx.msk $0xffff, v1  }
0xa1: {  	v7 =	vld [tilespmem:s22+$0x0];
	p2 =	slt.s32 s21, s29;
	[tilespmem:v0+s23+$0x30 ss:$0x1] =	vst.idx.msk $0xffff, v2  }
0xa2: {  	v8 =	vld [tilespmem:s22+$0x10];
	[tilespmem:v0+s23+$0x40 ss:$0x1] =	vst.idx.msk $0xffff, v3  }
0xa3: {  	s9 =	sadd.s32 $0x800, s9;
	v1 =	vld [tilespmem:s22+$0x20];
	[tilespmem:v0+s23+$0x50 ss:$0x1] =	vst.idx.msk $0xffff, v5  }
0xa4: {  	s14 =	sadd.s32 $0xFFFFFC00, s9;
	v2 =	vld [tilespmem:s22+$0x30];
	[tilespmem:v0+s23+$0x60 ss:$0x1] =	vst.idx.msk $0xffff, v4;
	s23 =	sand.u32 $0x3C00, s9  }
0xa5: {  	s14 =	sand.u32 $0x3C00, s14;
	v3 =	vld [tilespmem:s22+$0x40];
	[tilespmem:v0+s23+$0x70 ss:$0x1] =	vst.idx.msk $0xffff, v6  }
0xa6: {  	[tilespmem:v0+s14+$0x0 ss:$0x1] =	vst.idx.msk $0xffff, v7;
	v5 =	vld [tilespmem:s22+$0x50]  }
0xa7: {  	[tilespmem:v0+s14+$0x10 ss:$0x1] =	vst.idx.msk $0xffff, v8;
	v4 =	vld [tilespmem:s22+$0x60]  }
0xa8: {  	[tilespmem:v0+s14+$0x20 ss:$0x1] =	vst.idx.msk $0xffff, v1  }
0xa9: {  	[tilespmem:v0+s14+$0x30 ss:$0x1] =	vst.idx.msk $0xffff, v2  }
0xaa: {  	[tilespmem:v0+s14+$0x40 ss:$0x1] =	vst.idx.msk $0xffff, v3  }
.Ltmp12:
0xab: {  	[tilespmem:v0+s14+$0x50 ss:$0x1] =	vst.idx.msk $0xffff, v5;
	(pc) =	sbr.rel @p2 .LBB1_8-.Ltmp12, $4  }
0xac: {  	[tilespmem:v0+s14+$0x60 ss:$0x1] =	vst.idx.msk $0xffff, v4  }
0xad: {  	[tilespmem:v0+s14+$0x70 ss:$0x1] =	vst.idx.msk $0xffff, v6  }
0xae: {  	[tilespmem:v0+s23+$0x0 ss:$0x1] =	vst.idx.msk $0xffff, v7  }
0xaf: {  	[tilespmem:v0+s23+$0x10 ss:$0x1] =	vst.idx.msk $0xffff, v8  }
.LBB1_9:
0xb0: {  	_ =	sdelay $0x3  }
0xb1: {  	[tilespmem:v0+s23+$0x20 ss:$0x1] =	vst.idx.msk $0xffff, v1  }
0xb2: {  	[tilespmem:v0+s23+$0x30 ss:$0x1] =	vst.idx.msk $0xffff, v2  }
0xb3: {  	[tilespmem:v0+s23+$0x40 ss:$0x1] =	vst.idx.msk $0xffff, v3  }
0xb4: {  	[tilespmem:v0+s23+$0x50 ss:$0x1] =	vst.idx.msk $0xffff, v5  }
0xb5: {  	[tilespmem:v0+s23+$0x60 ss:$0x1] =	vst.idx.msk $0xffff, v4  }
.LBB1_10:
.Ltmp13:
0xb6: {  	(pc) =	sbr.rel @p1 .LBB1_13-.Ltmp13, $1  }
0xb7: {  	_ =	sdelay $0x3  }
0xb8: {  	s4 =	sand.u32 $0x380, s4  }
0xb9: {  	s9 =	sadd.s32 s4, s2  }
0xba: {  	v0 =	vmov s9  }
0xbb: {  	s5 =	sshll.u32 s5, $0x10  }
0xbc: {  	s23 =	sshra.s32 s5, $0x2  }
0xbd: {  	s5 =	smov.u32 s31;
	s4 =	sadd.s32 s23, s8;
	s9 =	smov.u32 s29  }
.LBB1_12:
0xbe: {  	s14 =	sand.u32 $0x70, s9;
	s9 =	sadd.s32 $0x10, s9  }
0xbf: {  	s21 =	sand.u32 $0x3C00, s5;
	v1 =	vld.idx.msk [tilespmem:v0+s14+$0x0 ss:$0x1], $0xffff;
	p2 =	slt.s32 s9, s28  }
.Ltmp14:
0xc0: {  	s21 =	sadd.s32 s3, s21;
	(pc) =	sbr.rel @p2 .LBB1_12-.Ltmp14, $4  }
0xc1: {  	s21 =	sand.u32 $0x3C00, s21  }
0xc2: {  	s21 =	sadd.s32 s21, s4  }
0xc3: {  	s14 =	sadd.s32 s14, s21  }
0xc4: {  	s5 =	sadd.s32 $0x80, s5;
	[tilespmem:s14+$0x0] =	vst v1  }
.Ltmp15:
0xc5: {  	_ = 	snop;
	(pc) =	sbr.rel .LBB1_13-.Ltmp15, $1  }
0xc6: {  	_ =	sdelay $0x3  }
.LBB1_18:
0xc7: {  	_ =	sfence.sel $0x180000  }
0xc8: {  	s0 =	simm.s32 $0x1;
	[bflag:$0x0] =	sbarrier.arrive $0xFFFF  }
0xc9: {  	s30 =	simm.s32 $0x2;
	[sflag:s0] =	ssyncpa.u1 $0x1  }
0xca: {  	[sflag:s30] =	ssyncpa.u1 $0x1  }
0xcb: {  	_ =	strace $0x9000004D  }
0xcc: {  	s31 =	stileid.u32;
	[bflag:$0x2] =	sbarrier.arrive $0xFFFF  }
0xcd: {  	p0 =	sne.s32 s31, $0x0;
	s0 =	rddreg [dreg:$0x1]  }
0xce: {  	s0 =	sadd.s32 @!p0 $0x100000, s0  }
0xcf: {  	[sflag:s0] =	ssyncadd.tile.s32 @!p0 $0x1;
	_ =	shalt  }
.Lfunc_end1:
_tile_overlayer_lowered:
.L_overlay_start_2:
0xd0: {  	(tag) =	ssettag $0x2  }
0xd1: {  	s0 =	rddreg [dreg:$0x0];
	s2 =	stileid.u32  }
0xd2: {  	s1 =	rddreg [dreg:$0x1];
	p0 =	sne.s32 s2, $0x0  }
0xd3: {  	s3 =	rddreg [dreg:$0x2];
	[bflag:$0x3] =	sbarrier.arrive $0xFFFF;
	s2 =	simm.s32 @!p0 $0x1C01  }
0xd4: {  	[timem:s3], [sflag:s2] =	dma.local @!p0 [hbm:s0], s1  }
0xd5: {  	s0 =	simm.s32 @!p0 $0x1  }
0xd6: {  	_ =	swait.ge @!p0 [sflag:s0], s1  }
0xd7: {  	s1 =	ssub.s32 @!p0 $0x0, s1;
	[sflag:s0] =	ssyncset.done @!p0 $0x0  }
0xd8: {  	[sflag:s0] =	ssyncadd.s32 @!p0 s1  }
0xd9: {  	[bflag:$0x3] =	sbarrier.arrive $0xFFFF  }
0xda: {  	_ =	shalt  }

</sc_bundles>
